<compile_context>
chip_gen: v7x
topology: tpu7x:2x2x1
jax: 0.10.2.dev20260603
libtpu: 0.0.44.dev20260713+nightly
codegen_flags: <defaults>
</compile_context>

<pallas_src>
import functools

import jax
import jax.numpy as jnp
from jax import lax
from jax.experimental import pallas as pl
from jax.experimental.pallas import tpu as pltpu
from jax.experimental.pallas import tpu_sc as plsc

NC = 2
NS = 16
NW = NC * NS
CH = 96
DEGW = 8
RB = 1280
BN_C = 1.0 / (1.0 + 1e-5) ** 0.5


def _sc_mesh():
    return plsc.VectorSubcoreMesh(core_axis_name="c", subcore_axis_name="s")


def _npad(n):
    return ((n + 8 * NS - 1) // (8 * NS)) * (8 * NS)


@functools.lru_cache(maxsize=None)
def _make_deg(n, e):
    ept = e // NW
    npad = _npad(n)
    grows = npad // 128

    @functools.partial(
        pl.kernel,
        out_type=jax.ShapeDtypeStruct((NW, grows, 128), jnp.float32),
        mesh=_sc_mesh(),
        compiler_params=pltpu.CompilerParams(needs_layout_passes=False),
        scratch_types=[
            pltpu.VMEM((ept,), jnp.int32),
            pltpu.VMEM((grows, 128), jnp.float32),
        ],
    )
    def deg_kernel(dst_hbm, out_hbm, idx_v, deg_v):
        cid = lax.axis_index("c")
        sid = lax.axis_index("s")
        wid = sid * NC + cid

        def zero(i, carry):
            for t in range(8):
                deg_v[i, pl.ds(t * 16, 16)] = jnp.zeros((16,), jnp.float32)
            return carry

        lax.fori_loop(0, grows, zero, 0)
        pltpu.sync_copy(dst_hbm.at[pl.ds(pl.multiple_of(wid * ept, 8), ept)], idx_v)
        ones16 = jnp.ones((16,), jnp.float32)

        def body(j, carry):
            for t in range(5):
                idx = idx_v[pl.ds(j * 80 + t * 16, 16)]
                plsc.addupdate_scatter(deg_v, [idx >> 7, idx & 127], ones16)
            return carry

        lax.fori_loop(0, ept // 80, body, 0)
        pltpu.sync_copy(deg_v, out_hbm.at[wid])

    return deg_kernel


@functools.lru_cache(maxsize=None)
def _make_prop(n, e, d):
    ncht = -(-e // CH)
    tbase = ncht // NW
    rem = ncht % NW
    tmax = tbase + (1 if rem else 0)
    nslot = -(-tmax // 3) * 3
    npad = _npad(n)
    slab = npad // NS
    nwb = slab // CH
    wtail = slab - nwb * CH

    @functools.partial(
        pl.kernel,
        out_type=jax.ShapeDtypeStruct((NC, npad, d), jnp.float32),
        mesh=_sc_mesh(),
        scratch_types=[
            pltpu.VMEM((tmax * CH,), jnp.int32),
            pltpu.VMEM((CH,), jnp.int32),
            pltpu.VMEM((CH,), jnp.int32),
            pltpu.VMEM((CH,), jnp.int32),
            pltpu.VMEM((CH, d), jnp.float32),
            pltpu.VMEM((CH, d), jnp.float32),
            pltpu.VMEM((CH, d), jnp.float32),
            pltpu.VMEM_SHARED((npad, d), jnp.float32),
            pltpu.SemaphoreType.DMA,
            pltpu.SemaphoreType.DMA,
            pltpu.SemaphoreType.DMA,
            pltpu.SemaphoreType.DMA,
            pltpu.SemaphoreType.DMA,
            pltpu.SemaphoreType.DMA,
        ],
    )
    def prop_kernel(z_hbm, src_hbm, dst_hbm, zeros_hbm, out_hbm,
                    sidx_all, di0, di1, di2, row0, row1, row2, acc,
                    sg0, sg1, sg2, ss0, ss1, ss2):
        cid = lax.axis_index("c")
        sid = lax.axis_index("s")
        wid = sid * NC + cid
        cb = tbase * wid + jnp.minimum(wid, rem)
        tw = tbase + (wid < rem).astype(jnp.int32)

        rows = (row0, row1, row2)
        dis = (di0, di1, di2)
        sgs = (sg0, sg1, sg2)
        sss = (ss0, ss1, ss2)

        def gather(b, c):
            pltpu.async_copy(dst_hbm.at[cb + c], dis[b], sgs[b])
            pltpu.async_copy(z_hbm.at[sidx_all.at[pl.ds(c * CH, CH)]],
                             rows[b], sgs[b])

        def wait_gather(b):
            pltpu.make_async_copy(z_hbm.at[pl.ds(0, CH)], rows[b], sgs[b]).wait()
            pltpu.make_async_copy(dst_hbm.at[0], dis[b], sgs[b]).wait()

        def scatter(b):
            pltpu.async_copy(rows[b], acc.at[dis[b]], sss[b], add=True)

        def wait_scatter(b):
            pltpu.make_async_copy(rows[b], acc.at[dis[b]], sss[b]).wait()

        ld_s = pltpu.async_copy(
            src_hbm.at[pl.ds(pl.multiple_of(cb * CH, 8), tmax * CH)],
            sidx_all, sg0)
        pltpu.sync_copy(zeros_hbm, row1)

        def zinit(k, carry):
            off = pl.multiple_of(sid * slab + k * CH, 8)
            pltpu.sync_copy(row1, acc.at[pl.ds(off, CH)])
            return carry

        lax.fori_loop(0, nwb, zinit, 0)
        if wtail:
            off = pl.multiple_of(sid * slab + nwb * CH, 8)
            pltpu.sync_copy(row1.at[pl.ds(0, wtail)], acc.at[pl.ds(off, wtail)])
        pltpu.make_async_copy(
            src_hbm.at[pl.ds(0, tmax * CH)], sidx_all, sg0).wait()
        plsc.subcore_barrier()

        gather(0, 0)
        gather(1, 1)

        def body(i, carry):
            j = 3 * i
            for t in range(3):
                s = j + t
                b = t

                @pl.when(s < tw)
                def _():
                    wait_gather(b)
                    scatter(b)

                bn = (t + 2) % 3

                @pl.when(s + 2 < tw)
                def _():
                    if t == 0:
                        @pl.when(i > 0)
                        def _():
                            wait_scatter(bn)
                    else:
                        wait_scatter(bn)
                    gather(bn, s + 2)

            return carry

        lax.fori_loop(0, nslot // 3, body, 0)
        wait_scatter(0)
        wait_scatter(1)
        wait_scatter(2)
        plsc.subcore_barrier()

        def wback(k, carry):
            off = pl.multiple_of(sid * slab + k * CH, 8)
            pltpu.sync_copy(acc.at[pl.ds(off, CH)], row0)
            pltpu.sync_copy(row0, out_hbm.at[cid, pl.ds(off, CH)])
            return carry

        lax.fori_loop(0, nwb, wback, 0)
        if wtail:
            off = pl.multiple_of(sid * slab + nwb * CH, 8)
            pltpu.sync_copy(acc.at[pl.ds(off, wtail)], row0.at[pl.ds(0, wtail)])
            pltpu.sync_copy(row0.at[pl.ds(0, wtail)],
                            out_hbm.at[cid, pl.ds(off, wtail)])


    return prop_kernel


def _row_spec(d):
    return pl.BlockSpec((RB, d), lambda i: (i, 0))


def _full_spec(shape):
    nd = len(shape)
    return pl.BlockSpec(shape, lambda i: (0,) * nd)


def _part_spec(d):
    return pl.BlockSpec((NC, RB, d), lambda i: (0, i, 0))


@functools.lru_cache(maxsize=None)
def _make_tc1(n, din, h):
    G = RB // 128

    def body(x_ref, bnw_ref, bnb_ref, degp_ref, w_ref, dinv_ref, z_ref):
        dsum = jnp.sum(degp_ref[...], axis=0, keepdims=True) + 1.0
        io = lax.broadcasted_iota(jnp.int32, (128, 128), 0)
        ic = lax.broadcasted_iota(jnp.int32, (128, 128), 1)
        eye = (io == ic).astype(jnp.float32)
        onesc = jnp.ones((128, 1), jnp.float32)
        cols = [jnp.dot(eye * dsum[:, g * 128:(g + 1) * 128], onesc,
                        preferred_element_type=jnp.float32) for g in range(G)]
        deg = jnp.concatenate(cols, axis=0)
        dinv = lax.rsqrt(jnp.maximum(deg, 1.0))
        dinv_ref[...] = dinv
        xb = x_ref[...] * (BN_C * bnw_ref[...]) + bnb_ref[...]
        z = jnp.dot(xb, w_ref[...], preferred_element_type=jnp.float32)
        z_ref[...] = z * dinv

    return pl.pallas_call(
        body,
        grid=(pl.cdiv(n, RB),),
        in_specs=[_row_spec(din), _full_spec((1, din)), _full_spec((1, din)),
                  pl.BlockSpec((NW, RB), lambda i: (0, i)),
                  _full_spec((din, h))],
        out_specs=[pl.BlockSpec((RB, 1), lambda i: (i, 0)), _row_spec(h)],
        out_shape=[jax.ShapeDtypeStruct((n, 1), jnp.float32),
                   jax.ShapeDtypeStruct((n, h), jnp.float32)],
    )


@functools.lru_cache(maxsize=None)
def _make_tc_mid(n, h):
    def body(sp_ref, z_ref, dinv_ref, b_ref, w_ref, h_ref, znext_ref):
        dinv = dinv_ref[...]
        g = (sp_ref[0] + sp_ref[1] + z_ref[...]) * dinv + b_ref[...]
        hv = jnp.maximum(g, 0.0)
        h_ref[...] = hv
        znext = jnp.dot(hv, w_ref[...], preferred_element_type=jnp.float32)
        znext_ref[...] = znext * dinv

    return pl.pallas_call(
        body,
        grid=(pl.cdiv(n, RB),),
        in_specs=[_part_spec(h), _row_spec(h), pl.BlockSpec((RB, 1), lambda i: (i, 0)),
                  _full_spec((1, h)), _full_spec((h, h))],
        out_specs=[_row_spec(h), _row_spec(h)],
        out_shape=[jax.ShapeDtypeStruct((n, h), jnp.float32),
                   jax.ShapeDtypeStruct((n, h), jnp.float32)],
    )


@functools.lru_cache(maxsize=None)
def _make_tc4(n, h, dout):
    def body(sp_ref, z_ref, dinv_ref, b_ref, bn2w_ref, bn2b_ref, wout_ref,
             h1_ref, h2_ref, h3_ref, z4_ref):
        dinv = dinv_ref[...]
        g = (sp_ref[0] + sp_ref[1] + z_ref[...]) * dinv + b_ref[...]
        h3 = jnp.maximum(g, 0.0)
        h3_ref[...] = h3
        z4 = jnp.zeros((RB, dout), jnp.float32)
        for k, hk in enumerate((h1_ref[...], h2_ref[...], h3)):
            xk = hk * (BN_C * bn2w_ref[:, k * h:(k + 1) * h]) + bn2b_ref[:, k * h:(k + 1) * h]
            z4 = z4 + jnp.dot(xk, wout_ref[k * h:(k + 1) * h, :],
                              preferred_element_type=jnp.float32)
        z4_ref[...] = jnp.concatenate(
            [z4 * dinv, jnp.zeros((RB, h - dout), jnp.float32)], axis=1)

    return pl.pallas_call(
        body,
        grid=(pl.cdiv(n, RB),),
        in_specs=[_part_spec(h), _row_spec(h), pl.BlockSpec((RB, 1), lambda i: (i, 0)),
                  _full_spec((1, h)), _full_spec((1, 3 * h)), _full_spec((1, 3 * h)),
                  _full_spec((3 * h, dout)), _row_spec(h), _row_spec(h)],
        out_specs=[_row_spec(h), _row_spec(h)],
        out_shape=[jax.ShapeDtypeStruct((n, h), jnp.float32),
                   jax.ShapeDtypeStruct((n, h), jnp.float32)],
    )


@functools.lru_cache(maxsize=None)
def _make_tc5(n, h, dout):
    def body(sp_ref, z_ref, dinv_ref, b_ref, out_ref):
        s = (sp_ref[0] + sp_ref[1] + z_ref[...]) * dinv_ref[...]
        out_ref[...] = s[:, :dout] + b_ref[...]

    return pl.pallas_call(
        body,
        grid=(pl.cdiv(n, RB),),
        in_specs=[_part_spec(h), _row_spec(h),
                  pl.BlockSpec((RB, 1), lambda i: (i, 0)), _full_spec((1, dout))],
        out_specs=_row_spec(dout),
        out_shape=jax.ShapeDtypeStruct((n, dout), jnp.float32),
    )


def kernel(x, edge_index, percent, ricci_curvature, W1, b1, W2, b2, W3, b3,
           Wout, bout, bn1_w, bn1_b, bn2_w, bn2_b):
    n, din = x.shape
    e = edge_index.shape[1]
    h = W1.shape[1]
    dout = Wout.shape[1]

    ncht = -(-e // CH)
    epad = (ncht + NW) * CH
    src = jnp.pad(edge_index[0], (0, epad - e))
    dst = jnp.pad(edge_index[1], (0, epad - e),
                  constant_values=_npad(n) - 1).reshape(epad // CH, CH)
    zeros_h = jnp.zeros((CH, h), jnp.float32)

    b1r = b1.reshape(1, h)
    b2r = b2.reshape(1, h)
    b3r = b3.reshape(1, h)
    boutr = bout.reshape(1, dout)
    bn1wr = bn1_w.reshape(1, din)
    bn1br = bn1_b.reshape(1, din)
    bn2wr = bn2_w.reshape(1, 3 * h)
    bn2br = bn2_b.reshape(1, 3 * h)

    degp = _make_deg(n, e)(edge_index[1]).reshape(NW, _npad(n))
    dinv, z1 = _make_tc1(n, din, h)(x, bn1wr, bn1br, degp, W1)
    prop_h = _make_prop(n, e, h)
    s1 = prop_h(z1, src, dst, zeros_h)
    h1, z2 = _make_tc_mid(n, h)(s1, z1, dinv, b1r, W2)
    s2 = prop_h(z2, src, dst, zeros_h)
    h2, z3 = _make_tc_mid(n, h)(s2, z2, dinv, b2r, W3)
    s3 = prop_h(z3, src, dst, zeros_h)
    h3, z4 = _make_tc4(n, h, dout)(s3, z3, dinv, b3r, bn2wr, bn2br, Wout, h1, h2)
    s4 = prop_h(z4, src, dst, zeros_h)
    out = _make_tc5(n, h, dout)(s4, z4, dinv, boutr)
    return out, h1, h2, h3

# --- scband reference (transcript-rebuilt; emitter-appended) ---
"""Pipeline reference for scband-jknet-56307021250669 (READ-ONLY COPY).

The authoritative reference and input builder live on the scoring server;
editing this copy changes nothing except your own understanding.
"""

import jax, jax.numpy as jnp
import numpy as np

N = 10000
E = 320000
DIN = 128
H = 128
DOUT = 64

def _gcn(x, src, dst, W, b, n):
    loop = jnp.arange(n, dtype=src.dtype)
    s = jnp.concatenate([src, loop])
    d = jnp.concatenate([dst, loop])
    deg = jnp.zeros((n,), x.dtype).at[d].add(1.0)
    dinv = jax.lax.rsqrt(jnp.maximum(deg, 1.0))
    norm = dinv[s] * dinv[d]
    h = x @ W
    out = jnp.zeros((n, W.shape[1]), x.dtype).at[d].add(h[s] * norm[:, None])
    return out + b

def _bn_eval(x, w, b):
    # eval-mode BatchNorm1d with default running stats (mean=0, var=1)
    return x / jnp.sqrt(1.0 + 1e-5) * w + b

def setup_inputs(seed: int = 0) -> dict:
    key = jax.random.key(seed)
    ks = jax.random.split(key, 16)
    inp = {}
    inp['x'] = jax.random.normal(ks[0], (N, DIN), jnp.float32)
    inp['edge_index'] = jax.random.randint(ks[1], (2, E), 0, N, dtype=jnp.int32)
    inp['percent'] = 50
    inp['ricci_curvature'] = jax.random.uniform(ks[2], (E,), jnp.float32)
    inp['W1'] = jax.random.normal(ks[3], (DIN, H), jnp.float32) * 0.05
    inp['b1'] = jnp.zeros((H,), jnp.float32)
    inp['W2'] = jax.random.normal(ks[4], (H, H), jnp.float32) * 0.05
    inp['b2'] = jnp.zeros((H,), jnp.float32)
    inp['W3'] = jax.random.normal(ks[5], (H, H), jnp.float32) * 0.05
    inp['b3'] = jnp.zeros((H,), jnp.float32)
    inp['Wout'] = jax.random.normal(ks[6], (3 * H, DOUT), jnp.float32) * 0.05
    inp['bout'] = jnp.zeros((DOUT,), jnp.float32)
    inp['bn1_w'] = jnp.ones((DIN,), jnp.float32)
    inp['bn1_b'] = jnp.zeros((DIN,), jnp.float32)
    inp['bn2_w'] = jnp.ones((3 * H,), jnp.float32)
    inp['bn2_b'] = jnp.zeros((3 * H,), jnp.float32)
    return inp

def reference(x, edge_index, percent, ricci_curvature, W1, b1, W2, b2, W3, b3, Wout, bout, bn1_w, bn1_b, bn2_w, bn2_b):
    # eval mode: no sampling / dynamic organization / dropout; ricci_curvature and percent unused
    src = edge_index[0]
    dst = edge_index[1]
    xb = _bn_eval(x, bn1_w, bn1_b)
    h1 = jax.nn.relu(_gcn(xb, src, dst, W1, b1, N))
    h2 = jax.nn.relu(_gcn(h1, src, dst, W2, b2, N))
    h3 = jax.nn.relu(_gcn(h2, src, dst, W3, b3, N))
    # NOTE: original code computes self.bns[i](x_i) but discards the result (assigns to x),
    # so mid-layer batchnorms do not affect the output; replicated faithfully by omission.
    xcat = jnp.concatenate([h1, h2, h3], axis=1)
    xcat = _bn_eval(xcat, bn2_w, bn2_b)
    out = _gcn(xcat, src, dst, Wout, bout, N)
    return (out, h1, h2, h3)

if __name__ == "__main__":
    import jax
    _d = setup_inputs()
    print(jax.jit(kernel)(*tuple(_d.values())))

</pallas_src>

<mosaic_0001>
#map = affine_map<(d0, d1) -> (0)>
#map1 = affine_map<(d0, d1) -> (0, 0, 0)>
module attributes {stable_mosaic.version = 14 : i64} {
  func.func @deg_kernel(%arg0: i32, %arg1: i32, %arg2: memref<320000xi32, #tpu.memory_space<hbm>>, %arg3: memref<32x79x128xf32, #tpu.memory_space<hbm>>, %arg4: memref<10000xi32, #tpu.memory_space<vmem>>, %arg5: memref<79x128xf32, #tpu.memory_space<vmem>>) attributes {dimension_semantics = [#tpu.dimension_semantics<core_parallel>, #tpu.dimension_semantics<subcore_parallel>], iteration_bounds = array<i64: 2, 16>, scalar_prefetch = 0 : i64, scratch_operands = 2 : i64, tpu.core_type = #tpu.core_type<sc_vector_subcore>, window_params = [{transform_indices = #map}, {transform_indices = #map1}]} {
    %mul3A = arith.constant 2 : i32
    %mul3A_0 = arith.muli %arg1, %mul3A : i32
    %add3A = arith.addi %mul3A_0, %arg0 : i32
    %scan3A = arith.constant 0 : i32
    %scan3A_1 = arith.constant 0 : i32
    %scan3A_2 = arith.constant 79 : i32
    %scan3A_3 = arith.addi %scan3A_1, %scan3A_2 : i32
    %scan3A_4 = arith.constant 1 : i32
    scf.for %scan3A_15 = %scan3A_1 to %scan3A_3 step %scan3A_4  : i32 {
      %broadcast_in_dim3A_16 = arith.constant 0.000000e+00 : f32
      %broadcast_in_dim3A_17 = vector.broadcast %broadcast_in_dim3A_16 : f32 to vector<16xf32>
      %swap3A = arith.index_cast %scan3A_15 : i32 to index
      %swap3A_18 = arith.constant 0 : index
      %swap3A_19 = tpu.vector_load %arg5[%swap3A, %swap3A_18] {strides = array<i32>} : memref<79x128xf32, #tpu.memory_space<vmem>>, vector<16xf32>,
      tpu.vector_store %arg5[%swap3A, %swap3A_18], %broadcast_in_dim3A_17 {strides = array<i32>} : memref<79x128xf32, #tpu.memory_space<vmem>>, vector<16xf32>,
      %broadcast_in_dim3A_20 = arith.constant 0.000000e+00 : f32
      %broadcast_in_dim3A_21 = vector.broadcast %broadcast_in_dim3A_20 : f32 to vector<16xf32>
      %swap3A_22 = arith.index_cast %scan3A_15 : i32 to index
      %swap3A_23 = arith.constant 16 : index
      %swap3A_24 = tpu.vector_load %arg5[%swap3A_22, %swap3A_23] {strides = array<i32>} : memref<79x128xf32, #tpu.memory_space<vmem>>, vector<16xf32>,
      tpu.vector_store %arg5[%swap3A_22, %swap3A_23], %broadcast_in_dim3A_21 {strides = array<i32>} : memref<79x128xf32, #tpu.memory_space<vmem>>, vector<16xf32>,
      %broadcast_in_dim3A_25 = arith.constant 0.000000e+00 : f32
      %broadcast_in_dim3A_26 = vector.broadcast %broadcast_in_dim3A_25 : f32 to vector<16xf32>
      %swap3A_27 = arith.index_cast %scan3A_15 : i32 to index
      %swap3A_28 = arith.constant 32 : index
      %swap3A_29 = tpu.vector_load %arg5[%swap3A_27, %swap3A_28] {strides = array<i32>} : memref<79x128xf32, #tpu.memory_space<vmem>>, vector<16xf32>,
      tpu.vector_store %arg5[%swap3A_27, %swap3A_28], %broadcast_in_dim3A_26 {strides = array<i32>} : memref<79x128xf32, #tpu.memory_space<vmem>>, vector<16xf32>,
      %broadcast_in_dim3A_30 = arith.constant 0.000000e+00 : f32
      %broadcast_in_dim3A_31 = vector.broadcast %broadcast_in_dim3A_30 : f32 to vector<16xf32>
      %swap3A_32 = arith.index_cast %scan3A_15 : i32 to index
      %swap3A_33 = arith.constant 48 : index
      %swap3A_34 = tpu.vector_load %arg5[%swap3A_32, %swap3A_33] {strides = array<i32>} : memref<79x128xf32, #tpu.memory_space<vmem>>, vector<16xf32>,
      tpu.vector_store %arg5[%swap3A_32, %swap3A_33], %broadcast_in_dim3A_31 {strides = array<i32>} : memref<79x128xf32, #tpu.memory_space<vmem>>, vector<16xf32>,
      %broadcast_in_dim3A_35 = arith.constant 0.000000e+00 : f32
      %broadcast_in_dim3A_36 = vector.broadcast %broadcast_in_dim3A_35 : f32 to vector<16xf32>
      %swap3A_37 = arith.index_cast %scan3A_15 : i32 to index
      %swap3A_38 = arith.constant 64 : index
      %swap3A_39 = tpu.vector_load %arg5[%swap3A_37, %swap3A_38] {strides = array<i32>} : memref<79x128xf32, #tpu.memory_space<vmem>>, vector<16xf32>,
      tpu.vector_store %arg5[%swap3A_37, %swap3A_38], %broadcast_in_dim3A_36 {strides = array<i32>} : memref<79x128xf32, #tpu.memory_space<vmem>>, vector<16xf32>,
      %broadcast_in_dim3A_40 = arith.constant 0.000000e+00 : f32
      %broadcast_in_dim3A_41 = vector.broadcast %broadcast_in_dim3A_40 : f32 to vector<16xf32>
      %swap3A_42 = arith.index_cast %scan3A_15 : i32 to index
      %swap3A_43 = arith.constant 80 : index
      %swap3A_44 = tpu.vector_load %arg5[%swap3A_42, %swap3A_43] {strides = array<i32>} : memref<79x128xf32, #tpu.memory_space<vmem>>, vector<16xf32>,
      tpu.vector_store %arg5[%swap3A_42, %swap3A_43], %broadcast_in_dim3A_41 {strides = array<i32>} : memref<79x128xf32, #tpu.memory_space<vmem>>, vector<16xf32>,
      %broadcast_in_dim3A_45 = arith.constant 0.000000e+00 : f32
      %broadcast_in_dim3A_46 = vector.broadcast %broadcast_in_dim3A_45 : f32 to vector<16xf32>
      %swap3A_47 = arith.index_cast %scan3A_15 : i32 to index
      %swap3A_48 = arith.constant 96 : index
      %swap3A_49 = tpu.vector_load %arg5[%swap3A_47, %swap3A_48] {strides = array<i32>} : memref<79x128xf32, #tpu.memory_space<vmem>>, vector<16xf32>,
      tpu.vector_store %arg5[%swap3A_47, %swap3A_48], %broadcast_in_dim3A_46 {strides = array<i32>} : memref<79x128xf32, #tpu.memory_space<vmem>>, vector<16xf32>,
      %broadcast_in_dim3A_50 = arith.constant 0.000000e+00 : f32
      %broadcast_in_dim3A_51 = vector.broadcast %broadcast_in_dim3A_50 : f32 to vector<16xf32>
      %swap3A_52 = arith.index_cast %scan3A_15 : i32 to index
      %swap3A_53 = arith.constant 112 : index
      %swap3A_54 = tpu.vector_load %arg5[%swap3A_52, %swap3A_53] {strides = array<i32>} : memref<79x128xf32, #tpu.memory_space<vmem>>, vector<16xf32>,
      tpu.vector_store %arg5[%swap3A_52, %swap3A_53], %broadcast_in_dim3A_51 {strides = array<i32>} : memref<79x128xf32, #tpu.memory_space<vmem>>, vector<16xf32>,
    }
    %scan3A_5 = arith.constant 79 : i32
    %mul3A_6 = arith.constant 10000 : i32
    %mul3A_7 = arith.muli %add3A, %mul3A_6 : i32
    %multiple_of3A = tpu.assume_multiple %mul3A_7, 8 : i32
    "tpu.region"() ({
      %run_scoped3A = tpu.sem_alloc : memref<!tpu.dma_semaphore, #tpu.memory_space<semaphore_mem>>
      %dma_start3A = tpu.memref_slice %arg2[%multiple_of3A] : memref<320000xi32, #tpu.memory_space<hbm>> -> memref<10000xi32, #tpu.memory_space<hbm>>
      %dma_start3A_15 = tpu.memref_slice %arg2[%multiple_of3A] : memref<320000xi32, #tpu.memory_space<hbm>> -> memref<10000xi32, #tpu.memory_space<hbm>>
      tpu.enqueue_dma source(%dma_start3A_15 : memref<10000xi32, #tpu.memory_space<hbm>>) target(%arg4 : memref<10000xi32, #tpu.memory_space<vmem>>) target_semaphore(%run_scoped3A : memref<!tpu.dma_semaphore, #tpu.memory_space<semaphore_mem>>)
      %dma_wait3A = tpu.memref_slice %arg2[%multiple_of3A] : memref<320000xi32, #tpu.memory_space<hbm>> -> memref<10000xi32, #tpu.memory_space<hbm>>
      %dma_wait3A_16 = tpu.memref_slice %arg2[%multiple_of3A] : memref<320000xi32, #tpu.memory_space<hbm>> -> memref<10000xi32, #tpu.memory_space<hbm>>
      tpu.wait_dma2 semaphore(%run_scoped3A : memref<!tpu.dma_semaphore, #tpu.memory_space<semaphore_mem>>) src(%dma_wait3A_16 : memref<10000xi32, #tpu.memory_space<hbm>>) dst(%arg4 : memref<10000xi32, #tpu.memory_space<vmem>>)
      tpu.yield
    }) : () -> ()
    %broadcast_in_dim3A = arith.constant 1.000000e+00 : f32
    %broadcast_in_dim3A_8 = vector.broadcast %broadcast_in_dim3A : f32 to vector<16xf32>
    %scan3A_9 = arith.constant 0 : i32
    %scan3A_10 = arith.constant 0 : i32
    %scan3A_11 = arith.constant 125 : i32
    %scan3A_12 = arith.addi %scan3A_10, %scan3A_11 : i32
    %scan3A_13 = arith.constant 1 : i32
    scf.for %scan3A_15 = %scan3A_10 to %scan3A_12 step %scan3A_13  : i32 {
      %mul3A_16 = arith.constant 80 : i32
      %mul3A_17 = arith.muli %scan3A_15, %mul3A_16 : i32
      %add3A_18 = arith.constant 0 : i32
      %add3A_19 = arith.addi %mul3A_17, %add3A_18 : i32
      %get3A = arith.index_cast %add3A_19 : i32 to index
      %get3A_20 = tpu.vector_load %arg4[%get3A] {strides = array<i32>} : memref<10000xi32, #tpu.memory_space<vmem>>, vector<16xi32>,
      %shift_right_arithmetic3A = arith.constant 7 : i32
      %shift_right_arithmetic3A_21 = vector.broadcast %shift_right_arithmetic3A : i32 to vector<16xi32>
      %shift_right_arithmetic3A_22 = arith.shrsi %get3A_20, %shift_right_arithmetic3A_21 : vector<16xi32>
      %and3A = arith.constant 127 : i32
      %and3A_23 = vector.broadcast %and3A : i32 to vector<16xi32>
      %and3A_24 = arith.andi %get3A_20, %and3A_23 : vector<16xi32>
      tpu.vector_store_idx %arg5[%shift_right_arithmetic3A_22, %and3A_24], %broadcast_in_dim3A_8 {add = true} : memref<79x128xf32, #tpu.memory_space<vmem>>[vector<16xi32>, vector<16xi32>], vector<16xf32>,
      %mul3A_25 = arith.constant 80 : i32
      %mul3A_26 = arith.muli %scan3A_15, %mul3A_25 : i32
      %add3A_27 = arith.constant 16 : i32
      %add3A_28 = arith.addi %mul3A_26, %add3A_27 : i32
      %get3A_29 = arith.index_cast %add3A_28 : i32 to index
      %get3A_30 = tpu.vector_load %arg4[%get3A_29] {strides = array<i32>} : memref<10000xi32, #tpu.memory_space<vmem>>, vector<16xi32>,
      %shift_right_arithmetic3A_31 = arith.constant 7 : i32
      %shift_right_arithmetic3A_32 = vector.broadcast %shift_right_arithmetic3A_31 : i32 to vector<16xi32>
      %shift_right_arithmetic3A_33 = arith.shrsi %get3A_30, %shift_right_arithmetic3A_32 : vector<16xi32>
      %and3A_34 = arith.constant 127 : i32
      %and3A_35 = vector.broadcast %and3A_34 : i32 to vector<16xi32>
      %and3A_36 = arith.andi %get3A_30, %and3A_35 : vector<16xi32>
      tpu.vector_store_idx %arg5[%shift_right_arithmetic3A_33, %and3A_36], %broadcast_in_dim3A_8 {add = true} : memref<79x128xf32, #tpu.memory_space<vmem>>[vector<16xi32>, vector<16xi32>], vector<16xf32>,
      %mul3A_37 = arith.constant 80 : i32
      %mul3A_38 = arith.muli %scan3A_15, %mul3A_37 : i32
      %add3A_39 = arith.constant 32 : i32
      %add3A_40 = arith.addi %mul3A_38, %add3A_39 : i32
      %get3A_41 = arith.index_cast %add3A_40 : i32 to index
      %get3A_42 = tpu.vector_load %arg4[%get3A_41] {strides = array<i32>} : memref<10000xi32, #tpu.memory_space<vmem>>, vector<16xi32>,
      %shift_right_arithmetic3A_43 = arith.constant 7 : i32
      %shift_right_arithmetic3A_44 = vector.broadcast %shift_right_arithmetic3A_43 : i32 to vector<16xi32>
      %shift_right_arithmetic3A_45 = arith.shrsi %get3A_42, %shift_right_arithmetic3A_44 : vector<16xi32>
      %and3A_46 = arith.constant 127 : i32
      %and3A_47 = vector.broadcast %and3A_46 : i32 to vector<16xi32>
      %and3A_48 = arith.andi %get3A_42, %and3A_47 : vector<16xi32>
      tpu.vector_store_idx %arg5[%shift_right_arithmetic3A_45, %and3A_48], %broadcast_in_dim3A_8 {add = true} : memref<79x128xf32, #tpu.memory_space<vmem>>[vector<16xi32>, vector<16xi32>], vector<16xf32>,
      %mul3A_49 = arith.constant 80 : i32
      %mul3A_50 = arith.muli %scan3A_15, %mul3A_49 : i32
      %add3A_51 = arith.constant 48 : i32
      %add3A_52 = arith.addi %mul3A_50, %add3A_51 : i32
      %get3A_53 = arith.index_cast %add3A_52 : i32 to index
      %get3A_54 = tpu.vector_load %arg4[%get3A_53] {strides = array<i32>} : memref<10000xi32, #tpu.memory_space<vmem>>, vector<16xi32>,
      %shift_right_arithmetic3A_55 = arith.constant 7 : i32
      %shift_right_arithmetic3A_56 = vector.broadcast %shift_right_arithmetic3A_55 : i32 to vector<16xi32>
      %shift_right_arithmetic3A_57 = arith.shrsi %get3A_54, %shift_right_arithmetic3A_56 : vector<16xi32>
      %and3A_58 = arith.constant 127 : i32
      %and3A_59 = vector.broadcast %and3A_58 : i32 to vector<16xi32>
      %and3A_60 = arith.andi %get3A_54, %and3A_59 : vector<16xi32>
      tpu.vector_store_idx %arg5[%shift_right_arithmetic3A_57, %and3A_60], %broadcast_in_dim3A_8 {add = true} : memref<79x128xf32, #tpu.memory_space<vmem>>[vector<16xi32>, vector<16xi32>], vector<16xf32>,
      %mul3A_61 = arith.constant 80 : i32
      %mul3A_62 = arith.muli %scan3A_15, %mul3A_61 : i32
      %add3A_63 = arith.constant 64 : i32
      %add3A_64 = arith.addi %mul3A_62, %add3A_63 : i32
      %get3A_65 = arith.index_cast %add3A_64 : i32 to index
      %get3A_66 = tpu.vector_load %arg4[%get3A_65] {strides = array<i32>} : memref<10000xi32, #tpu.memory_space<vmem>>, vector<16xi32>,
      %shift_right_arithmetic3A_67 = arith.constant 7 : i32
      %shift_right_arithmetic3A_68 = vector.broadcast %shift_right_arithmetic3A_67 : i32 to vector<16xi32>
      %shift_right_arithmetic3A_69 = arith.shrsi %get3A_66, %shift_right_arithmetic3A_68 : vector<16xi32>
      %and3A_70 = arith.constant 127 : i32
      %and3A_71 = vector.broadcast %and3A_70 : i32 to vector<16xi32>
      %and3A_72 = arith.andi %get3A_66, %and3A_71 : vector<16xi32>
      tpu.vector_store_idx %arg5[%shift_right_arithmetic3A_69, %and3A_72], %broadcast_in_dim3A_8 {add = true} : memref<79x128xf32, #tpu.memory_space<vmem>>[vector<16xi32>, vector<16xi32>], vector<16xf32>,
    }
    %scan3A_14 = arith.constant 125 : i32
    "tpu.region"() ({
      %run_scoped3A = tpu.sem_alloc : memref<!tpu.dma_semaphore, #tpu.memory_space<semaphore_mem>>
      %dma_start3A = arith.constant 0 : i32
      %dma_start3A_15 = arith.constant 0 : i32
      %dma_start3A_16 = tpu.memref_slice %arg3[%add3A, %dma_start3A, %dma_start3A_15] : memref<32x79x128xf32, #tpu.memory_space<hbm>> -> memref<1x79x128xf32, #tpu.memory_space<hbm>>
      %dma_start3A_17 = tpu.memref_squeeze %dma_start3A_16 : memref<1x79x128xf32, #tpu.memory_space<hbm>> -> memref<79x128xf32, #tpu.memory_space<hbm>>
      %dma_start3A_18 = arith.constant 0 : i32
      %dma_start3A_19 = arith.constant 0 : i32
      %dma_start3A_20 = tpu.memref_slice %arg3[%add3A, %dma_start3A_18, %dma_start3A_19] : memref<32x79x128xf32, #tpu.memory_space<hbm>> -> memref<1x79x128xf32, #tpu.memory_space<hbm>>
      %dma_start3A_21 = tpu.memref_squeeze %dma_start3A_20 : memref<1x79x128xf32, #tpu.memory_space<hbm>> -> memref<79x128xf32, #tpu.memory_space<hbm>>
      tpu.enqueue_dma source(%arg5 : memref<79x128xf32, #tpu.memory_space<vmem>>) target(%dma_start3A_21 : memref<79x128xf32, #tpu.memory_space<hbm>>) target_semaphore(%run_scoped3A : memref<!tpu.dma_semaphore, #tpu.memory_space<semaphore_mem>>)
      %dma_wait3A = arith.constant 0 : i32
      %dma_wait3A_22 = arith.constant 0 : i32
      %dma_wait3A_23 = tpu.memref_slice %arg3[%add3A, %dma_wait3A, %dma_wait3A_22] : memref<32x79x128xf32, #tpu.memory_space<hbm>> -> memref<1x79x128xf32, #tpu.memory_space<hbm>>
      %dma_wait3A_24 = tpu.memref_squeeze %dma_wait3A_23 : memref<1x79x128xf32, #tpu.memory_space<hbm>> -> memref<79x128xf32, #tpu.memory_space<hbm>>
      %dma_wait3A_25 = arith.constant 0 : i32
      %dma_wait3A_26 = arith.constant 0 : i32
      %dma_wait3A_27 = tpu.memref_slice %arg3[%add3A, %dma_wait3A_25, %dma_wait3A_26] : memref<32x79x128xf32, #tpu.memory_space<hbm>> -> memref<1x79x128xf32, #tpu.memory_space<hbm>>
      %dma_wait3A_28 = tpu.memref_squeeze %dma_wait3A_27 : memref<1x79x128xf32, #tpu.memory_space<hbm>> -> memref<79x128xf32, #tpu.memory_space<hbm>>
      tpu.wait_dma2 semaphore(%run_scoped3A : memref<!tpu.dma_semaphore, #tpu.memory_space<semaphore_mem>>) src(%arg5 : memref<79x128xf32, #tpu.memory_space<vmem>>) dst(%dma_wait3A_28 : memref<79x128xf32, #tpu.memory_space<hbm>>)
      tpu.yield
    }) : () -> ()
    return
  }
}

#map = affine_map<(d0, d1) -> (0, 0)>
#map1 = affine_map<(d0, d1) -> (0)>
#map2 = affine_map<(d0, d1) -> (0, 0, 0)>
module attributes {stable_mosaic.version = 14 : i64} {
  func.func @prop_kernel(%arg0: i32, %arg1: i32, %arg2: memref<10000x128xf32, #tpu.memory_space<hbm>>, %arg3: memref<323136xi32, #tpu.memory_space<hbm>>, %arg4: memref<3366x96xi32, #tpu.memory_space<hbm>>, %arg5: memref<96x128xf32, #tpu.memory_space<hbm>>, %arg6: memref<2x10112x128xf32, #tpu.memory_space<hbm>>, %arg7: memref<10080xi32, #tpu.memory_space<vmem>>, %arg8: memref<96xi32, #tpu.memory_space<vmem>>, %arg9: memref<96xi32, #tpu.memory_space<vmem>>, %arg10: memref<96xi32, #tpu.memory_space<vmem>>, %arg11: memref<96x128xf32, #tpu.memory_space<vmem>>, %arg12: memref<96x128xf32, #tpu.memory_space<vmem>>, %arg13: memref<96x128xf32, #tpu.memory_space<vmem>>, %arg14: memref<10112x128xf32, #tpu.memory_space<vmem_shared>>, %arg15: memref<!tpu.dma_semaphore, #tpu.memory_space<semaphore_mem>>, %arg16: memref<!tpu.dma_semaphore, #tpu.memory_space<semaphore_mem>>, %arg17: memref<!tpu.dma_semaphore, #tpu.memory_space<semaphore_mem>>, %arg18: memref<!tpu.dma_semaphore, #tpu.memory_space<semaphore_mem>>, %arg19: memref<!tpu.dma_semaphore, #tpu.memory_space<semaphore_mem>>, %arg20: memref<!tpu.dma_semaphore, #tpu.memory_space<semaphore_mem>>) attributes {dimension_semantics = [#tpu.dimension_semantics<core_parallel>, #tpu.dimension_semantics<subcore_parallel>], iteration_bounds = array<i64: 2, 16>, scalar_prefetch = 0 : i64, scratch_operands = 14 : i64, tpu.core_type = #tpu.core_type<sc_vector_subcore>, window_params = [{transform_indices = #map}, {transform_indices = #map1}, {transform_indices = #map}, {transform_indices = #map}, {transform_indices = #map2}]} {
    %mul3A = arith.constant 2 : i32
    %mul3A_0 = arith.muli %arg1, %mul3A : i32
    %add3A = arith.addi %mul3A_0, %arg0 : i32
    %mul3A_1 = arith.constant 104 : i32
    %mul3A_2 = arith.muli %mul3A_1, %add3A : i32
    %min3A = arith.constant 6 : i32
    %min3A_3 = arith.minsi %add3A, %min3A : i32
    %add3A_4 = arith.addi %mul3A_2, %min3A_3 : i32
    %lt3A = arith.constant 6 : i32
    %lt3A_5 = arith.cmpi slt, %add3A, %lt3A : i32
    %convert_element_type3A = arith.extui %lt3A_5 : i1 to i32
    %add3A_6 = arith.constant 104 : i32
    %add3A_7 = arith.addi %add3A_6, %convert_element_type3A : i32
    %mul3A_8 = arith.constant 96 : i32
    %mul3A_9 = arith.muli %add3A_4, %mul3A_8 : i32
    %multiple_of3A = tpu.assume_multiple %mul3A_9, 8 : i32
    %dma_start3A = tpu.memref_slice %arg3[%multiple_of3A] : memref<323136xi32, #tpu.memory_space<hbm>> -> memref<10080xi32, #tpu.memory_space<hbm>>
    %dma_start3A_10 = tpu.memref_slice %arg3[%multiple_of3A] : memref<323136xi32, #tpu.memory_space<hbm>> -> memref<10080xi32, #tpu.memory_space<hbm>>
    tpu.enqueue_dma source(%dma_start3A_10 : memref<10080xi32, #tpu.memory_space<hbm>>) target(%arg7 : memref<10080xi32, #tpu.memory_space<vmem>>) target_semaphore(%arg15 : memref<!tpu.dma_semaphore, #tpu.memory_space<semaphore_mem>>)
    "tpu.region"() ({
      %run_scoped3A = tpu.sem_alloc : memref<!tpu.dma_semaphore, #tpu.memory_space<semaphore_mem>>
      tpu.enqueue_dma source(%arg5 : memref<96x128xf32, #tpu.memory_space<hbm>>) target(%arg12 : memref<96x128xf32, #tpu.memory_space<vmem>>) target_semaphore(%run_scoped3A : memref<!tpu.dma_semaphore, #tpu.memory_space<semaphore_mem>>)
      tpu.wait_dma2 semaphore(%run_scoped3A : memref<!tpu.dma_semaphore, #tpu.memory_space<semaphore_mem>>) src(%arg5 : memref<96x128xf32, #tpu.memory_space<hbm>>) dst(%arg12 : memref<96x128xf32, #tpu.memory_space<vmem>>)
      tpu.yield
    }) : () -> ()
    %scan3A = arith.constant 0 : i32
    %scan3A_11 = arith.constant 0 : i32
    %scan3A_12 = arith.constant 6 : i32
    %scan3A_13 = arith.addi %scan3A_11, %scan3A_12 : i32
    %scan3A_14 = arith.constant 1 : i32
    scf.for %scan3A_77 = %scan3A_11 to %scan3A_13 step %scan3A_14  : i32 {
      %mul3A_78 = arith.constant 632 : i32
      %mul3A_79 = arith.muli %arg1, %mul3A_78 : i32
      %mul3A_80 = arith.constant 96 : i32
      %mul3A_81 = arith.muli %scan3A_77, %mul3A_80 : i32
      %add3A_82 = arith.addi %mul3A_79, %mul3A_81 : i32
      %multiple_of3A_83 = tpu.assume_multiple %add3A_82, 8 : i32
      "tpu.region"() ({
        %run_scoped3A = tpu.sem_alloc : memref<!tpu.dma_semaphore, #tpu.memory_space<semaphore_mem>>
        %dma_start3A_84 = arith.constant 0 : i32
        %dma_start3A_85 = tpu.memref_slice %arg14[%multiple_of3A_83, %dma_start3A_84] : memref<10112x128xf32, #tpu.memory_space<vmem_shared>> -> memref<96x128xf32, #tpu.memory_space<vmem_shared>>
        %dma_start3A_86 = arith.constant 0 : i32
        %dma_start3A_87 = tpu.memref_slice %arg14[%multiple_of3A_83, %dma_start3A_86] : memref<10112x128xf32, #tpu.memory_space<vmem_shared>> -> memref<96x128xf32, #tpu.memory_space<vmem_shared>>
        tpu.enqueue_dma source(%arg12 : memref<96x128xf32, #tpu.memory_space<vmem>>) target(%dma_start3A_87 : memref<96x128xf32, #tpu.memory_space<vmem_shared>>) target_semaphore(%run_scoped3A : memref<!tpu.dma_semaphore, #tpu.memory_space<semaphore_mem>>)
        %dma_wait3A_88 = arith.constant 0 : i32
        %dma_wait3A_89 = tpu.memref_slice %arg14[%multiple_of3A_83, %dma_wait3A_88] : memref<10112x128xf32, #tpu.memory_space<vmem_shared>> -> memref<96x128xf32, #tpu.memory_space<vmem_shared>>
        %dma_wait3A_90 = arith.constant 0 : i32
        %dma_wait3A_91 = tpu.memref_slice %arg14[%multiple_of3A_83, %dma_wait3A_90] : memref<10112x128xf32, #tpu.memory_space<vmem_shared>> -> memref<96x128xf32, #tpu.memory_space<vmem_shared>>
        tpu.wait_dma2 semaphore(%run_scoped3A : memref<!tpu.dma_semaphore, #tpu.memory_space<semaphore_mem>>) src(%arg12 : memref<96x128xf32, #tpu.memory_space<vmem>>) dst(%dma_wait3A_91 : memref<96x128xf32, #tpu.memory_space<vmem_shared>>)
        tpu.yield
      }) : () -> ()
    }
    %scan3A_15 = arith.constant 6 : i32
    %mul3A_16 = arith.constant 632 : i32
    %mul3A_17 = arith.muli %arg1, %mul3A_16 : i32
    %add3A_18 = arith.constant 576 : i32
    %add3A_19 = arith.addi %mul3A_17, %add3A_18 : i32
    %multiple_of3A_20 = tpu.assume_multiple %add3A_19, 8 : i32
    "tpu.region"() ({
      %run_scoped3A = tpu.sem_alloc : memref<!tpu.dma_semaphore, #tpu.memory_space<semaphore_mem>>
      %dma_start3A_77 = arith.constant 0 : i32
      %dma_start3A_78 = arith.constant 0 : i32
      %dma_start3A_79 = tpu.memref_slice %arg12[%dma_start3A_77, %dma_start3A_78] : memref<96x128xf32, #tpu.memory_space<vmem>> -> memref<56x128xf32, #tpu.memory_space<vmem>>
      %dma_start3A_80 = arith.constant 0 : i32
      %dma_start3A_81 = tpu.memref_slice %arg14[%multiple_of3A_20, %dma_start3A_80] : memref<10112x128xf32, #tpu.memory_space<vmem_shared>> -> memref<56x128xf32, #tpu.memory_space<vmem_shared>>
      %dma_start3A_82 = arith.constant 0 : i32
      %dma_start3A_83 = tpu.memref_slice %arg14[%multiple_of3A_20, %dma_start3A_82] : memref<10112x128xf32, #tpu.memory_space<vmem_shared>> -> memref<56x128xf32, #tpu.memory_space<vmem_shared>>
      %dma_start3A_84 = arith.constant 0 : i32
      %dma_start3A_85 = arith.constant 0 : i32
      %dma_start3A_86 = tpu.memref_slice %arg12[%dma_start3A_84, %dma_start3A_85] : memref<96x128xf32, #tpu.memory_space<vmem>> -> memref<56x128xf32, #tpu.memory_space<vmem>>
      tpu.enqueue_dma source(%dma_start3A_86 : memref<56x128xf32, #tpu.memory_space<vmem>>) target(%dma_start3A_83 : memref<56x128xf32, #tpu.memory_space<vmem_shared>>) target_semaphore(%run_scoped3A : memref<!tpu.dma_semaphore, #tpu.memory_space<semaphore_mem>>)
      %dma_wait3A_87 = arith.constant 0 : i32
      %dma_wait3A_88 = arith.constant 0 : i32
      %dma_wait3A_89 = tpu.memref_slice %arg12[%dma_wait3A_87, %dma_wait3A_88] : memref<96x128xf32, #tpu.memory_space<vmem>> -> memref<56x128xf32, #tpu.memory_space<vmem>>
      %dma_wait3A_90 = arith.constant 0 : i32
      %dma_wait3A_91 = tpu.memref_slice %arg14[%multiple_of3A_20, %dma_wait3A_90] : memref<10112x128xf32, #tpu.memory_space<vmem_shared>> -> memref<56x128xf32, #tpu.memory_space<vmem_shared>>
      %dma_wait3A_92 = arith.constant 0 : i32
      %dma_wait3A_93 = tpu.memref_slice %arg14[%multiple_of3A_20, %dma_wait3A_92] : memref<10112x128xf32, #tpu.memory_space<vmem_shared>> -> memref<56x128xf32, #tpu.memory_space<vmem_shared>>
      %dma_wait3A_94 = arith.constant 0 : i32
      %dma_wait3A_95 = arith.constant 0 : i32
      %dma_wait3A_96 = tpu.memref_slice %arg12[%dma_wait3A_94, %dma_wait3A_95] : memref<96x128xf32, #tpu.memory_space<vmem>> -> memref<56x128xf32, #tpu.memory_space<vmem>>
      tpu.wait_dma2 semaphore(%run_scoped3A : memref<!tpu.dma_semaphore, #tpu.memory_space<semaphore_mem>>) src(%dma_wait3A_96 : memref<56x128xf32, #tpu.memory_space<vmem>>) dst(%dma_wait3A_93 : memref<56x128xf32, #tpu.memory_space<vmem_shared>>)
      tpu.yield
    }) : () -> ()
    %dma_wait3A = arith.constant 0 : i32
    %dma_wait3A_21 = tpu.memref_slice %arg3[%dma_wait3A] : memref<323136xi32, #tpu.memory_space<hbm>> -> memref<10080xi32, #tpu.memory_space<hbm>>
    %dma_wait3A_22 = arith.constant 0 : i32
    %dma_wait3A_23 = tpu.memref_slice %arg3[%dma_wait3A_22] : memref<323136xi32, #tpu.memory_space<hbm>> -> memref<10080xi32, #tpu.memory_space<hbm>>
    tpu.wait_dma2 semaphore(%arg15 : memref<!tpu.dma_semaphore, #tpu.memory_space<semaphore_mem>>) src(%dma_wait3A_23 : memref<10080xi32, #tpu.memory_space<hbm>>) dst(%arg7 : memref<10080xi32, #tpu.memory_space<vmem>>)
    %barrier3A = arith.constant 0 : index
    tpu.barrier barrier_id(%barrier3A)
    %add3A_24 = arith.constant 0 : i32
    %add3A_25 = arith.addi %add3A_4, %add3A_24 : i32
    %dma_start3A_26 = arith.constant 0 : i32
    %dma_start3A_27 = tpu.memref_slice %arg4[%add3A_25, %dma_start3A_26] : memref<3366x96xi32, #tpu.memory_space<hbm>> -> memref<1x96xi32, #tpu.memory_space<hbm>>
    %dma_start3A_28 = tpu.memref_squeeze %dma_start3A_27 : memref<1x96xi32, #tpu.memory_space<hbm>> -> memref<96xi32, #tpu.memory_space<hbm>>
    %dma_start3A_29 = arith.constant 0 : i32
    %dma_start3A_30 = tpu.memref_slice %arg4[%add3A_25, %dma_start3A_29] : memref<3366x96xi32, #tpu.memory_space<hbm>> -> memref<1x96xi32, #tpu.memory_space<hbm>>
    %dma_start3A_31 = tpu.memref_squeeze %dma_start3A_30 : memref<1x96xi32, #tpu.memory_space<hbm>> -> memref<96xi32, #tpu.memory_space<hbm>>
    tpu.enqueue_dma source(%dma_start3A_31 : memref<96xi32, #tpu.memory_space<hbm>>) target(%arg8 : memref<96xi32, #tpu.memory_space<vmem>>) target_semaphore(%arg15 : memref<!tpu.dma_semaphore, #tpu.memory_space<semaphore_mem>>)
    %dma_start3A_32 = arith.constant 0 : i32
    %dma_start3A_33 = tpu.memref_slice %arg7[%dma_start3A_32] : memref<10080xi32, #tpu.memory_space<vmem>> -> memref<96xi32, #tpu.memory_space<vmem>>
    %dma_start3A_34 = arith.constant 0 : i32
    %dma_start3A_35 = arith.constant 0 : i32
    %dma_start3A_36 = tpu.memref_slice %arg2[%dma_start3A_34, %dma_start3A_35] : memref<10000x128xf32, #tpu.memory_space<hbm>> -> memref<10000x128xf32, #tpu.memory_space<hbm>>
    tpu.enqueue_indirect_dma source(%dma_start3A_36 : memref<10000x128xf32, #tpu.memory_space<hbm>>) target(%arg11 : memref<96x128xf32, #tpu.memory_space<vmem>>) offsets(%dma_start3A_33 : memref<96xi32, #tpu.memory_space<vmem>>) semaphore(%arg15 : memref<!tpu.dma_semaphore, #tpu.memory_space<semaphore_mem>>)
    %add3A_37 = arith.constant 1 : i32
    %add3A_38 = arith.addi %add3A_4, %add3A_37 : i32
    %dma_start3A_39 = arith.constant 0 : i32
    %dma_start3A_40 = tpu.memref_slice %arg4[%add3A_38, %dma_start3A_39] : memref<3366x96xi32, #tpu.memory_space<hbm>> -> memref<1x96xi32, #tpu.memory_space<hbm>>
    %dma_start3A_41 = tpu.memref_squeeze %dma_start3A_40 : memref<1x96xi32, #tpu.memory_space<hbm>> -> memref<96xi32, #tpu.memory_space<hbm>>
    %dma_start3A_42 = arith.constant 0 : i32
    %dma_start3A_43 = tpu.memref_slice %arg4[%add3A_38, %dma_start3A_42] : memref<3366x96xi32, #tpu.memory_space<hbm>> -> memref<1x96xi32, #tpu.memory_space<hbm>>
    %dma_start3A_44 = tpu.memref_squeeze %dma_start3A_43 : memref<1x96xi32, #tpu.memory_space<hbm>> -> memref<96xi32, #tpu.memory_space<hbm>>
    tpu.enqueue_dma source(%dma_start3A_44 : memref<96xi32, #tpu.memory_space<hbm>>) target(%arg9 : memref<96xi32, #tpu.memory_space<vmem>>) target_semaphore(%arg16 : memref<!tpu.dma_semaphore, #tpu.memory_space<semaphore_mem>>)
    %dma_start3A_45 = arith.constant 96 : i32
    %dma_start3A_46 = tpu.memref_slice %arg7[%dma_start3A_45] : memref<10080xi32, #tpu.memory_space<vmem>> -> memref<96xi32, #tpu.memory_space<vmem>>
    %dma_start3A_47 = arith.constant 0 : i32
    %dma_start3A_48 = arith.constant 0 : i32
    %dma_start3A_49 = tpu.memref_slice %arg2[%dma_start3A_47, %dma_start3A_48] : memref<10000x128xf32, #tpu.memory_space<hbm>> -> memref<10000x128xf32, #tpu.memory_space<hbm>>
    tpu.enqueue_indirect_dma source(%dma_start3A_49 : memref<10000x128xf32, #tpu.memory_space<hbm>>) target(%arg12 : memref<96x128xf32, #tpu.memory_space<vmem>>) offsets(%dma_start3A_46 : memref<96xi32, #tpu.memory_space<vmem>>) semaphore(%arg16 : memref<!tpu.dma_semaphore, #tpu.memory_space<semaphore_mem>>)
    %scan3A_50 = arith.constant 0 : i32
    %scan3A_51 = arith.constant 0 : i32
    %scan3A_52 = arith.constant 35 : i32
    %scan3A_53 = arith.addi %scan3A_51, %scan3A_52 : i32
    %scan3A_54 = arith.constant 1 : i32
    scf.for %scan3A_77 = %scan3A_51 to %scan3A_53 step %scan3A_54  : i32 {
      %mul3A_78 = arith.constant 3 : i32
      %mul3A_79 = arith.muli %mul3A_78, %scan3A_77 : i32
      %add3A_80 = arith.constant 0 : i32
      %add3A_81 = arith.addi %mul3A_79, %add3A_80 : i32
      %lt3A_82 = arith.cmpi slt, %add3A_81, %add3A_7 : i32
      %convert_element_type3A_83 = arith.extui %lt3A_82 : i1 to i32
      %cond3A = arith.constant 0 : i32
      %cond3A_84 = arith.cmpi ne, %convert_element_type3A_83, %cond3A : i32
      scf.if %cond3A_84 {
        %dma_wait3A_115 = arith.constant 0 : i32
        %dma_wait3A_116 = arith.constant 0 : i32
        %dma_wait3A_117 = tpu.memref_slice %arg2[%dma_wait3A_115, %dma_wait3A_116] : memref<10000x128xf32, #tpu.memory_space<hbm>> -> memref<96x128xf32, #tpu.memory_space<hbm>>
        %dma_wait3A_118 = arith.constant 0 : i32
        %dma_wait3A_119 = arith.constant 0 : i32
        %dma_wait3A_120 = tpu.memref_slice %arg2[%dma_wait3A_118, %dma_wait3A_119] : memref<10000x128xf32, #tpu.memory_space<hbm>> -> memref<96x128xf32, #tpu.memory_space<hbm>>
        tpu.wait_dma2 semaphore(%arg15 : memref<!tpu.dma_semaphore, #tpu.memory_space<semaphore_mem>>) src(%dma_wait3A_120 : memref<96x128xf32, #tpu.memory_space<hbm>>) dst(%arg11 : memref<96x128xf32, #tpu.memory_space<vmem>>)
        %dma_wait3A_121 = arith.constant 0 : i32
        %dma_wait3A_122 = arith.constant 0 : i32
        %dma_wait3A_123 = tpu.memref_slice %arg4[%dma_wait3A_121, %dma_wait3A_122] : memref<3366x96xi32, #tpu.memory_space<hbm>> -> memref<1x96xi32, #tpu.memory_space<hbm>>
        %dma_wait3A_124 = tpu.memref_squeeze %dma_wait3A_123 : memref<1x96xi32, #tpu.memory_space<hbm>> -> memref<96xi32, #tpu.memory_space<hbm>>
        %dma_wait3A_125 = arith.constant 0 : i32
        %dma_wait3A_126 = tpu.memref_slice %arg4[%dma_wait3A_121, %dma_wait3A_125] : memref<3366x96xi32, #tpu.memory_space<hbm>> -> memref<1x96xi32, #tpu.memory_space<hbm>>
        %dma_wait3A_127 = tpu.memref_squeeze %dma_wait3A_126 : memref<1x96xi32, #tpu.memory_space<hbm>> -> memref<96xi32, #tpu.memory_space<hbm>>
        tpu.wait_dma2 semaphore(%arg15 : memref<!tpu.dma_semaphore, #tpu.memory_space<semaphore_mem>>) src(%dma_wait3A_127 : memref<96xi32, #tpu.memory_space<hbm>>) dst(%arg8 : memref<96xi32, #tpu.memory_space<vmem>>)
        %dma_start3A_128 = arith.constant 0 : i32
        %dma_start3A_129 = arith.constant 0 : i32
        %dma_start3A_130 = tpu.memref_slice %arg14[%dma_start3A_128, %dma_start3A_129] : memref<10112x128xf32, #tpu.memory_space<vmem_shared>> -> memref<10112x128xf32, #tpu.memory_space<vmem_shared>>
        tpu.enqueue_indirect_dma source(%arg11 : memref<96x128xf32, #tpu.memory_space<vmem>>) target(%dma_start3A_130 : memref<10112x128xf32, #tpu.memory_space<vmem_shared>>) offsets(%arg8 : memref<96xi32, #tpu.memory_space<vmem>>) semaphore(%arg18 : memref<!tpu.dma_semaphore, #tpu.memory_space<semaphore_mem>>) {add = true}
      } else {
      }
      %add3A_85 = arith.constant 2 : i32
      %add3A_86 = arith.addi %add3A_81, %add3A_85 : i32
      %lt3A_87 = arith.cmpi slt, %add3A_86, %add3A_7 : i32
      %convert_element_type3A_88 = arith.extui %lt3A_87 : i1 to i32
      %cond3A_89 = arith.constant 0 : i32
      %cond3A_90 = arith.cmpi ne, %convert_element_type3A_88, %cond3A_89 : i32
      scf.if %cond3A_90 {
        %gt3A = arith.constant 0 : i32
        %gt3A_115 = arith.cmpi sgt, %scan3A_77, %gt3A : i32
        %convert_element_type3A_116 = arith.extui %gt3A_115 : i1 to i32
        %cond3A_117 = arith.constant 0 : i32
        %cond3A_118 = arith.cmpi ne, %convert_element_type3A_116, %cond3A_117 : i32
        scf.if %cond3A_118 {
          %dma_wait3A_134 = arith.constant 0 : i32
          %dma_wait3A_135 = arith.constant 0 : i32
          %dma_wait3A_136 = tpu.memref_slice %arg14[%dma_wait3A_134, %dma_wait3A_135] : memref<10112x128xf32, #tpu.memory_space<vmem_shared>> -> memref<10112x128xf32, #tpu.memory_space<vmem_shared>>
          tpu.wait_indirect_dma semaphore(%arg20 : memref<!tpu.dma_semaphore, #tpu.memory_space<semaphore_mem>>) src(%arg13 : memref<96x128xf32, #tpu.memory_space<vmem>>) dst(%dma_wait3A_136 : memref<10112x128xf32, #tpu.memory_space<vmem_shared>>)
        } else {
        }
        %add3A_119 = arith.constant 2 : i32
        %add3A_120 = arith.addi %add3A_81, %add3A_119 : i32
        %add3A_121 = arith.addi %add3A_4, %add3A_120 : i32
        %dma_start3A_122 = arith.constant 0 : i32
        %dma_start3A_123 = tpu.memref_slice %arg4[%add3A_121, %dma_start3A_122] : memref<3366x96xi32, #tpu.memory_space<hbm>> -> memref<1x96xi32, #tpu.memory_space<hbm>>
        %dma_start3A_124 = tpu.memref_squeeze %dma_start3A_123 : memref<1x96xi32, #tpu.memory_space<hbm>> -> memref<96xi32, #tpu.memory_space<hbm>>
        %dma_start3A_125 = arith.constant 0 : i32
        %dma_start3A_126 = tpu.memref_slice %arg4[%add3A_121, %dma_start3A_125] : memref<3366x96xi32, #tpu.memory_space<hbm>> -> memref<1x96xi32, #tpu.memory_space<hbm>>
        %dma_start3A_127 = tpu.memref_squeeze %dma_start3A_126 : memref<1x96xi32, #tpu.memory_space<hbm>> -> memref<96xi32, #tpu.memory_space<hbm>>
        tpu.enqueue_dma source(%dma_start3A_127 : memref<96xi32, #tpu.memory_space<hbm>>) target(%arg10 : memref<96xi32, #tpu.memory_space<vmem>>) target_semaphore(%arg17 : memref<!tpu.dma_semaphore, #tpu.memory_space<semaphore_mem>>)
        %mul3A_128 = arith.constant 96 : i32
        %mul3A_129 = arith.muli %add3A_120, %mul3A_128 : i32
        %dma_start3A_130 = tpu.memref_slice %arg7[%mul3A_129] : memref<10080xi32, #tpu.memory_space<vmem>> -> memref<96xi32, #tpu.memory_space<vmem>>
        %dma_start3A_131 = arith.constant 0 : i32
        %dma_start3A_132 = arith.constant 0 : i32
        %dma_start3A_133 = tpu.memref_slice %arg2[%dma_start3A_131, %dma_start3A_132] : memref<10000x128xf32, #tpu.memory_space<hbm>> -> memref<10000x128xf32, #tpu.memory_space<hbm>>
        tpu.enqueue_indirect_dma source(%dma_start3A_133 : memref<10000x128xf32, #tpu.memory_space<hbm>>) target(%arg13 : memref<96x128xf32, #tpu.memory_space<vmem>>) offsets(%dma_start3A_130 : memref<96xi32, #tpu.memory_space<vmem>>) semaphore(%arg17 : memref<!tpu.dma_semaphore, #tpu.memory_space<semaphore_mem>>)
      } else {
      }
      %add3A_91 = arith.constant 1 : i32
      %add3A_92 = arith.addi %mul3A_79, %add3A_91 : i32
      %lt3A_93 = arith.cmpi slt, %add3A_92, %add3A_7 : i32
      %convert_element_type3A_94 = arith.extui %lt3A_93 : i1 to i32
      %cond3A_95 = arith.constant 0 : i32
      %cond3A_96 = arith.cmpi ne, %convert_element_type3A_94, %cond3A_95 : i32
      scf.if %cond3A_96 {
        %dma_wait3A_115 = arith.constant 0 : i32
        %dma_wait3A_116 = arith.constant 0 : i32
        %dma_wait3A_117 = tpu.memref_slice %arg2[%dma_wait3A_115, %dma_wait3A_116] : memref<10000x128xf32, #tpu.memory_space<hbm>> -> memref<96x128xf32, #tpu.memory_space<hbm>>
        %dma_wait3A_118 = arith.constant 0 : i32
        %dma_wait3A_119 = arith.constant 0 : i32
        %dma_wait3A_120 = tpu.memref_slice %arg2[%dma_wait3A_118, %dma_wait3A_119] : memref<10000x128xf32, #tpu.memory_space<hbm>> -> memref<96x128xf32, #tpu.memory_space<hbm>>
        tpu.wait_dma2 semaphore(%arg16 : memref<!tpu.dma_semaphore, #tpu.memory_space<semaphore_mem>>) src(%dma_wait3A_120 : memref<96x128xf32, #tpu.memory_space<hbm>>) dst(%arg12 : memref<96x128xf32, #tpu.memory_space<vmem>>)
        %dma_wait3A_121 = arith.constant 0 : i32
        %dma_wait3A_122 = arith.constant 0 : i32
        %dma_wait3A_123 = tpu.memref_slice %arg4[%dma_wait3A_121, %dma_wait3A_122] : memref<3366x96xi32, #tpu.memory_space<hbm>> -> memref<1x96xi32, #tpu.memory_space<hbm>>
        %dma_wait3A_124 = tpu.memref_squeeze %dma_wait3A_123 : memref<1x96xi32, #tpu.memory_space<hbm>> -> memref<96xi32, #tpu.memory_space<hbm>>
        %dma_wait3A_125 = arith.constant 0 : i32
        %dma_wait3A_126 = tpu.memref_slice %arg4[%dma_wait3A_121, %dma_wait3A_125] : memref<3366x96xi32, #tpu.memory_space<hbm>> -> memref<1x96xi32, #tpu.memory_space<hbm>>
        %dma_wait3A_127 = tpu.memref_squeeze %dma_wait3A_126 : memref<1x96xi32, #tpu.memory_space<hbm>> -> memref<96xi32, #tpu.memory_space<hbm>>
        tpu.wait_dma2 semaphore(%arg16 : memref<!tpu.dma_semaphore, #tpu.memory_space<semaphore_mem>>) src(%dma_wait3A_127 : memref<96xi32, #tpu.memory_space<hbm>>) dst(%arg9 : memref<96xi32, #tpu.memory_space<vmem>>)
        %dma_start3A_128 = arith.constant 0 : i32
        %dma_start3A_129 = arith.constant 0 : i32
        %dma_start3A_130 = tpu.memref_slice %arg14[%dma_start3A_128, %dma_start3A_129] : memref<10112x128xf32, #tpu.memory_space<vmem_shared>> -> memref<10112x128xf32, #tpu.memory_space<vmem_shared>>
        tpu.enqueue_indirect_dma source(%arg12 : memref<96x128xf32, #tpu.memory_space<vmem>>) target(%dma_start3A_130 : memref<10112x128xf32, #tpu.memory_space<vmem_shared>>) offsets(%arg9 : memref<96xi32, #tpu.memory_space<vmem>>) semaphore(%arg19 : memref<!tpu.dma_semaphore, #tpu.memory_space<semaphore_mem>>) {add = true}
      } else {
      }
      %add3A_97 = arith.constant 2 : i32
      %add3A_98 = arith.addi %add3A_92, %add3A_97 : i32
      %lt3A_99 = arith.cmpi slt, %add3A_98, %add3A_7 : i32
      %convert_element_type3A_100 = arith.extui %lt3A_99 : i1 to i32
      %cond3A_101 = arith.constant 0 : i32
      %cond3A_102 = arith.cmpi ne, %convert_element_type3A_100, %cond3A_101 : i32
      scf.if %cond3A_102 {
        %dma_wait3A_115 = arith.constant 0 : i32
        %dma_wait3A_116 = arith.constant 0 : i32
        %dma_wait3A_117 = tpu.memref_slice %arg14[%dma_wait3A_115, %dma_wait3A_116] : memref<10112x128xf32, #tpu.memory_space<vmem_shared>> -> memref<10112x128xf32, #tpu.memory_space<vmem_shared>>
        tpu.wait_indirect_dma semaphore(%arg18 : memref<!tpu.dma_semaphore, #tpu.memory_space<semaphore_mem>>) src(%arg11 : memref<96x128xf32, #tpu.memory_space<vmem>>) dst(%dma_wait3A_117 : memref<10112x128xf32, #tpu.memory_space<vmem_shared>>)
        %add3A_118 = arith.constant 2 : i32
        %add3A_119 = arith.addi %add3A_92, %add3A_118 : i32
        %add3A_120 = arith.addi %add3A_4, %add3A_119 : i32
        %dma_start3A_121 = arith.constant 0 : i32
        %dma_start3A_122 = tpu.memref_slice %arg4[%add3A_120, %dma_start3A_121] : memref<3366x96xi32, #tpu.memory_space<hbm>> -> memref<1x96xi32, #tpu.memory_space<hbm>>
        %dma_start3A_123 = tpu.memref_squeeze %dma_start3A_122 : memref<1x96xi32, #tpu.memory_space<hbm>> -> memref<96xi32, #tpu.memory_space<hbm>>
        %dma_start3A_124 = arith.constant 0 : i32
        %dma_start3A_125 = tpu.memref_slice %arg4[%add3A_120, %dma_start3A_124] : memref<3366x96xi32, #tpu.memory_space<hbm>> -> memref<1x96xi32, #tpu.memory_space<hbm>>
        %dma_start3A_126 = tpu.memref_squeeze %dma_start3A_125 : memref<1x96xi32, #tpu.memory_space<hbm>> -> memref<96xi32, #tpu.memory_space<hbm>>
        tpu.enqueue_dma source(%dma_start3A_126 : memref<96xi32, #tpu.memory_space<hbm>>) target(%arg8 : memref<96xi32, #tpu.memory_space<vmem>>) target_semaphore(%arg15 : memref<!tpu.dma_semaphore, #tpu.memory_space<semaphore_mem>>)
        %mul3A_127 = arith.constant 96 : i32
        %mul3A_128 = arith.muli %add3A_119, %mul3A_127 : i32
        %dma_start3A_129 = tpu.memref_slice %arg7[%mul3A_128] : memref<10080xi32, #tpu.memory_space<vmem>> -> memref<96xi32, #tpu.memory_space<vmem>>
        %dma_start3A_130 = arith.constant 0 : i32
        %dma_start3A_131 = arith.constant 0 : i32
        %dma_start3A_132 = tpu.memref_slice %arg2[%dma_start3A_130, %dma_start3A_131] : memref<10000x128xf32, #tpu.memory_space<hbm>> -> memref<10000x128xf32, #tpu.memory_space<hbm>>
        tpu.enqueue_indirect_dma source(%dma_start3A_132 : memref<10000x128xf32, #tpu.memory_space<hbm>>) target(%arg11 : memref<96x128xf32, #tpu.memory_space<vmem>>) offsets(%dma_start3A_129 : memref<96xi32, #tpu.memory_space<vmem>>) semaphore(%arg15 : memref<!tpu.dma_semaphore, #tpu.memory_space<semaphore_mem>>)
      } else {
      }
      %add3A_103 = arith.constant 2 : i32
      %add3A_104 = arith.addi %mul3A_79, %add3A_103 : i32
      %lt3A_105 = arith.cmpi slt, %add3A_104, %add3A_7 : i32
      %convert_element_type3A_106 = arith.extui %lt3A_105 : i1 to i32
      %cond3A_107 = arith.constant 0 : i32
      %cond3A_108 = arith.cmpi ne, %convert_element_type3A_106, %cond3A_107 : i32
      scf.if %cond3A_108 {
        %dma_wait3A_115 = arith.constant 0 : i32
        %dma_wait3A_116 = arith.constant 0 : i32
        %dma_wait3A_117 = tpu.memref_slice %arg2[%dma_wait3A_115, %dma_wait3A_116] : memref<10000x128xf32, #tpu.memory_space<hbm>> -> memref<96x128xf32, #tpu.memory_space<hbm>>
        %dma_wait3A_118 = arith.constant 0 : i32
        %dma_wait3A_119 = arith.constant 0 : i32
        %dma_wait3A_120 = tpu.memref_slice %arg2[%dma_wait3A_118, %dma_wait3A_119] : memref<10000x128xf32, #tpu.memory_space<hbm>> -> memref<96x128xf32, #tpu.memory_space<hbm>>
        tpu.wait_dma2 semaphore(%arg17 : memref<!tpu.dma_semaphore, #tpu.memory_space<semaphore_mem>>) src(%dma_wait3A_120 : memref<96x128xf32, #tpu.memory_space<hbm>>) dst(%arg13 : memref<96x128xf32, #tpu.memory_space<vmem>>)
        %dma_wait3A_121 = arith.constant 0 : i32
        %dma_wait3A_122 = arith.constant 0 : i32
        %dma_wait3A_123 = tpu.memref_slice %arg4[%dma_wait3A_121, %dma_wait3A_122] : memref<3366x96xi32, #tpu.memory_space<hbm>> -> memref<1x96xi32, #tpu.memory_space<hbm>>
        %dma_wait3A_124 = tpu.memref_squeeze %dma_wait3A_123 : memref<1x96xi32, #tpu.memory_space<hbm>> -> memref<96xi32, #tpu.memory_space<hbm>>
        %dma_wait3A_125 = arith.constant 0 : i32
        %dma_wait3A_126 = tpu.memref_slice %arg4[%dma_wait3A_121, %dma_wait3A_125] : memref<3366x96xi32, #tpu.memory_space<hbm>> -> memref<1x96xi32, #tpu.memory_space<hbm>>
        %dma_wait3A_127 = tpu.memref_squeeze %dma_wait3A_126 : memref<1x96xi32, #tpu.memory_space<hbm>> -> memref<96xi32, #tpu.memory_space<hbm>>
        tpu.wait_dma2 semaphore(%arg17 : memref<!tpu.dma_semaphore, #tpu.memory_space<semaphore_mem>>) src(%dma_wait3A_127 : memref<96xi32, #tpu.memory_space<hbm>>) dst(%arg10 : memref<96xi32, #tpu.memory_space<vmem>>)
        %dma_start3A_128 = arith.constant 0 : i32
        %dma_start3A_129 = arith.constant 0 : i32
        %dma_start3A_130 = tpu.memref_slice %arg14[%dma_start3A_128, %dma_start3A_129] : memref<10112x128xf32, #tpu.memory_space<vmem_shared>> -> memref<10112x128xf32, #tpu.memory_space<vmem_shared>>
        tpu.enqueue_indirect_dma source(%arg13 : memref<96x128xf32, #tpu.memory_space<vmem>>) target(%dma_start3A_130 : memref<10112x128xf32, #tpu.memory_space<vmem_shared>>) offsets(%arg10 : memref<96xi32, #tpu.memory_space<vmem>>) semaphore(%arg20 : memref<!tpu.dma_semaphore, #tpu.memory_space<semaphore_mem>>) {add = true}
      } else {
      }
      %add3A_109 = arith.constant 2 : i32
      %add3A_110 = arith.addi %add3A_104, %add3A_109 : i32
      %lt3A_111 = arith.cmpi slt, %add3A_110, %add3A_7 : i32
      %convert_element_type3A_112 = arith.extui %lt3A_111 : i1 to i32
      %cond3A_113 = arith.constant 0 : i32
      %cond3A_114 = arith.cmpi ne, %convert_element_type3A_112, %cond3A_113 : i32
      scf.if %cond3A_114 {
        %dma_wait3A_115 = arith.constant 0 : i32
        %dma_wait3A_116 = arith.constant 0 : i32
        %dma_wait3A_117 = tpu.memref_slice %arg14[%dma_wait3A_115, %dma_wait3A_116] : memref<10112x128xf32, #tpu.memory_space<vmem_shared>> -> memref<10112x128xf32, #tpu.memory_space<vmem_shared>>
        tpu.wait_indirect_dma semaphore(%arg19 : memref<!tpu.dma_semaphore, #tpu.memory_space<semaphore_mem>>) src(%arg12 : memref<96x128xf32, #tpu.memory_space<vmem>>) dst(%dma_wait3A_117 : memref<10112x128xf32, #tpu.memory_space<vmem_shared>>)
        %add3A_118 = arith.constant 2 : i32
        %add3A_119 = arith.addi %add3A_104, %add3A_118 : i32
        %add3A_120 = arith.addi %add3A_4, %add3A_119 : i32
        %dma_start3A_121 = arith.constant 0 : i32
        %dma_start3A_122 = tpu.memref_slice %arg4[%add3A_120, %dma_start3A_121] : memref<3366x96xi32, #tpu.memory_space<hbm>> -> memref<1x96xi32, #tpu.memory_space<hbm>>
        %dma_start3A_123 = tpu.memref_squeeze %dma_start3A_122 : memref<1x96xi32, #tpu.memory_space<hbm>> -> memref<96xi32, #tpu.memory_space<hbm>>
        %dma_start3A_124 = arith.constant 0 : i32
        %dma_start3A_125 = tpu.memref_slice %arg4[%add3A_120, %dma_start3A_124] : memref<3366x96xi32, #tpu.memory_space<hbm>> -> memref<1x96xi32, #tpu.memory_space<hbm>>
        %dma_start3A_126 = tpu.memref_squeeze %dma_start3A_125 : memref<1x96xi32, #tpu.memory_space<hbm>> -> memref<96xi32, #tpu.memory_space<hbm>>
        tpu.enqueue_dma source(%dma_start3A_126 : memref<96xi32, #tpu.memory_space<hbm>>) target(%arg9 : memref<96xi32, #tpu.memory_space<vmem>>) target_semaphore(%arg16 : memref<!tpu.dma_semaphore, #tpu.memory_space<semaphore_mem>>)
        %mul3A_127 = arith.constant 96 : i32
        %mul3A_128 = arith.muli %add3A_119, %mul3A_127 : i32
        %dma_start3A_129 = tpu.memref_slice %arg7[%mul3A_128] : memref<10080xi32, #tpu.memory_space<vmem>> -> memref<96xi32, #tpu.memory_space<vmem>>
        %dma_start3A_130 = arith.constant 0 : i32
        %dma_start3A_131 = arith.constant 0 : i32
        %dma_start3A_132 = tpu.memref_slice %arg2[%dma_start3A_130, %dma_start3A_131] : memref<10000x128xf32, #tpu.memory_space<hbm>> -> memref<10000x128xf32, #tpu.memory_space<hbm>>
        tpu.enqueue_indirect_dma source(%dma_start3A_132 : memref<10000x128xf32, #tpu.memory_space<hbm>>) target(%arg12 : memref<96x128xf32, #tpu.memory_space<vmem>>) offsets(%dma_start3A_129 : memref<96xi32, #tpu.memory_space<vmem>>) semaphore(%arg16 : memref<!tpu.dma_semaphore, #tpu.memory_space<semaphore_mem>>)
      } else {
      }
    }
    %scan3A_55 = arith.constant 35 : i32
    %dma_wait3A_56 = arith.constant 0 : i32
    %dma_wait3A_57 = arith.constant 0 : i32
    %dma_wait3A_58 = tpu.memref_slice %arg14[%dma_wait3A_56, %dma_wait3A_57] : memref<10112x128xf32, #tpu.memory_space<vmem_shared>> -> memref<10112x128xf32, #tpu.memory_space<vmem_shared>>
    tpu.wait_indirect_dma semaphore(%arg18 : memref<!tpu.dma_semaphore, #tpu.memory_space<semaphore_mem>>) src(%arg11 : memref<96x128xf32, #tpu.memory_space<vmem>>) dst(%dma_wait3A_58 : memref<10112x128xf32, #tpu.memory_space<vmem_shared>>)
    %dma_wait3A_59 = arith.constant 0 : i32
    %dma_wait3A_60 = arith.constant 0 : i32
    %dma_wait3A_61 = tpu.memref_slice %arg14[%dma_wait3A_59, %dma_wait3A_60] : memref<10112x128xf32, #tpu.memory_space<vmem_shared>> -> memref<10112x128xf32, #tpu.memory_space<vmem_shared>>
    tpu.wait_indirect_dma semaphore(%arg19 : memref<!tpu.dma_semaphore, #tpu.memory_space<semaphore_mem>>) src(%arg12 : memref<96x128xf32, #tpu.memory_space<vmem>>) dst(%dma_wait3A_61 : memref<10112x128xf32, #tpu.memory_space<vmem_shared>>)
    %dma_wait3A_62 = arith.constant 0 : i32
    %dma_wait3A_63 = arith.constant 0 : i32
    %dma_wait3A_64 = tpu.memref_slice %arg14[%dma_wait3A_62, %dma_wait3A_63] : memref<10112x128xf32, #tpu.memory_space<vmem_shared>> -> memref<10112x128xf32, #tpu.memory_space<vmem_shared>>
    tpu.wait_indirect_dma semaphore(%arg20 : memref<!tpu.dma_semaphore, #tpu.memory_space<semaphore_mem>>) src(%arg13 : memref<96x128xf32, #tpu.memory_space<vmem>>) dst(%dma_wait3A_64 : memref<10112x128xf32, #tpu.memory_space<vmem_shared>>)
    %barrier3A_65 = arith.constant 0 : index
    tpu.barrier barrier_id(%barrier3A_65)
    %scan3A_66 = arith.constant 0 : i32
    %scan3A_67 = arith.constant 0 : i32
    %scan3A_68 = arith.constant 6 : i32
    %scan3A_69 = arith.addi %scan3A_67, %scan3A_68 : i32
    %scan3A_70 = arith.constant 1 : i32
    scf.for %scan3A_77 = %scan3A_67 to %scan3A_69 step %scan3A_70  : i32 {
      %mul3A_78 = arith.constant 632 : i32
      %mul3A_79 = arith.muli %arg1, %mul3A_78 : i32
      %mul3A_80 = arith.constant 96 : i32
      %mul3A_81 = arith.muli %scan3A_77, %mul3A_80 : i32
      %add3A_82 = arith.addi %mul3A_79, %mul3A_81 : i32
      %multiple_of3A_83 = tpu.assume_multiple %add3A_82, 8 : i32
      "tpu.region"() ({
        %run_scoped3A = tpu.sem_alloc : memref<!tpu.dma_semaphore, #tpu.memory_space<semaphore_mem>>
        %dma_start3A_84 = arith.constant 0 : i32
        %dma_start3A_85 = tpu.memref_slice %arg14[%multiple_of3A_83, %dma_start3A_84] : memref<10112x128xf32, #tpu.memory_space<vmem_shared>> -> memref<96x128xf32, #tpu.memory_space<vmem_shared>>
        %dma_start3A_86 = arith.constant 0 : i32
        %dma_start3A_87 = tpu.memref_slice %arg14[%multiple_of3A_83, %dma_start3A_86] : memref<10112x128xf32, #tpu.memory_space<vmem_shared>> -> memref<96x128xf32, #tpu.memory_space<vmem_shared>>
        tpu.enqueue_dma source(%dma_start3A_87 : memref<96x128xf32, #tpu.memory_space<vmem_shared>>) target(%arg11 : memref<96x128xf32, #tpu.memory_space<vmem>>) target_semaphore(%run_scoped3A : memref<!tpu.dma_semaphore, #tpu.memory_space<semaphore_mem>>)
        %dma_wait3A_88 = arith.constant 0 : i32
        %dma_wait3A_89 = tpu.memref_slice %arg14[%multiple_of3A_83, %dma_wait3A_88] : memref<10112x128xf32, #tpu.memory_space<vmem_shared>> -> memref<96x128xf32, #tpu.memory_space<vmem_shared>>
        %dma_wait3A_90 = arith.constant 0 : i32
        %dma_wait3A_91 = tpu.memref_slice %arg14[%multiple_of3A_83, %dma_wait3A_90] : memref<10112x128xf32, #tpu.memory_space<vmem_shared>> -> memref<96x128xf32, #tpu.memory_space<vmem_shared>>
        tpu.wait_dma2 semaphore(%run_scoped3A : memref<!tpu.dma_semaphore, #tpu.memory_space<semaphore_mem>>) src(%dma_wait3A_91 : memref<96x128xf32, #tpu.memory_space<vmem_shared>>) dst(%arg11 : memref<96x128xf32, #tpu.memory_space<vmem>>)
        tpu.yield
      }) : () -> ()
      "tpu.region"() ({
        %run_scoped3A = tpu.sem_alloc : memref<!tpu.dma_semaphore, #tpu.memory_space<semaphore_mem>>
        %dma_start3A_84 = arith.constant 0 : i32
        %dma_start3A_85 = tpu.memref_slice %arg6[%arg0, %multiple_of3A_83, %dma_start3A_84] : memref<2x10112x128xf32, #tpu.memory_space<hbm>> -> memref<1x96x128xf32, #tpu.memory_space<hbm>>
        %dma_start3A_86 = tpu.memref_squeeze %dma_start3A_85 : memref<1x96x128xf32, #tpu.memory_space<hbm>> -> memref<96x128xf32, #tpu.memory_space<hbm>>
        %dma_start3A_87 = arith.constant 0 : i32
        %dma_start3A_88 = tpu.memref_slice %arg6[%arg0, %multiple_of3A_83, %dma_start3A_87] : memref<2x10112x128xf32, #tpu.memory_space<hbm>> -> memref<1x96x128xf32, #tpu.memory_space<hbm>>
        %dma_start3A_89 = tpu.memref_squeeze %dma_start3A_88 : memref<1x96x128xf32, #tpu.memory_space<hbm>> -> memref<96x128xf32, #tpu.memory_space<hbm>>
        tpu.enqueue_dma source(%arg11 : memref<96x128xf32, #tpu.memory_space<vmem>>) target(%dma_start3A_89 : memref<96x128xf32, #tpu.memory_space<hbm>>) target_semaphore(%run_scoped3A : memref<!tpu.dma_semaphore, #tpu.memory_space<semaphore_mem>>)
        %dma_wait3A_90 = arith.constant 0 : i32
        %dma_wait3A_91 = tpu.memref_slice %arg6[%arg0, %multiple_of3A_83, %dma_wait3A_90] : memref<2x10112x128xf32, #tpu.memory_space<hbm>> -> memref<1x96x128xf32, #tpu.memory_space<hbm>>
        %dma_wait3A_92 = tpu.memref_squeeze %dma_wait3A_91 : memref<1x96x128xf32, #tpu.memory_space<hbm>> -> memref<96x128xf32, #tpu.memory_space<hbm>>
        %dma_wait3A_93 = arith.constant 0 : i32
        %dma_wait3A_94 = tpu.memref_slice %arg6[%arg0, %multiple_of3A_83, %dma_wait3A_93] : memref<2x10112x128xf32, #tpu.memory_space<hbm>> -> memref<1x96x128xf32, #tpu.memory_space<hbm>>
        %dma_wait3A_95 = tpu.memref_squeeze %dma_wait3A_94 : memref<1x96x128xf32, #tpu.memory_space<hbm>> -> memref<96x128xf32, #tpu.memory_space<hbm>>
        tpu.wait_dma2 semaphore(%run_scoped3A : memref<!tpu.dma_semaphore, #tpu.memory_space<semaphore_mem>>) src(%arg11 : memref<96x128xf32, #tpu.memory_space<vmem>>) dst(%dma_wait3A_95 : memref<96x128xf32, #tpu.memory_space<hbm>>)
        tpu.yield
      }) : () -> ()
    }
    %scan3A_71 = arith.constant 6 : i32
    %mul3A_72 = arith.constant 632 : i32
    %mul3A_73 = arith.muli %arg1, %mul3A_72 : i32
    %add3A_74 = arith.constant 576 : i32
    %add3A_75 = arith.addi %mul3A_73, %add3A_74 : i32
    %multiple_of3A_76 = tpu.assume_multiple %add3A_75, 8 : i32
    "tpu.region"() ({
      %run_scoped3A = tpu.sem_alloc : memref<!tpu.dma_semaphore, #tpu.memory_space<semaphore_mem>>
      %dma_start3A_77 = arith.constant 0 : i32
      %dma_start3A_78 = arith.constant 0 : i32
      %dma_start3A_79 = tpu.memref_slice %arg11[%dma_start3A_77, %dma_start3A_78] : memref<96x128xf32, #tpu.memory_space<vmem>> -> memref<56x128xf32, #tpu.memory_space<vmem>>
      %dma_start3A_80 = arith.constant 0 : i32
      %dma_start3A_81 = tpu.memref_slice %arg14[%multiple_of3A_76, %dma_start3A_80] : memref<10112x128xf32, #tpu.memory_space<vmem_shared>> -> memref<56x128xf32, #tpu.memory_space<vmem_shared>>
      %dma_start3A_82 = arith.constant 0 : i32
      %dma_start3A_83 = arith.constant 0 : i32
      %dma_start3A_84 = tpu.memref_slice %arg11[%dma_start3A_82, %dma_start3A_83] : memref<96x128xf32, #tpu.memory_space<vmem>> -> memref<56x128xf32, #tpu.memory_space<vmem>>
      %dma_start3A_85 = arith.constant 0 : i32
      %dma_start3A_86 = tpu.memref_slice %arg14[%multiple_of3A_76, %dma_start3A_85] : memref<10112x128xf32, #tpu.memory_space<vmem_shared>> -> memref<56x128xf32, #tpu.memory_space<vmem_shared>>
      tpu.enqueue_dma source(%dma_start3A_86 : memref<56x128xf32, #tpu.memory_space<vmem_shared>>) target(%dma_start3A_84 : memref<56x128xf32, #tpu.memory_space<vmem>>) target_semaphore(%run_scoped3A : memref<!tpu.dma_semaphore, #tpu.memory_space<semaphore_mem>>)
      %dma_wait3A_87 = arith.constant 0 : i32
      %dma_wait3A_88 = arith.constant 0 : i32
      %dma_wait3A_89 = tpu.memref_slice %arg11[%dma_wait3A_87, %dma_wait3A_88] : memref<96x128xf32, #tpu.memory_space<vmem>> -> memref<56x128xf32, #tpu.memory_space<vmem>>
      %dma_wait3A_90 = arith.constant 0 : i32
      %dma_wait3A_91 = tpu.memref_slice %arg14[%multiple_of3A_76, %dma_wait3A_90] : memref<10112x128xf32, #tpu.memory_space<vmem_shared>> -> memref<56x128xf32, #tpu.memory_space<vmem_shared>>
      %dma_wait3A_92 = arith.constant 0 : i32
      %dma_wait3A_93 = arith.constant 0 : i32
      %dma_wait3A_94 = tpu.memref_slice %arg11[%dma_wait3A_92, %dma_wait3A_93] : memref<96x128xf32, #tpu.memory_space<vmem>> -> memref<56x128xf32, #tpu.memory_space<vmem>>
      %dma_wait3A_95 = arith.constant 0 : i32
      %dma_wait3A_96 = tpu.memref_slice %arg14[%multiple_of3A_76, %dma_wait3A_95] : memref<10112x128xf32, #tpu.memory_space<vmem_shared>> -> memref<56x128xf32, #tpu.memory_space<vmem_shared>>
      tpu.wait_dma2 semaphore(%run_scoped3A : memref<!tpu.dma_semaphore, #tpu.memory_space<semaphore_mem>>) src(%dma_wait3A_96 : memref<56x128xf32, #tpu.memory_space<vmem_shared>>) dst(%dma_wait3A_94 : memref<56x128xf32, #tpu.memory_space<vmem>>)
      tpu.yield
    }) : () -> ()
    "tpu.region"() ({
      %run_scoped3A = tpu.sem_alloc : memref<!tpu.dma_semaphore, #tpu.memory_space<semaphore_mem>>
      %dma_start3A_77 = arith.constant 0 : i32
      %dma_start3A_78 = arith.constant 0 : i32
      %dma_start3A_79 = tpu.memref_slice %arg11[%dma_start3A_77, %dma_start3A_78] : memref<96x128xf32, #tpu.memory_space<vmem>> -> memref<56x128xf32, #tpu.memory_space<vmem>>
      %dma_start3A_80 = arith.constant 0 : i32
      %dma_start3A_81 = tpu.memref_slice %arg6[%arg0, %multiple_of3A_76, %dma_start3A_80] : memref<2x10112x128xf32, #tpu.memory_space<hbm>> -> memref<1x56x128xf32, #tpu.memory_space<hbm>>
      %dma_start3A_82 = tpu.memref_squeeze %dma_start3A_81 : memref<1x56x128xf32, #tpu.memory_space<hbm>> -> memref<56x128xf32, #tpu.memory_space<hbm>>
      %dma_start3A_83 = arith.constant 0 : i32
      %dma_start3A_84 = tpu.memref_slice %arg6[%arg0, %multiple_of3A_76, %dma_start3A_83] : memref<2x10112x128xf32, #tpu.memory_space<hbm>> -> memref<1x56x128xf32, #tpu.memory_space<hbm>>
      %dma_start3A_85 = tpu.memref_squeeze %dma_start3A_84 : memref<1x56x128xf32, #tpu.memory_space<hbm>> -> memref<56x128xf32, #tpu.memory_space<hbm>>
      %dma_start3A_86 = arith.constant 0 : i32
      %dma_start3A_87 = arith.constant 0 : i32
      %dma_start3A_88 = tpu.memref_slice %arg11[%dma_start3A_86, %dma_start3A_87] : memref<96x128xf32, #tpu.memory_space<vmem>> -> memref<56x128xf32, #tpu.memory_space<vmem>>
      tpu.enqueue_dma source(%dma_start3A_88 : memref<56x128xf32, #tpu.memory_space<vmem>>) target(%dma_start3A_85 : memref<56x128xf32, #tpu.memory_space<hbm>>) target_semaphore(%run_scoped3A : memref<!tpu.dma_semaphore, #tpu.memory_space<semaphore_mem>>)
      %dma_wait3A_89 = arith.constant 0 : i32
      %dma_wait3A_90 = arith.constant 0 : i32
      %dma_wait3A_91 = tpu.memref_slice %arg11[%dma_wait3A_89, %dma_wait3A_90] : memref<96x128xf32, #tpu.memory_space<vmem>> -> memref<56x128xf32, #tpu.memory_space<vmem>>
      %dma_wait3A_92 = arith.constant 0 : i32
      %dma_wait3A_93 = tpu.memref_slice %arg6[%arg0, %multiple_of3A_76, %dma_wait3A_92] : memref<2x10112x128xf32, #tpu.memory_space<hbm>> -> memref<1x56x128xf32, #tpu.memory_space<hbm>>
      %dma_wait3A_94 = tpu.memref_squeeze %dma_wait3A_93 : memref<1x56x128xf32, #tpu.memory_space<hbm>> -> memref<56x128xf32, #tpu.memory_space<hbm>>
      %dma_wait3A_95 = arith.constant 0 : i32
      %dma_wait3A_96 = tpu.memref_slice %arg6[%arg0, %multiple_of3A_76, %dma_wait3A_95] : memref<2x10112x128xf32, #tpu.memory_space<hbm>> -> memref<1x56x128xf32, #tpu.memory_space<hbm>>
      %dma_wait3A_97 = tpu.memref_squeeze %dma_wait3A_96 : memref<1x56x128xf32, #tpu.memory_space<hbm>> -> memref<56x128xf32, #tpu.memory_space<hbm>>
      %dma_wait3A_98 = arith.constant 0 : i32
      %dma_wait3A_99 = arith.constant 0 : i32
      %dma_wait3A_100 = tpu.memref_slice %arg11[%dma_wait3A_98, %dma_wait3A_99] : memref<96x128xf32, #tpu.memory_space<vmem>> -> memref<56x128xf32, #tpu.memory_space<vmem>>
      tpu.wait_dma2 semaphore(%run_scoped3A : memref<!tpu.dma_semaphore, #tpu.memory_space<semaphore_mem>>) src(%dma_wait3A_100 : memref<56x128xf32, #tpu.memory_space<vmem>>) dst(%dma_wait3A_97 : memref<56x128xf32, #tpu.memory_space<hbm>>)
      tpu.yield
    }) : () -> ()
    return
  }
}

#map = affine_map<(d0, d1) -> (0, 0)>
#map1 = affine_map<(d0, d1) -> (0)>
#map2 = affine_map<(d0, d1) -> (0, 0, 0)>
module attributes {stable_mosaic.version = 14 : i64} {
  func.func @prop_kernel(%arg0: i32, %arg1: i32, %arg2: memref<10000x128xf32, #tpu.memory_space<hbm>>, %arg3: memref<323136xi32, #tpu.memory_space<hbm>>, %arg4: memref<3366x96xi32, #tpu.memory_space<hbm>>, %arg5: memref<96x128xf32, #tpu.memory_space<hbm>>, %arg6: memref<2x10112x128xf32, #tpu.memory_space<hbm>>, %arg7: memref<10080xi32, #tpu.memory_space<vmem>>, %arg8: memref<96xi32, #tpu.memory_space<vmem>>, %arg9: memref<96xi32, #tpu.memory_space<vmem>>, %arg10: memref<96xi32, #tpu.memory_space<vmem>>, %arg11: memref<96x128xf32, #tpu.memory_space<vmem>>, %arg12: memref<96x128xf32, #tpu.memory_space<vmem>>, %arg13: memref<96x128xf32, #tpu.memory_space<vmem>>, %arg14: memref<10112x128xf32, #tpu.memory_space<vmem_shared>>, %arg15: memref<!tpu.dma_semaphore, #tpu.memory_space<semaphore_mem>>, %arg16: memref<!tpu.dma_semaphore, #tpu.memory_space<semaphore_mem>>, %arg17: memref<!tpu.dma_semaphore, #tpu.memory_space<semaphore_mem>>, %arg18: memref<!tpu.dma_semaphore, #tpu.memory_space<semaphore_mem>>, %arg19: memref<!tpu.dma_semaphore, #tpu.memory_space<semaphore_mem>>, %arg20: memref<!tpu.dma_semaphore, #tpu.memory_space<semaphore_mem>>) attributes {dimension_semantics = [#tpu.dimension_semantics<core_parallel>, #tpu.dimension_semantics<subcore_parallel>], iteration_bounds = array<i64: 2, 16>, scalar_prefetch = 0 : i64, scratch_operands = 14 : i64, tpu.core_type = #tpu.core_type<sc_vector_subcore>, window_params = [{transform_indices = #map}, {transform_indices = #map1}, {transform_indices = #map}, {transform_indices = #map}, {transform_indices = #map2}]} {
    %mul3A = arith.constant 2 : i32
    %mul3A_0 = arith.muli %arg1, %mul3A : i32
    %add3A = arith.addi %mul3A_0, %arg0 : i32
    %mul3A_1 = arith.constant 104 : i32
    %mul3A_2 = arith.muli %mul3A_1, %add3A : i32
    %min3A = arith.constant 6 : i32
    %min3A_3 = arith.minsi %add3A, %min3A : i32
    %add3A_4 = arith.addi %mul3A_2, %min3A_3 : i32
    %lt3A = arith.constant 6 : i32
    %lt3A_5 = arith.cmpi slt, %add3A, %lt3A : i32
    %convert_element_type3A = arith.extui %lt3A_5 : i1 to i32
    %add3A_6 = arith.constant 104 : i32
    %add3A_7 = arith.addi %add3A_6, %convert_element_type3A : i32
    %mul3A_8 = arith.constant 96 : i32
    %mul3A_9 = arith.muli %add3A_4, %mul3A_8 : i32
    %multiple_of3A = tpu.assume_multiple %mul3A_9, 8 : i32
    %dma_start3A = tpu.memref_slice %arg3[%multiple_of3A] : memref<323136xi32, #tpu.memory_space<hbm>> -> memref<10080xi32, #tpu.memory_space<hbm>>
    %dma_start3A_10 = tpu.memref_slice %arg3[%multiple_of3A] : memref<323136xi32, #tpu.memory_space<hbm>> -> memref<10080xi32, #tpu.memory_space<hbm>>
    tpu.enqueue_dma source(%dma_start3A_10 : memref<10080xi32, #tpu.memory_space<hbm>>) target(%arg7 : memref<10080xi32, #tpu.memory_space<vmem>>) target_semaphore(%arg15 : memref<!tpu.dma_semaphore, #tpu.memory_space<semaphore_mem>>)
    "tpu.region"() ({
      %run_scoped3A = tpu.sem_alloc : memref<!tpu.dma_semaphore, #tpu.memory_space<semaphore_mem>>
      tpu.enqueue_dma source(%arg5 : memref<96x128xf32, #tpu.memory_space<hbm>>) target(%arg12 : memref<96x128xf32, #tpu.memory_space<vmem>>) target_semaphore(%run_scoped3A : memref<!tpu.dma_semaphore, #tpu.memory_space<semaphore_mem>>)
      tpu.wait_dma2 semaphore(%run_scoped3A : memref<!tpu.dma_semaphore, #tpu.memory_space<semaphore_mem>>) src(%arg5 : memref<96x128xf32, #tpu.memory_space<hbm>>) dst(%arg12 : memref<96x128xf32, #tpu.memory_space<vmem>>)
      tpu.yield
    }) : () -> ()
    %scan3A = arith.constant 0 : i32
    %scan3A_11 = arith.constant 0 : i32
    %scan3A_12 = arith.constant 6 : i32
    %scan3A_13 = arith.addi %scan3A_11, %scan3A_12 : i32
    %scan3A_14 = arith.constant 1 : i32
    scf.for %scan3A_77 = %scan3A_11 to %scan3A_13 step %scan3A_14  : i32 {
      %mul3A_78 = arith.constant 632 : i32
      %mul3A_79 = arith.muli %arg1, %mul3A_78 : i32
      %mul3A_80 = arith.constant 96 : i32
      %mul3A_81 = arith.muli %scan3A_77, %mul3A_80 : i32
      %add3A_82 = arith.addi %mul3A_79, %mul3A_81 : i32
      %multiple_of3A_83 = tpu.assume_multiple %add3A_82, 8 : i32
      "tpu.region"() ({
        %run_scoped3A = tpu.sem_alloc : memref<!tpu.dma_semaphore, #tpu.memory_space<semaphore_mem>>
        %dma_start3A_84 = arith.constant 0 : i32
        %dma_start3A_85 = tpu.memref_slice %arg14[%multiple_of3A_83, %dma_start3A_84] : memref<10112x128xf32, #tpu.memory_space<vmem_shared>> -> memref<96x128xf32, #tpu.memory_space<vmem_shared>>
        %dma_start3A_86 = arith.constant 0 : i32
        %dma_start3A_87 = tpu.memref_slice %arg14[%multiple_of3A_83, %dma_start3A_86] : memref<10112x128xf32, #tpu.memory_space<vmem_shared>> -> memref<96x128xf32, #tpu.memory_space<vmem_shared>>
        tpu.enqueue_dma source(%arg12 : memref<96x128xf32, #tpu.memory_space<vmem>>) target(%dma_start3A_87 : memref<96x128xf32, #tpu.memory_space<vmem_shared>>) target_semaphore(%run_scoped3A : memref<!tpu.dma_semaphore, #tpu.memory_space<semaphore_mem>>)
        %dma_wait3A_88 = arith.constant 0 : i32
        %dma_wait3A_89 = tpu.memref_slice %arg14[%multiple_of3A_83, %dma_wait3A_88] : memref<10112x128xf32, #tpu.memory_space<vmem_shared>> -> memref<96x128xf32, #tpu.memory_space<vmem_shared>>
        %dma_wait3A_90 = arith.constant 0 : i32
        %dma_wait3A_91 = tpu.memref_slice %arg14[%multiple_of3A_83, %dma_wait3A_90] : memref<10112x128xf32, #tpu.memory_space<vmem_shared>> -> memref<96x128xf32, #tpu.memory_space<vmem_shared>>
        tpu.wait_dma2 semaphore(%run_scoped3A : memref<!tpu.dma_semaphore, #tpu.memory_space<semaphore_mem>>) src(%arg12 : memref<96x128xf32, #tpu.memory_space<vmem>>) dst(%dma_wait3A_91 : memref<96x128xf32, #tpu.memory_space<vmem_shared>>)
        tpu.yield
      }) : () -> ()
    }
    %scan3A_15 = arith.constant 6 : i32
    %mul3A_16 = arith.constant 632 : i32
    %mul3A_17 = arith.muli %arg1, %mul3A_16 : i32
    %add3A_18 = arith.constant 576 : i32
    %add3A_19 = arith.addi %mul3A_17, %add3A_18 : i32
    %multiple_of3A_20 = tpu.assume_multiple %add3A_19, 8 : i32
    "tpu.region"() ({
      %run_scoped3A = tpu.sem_alloc : memref<!tpu.dma_semaphore, #tpu.memory_space<semaphore_mem>>
      %dma_start3A_77 = arith.constant 0 : i32
      %dma_start3A_78 = arith.constant 0 : i32
      %dma_start3A_79 = tpu.memref_slice %arg12[%dma_start3A_77, %dma_start3A_78] : memref<96x128xf32, #tpu.memory_space<vmem>> -> memref<56x128xf32, #tpu.memory_space<vmem>>
      %dma_start3A_80 = arith.constant 0 : i32
      %dma_start3A_81 = tpu.memref_slice %arg14[%multiple_of3A_20, %dma_start3A_80] : memref<10112x128xf32, #tpu.memory_space<vmem_shared>> -> memref<56x128xf32, #tpu.memory_space<vmem_shared>>
      %dma_start3A_82 = arith.constant 0 : i32
      %dma_start3A_83 = tpu.memref_slice %arg14[%multiple_of3A_20, %dma_start3A_82] : memref<10112x128xf32, #tpu.memory_space<vmem_shared>> -> memref<56x128xf32, #tpu.memory_space<vmem_shared>>
      %dma_start3A_84 = arith.constant 0 : i32
      %dma_start3A_85 = arith.constant 0 : i32
      %dma_start3A_86 = tpu.memref_slice %arg12[%dma_start3A_84, %dma_start3A_85] : memref<96x128xf32, #tpu.memory_space<vmem>> -> memref<56x128xf32, #tpu.memory_space<vmem>>
      tpu.enqueue_dma source(%dma_start3A_86 : memref<56x128xf32, #tpu.memory_space<vmem>>) target(%dma_start3A_83 : memref<56x128xf32, #tpu.memory_space<vmem_shared>>) target_semaphore(%run_scoped3A : memref<!tpu.dma_semaphore, #tpu.memory_space<semaphore_mem>>)
      %dma_wait3A_87 = arith.constant 0 : i32
      %dma_wait3A_88 = arith.constant 0 : i32
      %dma_wait3A_89 = tpu.memref_slice %arg12[%dma_wait3A_87, %dma_wait3A_88] : memref<96x128xf32, #tpu.memory_space<vmem>> -> memref<56x128xf32, #tpu.memory_space<vmem>>
      %dma_wait3A_90 = arith.constant 0 : i32
      %dma_wait3A_91 = tpu.memref_slice %arg14[%multiple_of3A_20, %dma_wait3A_90] : memref<10112x128xf32, #tpu.memory_space<vmem_shared>> -> memref<56x128xf32, #tpu.memory_space<vmem_shared>>
      %dma_wait3A_92 = arith.constant 0 : i32
      %dma_wait3A_93 = tpu.memref_slice %arg14[%multiple_of3A_20, %dma_wait3A_92] : memref<10112x128xf32, #tpu.memory_space<vmem_shared>> -> memref<56x128xf32, #tpu.memory_space<vmem_shared>>
      %dma_wait3A_94 = arith.constant 0 : i32
      %dma_wait3A_95 = arith.constant 0 : i32
      %dma_wait3A_96 = tpu.memref_slice %arg12[%dma_wait3A_94, %dma_wait3A_95] : memref<96x128xf32, #tpu.memory_space<vmem>> -> memref<56x128xf32, #tpu.memory_space<vmem>>
      tpu.wait_dma2 semaphore(%run_scoped3A : memref<!tpu.dma_semaphore, #tpu.memory_space<semaphore_mem>>) src(%dma_wait3A_96 : memref<56x128xf32, #tpu.memory_space<vmem>>) dst(%dma_wait3A_93 : memref<56x128xf32, #tpu.memory_space<vmem_shared>>)
      tpu.yield
    }) : () -> ()
    %dma_wait3A = arith.constant 0 : i32
    %dma_wait3A_21 = tpu.memref_slice %arg3[%dma_wait3A] : memref<323136xi32, #tpu.memory_space<hbm>> -> memref<10080xi32, #tpu.memory_space<hbm>>
    %dma_wait3A_22 = arith.constant 0 : i32
    %dma_wait3A_23 = tpu.memref_slice %arg3[%dma_wait3A_22] : memref<323136xi32, #tpu.memory_space<hbm>> -> memref<10080xi32, #tpu.memory_space<hbm>>
    tpu.wait_dma2 semaphore(%arg15 : memref<!tpu.dma_semaphore, #tpu.memory_space<semaphore_mem>>) src(%dma_wait3A_23 : memref<10080xi32, #tpu.memory_space<hbm>>) dst(%arg7 : memref<10080xi32, #tpu.memory_space<vmem>>)
    %barrier3A = arith.constant 0 : index
    tpu.barrier barrier_id(%barrier3A)
    %add3A_24 = arith.constant 0 : i32
    %add3A_25 = arith.addi %add3A_4, %add3A_24 : i32
    %dma_start3A_26 = arith.constant 0 : i32
    %dma_start3A_27 = tpu.memref_slice %arg4[%add3A_25, %dma_start3A_26] : memref<3366x96xi32, #tpu.memory_space<hbm>> -> memref<1x96xi32, #tpu.memory_space<hbm>>
    %dma_start3A_28 = tpu.memref_squeeze %dma_start3A_27 : memref<1x96xi32, #tpu.memory_space<hbm>> -> memref<96xi32, #tpu.memory_space<hbm>>
    %dma_start3A_29 = arith.constant 0 : i32
    %dma_start3A_30 = tpu.memref_slice %arg4[%add3A_25, %dma_start3A_29] : memref<3366x96xi32, #tpu.memory_space<hbm>> -> memref<1x96xi32, #tpu.memory_space<hbm>>
    %dma_start3A_31 = tpu.memref_squeeze %dma_start3A_30 : memref<1x96xi32, #tpu.memory_space<hbm>> -> memref<96xi32, #tpu.memory_space<hbm>>
    tpu.enqueue_dma source(%dma_start3A_31 : memref<96xi32, #tpu.memory_space<hbm>>) target(%arg8 : memref<96xi32, #tpu.memory_space<vmem>>) target_semaphore(%arg15 : memref<!tpu.dma_semaphore, #tpu.memory_space<semaphore_mem>>)
    %dma_start3A_32 = arith.constant 0 : i32
    %dma_start3A_33 = tpu.memref_slice %arg7[%dma_start3A_32] : memref<10080xi32, #tpu.memory_space<vmem>> -> memref<96xi32, #tpu.memory_space<vmem>>
    %dma_start3A_34 = arith.constant 0 : i32
    %dma_start3A_35 = arith.constant 0 : i32
    %dma_start3A_36 = tpu.memref_slice %arg2[%dma_start3A_34, %dma_start3A_35] : memref<10000x128xf32, #tpu.memory_space<hbm>> -> memref<10000x128xf32, #tpu.memory_space<hbm>>
    tpu.enqueue_indirect_dma source(%dma_start3A_36 : memref<10000x128xf32, #tpu.memory_space<hbm>>) target(%arg11 : memref<96x128xf32, #tpu.memory_space<vmem>>) offsets(%dma_start3A_33 : memref<96xi32, #tpu.memory_space<vmem>>) semaphore(%arg15 : memref<!tpu.dma_semaphore, #tpu.memory_space<semaphore_mem>>)
    %add3A_37 = arith.constant 1 : i32
    %add3A_38 = arith.addi %add3A_4, %add3A_37 : i32
    %dma_start3A_39 = arith.constant 0 : i32
    %dma_start3A_40 = tpu.memref_slice %arg4[%add3A_38, %dma_start3A_39] : memref<3366x96xi32, #tpu.memory_space<hbm>> -> memref<1x96xi32, #tpu.memory_space<hbm>>
    %dma_start3A_41 = tpu.memref_squeeze %dma_start3A_40 : memref<1x96xi32, #tpu.memory_space<hbm>> -> memref<96xi32, #tpu.memory_space<hbm>>
    %dma_start3A_42 = arith.constant 0 : i32
    %dma_start3A_43 = tpu.memref_slice %arg4[%add3A_38, %dma_start3A_42] : memref<3366x96xi32, #tpu.memory_space<hbm>> -> memref<1x96xi32, #tpu.memory_space<hbm>>
    %dma_start3A_44 = tpu.memref_squeeze %dma_start3A_43 : memref<1x96xi32, #tpu.memory_space<hbm>> -> memref<96xi32, #tpu.memory_space<hbm>>
    tpu.enqueue_dma source(%dma_start3A_44 : memref<96xi32, #tpu.memory_space<hbm>>) target(%arg9 : memref<96xi32, #tpu.memory_space<vmem>>) target_semaphore(%arg16 : memref<!tpu.dma_semaphore, #tpu.memory_space<semaphore_mem>>)
    %dma_start3A_45 = arith.constant 96 : i32
    %dma_start3A_46 = tpu.memref_slice %arg7[%dma_start3A_45] : memref<10080xi32, #tpu.memory_space<vmem>> -> memref<96xi32, #tpu.memory_space<vmem>>
    %dma_start3A_47 = arith.constant 0 : i32
    %dma_start3A_48 = arith.constant 0 : i32
    %dma_start3A_49 = tpu.memref_slice %arg2[%dma_start3A_47, %dma_start3A_48] : memref<10000x128xf32, #tpu.memory_space<hbm>> -> memref<10000x128xf32, #tpu.memory_space<hbm>>
    tpu.enqueue_indirect_dma source(%dma_start3A_49 : memref<10000x128xf32, #tpu.memory_space<hbm>>) target(%arg12 : memref<96x128xf32, #tpu.memory_space<vmem>>) offsets(%dma_start3A_46 : memref<96xi32, #tpu.memory_space<vmem>>) semaphore(%arg16 : memref<!tpu.dma_semaphore, #tpu.memory_space<semaphore_mem>>)
    %scan3A_50 = arith.constant 0 : i32
    %scan3A_51 = arith.constant 0 : i32
    %scan3A_52 = arith.constant 35 : i32
    %scan3A_53 = arith.addi %scan3A_51, %scan3A_52 : i32
    %scan3A_54 = arith.constant 1 : i32
    scf.for %scan3A_77 = %scan3A_51 to %scan3A_53 step %scan3A_54  : i32 {
      %mul3A_78 = arith.constant 3 : i32
      %mul3A_79 = arith.muli %mul3A_78, %scan3A_77 : i32
      %add3A_80 = arith.constant 0 : i32
      %add3A_81 = arith.addi %mul3A_79, %add3A_80 : i32
      %lt3A_82 = arith.cmpi slt, %add3A_81, %add3A_7 : i32
      %convert_element_type3A_83 = arith.extui %lt3A_82 : i1 to i32
      %cond3A = arith.constant 0 : i32
      %cond3A_84 = arith.cmpi ne, %convert_element_type3A_83, %cond3A : i32
      scf.if %cond3A_84 {
        %dma_wait3A_115 = arith.constant 0 : i32
        %dma_wait3A_116 = arith.constant 0 : i32
        %dma_wait3A_117 = tpu.memref_slice %arg2[%dma_wait3A_115, %dma_wait3A_116] : memref<10000x128xf32, #tpu.memory_space<hbm>> -> memref<96x128xf32, #tpu.memory_space<hbm>>
        %dma_wait3A_118 = arith.constant 0 : i32
        %dma_wait3A_119 = arith.constant 0 : i32
        %dma_wait3A_120 = tpu.memref_slice %arg2[%dma_wait3A_118, %dma_wait3A_119] : memref<10000x128xf32, #tpu.memory_space<hbm>> -> memref<96x128xf32, #tpu.memory_space<hbm>>
        tpu.wait_dma2 semaphore(%arg15 : memref<!tpu.dma_semaphore, #tpu.memory_space<semaphore_mem>>) src(%dma_wait3A_120 : memref<96x128xf32, #tpu.memory_space<hbm>>) dst(%arg11 : memref<96x128xf32, #tpu.memory_space<vmem>>)
        %dma_wait3A_121 = arith.constant 0 : i32
        %dma_wait3A_122 = arith.constant 0 : i32
        %dma_wait3A_123 = tpu.memref_slice %arg4[%dma_wait3A_121, %dma_wait3A_122] : memref<3366x96xi32, #tpu.memory_space<hbm>> -> memref<1x96xi32, #tpu.memory_space<hbm>>
        %dma_wait3A_124 = tpu.memref_squeeze %dma_wait3A_123 : memref<1x96xi32, #tpu.memory_space<hbm>> -> memref<96xi32, #tpu.memory_space<hbm>>
        %dma_wait3A_125 = arith.constant 0 : i32
        %dma_wait3A_126 = tpu.memref_slice %arg4[%dma_wait3A_121, %dma_wait3A_125] : memref<3366x96xi32, #tpu.memory_space<hbm>> -> memref<1x96xi32, #tpu.memory_space<hbm>>
        %dma_wait3A_127 = tpu.memref_squeeze %dma_wait3A_126 : memref<1x96xi32, #tpu.memory_space<hbm>> -> memref<96xi32, #tpu.memory_space<hbm>>
        tpu.wait_dma2 semaphore(%arg15 : memref<!tpu.dma_semaphore, #tpu.memory_space<semaphore_mem>>) src(%dma_wait3A_127 : memref<96xi32, #tpu.memory_space<hbm>>) dst(%arg8 : memref<96xi32, #tpu.memory_space<vmem>>)
        %dma_start3A_128 = arith.constant 0 : i32
        %dma_start3A_129 = arith.constant 0 : i32
        %dma_start3A_130 = tpu.memref_slice %arg14[%dma_start3A_128, %dma_start3A_129] : memref<10112x128xf32, #tpu.memory_space<vmem_shared>> -> memref<10112x128xf32, #tpu.memory_space<vmem_shared>>
        tpu.enqueue_indirect_dma source(%arg11 : memref<96x128xf32, #tpu.memory_space<vmem>>) target(%dma_start3A_130 : memref<10112x128xf32, #tpu.memory_space<vmem_shared>>) offsets(%arg8 : memref<96xi32, #tpu.memory_space<vmem>>) semaphore(%arg18 : memref<!tpu.dma_semaphore, #tpu.memory_space<semaphore_mem>>) {add = true}
      } else {
      }
      %add3A_85 = arith.constant 2 : i32
      %add3A_86 = arith.addi %add3A_81, %add3A_85 : i32
      %lt3A_87 = arith.cmpi slt, %add3A_86, %add3A_7 : i32
      %convert_element_type3A_88 = arith.extui %lt3A_87 : i1 to i32
      %cond3A_89 = arith.constant 0 : i32
      %cond3A_90 = arith.cmpi ne, %convert_element_type3A_88, %cond3A_89 : i32
      scf.if %cond3A_90 {
        %gt3A = arith.constant 0 : i32
        %gt3A_115 = arith.cmpi sgt, %scan3A_77, %gt3A : i32
        %convert_element_type3A_116 = arith.extui %gt3A_115 : i1 to i32
        %cond3A_117 = arith.constant 0 : i32
        %cond3A_118 = arith.cmpi ne, %convert_element_type3A_116, %cond3A_117 : i32
        scf.if %cond3A_118 {
          %dma_wait3A_134 = arith.constant 0 : i32
          %dma_wait3A_135 = arith.constant 0 : i32
          %dma_wait3A_136 = tpu.memref_slice %arg14[%dma_wait3A_134, %dma_wait3A_135] : memref<10112x128xf32, #tpu.memory_space<vmem_shared>> -> memref<10112x128xf32, #tpu.memory_space<vmem_shared>>
          tpu.wait_indirect_dma semaphore(%arg20 : memref<!tpu.dma_semaphore, #tpu.memory_space<semaphore_mem>>) src(%arg13 : memref<96x128xf32, #tpu.memory_space<vmem>>) dst(%dma_wait3A_136 : memref<10112x128xf32, #tpu.memory_space<vmem_shared>>)
        } else {
        }
        %add3A_119 = arith.constant 2 : i32
        %add3A_120 = arith.addi %add3A_81, %add3A_119 : i32
        %add3A_121 = arith.addi %add3A_4, %add3A_120 : i32
        %dma_start3A_122 = arith.constant 0 : i32
        %dma_start3A_123 = tpu.memref_slice %arg4[%add3A_121, %dma_start3A_122] : memref<3366x96xi32, #tpu.memory_space<hbm>> -> memref<1x96xi32, #tpu.memory_space<hbm>>
        %dma_start3A_124 = tpu.memref_squeeze %dma_start3A_123 : memref<1x96xi32, #tpu.memory_space<hbm>> -> memref<96xi32, #tpu.memory_space<hbm>>
        %dma_start3A_125 = arith.constant 0 : i32
        %dma_start3A_126 = tpu.memref_slice %arg4[%add3A_121, %dma_start3A_125] : memref<3366x96xi32, #tpu.memory_space<hbm>> -> memref<1x96xi32, #tpu.memory_space<hbm>>
        %dma_start3A_127 = tpu.memref_squeeze %dma_start3A_126 : memref<1x96xi32, #tpu.memory_space<hbm>> -> memref<96xi32, #tpu.memory_space<hbm>>
        tpu.enqueue_dma source(%dma_start3A_127 : memref<96xi32, #tpu.memory_space<hbm>>) target(%arg10 : memref<96xi32, #tpu.memory_space<vmem>>) target_semaphore(%arg17 : memref<!tpu.dma_semaphore, #tpu.memory_space<semaphore_mem>>)
        %mul3A_128 = arith.constant 96 : i32
        %mul3A_129 = arith.muli %add3A_120, %mul3A_128 : i32
        %dma_start3A_130 = tpu.memref_slice %arg7[%mul3A_129] : memref<10080xi32, #tpu.memory_space<vmem>> -> memref<96xi32, #tpu.memory_space<vmem>>
        %dma_start3A_131 = arith.constant 0 : i32
        %dma_start3A_132 = arith.constant 0 : i32
        %dma_start3A_133 = tpu.memref_slice %arg2[%dma_start3A_131, %dma_start3A_132] : memref<10000x128xf32, #tpu.memory_space<hbm>> -> memref<10000x128xf32, #tpu.memory_space<hbm>>
        tpu.enqueue_indirect_dma source(%dma_start3A_133 : memref<10000x128xf32, #tpu.memory_space<hbm>>) target(%arg13 : memref<96x128xf32, #tpu.memory_space<vmem>>) offsets(%dma_start3A_130 : memref<96xi32, #tpu.memory_space<vmem>>) semaphore(%arg17 : memref<!tpu.dma_semaphore, #tpu.memory_space<semaphore_mem>>)
      } else {
      }
      %add3A_91 = arith.constant 1 : i32
      %add3A_92 = arith.addi %mul3A_79, %add3A_91 : i32
      %lt3A_93 = arith.cmpi slt, %add3A_92, %add3A_7 : i32
      %convert_element_type3A_94 = arith.extui %lt3A_93 : i1 to i32
      %cond3A_95 = arith.constant 0 : i32
      %cond3A_96 = arith.cmpi ne, %convert_element_type3A_94, %cond3A_95 : i32
      scf.if %cond3A_96 {
        %dma_wait3A_115 = arith.constant 0 : i32
        %dma_wait3A_116 = arith.constant 0 : i32
        %dma_wait3A_117 = tpu.memref_slice %arg2[%dma_wait3A_115, %dma_wait3A_116] : memref<10000x128xf32, #tpu.memory_space<hbm>> -> memref<96x128xf32, #tpu.memory_space<hbm>>
        %dma_wait3A_118 = arith.constant 0 : i32
        %dma_wait3A_119 = arith.constant 0 : i32
        %dma_wait3A_120 = tpu.memref_slice %arg2[%dma_wait3A_118, %dma_wait3A_119] : memref<10000x128xf32, #tpu.memory_space<hbm>> -> memref<96x128xf32, #tpu.memory_space<hbm>>
        tpu.wait_dma2 semaphore(%arg16 : memref<!tpu.dma_semaphore, #tpu.memory_space<semaphore_mem>>) src(%dma_wait3A_120 : memref<96x128xf32, #tpu.memory_space<hbm>>) dst(%arg12 : memref<96x128xf32, #tpu.memory_space<vmem>>)
        %dma_wait3A_121 = arith.constant 0 : i32
        %dma_wait3A_122 = arith.constant 0 : i32
        %dma_wait3A_123 = tpu.memref_slice %arg4[%dma_wait3A_121, %dma_wait3A_122] : memref<3366x96xi32, #tpu.memory_space<hbm>> -> memref<1x96xi32, #tpu.memory_space<hbm>>
        %dma_wait3A_124 = tpu.memref_squeeze %dma_wait3A_123 : memref<1x96xi32, #tpu.memory_space<hbm>> -> memref<96xi32, #tpu.memory_space<hbm>>
        %dma_wait3A_125 = arith.constant 0 : i32
        %dma_wait3A_126 = tpu.memref_slice %arg4[%dma_wait3A_121, %dma_wait3A_125] : memref<3366x96xi32, #tpu.memory_space<hbm>> -> memref<1x96xi32, #tpu.memory_space<hbm>>
        %dma_wait3A_127 = tpu.memref_squeeze %dma_wait3A_126 : memref<1x96xi32, #tpu.memory_space<hbm>> -> memref<96xi32, #tpu.memory_space<hbm>>
        tpu.wait_dma2 semaphore(%arg16 : memref<!tpu.dma_semaphore, #tpu.memory_space<semaphore_mem>>) src(%dma_wait3A_127 : memref<96xi32, #tpu.memory_space<hbm>>) dst(%arg9 : memref<96xi32, #tpu.memory_space<vmem>>)
        %dma_start3A_128 = arith.constant 0 : i32
        %dma_start3A_129 = arith.constant 0 : i32
        %dma_start3A_130 = tpu.memref_slice %arg14[%dma_start3A_128, %dma_start3A_129] : memref<10112x128xf32, #tpu.memory_space<vmem_shared>> -> memref<10112x128xf32, #tpu.memory_space<vmem_shared>>
        tpu.enqueue_indirect_dma source(%arg12 : memref<96x128xf32, #tpu.memory_space<vmem>>) target(%dma_start3A_130 : memref<10112x128xf32, #tpu.memory_space<vmem_shared>>) offsets(%arg9 : memref<96xi32, #tpu.memory_space<vmem>>) semaphore(%arg19 : memref<!tpu.dma_semaphore, #tpu.memory_space<semaphore_mem>>) {add = true}
      } else {
      }
      %add3A_97 = arith.constant 2 : i32
      %add3A_98 = arith.addi %add3A_92, %add3A_97 : i32
      %lt3A_99 = arith.cmpi slt, %add3A_98, %add3A_7 : i32
      %convert_element_type3A_100 = arith.extui %lt3A_99 : i1 to i32
      %cond3A_101 = arith.constant 0 : i32
      %cond3A_102 = arith.cmpi ne, %convert_element_type3A_100, %cond3A_101 : i32
      scf.if %cond3A_102 {
        %dma_wait3A_115 = arith.constant 0 : i32
        %dma_wait3A_116 = arith.constant 0 : i32
        %dma_wait3A_117 = tpu.memref_slice %arg14[%dma_wait3A_115, %dma_wait3A_116] : memref<10112x128xf32, #tpu.memory_space<vmem_shared>> -> memref<10112x128xf32, #tpu.memory_space<vmem_shared>>
        tpu.wait_indirect_dma semaphore(%arg18 : memref<!tpu.dma_semaphore, #tpu.memory_space<semaphore_mem>>) src(%arg11 : memref<96x128xf32, #tpu.memory_space<vmem>>) dst(%dma_wait3A_117 : memref<10112x128xf32, #tpu.memory_space<vmem_shared>>)
        %add3A_118 = arith.constant 2 : i32
        %add3A_119 = arith.addi %add3A_92, %add3A_118 : i32
        %add3A_120 = arith.addi %add3A_4, %add3A_119 : i32
        %dma_start3A_121 = arith.constant 0 : i32
        %dma_start3A_122 = tpu.memref_slice %arg4[%add3A_120, %dma_start3A_121] : memref<3366x96xi32, #tpu.memory_space<hbm>> -> memref<1x96xi32, #tpu.memory_space<hbm>>
        %dma_start3A_123 = tpu.memref_squeeze %dma_start3A_122 : memref<1x96xi32, #tpu.memory_space<hbm>> -> memref<96xi32, #tpu.memory_space<hbm>>
        %dma_start3A_124 = arith.constant 0 : i32
        %dma_start3A_125 = tpu.memref_slice %arg4[%add3A_120, %dma_start3A_124] : memref<3366x96xi32, #tpu.memory_space<hbm>> -> memref<1x96xi32, #tpu.memory_space<hbm>>
        %dma_start3A_126 = tpu.memref_squeeze %dma_start3A_125 : memref<1x96xi32, #tpu.memory_space<hbm>> -> memref<96xi32, #tpu.memory_space<hbm>>
        tpu.enqueue_dma source(%dma_start3A_126 : memref<96xi32, #tpu.memory_space<hbm>>) target(%arg8 : memref<96xi32, #tpu.memory_space<vmem>>) target_semaphore(%arg15 : memref<!tpu.dma_semaphore, #tpu.memory_space<semaphore_mem>>)
        %mul3A_127 = arith.constant 96 : i32
        %mul3A_128 = arith.muli %add3A_119, %mul3A_127 : i32
        %dma_start3A_129 = tpu.memref_slice %arg7[%mul3A_128] : memref<10080xi32, #tpu.memory_space<vmem>> -> memref<96xi32, #tpu.memory_space<vmem>>
        %dma_start3A_130 = arith.constant 0 : i32
        %dma_start3A_131 = arith.constant 0 : i32
        %dma_start3A_132 = tpu.memref_slice %arg2[%dma_start3A_130, %dma_start3A_131] : memref<10000x128xf32, #tpu.memory_space<hbm>> -> memref<10000x128xf32, #tpu.memory_space<hbm>>
        tpu.enqueue_indirect_dma source(%dma_start3A_132 : memref<10000x128xf32, #tpu.memory_space<hbm>>) target(%arg11 : memref<96x128xf32, #tpu.memory_space<vmem>>) offsets(%dma_start3A_129 : memref<96xi32, #tpu.memory_space<vmem>>) semaphore(%arg15 : memref<!tpu.dma_semaphore, #tpu.memory_space<semaphore_mem>>)
      } else {
      }
      %add3A_103 = arith.constant 2 : i32
      %add3A_104 = arith.addi %mul3A_79, %add3A_103 : i32
      %lt3A_105 = arith.cmpi slt, %add3A_104, %add3A_7 : i32
      %convert_element_type3A_106 = arith.extui %lt3A_105 : i1 to i32
      %cond3A_107 = arith.constant 0 : i32
      %cond3A_108 = arith.cmpi ne, %convert_element_type3A_106, %cond3A_107 : i32
      scf.if %cond3A_108 {
        %dma_wait3A_115 = arith.constant 0 : i32
        %dma_wait3A_116 = arith.constant 0 : i32
        %dma_wait3A_117 = tpu.memref_slice %arg2[%dma_wait3A_115, %dma_wait3A_116] : memref<10000x128xf32, #tpu.memory_space<hbm>> -> memref<96x128xf32, #tpu.memory_space<hbm>>
        %dma_wait3A_118 = arith.constant 0 : i32
        %dma_wait3A_119 = arith.constant 0 : i32
        %dma_wait3A_120 = tpu.memref_slice %arg2[%dma_wait3A_118, %dma_wait3A_119] : memref<10000x128xf32, #tpu.memory_space<hbm>> -> memref<96x128xf32, #tpu.memory_space<hbm>>
        tpu.wait_dma2 semaphore(%arg17 : memref<!tpu.dma_semaphore, #tpu.memory_space<semaphore_mem>>) src(%dma_wait3A_120 : memref<96x128xf32, #tpu.memory_space<hbm>>) dst(%arg13 : memref<96x128xf32, #tpu.memory_space<vmem>>)
        %dma_wait3A_121 = arith.constant 0 : i32
        %dma_wait3A_122 = arith.constant 0 : i32
        %dma_wait3A_123 = tpu.memref_slice %arg4[%dma_wait3A_121, %dma_wait3A_122] : memref<3366x96xi32, #tpu.memory_space<hbm>> -> memref<1x96xi32, #tpu.memory_space<hbm>>
        %dma_wait3A_124 = tpu.memref_squeeze %dma_wait3A_123 : memref<1x96xi32, #tpu.memory_space<hbm>> -> memref<96xi32, #tpu.memory_space<hbm>>
        %dma_wait3A_125 = arith.constant 0 : i32
        %dma_wait3A_126 = tpu.memref_slice %arg4[%dma_wait3A_121, %dma_wait3A_125] : memref<3366x96xi32, #tpu.memory_space<hbm>> -> memref<1x96xi32, #tpu.memory_space<hbm>>
        %dma_wait3A_127 = tpu.memref_squeeze %dma_wait3A_126 : memref<1x96xi32, #tpu.memory_space<hbm>> -> memref<96xi32, #tpu.memory_space<hbm>>
        tpu.wait_dma2 semaphore(%arg17 : memref<!tpu.dma_semaphore, #tpu.memory_space<semaphore_mem>>) src(%dma_wait3A_127 : memref<96xi32, #tpu.memory_space<hbm>>) dst(%arg10 : memref<96xi32, #tpu.memory_space<vmem>>)
        %dma_start3A_128 = arith.constant 0 : i32
        %dma_start3A_129 = arith.constant 0 : i32
        %dma_start3A_130 = tpu.memref_slice %arg14[%dma_start3A_128, %dma_start3A_129] : memref<10112x128xf32, #tpu.memory_space<vmem_shared>> -> memref<10112x128xf32, #tpu.memory_space<vmem_shared>>
        tpu.enqueue_indirect_dma source(%arg13 : memref<96x128xf32, #tpu.memory_space<vmem>>) target(%dma_start3A_130 : memref<10112x128xf32, #tpu.memory_space<vmem_shared>>) offsets(%arg10 : memref<96xi32, #tpu.memory_space<vmem>>) semaphore(%arg20 : memref<!tpu.dma_semaphore, #tpu.memory_space<semaphore_mem>>) {add = true}
      } else {
      }
      %add3A_109 = arith.constant 2 : i32
      %add3A_110 = arith.addi %add3A_104, %add3A_109 : i32
      %lt3A_111 = arith.cmpi slt, %add3A_110, %add3A_7 : i32
      %convert_element_type3A_112 = arith.extui %lt3A_111 : i1 to i32
      %cond3A_113 = arith.constant 0 : i32
      %cond3A_114 = arith.cmpi ne, %convert_element_type3A_112, %cond3A_113 : i32
      scf.if %cond3A_114 {
        %dma_wait3A_115 = arith.constant 0 : i32
        %dma_wait3A_116 = arith.constant 0 : i32
        %dma_wait3A_117 = tpu.memref_slice %arg14[%dma_wait3A_115, %dma_wait3A_116] : memref<10112x128xf32, #tpu.memory_space<vmem_shared>> -> memref<10112x128xf32, #tpu.memory_space<vmem_shared>>
        tpu.wait_indirect_dma semaphore(%arg19 : memref<!tpu.dma_semaphore, #tpu.memory_space<semaphore_mem>>) src(%arg12 : memref<96x128xf32, #tpu.memory_space<vmem>>) dst(%dma_wait3A_117 : memref<10112x128xf32, #tpu.memory_space<vmem_shared>>)
        %add3A_118 = arith.constant 2 : i32
        %add3A_119 = arith.addi %add3A_104, %add3A_118 : i32
        %add3A_120 = arith.addi %add3A_4, %add3A_119 : i32
        %dma_start3A_121 = arith.constant 0 : i32
        %dma_start3A_122 = tpu.memref_slice %arg4[%add3A_120, %dma_start3A_121] : memref<3366x96xi32, #tpu.memory_space<hbm>> -> memref<1x96xi32, #tpu.memory_space<hbm>>
        %dma_start3A_123 = tpu.memref_squeeze %dma_start3A_122 : memref<1x96xi32, #tpu.memory_space<hbm>> -> memref<96xi32, #tpu.memory_space<hbm>>
        %dma_start3A_124 = arith.constant 0 : i32
        %dma_start3A_125 = tpu.memref_slice %arg4[%add3A_120, %dma_start3A_124] : memref<3366x96xi32, #tpu.memory_space<hbm>> -> memref<1x96xi32, #tpu.memory_space<hbm>>
        %dma_start3A_126 = tpu.memref_squeeze %dma_start3A_125 : memref<1x96xi32, #tpu.memory_space<hbm>> -> memref<96xi32, #tpu.memory_space<hbm>>
        tpu.enqueue_dma source(%dma_start3A_126 : memref<96xi32, #tpu.memory_space<hbm>>) target(%arg9 : memref<96xi32, #tpu.memory_space<vmem>>) target_semaphore(%arg16 : memref<!tpu.dma_semaphore, #tpu.memory_space<semaphore_mem>>)
        %mul3A_127 = arith.constant 96 : i32
        %mul3A_128 = arith.muli %add3A_119, %mul3A_127 : i32
        %dma_start3A_129 = tpu.memref_slice %arg7[%mul3A_128] : memref<10080xi32, #tpu.memory_space<vmem>> -> memref<96xi32, #tpu.memory_space<vmem>>
        %dma_start3A_130 = arith.constant 0 : i32
        %dma_start3A_131 = arith.constant 0 : i32
        %dma_start3A_132 = tpu.memref_slice %arg2[%dma_start3A_130, %dma_start3A_131] : memref<10000x128xf32, #tpu.memory_space<hbm>> -> memref<10000x128xf32, #tpu.memory_space<hbm>>
        tpu.enqueue_indirect_dma source(%dma_start3A_132 : memref<10000x128xf32, #tpu.memory_space<hbm>>) target(%arg12 : memref<96x128xf32, #tpu.memory_space<vmem>>) offsets(%dma_start3A_129 : memref<96xi32, #tpu.memory_space<vmem>>) semaphore(%arg16 : memref<!tpu.dma_semaphore, #tpu.memory_space<semaphore_mem>>)
      } else {
      }
    }
    %scan3A_55 = arith.constant 35 : i32
    %dma_wait3A_56 = arith.constant 0 : i32
    %dma_wait3A_57 = arith.constant 0 : i32
    %dma_wait3A_58 = tpu.memref_slice %arg14[%dma_wait3A_56, %dma_wait3A_57] : memref<10112x128xf32, #tpu.memory_space<vmem_shared>> -> memref<10112x128xf32, #tpu.memory_space<vmem_shared>>
    tpu.wait_indirect_dma semaphore(%arg18 : memref<!tpu.dma_semaphore, #tpu.memory_space<semaphore_mem>>) src(%arg11 : memref<96x128xf32, #tpu.memory_space<vmem>>) dst(%dma_wait3A_58 : memref<10112x128xf32, #tpu.memory_space<vmem_shared>>)
    %dma_wait3A_59 = arith.constant 0 : i32
    %dma_wait3A_60 = arith.constant 0 : i32
    %dma_wait3A_61 = tpu.memref_slice %arg14[%dma_wait3A_59, %dma_wait3A_60] : memref<10112x128xf32, #tpu.memory_space<vmem_shared>> -> memref<10112x128xf32, #tpu.memory_space<vmem_shared>>
    tpu.wait_indirect_dma semaphore(%arg19 : memref<!tpu.dma_semaphore, #tpu.memory_space<semaphore_mem>>) src(%arg12 : memref<96x128xf32, #tpu.memory_space<vmem>>) dst(%dma_wait3A_61 : memref<10112x128xf32, #tpu.memory_space<vmem_shared>>)
    %dma_wait3A_62 = arith.constant 0 : i32
    %dma_wait3A_63 = arith.constant 0 : i32
    %dma_wait3A_64 = tpu.memref_slice %arg14[%dma_wait3A_62, %dma_wait3A_63] : memref<10112x128xf32, #tpu.memory_space<vmem_shared>> -> memref<10112x128xf32, #tpu.memory_space<vmem_shared>>
    tpu.wait_indirect_dma semaphore(%arg20 : memref<!tpu.dma_semaphore, #tpu.memory_space<semaphore_mem>>) src(%arg13 : memref<96x128xf32, #tpu.memory_space<vmem>>) dst(%dma_wait3A_64 : memref<10112x128xf32, #tpu.memory_space<vmem_shared>>)
    %barrier3A_65 = arith.constant 0 : index
    tpu.barrier barrier_id(%barrier3A_65)
    %scan3A_66 = arith.constant 0 : i32
    %scan3A_67 = arith.constant 0 : i32
    %scan3A_68 = arith.constant 6 : i32
    %scan3A_69 = arith.addi %scan3A_67, %scan3A_68 : i32
    %scan3A_70 = arith.constant 1 : i32
    scf.for %scan3A_77 = %scan3A_67 to %scan3A_69 step %scan3A_70  : i32 {
      %mul3A_78 = arith.constant 632 : i32
      %mul3A_79 = arith.muli %arg1, %mul3A_78 : i32
      %mul3A_80 = arith.constant 96 : i32
      %mul3A_81 = arith.muli %scan3A_77, %mul3A_80 : i32
      %add3A_82 = arith.addi %mul3A_79, %mul3A_81 : i32
      %multiple_of3A_83 = tpu.assume_multiple %add3A_82, 8 : i32
      "tpu.region"() ({
        %run_scoped3A = tpu.sem_alloc : memref<!tpu.dma_semaphore, #tpu.memory_space<semaphore_mem>>
        %dma_start3A_84 = arith.constant 0 : i32
        %dma_start3A_85 = tpu.memref_slice %arg14[%multiple_of3A_83, %dma_start3A_84] : memref<10112x128xf32, #tpu.memory_space<vmem_shared>> -> memref<96x128xf32, #tpu.memory_space<vmem_shared>>
        %dma_start3A_86 = arith.constant 0 : i32
        %dma_start3A_87 = tpu.memref_slice %arg14[%multiple_of3A_83, %dma_start3A_86] : memref<10112x128xf32, #tpu.memory_space<vmem_shared>> -> memref<96x128xf32, #tpu.memory_space<vmem_shared>>
        tpu.enqueue_dma source(%dma_start3A_87 : memref<96x128xf32, #tpu.memory_space<vmem_shared>>) target(%arg11 : memref<96x128xf32, #tpu.memory_space<vmem>>) target_semaphore(%run_scoped3A : memref<!tpu.dma_semaphore, #tpu.memory_space<semaphore_mem>>)
        %dma_wait3A_88 = arith.constant 0 : i32
        %dma_wait3A_89 = tpu.memref_slice %arg14[%multiple_of3A_83, %dma_wait3A_88] : memref<10112x128xf32, #tpu.memory_space<vmem_shared>> -> memref<96x128xf32, #tpu.memory_space<vmem_shared>>
        %dma_wait3A_90 = arith.constant 0 : i32
        %dma_wait3A_91 = tpu.memref_slice %arg14[%multiple_of3A_83, %dma_wait3A_90] : memref<10112x128xf32, #tpu.memory_space<vmem_shared>> -> memref<96x128xf32, #tpu.memory_space<vmem_shared>>
        tpu.wait_dma2 semaphore(%run_scoped3A : memref<!tpu.dma_semaphore, #tpu.memory_space<semaphore_mem>>) src(%dma_wait3A_91 : memref<96x128xf32, #tpu.memory_space<vmem_shared>>) dst(%arg11 : memref<96x128xf32, #tpu.memory_space<vmem>>)
        tpu.yield
      }) : () -> ()
      "tpu.region"() ({
        %run_scoped3A = tpu.sem_alloc : memref<!tpu.dma_semaphore, #tpu.memory_space<semaphore_mem>>
        %dma_start3A_84 = arith.constant 0 : i32
        %dma_start3A_85 = tpu.memref_slice %arg6[%arg0, %multiple_of3A_83, %dma_start3A_84] : memref<2x10112x128xf32, #tpu.memory_space<hbm>> -> memref<1x96x128xf32, #tpu.memory_space<hbm>>
        %dma_start3A_86 = tpu.memref_squeeze %dma_start3A_85 : memref<1x96x128xf32, #tpu.memory_space<hbm>> -> memref<96x128xf32, #tpu.memory_space<hbm>>
        %dma_start3A_87 = arith.constant 0 : i32
        %dma_start3A_88 = tpu.memref_slice %arg6[%arg0, %multiple_of3A_83, %dma_start3A_87] : memref<2x10112x128xf32, #tpu.memory_space<hbm>> -> memref<1x96x128xf32, #tpu.memory_space<hbm>>
        %dma_start3A_89 = tpu.memref_squeeze %dma_start3A_88 : memref<1x96x128xf32, #tpu.memory_space<hbm>> -> memref<96x128xf32, #tpu.memory_space<hbm>>
        tpu.enqueue_dma source(%arg11 : memref<96x128xf32, #tpu.memory_space<vmem>>) target(%dma_start3A_89 : memref<96x128xf32, #tpu.memory_space<hbm>>) target_semaphore(%run_scoped3A : memref<!tpu.dma_semaphore, #tpu.memory_space<semaphore_mem>>)
        %dma_wait3A_90 = arith.constant 0 : i32
        %dma_wait3A_91 = tpu.memref_slice %arg6[%arg0, %multiple_of3A_83, %dma_wait3A_90] : memref<2x10112x128xf32, #tpu.memory_space<hbm>> -> memref<1x96x128xf32, #tpu.memory_space<hbm>>
        %dma_wait3A_92 = tpu.memref_squeeze %dma_wait3A_91 : memref<1x96x128xf32, #tpu.memory_space<hbm>> -> memref<96x128xf32, #tpu.memory_space<hbm>>
        %dma_wait3A_93 = arith.constant 0 : i32
        %dma_wait3A_94 = tpu.memref_slice %arg6[%arg0, %multiple_of3A_83, %dma_wait3A_93] : memref<2x10112x128xf32, #tpu.memory_space<hbm>> -> memref<1x96x128xf32, #tpu.memory_space<hbm>>
        %dma_wait3A_95 = tpu.memref_squeeze %dma_wait3A_94 : memref<1x96x128xf32, #tpu.memory_space<hbm>> -> memref<96x128xf32, #tpu.memory_space<hbm>>
        tpu.wait_dma2 semaphore(%run_scoped3A : memref<!tpu.dma_semaphore, #tpu.memory_space<semaphore_mem>>) src(%arg11 : memref<96x128xf32, #tpu.memory_space<vmem>>) dst(%dma_wait3A_95 : memref<96x128xf32, #tpu.memory_space<hbm>>)
        tpu.yield
      }) : () -> ()
    }
    %scan3A_71 = arith.constant 6 : i32
    %mul3A_72 = arith.constant 632 : i32
    %mul3A_73 = arith.muli %arg1, %mul3A_72 : i32
    %add3A_74 = arith.constant 576 : i32
    %add3A_75 = arith.addi %mul3A_73, %add3A_74 : i32
    %multiple_of3A_76 = tpu.assume_multiple %add3A_75, 8 : i32
    "tpu.region"() ({
      %run_scoped3A = tpu.sem_alloc : memref<!tpu.dma_semaphore, #tpu.memory_space<semaphore_mem>>
      %dma_start3A_77 = arith.constant 0 : i32
      %dma_start3A_78 = arith.constant 0 : i32
      %dma_start3A_79 = tpu.memref_slice %arg11[%dma_start3A_77, %dma_start3A_78] : memref<96x128xf32, #tpu.memory_space<vmem>> -> memref<56x128xf32, #tpu.memory_space<vmem>>
      %dma_start3A_80 = arith.constant 0 : i32
      %dma_start3A_81 = tpu.memref_slice %arg14[%multiple_of3A_76, %dma_start3A_80] : memref<10112x128xf32, #tpu.memory_space<vmem_shared>> -> memref<56x128xf32, #tpu.memory_space<vmem_shared>>
      %dma_start3A_82 = arith.constant 0 : i32
      %dma_start3A_83 = arith.constant 0 : i32
      %dma_start3A_84 = tpu.memref_slice %arg11[%dma_start3A_82, %dma_start3A_83] : memref<96x128xf32, #tpu.memory_space<vmem>> -> memref<56x128xf32, #tpu.memory_space<vmem>>
      %dma_start3A_85 = arith.constant 0 : i32
      %dma_start3A_86 = tpu.memref_slice %arg14[%multiple_of3A_76, %dma_start3A_85] : memref<10112x128xf32, #tpu.memory_space<vmem_shared>> -> memref<56x128xf32, #tpu.memory_space<vmem_shared>>
      tpu.enqueue_dma source(%dma_start3A_86 : memref<56x128xf32, #tpu.memory_space<vmem_shared>>) target(%dma_start3A_84 : memref<56x128xf32, #tpu.memory_space<vmem>>) target_semaphore(%run_scoped3A : memref<!tpu.dma_semaphore, #tpu.memory_space<semaphore_mem>>)
      %dma_wait3A_87 = arith.constant 0 : i32
      %dma_wait3A_88 = arith.constant 0 : i32
      %dma_wait3A_89 = tpu.memref_slice %arg11[%dma_wait3A_87, %dma_wait3A_88] : memref<96x128xf32, #tpu.memory_space<vmem>> -> memref<56x128xf32, #tpu.memory_space<vmem>>
      %dma_wait3A_90 = arith.constant 0 : i32
      %dma_wait3A_91 = tpu.memref_slice %arg14[%multiple_of3A_76, %dma_wait3A_90] : memref<10112x128xf32, #tpu.memory_space<vmem_shared>> -> memref<56x128xf32, #tpu.memory_space<vmem_shared>>
      %dma_wait3A_92 = arith.constant 0 : i32
      %dma_wait3A_93 = arith.constant 0 : i32
      %dma_wait3A_94 = tpu.memref_slice %arg11[%dma_wait3A_92, %dma_wait3A_93] : memref<96x128xf32, #tpu.memory_space<vmem>> -> memref<56x128xf32, #tpu.memory_space<vmem>>
      %dma_wait3A_95 = arith.constant 0 : i32
      %dma_wait3A_96 = tpu.memref_slice %arg14[%multiple_of3A_76, %dma_wait3A_95] : memref<10112x128xf32, #tpu.memory_space<vmem_shared>> -> memref<56x128xf32, #tpu.memory_space<vmem_shared>>
      tpu.wait_dma2 semaphore(%run_scoped3A : memref<!tpu.dma_semaphore, #tpu.memory_space<semaphore_mem>>) src(%dma_wait3A_96 : memref<56x128xf32, #tpu.memory_space<vmem_shared>>) dst(%dma_wait3A_94 : memref<56x128xf32, #tpu.memory_space<vmem>>)
      tpu.yield
    }) : () -> ()
    "tpu.region"() ({
      %run_scoped3A = tpu.sem_alloc : memref<!tpu.dma_semaphore, #tpu.memory_space<semaphore_mem>>
      %dma_start3A_77 = arith.constant 0 : i32
      %dma_start3A_78 = arith.constant 0 : i32
      %dma_start3A_79 = tpu.memref_slice %arg11[%dma_start3A_77, %dma_start3A_78] : memref<96x128xf32, #tpu.memory_space<vmem>> -> memref<56x128xf32, #tpu.memory_space<vmem>>
      %dma_start3A_80 = arith.constant 0 : i32
      %dma_start3A_81 = tpu.memref_slice %arg6[%arg0, %multiple_of3A_76, %dma_start3A_80] : memref<2x10112x128xf32, #tpu.memory_space<hbm>> -> memref<1x56x128xf32, #tpu.memory_space<hbm>>
      %dma_start3A_82 = tpu.memref_squeeze %dma_start3A_81 : memref<1x56x128xf32, #tpu.memory_space<hbm>> -> memref<56x128xf32, #tpu.memory_space<hbm>>
      %dma_start3A_83 = arith.constant 0 : i32
      %dma_start3A_84 = tpu.memref_slice %arg6[%arg0, %multiple_of3A_76, %dma_start3A_83] : memref<2x10112x128xf32, #tpu.memory_space<hbm>> -> memref<1x56x128xf32, #tpu.memory_space<hbm>>
      %dma_start3A_85 = tpu.memref_squeeze %dma_start3A_84 : memref<1x56x128xf32, #tpu.memory_space<hbm>> -> memref<56x128xf32, #tpu.memory_space<hbm>>
      %dma_start3A_86 = arith.constant 0 : i32
      %dma_start3A_87 = arith.constant 0 : i32
      %dma_start3A_88 = tpu.memref_slice %arg11[%dma_start3A_86, %dma_start3A_87] : memref<96x128xf32, #tpu.memory_space<vmem>> -> memref<56x128xf32, #tpu.memory_space<vmem>>
      tpu.enqueue_dma source(%dma_start3A_88 : memref<56x128xf32, #tpu.memory_space<vmem>>) target(%dma_start3A_85 : memref<56x128xf32, #tpu.memory_space<hbm>>) target_semaphore(%run_scoped3A : memref<!tpu.dma_semaphore, #tpu.memory_space<semaphore_mem>>)
      %dma_wait3A_89 = arith.constant 0 : i32
      %dma_wait3A_90 = arith.constant 0 : i32
      %dma_wait3A_91 = tpu.memref_slice %arg11[%dma_wait3A_89, %dma_wait3A_90] : memref<96x128xf32, #tpu.memory_space<vmem>> -> memref<56x128xf32, #tpu.memory_space<vmem>>
      %dma_wait3A_92 = arith.constant 0 : i32
      %dma_wait3A_93 = tpu.memref_slice %arg6[%arg0, %multiple_of3A_76, %dma_wait3A_92] : memref<2x10112x128xf32, #tpu.memory_space<hbm>> -> memref<1x56x128xf32, #tpu.memory_space<hbm>>
      %dma_wait3A_94 = tpu.memref_squeeze %dma_wait3A_93 : memref<1x56x128xf32, #tpu.memory_space<hbm>> -> memref<56x128xf32, #tpu.memory_space<hbm>>
      %dma_wait3A_95 = arith.constant 0 : i32
      %dma_wait3A_96 = tpu.memref_slice %arg6[%arg0, %multiple_of3A_76, %dma_wait3A_95] : memref<2x10112x128xf32, #tpu.memory_space<hbm>> -> memref<1x56x128xf32, #tpu.memory_space<hbm>>
      %dma_wait3A_97 = tpu.memref_squeeze %dma_wait3A_96 : memref<1x56x128xf32, #tpu.memory_space<hbm>> -> memref<56x128xf32, #tpu.memory_space<hbm>>
      %dma_wait3A_98 = arith.constant 0 : i32
      %dma_wait3A_99 = arith.constant 0 : i32
      %dma_wait3A_100 = tpu.memref_slice %arg11[%dma_wait3A_98, %dma_wait3A_99] : memref<96x128xf32, #tpu.memory_space<vmem>> -> memref<56x128xf32, #tpu.memory_space<vmem>>
      tpu.wait_dma2 semaphore(%run_scoped3A : memref<!tpu.dma_semaphore, #tpu.memory_space<semaphore_mem>>) src(%dma_wait3A_100 : memref<56x128xf32, #tpu.memory_space<vmem>>) dst(%dma_wait3A_97 : memref<56x128xf32, #tpu.memory_space<hbm>>)
      tpu.yield
    }) : () -> ()
    return
  }
}

#map = affine_map<(d0, d1) -> (0, 0)>
#map1 = affine_map<(d0, d1) -> (0)>
#map2 = affine_map<(d0, d1) -> (0, 0, 0)>
module attributes {stable_mosaic.version = 14 : i64} {
  func.func @prop_kernel(%arg0: i32, %arg1: i32, %arg2: memref<10000x128xf32, #tpu.memory_space<hbm>>, %arg3: memref<323136xi32, #tpu.memory_space<hbm>>, %arg4: memref<3366x96xi32, #tpu.memory_space<hbm>>, %arg5: memref<96x128xf32, #tpu.memory_space<hbm>>, %arg6: memref<2x10112x128xf32, #tpu.memory_space<hbm>>, %arg7: memref<10080xi32, #tpu.memory_space<vmem>>, %arg8: memref<96xi32, #tpu.memory_space<vmem>>, %arg9: memref<96xi32, #tpu.memory_space<vmem>>, %arg10: memref<96xi32, #tpu.memory_space<vmem>>, %arg11: memref<96x128xf32, #tpu.memory_space<vmem>>, %arg12: memref<96x128xf32, #tpu.memory_space<vmem>>, %arg13: memref<96x128xf32, #tpu.memory_space<vmem>>, %arg14: memref<10112x128xf32, #tpu.memory_space<vmem_shared>>, %arg15: memref<!tpu.dma_semaphore, #tpu.memory_space<semaphore_mem>>, %arg16: memref<!tpu.dma_semaphore, #tpu.memory_space<semaphore_mem>>, %arg17: memref<!tpu.dma_semaphore, #tpu.memory_space<semaphore_mem>>, %arg18: memref<!tpu.dma_semaphore, #tpu.memory_space<semaphore_mem>>, %arg19: memref<!tpu.dma_semaphore, #tpu.memory_space<semaphore_mem>>, %arg20: memref<!tpu.dma_semaphore, #tpu.memory_space<semaphore_mem>>) attributes {dimension_semantics = [#tpu.dimension_semantics<core_parallel>, #tpu.dimension_semantics<subcore_parallel>], iteration_bounds = array<i64: 2, 16>, scalar_prefetch = 0 : i64, scratch_operands = 14 : i64, tpu.core_type = #tpu.core_type<sc_vector_subcore>, window_params = [{transform_indices = #map}, {transform_indices = #map1}, {transform_indices = #map}, {transform_indices = #map}, {transform_indices = #map2}]} {
    %mul3A = arith.constant 2 : i32
    %mul3A_0 = arith.muli %arg1, %mul3A : i32
    %add3A = arith.addi %mul3A_0, %arg0 : i32
    %mul3A_1 = arith.constant 104 : i32
    %mul3A_2 = arith.muli %mul3A_1, %add3A : i32
    %min3A = arith.constant 6 : i32
    %min3A_3 = arith.minsi %add3A, %min3A : i32
    %add3A_4 = arith.addi %mul3A_2, %min3A_3 : i32
    %lt3A = arith.constant 6 : i32
    %lt3A_5 = arith.cmpi slt, %add3A, %lt3A : i32
    %convert_element_type3A = arith.extui %lt3A_5 : i1 to i32
    %add3A_6 = arith.constant 104 : i32
    %add3A_7 = arith.addi %add3A_6, %convert_element_type3A : i32
    %mul3A_8 = arith.constant 96 : i32
    %mul3A_9 = arith.muli %add3A_4, %mul3A_8 : i32
    %multiple_of3A = tpu.assume_multiple %mul3A_9, 8 : i32
    %dma_start3A = tpu.memref_slice %arg3[%multiple_of3A] : memref<323136xi32, #tpu.memory_space<hbm>> -> memref<10080xi32, #tpu.memory_space<hbm>>
    %dma_start3A_10 = tpu.memref_slice %arg3[%multiple_of3A] : memref<323136xi32, #tpu.memory_space<hbm>> -> memref<10080xi32, #tpu.memory_space<hbm>>
    tpu.enqueue_dma source(%dma_start3A_10 : memref<10080xi32, #tpu.memory_space<hbm>>) target(%arg7 : memref<10080xi32, #tpu.memory_space<vmem>>) target_semaphore(%arg15 : memref<!tpu.dma_semaphore, #tpu.memory_space<semaphore_mem>>)
    "tpu.region"() ({
      %run_scoped3A = tpu.sem_alloc : memref<!tpu.dma_semaphore, #tpu.memory_space<semaphore_mem>>
      tpu.enqueue_dma source(%arg5 : memref<96x128xf32, #tpu.memory_space<hbm>>) target(%arg12 : memref<96x128xf32, #tpu.memory_space<vmem>>) target_semaphore(%run_scoped3A : memref<!tpu.dma_semaphore, #tpu.memory_space<semaphore_mem>>)
      tpu.wait_dma2 semaphore(%run_scoped3A : memref<!tpu.dma_semaphore, #tpu.memory_space<semaphore_mem>>) src(%arg5 : memref<96x128xf32, #tpu.memory_space<hbm>>) dst(%arg12 : memref<96x128xf32, #tpu.memory_space<vmem>>)
      tpu.yield
    }) : () -> ()
    %scan3A = arith.constant 0 : i32
    %scan3A_11 = arith.constant 0 : i32
    %scan3A_12 = arith.constant 6 : i32
    %scan3A_13 = arith.addi %scan3A_11, %scan3A_12 : i32
    %scan3A_14 = arith.constant 1 : i32
    scf.for %scan3A_77 = %scan3A_11 to %scan3A_13 step %scan3A_14  : i32 {
      %mul3A_78 = arith.constant 632 : i32
      %mul3A_79 = arith.muli %arg1, %mul3A_78 : i32
      %mul3A_80 = arith.constant 96 : i32
      %mul3A_81 = arith.muli %scan3A_77, %mul3A_80 : i32
      %add3A_82 = arith.addi %mul3A_79, %mul3A_81 : i32
      %multiple_of3A_83 = tpu.assume_multiple %add3A_82, 8 : i32
      "tpu.region"() ({
        %run_scoped3A = tpu.sem_alloc : memref<!tpu.dma_semaphore, #tpu.memory_space<semaphore_mem>>
        %dma_start3A_84 = arith.constant 0 : i32
        %dma_start3A_85 = tpu.memref_slice %arg14[%multiple_of3A_83, %dma_start3A_84] : memref<10112x128xf32, #tpu.memory_space<vmem_shared>> -> memref<96x128xf32, #tpu.memory_space<vmem_shared>>
        %dma_start3A_86 = arith.constant 0 : i32
        %dma_start3A_87 = tpu.memref_slice %arg14[%multiple_of3A_83, %dma_start3A_86] : memref<10112x128xf32, #tpu.memory_space<vmem_shared>> -> memref<96x128xf32, #tpu.memory_space<vmem_shared>>
        tpu.enqueue_dma source(%arg12 : memref<96x128xf32, #tpu.memory_space<vmem>>) target(%dma_start3A_87 : memref<96x128xf32, #tpu.memory_space<vmem_shared>>) target_semaphore(%run_scoped3A : memref<!tpu.dma_semaphore, #tpu.memory_space<semaphore_mem>>)
        %dma_wait3A_88 = arith.constant 0 : i32
        %dma_wait3A_89 = tpu.memref_slice %arg14[%multiple_of3A_83, %dma_wait3A_88] : memref<10112x128xf32, #tpu.memory_space<vmem_shared>> -> memref<96x128xf32, #tpu.memory_space<vmem_shared>>
        %dma_wait3A_90 = arith.constant 0 : i32
        %dma_wait3A_91 = tpu.memref_slice %arg14[%multiple_of3A_83, %dma_wait3A_90] : memref<10112x128xf32, #tpu.memory_space<vmem_shared>> -> memref<96x128xf32, #tpu.memory_space<vmem_shared>>
        tpu.wait_dma2 semaphore(%run_scoped3A : memref<!tpu.dma_semaphore, #tpu.memory_space<semaphore_mem>>) src(%arg12 : memref<96x128xf32, #tpu.memory_space<vmem>>) dst(%dma_wait3A_91 : memref<96x128xf32, #tpu.memory_space<vmem_shared>>)
        tpu.yield
      }) : () -> ()
    }
    %scan3A_15 = arith.constant 6 : i32
    %mul3A_16 = arith.constant 632 : i32
    %mul3A_17 = arith.muli %arg1, %mul3A_16 : i32
    %add3A_18 = arith.constant 576 : i32
    %add3A_19 = arith.addi %mul3A_17, %add3A_18 : i32
    %multiple_of3A_20 = tpu.assume_multiple %add3A_19, 8 : i32
    "tpu.region"() ({
      %run_scoped3A = tpu.sem_alloc : memref<!tpu.dma_semaphore, #tpu.memory_space<semaphore_mem>>
      %dma_start3A_77 = arith.constant 0 : i32
      %dma_start3A_78 = arith.constant 0 : i32
      %dma_start3A_79 = tpu.memref_slice %arg12[%dma_start3A_77, %dma_start3A_78] : memref<96x128xf32, #tpu.memory_space<vmem>> -> memref<56x128xf32, #tpu.memory_space<vmem>>
      %dma_start3A_80 = arith.constant 0 : i32
      %dma_start3A_81 = tpu.memref_slice %arg14[%multiple_of3A_20, %dma_start3A_80] : memref<10112x128xf32, #tpu.memory_space<vmem_shared>> -> memref<56x128xf32, #tpu.memory_space<vmem_shared>>
      %dma_start3A_82 = arith.constant 0 : i32
      %dma_start3A_83 = tpu.memref_slice %arg14[%multiple_of3A_20, %dma_start3A_82] : memref<10112x128xf32, #tpu.memory_space<vmem_shared>> -> memref<56x128xf32, #tpu.memory_space<vmem_shared>>
      %dma_start3A_84 = arith.constant 0 : i32
      %dma_start3A_85 = arith.constant 0 : i32
      %dma_start3A_86 = tpu.memref_slice %arg12[%dma_start3A_84, %dma_start3A_85] : memref<96x128xf32, #tpu.memory_space<vmem>> -> memref<56x128xf32, #tpu.memory_space<vmem>>
      tpu.enqueue_dma source(%dma_start3A_86 : memref<56x128xf32, #tpu.memory_space<vmem>>) target(%dma_start3A_83 : memref<56x128xf32, #tpu.memory_space<vmem_shared>>) target_semaphore(%run_scoped3A : memref<!tpu.dma_semaphore, #tpu.memory_space<semaphore_mem>>)
      %dma_wait3A_87 = arith.constant 0 : i32
      %dma_wait3A_88 = arith.constant 0 : i32
      %dma_wait3A_89 = tpu.memref_slice %arg12[%dma_wait3A_87, %dma_wait3A_88] : memref<96x128xf32, #tpu.memory_space<vmem>> -> memref<56x128xf32, #tpu.memory_space<vmem>>
      %dma_wait3A_90 = arith.constant 0 : i32
      %dma_wait3A_91 = tpu.memref_slice %arg14[%multiple_of3A_20, %dma_wait3A_90] : memref<10112x128xf32, #tpu.memory_space<vmem_shared>> -> memref<56x128xf32, #tpu.memory_space<vmem_shared>>
      %dma_wait3A_92 = arith.constant 0 : i32
      %dma_wait3A_93 = tpu.memref_slice %arg14[%multiple_of3A_20, %dma_wait3A_92] : memref<10112x128xf32, #tpu.memory_space<vmem_shared>> -> memref<56x128xf32, #tpu.memory_space<vmem_shared>>
      %dma_wait3A_94 = arith.constant 0 : i32
      %dma_wait3A_95 = arith.constant 0 : i32
      %dma_wait3A_96 = tpu.memref_slice %arg12[%dma_wait3A_94, %dma_wait3A_95] : memref<96x128xf32, #tpu.memory_space<vmem>> -> memref<56x128xf32, #tpu.memory_space<vmem>>
      tpu.wait_dma2 semaphore(%run_scoped3A : memref<!tpu.dma_semaphore, #tpu.memory_space<semaphore_mem>>) src(%dma_wait3A_96 : memref<56x128xf32, #tpu.memory_space<vmem>>) dst(%dma_wait3A_93 : memref<56x128xf32, #tpu.memory_space<vmem_shared>>)
      tpu.yield
    }) : () -> ()
    %dma_wait3A = arith.constant 0 : i32
    %dma_wait3A_21 = tpu.memref_slice %arg3[%dma_wait3A] : memref<323136xi32, #tpu.memory_space<hbm>> -> memref<10080xi32, #tpu.memory_space<hbm>>
    %dma_wait3A_22 = arith.constant 0 : i32
    %dma_wait3A_23 = tpu.memref_slice %arg3[%dma_wait3A_22] : memref<323136xi32, #tpu.memory_space<hbm>> -> memref<10080xi32, #tpu.memory_space<hbm>>
    tpu.wait_dma2 semaphore(%arg15 : memref<!tpu.dma_semaphore, #tpu.memory_space<semaphore_mem>>) src(%dma_wait3A_23 : memref<10080xi32, #tpu.memory_space<hbm>>) dst(%arg7 : memref<10080xi32, #tpu.memory_space<vmem>>)
    %barrier3A = arith.constant 0 : index
    tpu.barrier barrier_id(%barrier3A)
    %add3A_24 = arith.constant 0 : i32
    %add3A_25 = arith.addi %add3A_4, %add3A_24 : i32
    %dma_start3A_26 = arith.constant 0 : i32
    %dma_start3A_27 = tpu.memref_slice %arg4[%add3A_25, %dma_start3A_26] : memref<3366x96xi32, #tpu.memory_space<hbm>> -> memref<1x96xi32, #tpu.memory_space<hbm>>
    %dma_start3A_28 = tpu.memref_squeeze %dma_start3A_27 : memref<1x96xi32, #tpu.memory_space<hbm>> -> memref<96xi32, #tpu.memory_space<hbm>>
    %dma_start3A_29 = arith.constant 0 : i32
    %dma_start3A_30 = tpu.memref_slice %arg4[%add3A_25, %dma_start3A_29] : memref<3366x96xi32, #tpu.memory_space<hbm>> -> memref<1x96xi32, #tpu.memory_space<hbm>>
    %dma_start3A_31 = tpu.memref_squeeze %dma_start3A_30 : memref<1x96xi32, #tpu.memory_space<hbm>> -> memref<96xi32, #tpu.memory_space<hbm>>
    tpu.enqueue_dma source(%dma_start3A_31 : memref<96xi32, #tpu.memory_space<hbm>>) target(%arg8 : memref<96xi32, #tpu.memory_space<vmem>>) target_semaphore(%arg15 : memref<!tpu.dma_semaphore, #tpu.memory_space<semaphore_mem>>)
    %dma_start3A_32 = arith.constant 0 : i32
    %dma_start3A_33 = tpu.memref_slice %arg7[%dma_start3A_32] : memref<10080xi32, #tpu.memory_space<vmem>> -> memref<96xi32, #tpu.memory_space<vmem>>
    %dma_start3A_34 = arith.constant 0 : i32
    %dma_start3A_35 = arith.constant 0 : i32
    %dma_start3A_36 = tpu.memref_slice %arg2[%dma_start3A_34, %dma_start3A_35] : memref<10000x128xf32, #tpu.memory_space<hbm>> -> memref<10000x128xf32, #tpu.memory_space<hbm>>
    tpu.enqueue_indirect_dma source(%dma_start3A_36 : memref<10000x128xf32, #tpu.memory_space<hbm>>) target(%arg11 : memref<96x128xf32, #tpu.memory_space<vmem>>) offsets(%dma_start3A_33 : memref<96xi32, #tpu.memory_space<vmem>>) semaphore(%arg15 : memref<!tpu.dma_semaphore, #tpu.memory_space<semaphore_mem>>)
    %add3A_37 = arith.constant 1 : i32
    %add3A_38 = arith.addi %add3A_4, %add3A_37 : i32
    %dma_start3A_39 = arith.constant 0 : i32
    %dma_start3A_40 = tpu.memref_slice %arg4[%add3A_38, %dma_start3A_39] : memref<3366x96xi32, #tpu.memory_space<hbm>> -> memref<1x96xi32, #tpu.memory_space<hbm>>
    %dma_start3A_41 = tpu.memref_squeeze %dma_start3A_40 : memref<1x96xi32, #tpu.memory_space<hbm>> -> memref<96xi32, #tpu.memory_space<hbm>>
    %dma_start3A_42 = arith.constant 0 : i32
    %dma_start3A_43 = tpu.memref_slice %arg4[%add3A_38, %dma_start3A_42] : memref<3366x96xi32, #tpu.memory_space<hbm>> -> memref<1x96xi32, #tpu.memory_space<hbm>>
    %dma_start3A_44 = tpu.memref_squeeze %dma_start3A_43 : memref<1x96xi32, #tpu.memory_space<hbm>> -> memref<96xi32, #tpu.memory_space<hbm>>
    tpu.enqueue_dma source(%dma_start3A_44 : memref<96xi32, #tpu.memory_space<hbm>>) target(%arg9 : memref<96xi32, #tpu.memory_space<vmem>>) target_semaphore(%arg16 : memref<!tpu.dma_semaphore, #tpu.memory_space<semaphore_mem>>)
    %dma_start3A_45 = arith.constant 96 : i32
    %dma_start3A_46 = tpu.memref_slice %arg7[%dma_start3A_45] : memref<10080xi32, #tpu.memory_space<vmem>> -> memref<96xi32, #tpu.memory_space<vmem>>
    %dma_start3A_47 = arith.constant 0 : i32
    %dma_start3A_48 = arith.constant 0 : i32
    %dma_start3A_49 = tpu.memref_slice %arg2[%dma_start3A_47, %dma_start3A_48] : memref<10000x128xf32, #tpu.memory_space<hbm>> -> memref<10000x128xf32, #tpu.memory_space<hbm>>
    tpu.enqueue_indirect_dma source(%dma_start3A_49 : memref<10000x128xf32, #tpu.memory_space<hbm>>) target(%arg12 : memref<96x128xf32, #tpu.memory_space<vmem>>) offsets(%dma_start3A_46 : memref<96xi32, #tpu.memory_space<vmem>>) semaphore(%arg16 : memref<!tpu.dma_semaphore, #tpu.memory_space<semaphore_mem>>)
    %scan3A_50 = arith.constant 0 : i32
    %scan3A_51 = arith.constant 0 : i32
    %scan3A_52 = arith.constant 35 : i32
    %scan3A_53 = arith.addi %scan3A_51, %scan3A_52 : i32
    %scan3A_54 = arith.constant 1 : i32
    scf.for %scan3A_77 = %scan3A_51 to %scan3A_53 step %scan3A_54  : i32 {
      %mul3A_78 = arith.constant 3 : i32
      %mul3A_79 = arith.muli %mul3A_78, %scan3A_77 : i32
      %add3A_80 = arith.constant 0 : i32
      %add3A_81 = arith.addi %mul3A_79, %add3A_80 : i32
      %lt3A_82 = arith.cmpi slt, %add3A_81, %add3A_7 : i32
      %convert_element_type3A_83 = arith.extui %lt3A_82 : i1 to i32
      %cond3A = arith.constant 0 : i32
      %cond3A_84 = arith.cmpi ne, %convert_element_type3A_83, %cond3A : i32
      scf.if %cond3A_84 {
        %dma_wait3A_115 = arith.constant 0 : i32
        %dma_wait3A_116 = arith.constant 0 : i32
        %dma_wait3A_117 = tpu.memref_slice %arg2[%dma_wait3A_115, %dma_wait3A_116] : memref<10000x128xf32, #tpu.memory_space<hbm>> -> memref<96x128xf32, #tpu.memory_space<hbm>>
        %dma_wait3A_118 = arith.constant 0 : i32
        %dma_wait3A_119 = arith.constant 0 : i32
        %dma_wait3A_120 = tpu.memref_slice %arg2[%dma_wait3A_118, %dma_wait3A_119] : memref<10000x128xf32, #tpu.memory_space<hbm>> -> memref<96x128xf32, #tpu.memory_space<hbm>>
        tpu.wait_dma2 semaphore(%arg15 : memref<!tpu.dma_semaphore, #tpu.memory_space<semaphore_mem>>) src(%dma_wait3A_120 : memref<96x128xf32, #tpu.memory_space<hbm>>) dst(%arg11 : memref<96x128xf32, #tpu.memory_space<vmem>>)
        %dma_wait3A_121 = arith.constant 0 : i32
        %dma_wait3A_122 = arith.constant 0 : i32
        %dma_wait3A_123 = tpu.memref_slice %arg4[%dma_wait3A_121, %dma_wait3A_122] : memref<3366x96xi32, #tpu.memory_space<hbm>> -> memref<1x96xi32, #tpu.memory_space<hbm>>
        %dma_wait3A_124 = tpu.memref_squeeze %dma_wait3A_123 : memref<1x96xi32, #tpu.memory_space<hbm>> -> memref<96xi32, #tpu.memory_space<hbm>>
        %dma_wait3A_125 = arith.constant 0 : i32
        %dma_wait3A_126 = tpu.memref_slice %arg4[%dma_wait3A_121, %dma_wait3A_125] : memref<3366x96xi32, #tpu.memory_space<hbm>> -> memref<1x96xi32, #tpu.memory_space<hbm>>
        %dma_wait3A_127 = tpu.memref_squeeze %dma_wait3A_126 : memref<1x96xi32, #tpu.memory_space<hbm>> -> memref<96xi32, #tpu.memory_space<hbm>>
        tpu.wait_dma2 semaphore(%arg15 : memref<!tpu.dma_semaphore, #tpu.memory_space<semaphore_mem>>) src(%dma_wait3A_127 : memref<96xi32, #tpu.memory_space<hbm>>) dst(%arg8 : memref<96xi32, #tpu.memory_space<vmem>>)
        %dma_start3A_128 = arith.constant 0 : i32
        %dma_start3A_129 = arith.constant 0 : i32
        %dma_start3A_130 = tpu.memref_slice %arg14[%dma_start3A_128, %dma_start3A_129] : memref<10112x128xf32, #tpu.memory_space<vmem_shared>> -> memref<10112x128xf32, #tpu.memory_space<vmem_shared>>
        tpu.enqueue_indirect_dma source(%arg11 : memref<96x128xf32, #tpu.memory_space<vmem>>) target(%dma_start3A_130 : memref<10112x128xf32, #tpu.memory_space<vmem_shared>>) offsets(%arg8 : memref<96xi32, #tpu.memory_space<vmem>>) semaphore(%arg18 : memref<!tpu.dma_semaphore, #tpu.memory_space<semaphore_mem>>) {add = true}
      } else {
      }
      %add3A_85 = arith.constant 2 : i32
      %add3A_86 = arith.addi %add3A_81, %add3A_85 : i32
      %lt3A_87 = arith.cmpi slt, %add3A_86, %add3A_7 : i32
      %convert_element_type3A_88 = arith.extui %lt3A_87 : i1 to i32
      %cond3A_89 = arith.constant 0 : i32
      %cond3A_90 = arith.cmpi ne, %convert_element_type3A_88, %cond3A_89 : i32
      scf.if %cond3A_90 {
        %gt3A = arith.constant 0 : i32
        %gt3A_115 = arith.cmpi sgt, %scan3A_77, %gt3A : i32
        %convert_element_type3A_116 = arith.extui %gt3A_115 : i1 to i32
        %cond3A_117 = arith.constant 0 : i32
        %cond3A_118 = arith.cmpi ne, %convert_element_type3A_116, %cond3A_117 : i32
        scf.if %cond3A_118 {
          %dma_wait3A_134 = arith.constant 0 : i32
          %dma_wait3A_135 = arith.constant 0 : i32
          %dma_wait3A_136 = tpu.memref_slice %arg14[%dma_wait3A_134, %dma_wait3A_135] : memref<10112x128xf32, #tpu.memory_space<vmem_shared>> -> memref<10112x128xf32, #tpu.memory_space<vmem_shared>>
          tpu.wait_indirect_dma semaphore(%arg20 : memref<!tpu.dma_semaphore, #tpu.memory_space<semaphore_mem>>) src(%arg13 : memref<96x128xf32, #tpu.memory_space<vmem>>) dst(%dma_wait3A_136 : memref<10112x128xf32, #tpu.memory_space<vmem_shared>>)
        } else {
        }
        %add3A_119 = arith.constant 2 : i32
        %add3A_120 = arith.addi %add3A_81, %add3A_119 : i32
        %add3A_121 = arith.addi %add3A_4, %add3A_120 : i32
        %dma_start3A_122 = arith.constant 0 : i32
        %dma_start3A_123 = tpu.memref_slice %arg4[%add3A_121, %dma_start3A_122] : memref<3366x96xi32, #tpu.memory_space<hbm>> -> memref<1x96xi32, #tpu.memory_space<hbm>>
        %dma_start3A_124 = tpu.memref_squeeze %dma_start3A_123 : memref<1x96xi32, #tpu.memory_space<hbm>> -> memref<96xi32, #tpu.memory_space<hbm>>
        %dma_start3A_125 = arith.constant 0 : i32
        %dma_start3A_126 = tpu.memref_slice %arg4[%add3A_121, %dma_start3A_125] : memref<3366x96xi32, #tpu.memory_space<hbm>> -> memref<1x96xi32, #tpu.memory_space<hbm>>
        %dma_start3A_127 = tpu.memref_squeeze %dma_start3A_126 : memref<1x96xi32, #tpu.memory_space<hbm>> -> memref<96xi32, #tpu.memory_space<hbm>>
        tpu.enqueue_dma source(%dma_start3A_127 : memref<96xi32, #tpu.memory_space<hbm>>) target(%arg10 : memref<96xi32, #tpu.memory_space<vmem>>) target_semaphore(%arg17 : memref<!tpu.dma_semaphore, #tpu.memory_space<semaphore_mem>>)
        %mul3A_128 = arith.constant 96 : i32
        %mul3A_129 = arith.muli %add3A_120, %mul3A_128 : i32
        %dma_start3A_130 = tpu.memref_slice %arg7[%mul3A_129] : memref<10080xi32, #tpu.memory_space<vmem>> -> memref<96xi32, #tpu.memory_space<vmem>>
        %dma_start3A_131 = arith.constant 0 : i32
        %dma_start3A_132 = arith.constant 0 : i32
        %dma_start3A_133 = tpu.memref_slice %arg2[%dma_start3A_131, %dma_start3A_132] : memref<10000x128xf32, #tpu.memory_space<hbm>> -> memref<10000x128xf32, #tpu.memory_space<hbm>>
        tpu.enqueue_indirect_dma source(%dma_start3A_133 : memref<10000x128xf32, #tpu.memory_space<hbm>>) target(%arg13 : memref<96x128xf32, #tpu.memory_space<vmem>>) offsets(%dma_start3A_130 : memref<96xi32, #tpu.memory_space<vmem>>) semaphore(%arg17 : memref<!tpu.dma_semaphore, #tpu.memory_space<semaphore_mem>>)
      } else {
      }
      %add3A_91 = arith.constant 1 : i32
      %add3A_92 = arith.addi %mul3A_79, %add3A_91 : i32
      %lt3A_93 = arith.cmpi slt, %add3A_92, %add3A_7 : i32
      %convert_element_type3A_94 = arith.extui %lt3A_93 : i1 to i32
      %cond3A_95 = arith.constant 0 : i32
      %cond3A_96 = arith.cmpi ne, %convert_element_type3A_94, %cond3A_95 : i32
      scf.if %cond3A_96 {
        %dma_wait3A_115 = arith.constant 0 : i32
        %dma_wait3A_116 = arith.constant 0 : i32
        %dma_wait3A_117 = tpu.memref_slice %arg2[%dma_wait3A_115, %dma_wait3A_116] : memref<10000x128xf32, #tpu.memory_space<hbm>> -> memref<96x128xf32, #tpu.memory_space<hbm>>
        %dma_wait3A_118 = arith.constant 0 : i32
        %dma_wait3A_119 = arith.constant 0 : i32
        %dma_wait3A_120 = tpu.memref_slice %arg2[%dma_wait3A_118, %dma_wait3A_119] : memref<10000x128xf32, #tpu.memory_space<hbm>> -> memref<96x128xf32, #tpu.memory_space<hbm>>
        tpu.wait_dma2 semaphore(%arg16 : memref<!tpu.dma_semaphore, #tpu.memory_space<semaphore_mem>>) src(%dma_wait3A_120 : memref<96x128xf32, #tpu.memory_space<hbm>>) dst(%arg12 : memref<96x128xf32, #tpu.memory_space<vmem>>)
        %dma_wait3A_121 = arith.constant 0 : i32
        %dma_wait3A_122 = arith.constant 0 : i32
        %dma_wait3A_123 = tpu.memref_slice %arg4[%dma_wait3A_121, %dma_wait3A_122] : memref<3366x96xi32, #tpu.memory_space<hbm>> -> memref<1x96xi32, #tpu.memory_space<hbm>>
        %dma_wait3A_124 = tpu.memref_squeeze %dma_wait3A_123 : memref<1x96xi32, #tpu.memory_space<hbm>> -> memref<96xi32, #tpu.memory_space<hbm>>
        %dma_wait3A_125 = arith.constant 0 : i32
        %dma_wait3A_126 = tpu.memref_slice %arg4[%dma_wait3A_121, %dma_wait3A_125] : memref<3366x96xi32, #tpu.memory_space<hbm>> -> memref<1x96xi32, #tpu.memory_space<hbm>>
        %dma_wait3A_127 = tpu.memref_squeeze %dma_wait3A_126 : memref<1x96xi32, #tpu.memory_space<hbm>> -> memref<96xi32, #tpu.memory_space<hbm>>
        tpu.wait_dma2 semaphore(%arg16 : memref<!tpu.dma_semaphore, #tpu.memory_space<semaphore_mem>>) src(%dma_wait3A_127 : memref<96xi32, #tpu.memory_space<hbm>>) dst(%arg9 : memref<96xi32, #tpu.memory_space<vmem>>)
        %dma_start3A_128 = arith.constant 0 : i32
        %dma_start3A_129 = arith.constant 0 : i32
        %dma_start3A_130 = tpu.memref_slice %arg14[%dma_start3A_128, %dma_start3A_129] : memref<10112x128xf32, #tpu.memory_space<vmem_shared>> -> memref<10112x128xf32, #tpu.memory_space<vmem_shared>>
        tpu.enqueue_indirect_dma source(%arg12 : memref<96x128xf32, #tpu.memory_space<vmem>>) target(%dma_start3A_130 : memref<10112x128xf32, #tpu.memory_space<vmem_shared>>) offsets(%arg9 : memref<96xi32, #tpu.memory_space<vmem>>) semaphore(%arg19 : memref<!tpu.dma_semaphore, #tpu.memory_space<semaphore_mem>>) {add = true}
      } else {
      }
      %add3A_97 = arith.constant 2 : i32
      %add3A_98 = arith.addi %add3A_92, %add3A_97 : i32
      %lt3A_99 = arith.cmpi slt, %add3A_98, %add3A_7 : i32
      %convert_element_type3A_100 = arith.extui %lt3A_99 : i1 to i32
      %cond3A_101 = arith.constant 0 : i32
      %cond3A_102 = arith.cmpi ne, %convert_element_type3A_100, %cond3A_101 : i32
      scf.if %cond3A_102 {
        %dma_wait3A_115 = arith.constant 0 : i32
        %dma_wait3A_116 = arith.constant 0 : i32
        %dma_wait3A_117 = tpu.memref_slice %arg14[%dma_wait3A_115, %dma_wait3A_116] : memref<10112x128xf32, #tpu.memory_space<vmem_shared>> -> memref<10112x128xf32, #tpu.memory_space<vmem_shared>>
        tpu.wait_indirect_dma semaphore(%arg18 : memref<!tpu.dma_semaphore, #tpu.memory_space<semaphore_mem>>) src(%arg11 : memref<96x128xf32, #tpu.memory_space<vmem>>) dst(%dma_wait3A_117 : memref<10112x128xf32, #tpu.memory_space<vmem_shared>>)
        %add3A_118 = arith.constant 2 : i32
        %add3A_119 = arith.addi %add3A_92, %add3A_118 : i32
        %add3A_120 = arith.addi %add3A_4, %add3A_119 : i32
        %dma_start3A_121 = arith.constant 0 : i32
        %dma_start3A_122 = tpu.memref_slice %arg4[%add3A_120, %dma_start3A_121] : memref<3366x96xi32, #tpu.memory_space<hbm>> -> memref<1x96xi32, #tpu.memory_space<hbm>>
        %dma_start3A_123 = tpu.memref_squeeze %dma_start3A_122 : memref<1x96xi32, #tpu.memory_space<hbm>> -> memref<96xi32, #tpu.memory_space<hbm>>
        %dma_start3A_124 = arith.constant 0 : i32
        %dma_start3A_125 = tpu.memref_slice %arg4[%add3A_120, %dma_start3A_124] : memref<3366x96xi32, #tpu.memory_space<hbm>> -> memref<1x96xi32, #tpu.memory_space<hbm>>
        %dma_start3A_126 = tpu.memref_squeeze %dma_start3A_125 : memref<1x96xi32, #tpu.memory_space<hbm>> -> memref<96xi32, #tpu.memory_space<hbm>>
        tpu.enqueue_dma source(%dma_start3A_126 : memref<96xi32, #tpu.memory_space<hbm>>) target(%arg8 : memref<96xi32, #tpu.memory_space<vmem>>) target_semaphore(%arg15 : memref<!tpu.dma_semaphore, #tpu.memory_space<semaphore_mem>>)
        %mul3A_127 = arith.constant 96 : i32
        %mul3A_128 = arith.muli %add3A_119, %mul3A_127 : i32
        %dma_start3A_129 = tpu.memref_slice %arg7[%mul3A_128] : memref<10080xi32, #tpu.memory_space<vmem>> -> memref<96xi32, #tpu.memory_space<vmem>>
        %dma_start3A_130 = arith.constant 0 : i32
        %dma_start3A_131 = arith.constant 0 : i32
        %dma_start3A_132 = tpu.memref_slice %arg2[%dma_start3A_130, %dma_start3A_131] : memref<10000x128xf32, #tpu.memory_space<hbm>> -> memref<10000x128xf32, #tpu.memory_space<hbm>>
        tpu.enqueue_indirect_dma source(%dma_start3A_132 : memref<10000x128xf32, #tpu.memory_space<hbm>>) target(%arg11 : memref<96x128xf32, #tpu.memory_space<vmem>>) offsets(%dma_start3A_129 : memref<96xi32, #tpu.memory_space<vmem>>) semaphore(%arg15 : memref<!tpu.dma_semaphore, #tpu.memory_space<semaphore_mem>>)
      } else {
      }
      %add3A_103 = arith.constant 2 : i32
      %add3A_104 = arith.addi %mul3A_79, %add3A_103 : i32
      %lt3A_105 = arith.cmpi slt, %add3A_104, %add3A_7 : i32
      %convert_element_type3A_106 = arith.extui %lt3A_105 : i1 to i32
      %cond3A_107 = arith.constant 0 : i32
      %cond3A_108 = arith.cmpi ne, %convert_element_type3A_106, %cond3A_107 : i32
      scf.if %cond3A_108 {
        %dma_wait3A_115 = arith.constant 0 : i32
        %dma_wait3A_116 = arith.constant 0 : i32
        %dma_wait3A_117 = tpu.memref_slice %arg2[%dma_wait3A_115, %dma_wait3A_116] : memref<10000x128xf32, #tpu.memory_space<hbm>> -> memref<96x128xf32, #tpu.memory_space<hbm>>
        %dma_wait3A_118 = arith.constant 0 : i32
        %dma_wait3A_119 = arith.constant 0 : i32
        %dma_wait3A_120 = tpu.memref_slice %arg2[%dma_wait3A_118, %dma_wait3A_119] : memref<10000x128xf32, #tpu.memory_space<hbm>> -> memref<96x128xf32, #tpu.memory_space<hbm>>
        tpu.wait_dma2 semaphore(%arg17 : memref<!tpu.dma_semaphore, #tpu.memory_space<semaphore_mem>>) src(%dma_wait3A_120 : memref<96x128xf32, #tpu.memory_space<hbm>>) dst(%arg13 : memref<96x128xf32, #tpu.memory_space<vmem>>)
        %dma_wait3A_121 = arith.constant 0 : i32
        %dma_wait3A_122 = arith.constant 0 : i32
        %dma_wait3A_123 = tpu.memref_slice %arg4[%dma_wait3A_121, %dma_wait3A_122] : memref<3366x96xi32, #tpu.memory_space<hbm>> -> memref<1x96xi32, #tpu.memory_space<hbm>>
        %dma_wait3A_124 = tpu.memref_squeeze %dma_wait3A_123 : memref<1x96xi32, #tpu.memory_space<hbm>> -> memref<96xi32, #tpu.memory_space<hbm>>
        %dma_wait3A_125 = arith.constant 0 : i32
        %dma_wait3A_126 = tpu.memref_slice %arg4[%dma_wait3A_121, %dma_wait3A_125] : memref<3366x96xi32, #tpu.memory_space<hbm>> -> memref<1x96xi32, #tpu.memory_space<hbm>>
        %dma_wait3A_127 = tpu.memref_squeeze %dma_wait3A_126 : memref<1x96xi32, #tpu.memory_space<hbm>> -> memref<96xi32, #tpu.memory_space<hbm>>
        tpu.wait_dma2 semaphore(%arg17 : memref<!tpu.dma_semaphore, #tpu.memory_space<semaphore_mem>>) src(%dma_wait3A_127 : memref<96xi32, #tpu.memory_space<hbm>>) dst(%arg10 : memref<96xi32, #tpu.memory_space<vmem>>)
        %dma_start3A_128 = arith.constant 0 : i32
        %dma_start3A_129 = arith.constant 0 : i32
        %dma_start3A_130 = tpu.memref_slice %arg14[%dma_start3A_128, %dma_start3A_129] : memref<10112x128xf32, #tpu.memory_space<vmem_shared>> -> memref<10112x128xf32, #tpu.memory_space<vmem_shared>>
        tpu.enqueue_indirect_dma source(%arg13 : memref<96x128xf32, #tpu.memory_space<vmem>>) target(%dma_start3A_130 : memref<10112x128xf32, #tpu.memory_space<vmem_shared>>) offsets(%arg10 : memref<96xi32, #tpu.memory_space<vmem>>) semaphore(%arg20 : memref<!tpu.dma_semaphore, #tpu.memory_space<semaphore_mem>>) {add = true}
      } else {
      }
      %add3A_109 = arith.constant 2 : i32
      %add3A_110 = arith.addi %add3A_104, %add3A_109 : i32
      %lt3A_111 = arith.cmpi slt, %add3A_110, %add3A_7 : i32
      %convert_element_type3A_112 = arith.extui %lt3A_111 : i1 to i32
      %cond3A_113 = arith.constant 0 : i32
      %cond3A_114 = arith.cmpi ne, %convert_element_type3A_112, %cond3A_113 : i32
      scf.if %cond3A_114 {
        %dma_wait3A_115 = arith.constant 0 : i32
        %dma_wait3A_116 = arith.constant 0 : i32
        %dma_wait3A_117 = tpu.memref_slice %arg14[%dma_wait3A_115, %dma_wait3A_116] : memref<10112x128xf32, #tpu.memory_space<vmem_shared>> -> memref<10112x128xf32, #tpu.memory_space<vmem_shared>>
        tpu.wait_indirect_dma semaphore(%arg19 : memref<!tpu.dma_semaphore, #tpu.memory_space<semaphore_mem>>) src(%arg12 : memref<96x128xf32, #tpu.memory_space<vmem>>) dst(%dma_wait3A_117 : memref<10112x128xf32, #tpu.memory_space<vmem_shared>>)
        %add3A_118 = arith.constant 2 : i32
        %add3A_119 = arith.addi %add3A_104, %add3A_118 : i32
        %add3A_120 = arith.addi %add3A_4, %add3A_119 : i32
        %dma_start3A_121 = arith.constant 0 : i32
        %dma_start3A_122 = tpu.memref_slice %arg4[%add3A_120, %dma_start3A_121] : memref<3366x96xi32, #tpu.memory_space<hbm>> -> memref<1x96xi32, #tpu.memory_space<hbm>>
        %dma_start3A_123 = tpu.memref_squeeze %dma_start3A_122 : memref<1x96xi32, #tpu.memory_space<hbm>> -> memref<96xi32, #tpu.memory_space<hbm>>
        %dma_start3A_124 = arith.constant 0 : i32
        %dma_start3A_125 = tpu.memref_slice %arg4[%add3A_120, %dma_start3A_124] : memref<3366x96xi32, #tpu.memory_space<hbm>> -> memref<1x96xi32, #tpu.memory_space<hbm>>
        %dma_start3A_126 = tpu.memref_squeeze %dma_start3A_125 : memref<1x96xi32, #tpu.memory_space<hbm>> -> memref<96xi32, #tpu.memory_space<hbm>>
        tpu.enqueue_dma source(%dma_start3A_126 : memref<96xi32, #tpu.memory_space<hbm>>) target(%arg9 : memref<96xi32, #tpu.memory_space<vmem>>) target_semaphore(%arg16 : memref<!tpu.dma_semaphore, #tpu.memory_space<semaphore_mem>>)
        %mul3A_127 = arith.constant 96 : i32
        %mul3A_128 = arith.muli %add3A_119, %mul3A_127 : i32
        %dma_start3A_129 = tpu.memref_slice %arg7[%mul3A_128] : memref<10080xi32, #tpu.memory_space<vmem>> -> memref<96xi32, #tpu.memory_space<vmem>>
        %dma_start3A_130 = arith.constant 0 : i32
        %dma_start3A_131 = arith.constant 0 : i32
        %dma_start3A_132 = tpu.memref_slice %arg2[%dma_start3A_130, %dma_start3A_131] : memref<10000x128xf32, #tpu.memory_space<hbm>> -> memref<10000x128xf32, #tpu.memory_space<hbm>>
        tpu.enqueue_indirect_dma source(%dma_start3A_132 : memref<10000x128xf32, #tpu.memory_space<hbm>>) target(%arg12 : memref<96x128xf32, #tpu.memory_space<vmem>>) offsets(%dma_start3A_129 : memref<96xi32, #tpu.memory_space<vmem>>) semaphore(%arg16 : memref<!tpu.dma_semaphore, #tpu.memory_space<semaphore_mem>>)
      } else {
      }
    }
    %scan3A_55 = arith.constant 35 : i32
    %dma_wait3A_56 = arith.constant 0 : i32
    %dma_wait3A_57 = arith.constant 0 : i32
    %dma_wait3A_58 = tpu.memref_slice %arg14[%dma_wait3A_56, %dma_wait3A_57] : memref<10112x128xf32, #tpu.memory_space<vmem_shared>> -> memref<10112x128xf32, #tpu.memory_space<vmem_shared>>
    tpu.wait_indirect_dma semaphore(%arg18 : memref<!tpu.dma_semaphore, #tpu.memory_space<semaphore_mem>>) src(%arg11 : memref<96x128xf32, #tpu.memory_space<vmem>>) dst(%dma_wait3A_58 : memref<10112x128xf32, #tpu.memory_space<vmem_shared>>)
    %dma_wait3A_59 = arith.constant 0 : i32
    %dma_wait3A_60 = arith.constant 0 : i32
    %dma_wait3A_61 = tpu.memref_slice %arg14[%dma_wait3A_59, %dma_wait3A_60] : memref<10112x128xf32, #tpu.memory_space<vmem_shared>> -> memref<10112x128xf32, #tpu.memory_space<vmem_shared>>
    tpu.wait_indirect_dma semaphore(%arg19 : memref<!tpu.dma_semaphore, #tpu.memory_space<semaphore_mem>>) src(%arg12 : memref<96x128xf32, #tpu.memory_space<vmem>>) dst(%dma_wait3A_61 : memref<10112x128xf32, #tpu.memory_space<vmem_shared>>)
    %dma_wait3A_62 = arith.constant 0 : i32
    %dma_wait3A_63 = arith.constant 0 : i32
    %dma_wait3A_64 = tpu.memref_slice %arg14[%dma_wait3A_62, %dma_wait3A_63] : memref<10112x128xf32, #tpu.memory_space<vmem_shared>> -> memref<10112x128xf32, #tpu.memory_space<vmem_shared>>
    tpu.wait_indirect_dma semaphore(%arg20 : memref<!tpu.dma_semaphore, #tpu.memory_space<semaphore_mem>>) src(%arg13 : memref<96x128xf32, #tpu.memory_space<vmem>>) dst(%dma_wait3A_64 : memref<10112x128xf32, #tpu.memory_space<vmem_shared>>)
    %barrier3A_65 = arith.constant 0 : index
    tpu.barrier barrier_id(%barrier3A_65)
    %scan3A_66 = arith.constant 0 : i32
    %scan3A_67 = arith.constant 0 : i32
    %scan3A_68 = arith.constant 6 : i32
    %scan3A_69 = arith.addi %scan3A_67, %scan3A_68 : i32
    %scan3A_70 = arith.constant 1 : i32
    scf.for %scan3A_77 = %scan3A_67 to %scan3A_69 step %scan3A_70  : i32 {
      %mul3A_78 = arith.constant 632 : i32
      %mul3A_79 = arith.muli %arg1, %mul3A_78 : i32
      %mul3A_80 = arith.constant 96 : i32
      %mul3A_81 = arith.muli %scan3A_77, %mul3A_80 : i32
      %add3A_82 = arith.addi %mul3A_79, %mul3A_81 : i32
      %multiple_of3A_83 = tpu.assume_multiple %add3A_82, 8 : i32
      "tpu.region"() ({
        %run_scoped3A = tpu.sem_alloc : memref<!tpu.dma_semaphore, #tpu.memory_space<semaphore_mem>>
        %dma_start3A_84 = arith.constant 0 : i32
        %dma_start3A_85 = tpu.memref_slice %arg14[%multiple_of3A_83, %dma_start3A_84] : memref<10112x128xf32, #tpu.memory_space<vmem_shared>> -> memref<96x128xf32, #tpu.memory_space<vmem_shared>>
        %dma_start3A_86 = arith.constant 0 : i32
        %dma_start3A_87 = tpu.memref_slice %arg14[%multiple_of3A_83, %dma_start3A_86] : memref<10112x128xf32, #tpu.memory_space<vmem_shared>> -> memref<96x128xf32, #tpu.memory_space<vmem_shared>>
        tpu.enqueue_dma source(%dma_start3A_87 : memref<96x128xf32, #tpu.memory_space<vmem_shared>>) target(%arg11 : memref<96x128xf32, #tpu.memory_space<vmem>>) target_semaphore(%run_scoped3A : memref<!tpu.dma_semaphore, #tpu.memory_space<semaphore_mem>>)
        %dma_wait3A_88 = arith.constant 0 : i32
        %dma_wait3A_89 = tpu.memref_slice %arg14[%multiple_of3A_83, %dma_wait3A_88] : memref<10112x128xf32, #tpu.memory_space<vmem_shared>> -> memref<96x128xf32, #tpu.memory_space<vmem_shared>>
        %dma_wait3A_90 = arith.constant 0 : i32
        %dma_wait3A_91 = tpu.memref_slice %arg14[%multiple_of3A_83, %dma_wait3A_90] : memref<10112x128xf32, #tpu.memory_space<vmem_shared>> -> memref<96x128xf32, #tpu.memory_space<vmem_shared>>
        tpu.wait_dma2 semaphore(%run_scoped3A : memref<!tpu.dma_semaphore, #tpu.memory_space<semaphore_mem>>) src(%dma_wait3A_91 : memref<96x128xf32, #tpu.memory_space<vmem_shared>>) dst(%arg11 : memref<96x128xf32, #tpu.memory_space<vmem>>)
        tpu.yield
      }) : () -> ()
      "tpu.region"() ({
        %run_scoped3A = tpu.sem_alloc : memref<!tpu.dma_semaphore, #tpu.memory_space<semaphore_mem>>
        %dma_start3A_84 = arith.constant 0 : i32
        %dma_start3A_85 = tpu.memref_slice %arg6[%arg0, %multiple_of3A_83, %dma_start3A_84] : memref<2x10112x128xf32, #tpu.memory_space<hbm>> -> memref<1x96x128xf32, #tpu.memory_space<hbm>>
        %dma_start3A_86 = tpu.memref_squeeze %dma_start3A_85 : memref<1x96x128xf32, #tpu.memory_space<hbm>> -> memref<96x128xf32, #tpu.memory_space<hbm>>
        %dma_start3A_87 = arith.constant 0 : i32
        %dma_start3A_88 = tpu.memref_slice %arg6[%arg0, %multiple_of3A_83, %dma_start3A_87] : memref<2x10112x128xf32, #tpu.memory_space<hbm>> -> memref<1x96x128xf32, #tpu.memory_space<hbm>>
        %dma_start3A_89 = tpu.memref_squeeze %dma_start3A_88 : memref<1x96x128xf32, #tpu.memory_space<hbm>> -> memref<96x128xf32, #tpu.memory_space<hbm>>
        tpu.enqueue_dma source(%arg11 : memref<96x128xf32, #tpu.memory_space<vmem>>) target(%dma_start3A_89 : memref<96x128xf32, #tpu.memory_space<hbm>>) target_semaphore(%run_scoped3A : memref<!tpu.dma_semaphore, #tpu.memory_space<semaphore_mem>>)
        %dma_wait3A_90 = arith.constant 0 : i32
        %dma_wait3A_91 = tpu.memref_slice %arg6[%arg0, %multiple_of3A_83, %dma_wait3A_90] : memref<2x10112x128xf32, #tpu.memory_space<hbm>> -> memref<1x96x128xf32, #tpu.memory_space<hbm>>
        %dma_wait3A_92 = tpu.memref_squeeze %dma_wait3A_91 : memref<1x96x128xf32, #tpu.memory_space<hbm>> -> memref<96x128xf32, #tpu.memory_space<hbm>>
        %dma_wait3A_93 = arith.constant 0 : i32
        %dma_wait3A_94 = tpu.memref_slice %arg6[%arg0, %multiple_of3A_83, %dma_wait3A_93] : memref<2x10112x128xf32, #tpu.memory_space<hbm>> -> memref<1x96x128xf32, #tpu.memory_space<hbm>>
        %dma_wait3A_95 = tpu.memref_squeeze %dma_wait3A_94 : memref<1x96x128xf32, #tpu.memory_space<hbm>> -> memref<96x128xf32, #tpu.memory_space<hbm>>
        tpu.wait_dma2 semaphore(%run_scoped3A : memref<!tpu.dma_semaphore, #tpu.memory_space<semaphore_mem>>) src(%arg11 : memref<96x128xf32, #tpu.memory_space<vmem>>) dst(%dma_wait3A_95 : memref<96x128xf32, #tpu.memory_space<hbm>>)
        tpu.yield
      }) : () -> ()
    }
    %scan3A_71 = arith.constant 6 : i32
    %mul3A_72 = arith.constant 632 : i32
    %mul3A_73 = arith.muli %arg1, %mul3A_72 : i32
    %add3A_74 = arith.constant 576 : i32
    %add3A_75 = arith.addi %mul3A_73, %add3A_74 : i32
    %multiple_of3A_76 = tpu.assume_multiple %add3A_75, 8 : i32
    "tpu.region"() ({
      %run_scoped3A = tpu.sem_alloc : memref<!tpu.dma_semaphore, #tpu.memory_space<semaphore_mem>>
      %dma_start3A_77 = arith.constant 0 : i32
      %dma_start3A_78 = arith.constant 0 : i32
      %dma_start3A_79 = tpu.memref_slice %arg11[%dma_start3A_77, %dma_start3A_78] : memref<96x128xf32, #tpu.memory_space<vmem>> -> memref<56x128xf32, #tpu.memory_space<vmem>>
      %dma_start3A_80 = arith.constant 0 : i32
      %dma_start3A_81 = tpu.memref_slice %arg14[%multiple_of3A_76, %dma_start3A_80] : memref<10112x128xf32, #tpu.memory_space<vmem_shared>> -> memref<56x128xf32, #tpu.memory_space<vmem_shared>>
      %dma_start3A_82 = arith.constant 0 : i32
      %dma_start3A_83 = arith.constant 0 : i32
      %dma_start3A_84 = tpu.memref_slice %arg11[%dma_start3A_82, %dma_start3A_83] : memref<96x128xf32, #tpu.memory_space<vmem>> -> memref<56x128xf32, #tpu.memory_space<vmem>>
      %dma_start3A_85 = arith.constant 0 : i32
      %dma_start3A_86 = tpu.memref_slice %arg14[%multiple_of3A_76, %dma_start3A_85] : memref<10112x128xf32, #tpu.memory_space<vmem_shared>> -> memref<56x128xf32, #tpu.memory_space<vmem_shared>>
      tpu.enqueue_dma source(%dma_start3A_86 : memref<56x128xf32, #tpu.memory_space<vmem_shared>>) target(%dma_start3A_84 : memref<56x128xf32, #tpu.memory_space<vmem>>) target_semaphore(%run_scoped3A : memref<!tpu.dma_semaphore, #tpu.memory_space<semaphore_mem>>)
      %dma_wait3A_87 = arith.constant 0 : i32
      %dma_wait3A_88 = arith.constant 0 : i32
      %dma_wait3A_89 = tpu.memref_slice %arg11[%dma_wait3A_87, %dma_wait3A_88] : memref<96x128xf32, #tpu.memory_space<vmem>> -> memref<56x128xf32, #tpu.memory_space<vmem>>
      %dma_wait3A_90 = arith.constant 0 : i32
      %dma_wait3A_91 = tpu.memref_slice %arg14[%multiple_of3A_76, %dma_wait3A_90] : memref<10112x128xf32, #tpu.memory_space<vmem_shared>> -> memref<56x128xf32, #tpu.memory_space<vmem_shared>>
      %dma_wait3A_92 = arith.constant 0 : i32
      %dma_wait3A_93 = arith.constant 0 : i32
      %dma_wait3A_94 = tpu.memref_slice %arg11[%dma_wait3A_92, %dma_wait3A_93] : memref<96x128xf32, #tpu.memory_space<vmem>> -> memref<56x128xf32, #tpu.memory_space<vmem>>
      %dma_wait3A_95 = arith.constant 0 : i32
      %dma_wait3A_96 = tpu.memref_slice %arg14[%multiple_of3A_76, %dma_wait3A_95] : memref<10112x128xf32, #tpu.memory_space<vmem_shared>> -> memref<56x128xf32, #tpu.memory_space<vmem_shared>>
      tpu.wait_dma2 semaphore(%run_scoped3A : memref<!tpu.dma_semaphore, #tpu.memory_space<semaphore_mem>>) src(%dma_wait3A_96 : memref<56x128xf32, #tpu.memory_space<vmem_shared>>) dst(%dma_wait3A_94 : memref<56x128xf32, #tpu.memory_space<vmem>>)
      tpu.yield
    }) : () -> ()
    "tpu.region"() ({
      %run_scoped3A = tpu.sem_alloc : memref<!tpu.dma_semaphore, #tpu.memory_space<semaphore_mem>>
      %dma_start3A_77 = arith.constant 0 : i32
      %dma_start3A_78 = arith.constant 0 : i32
      %dma_start3A_79 = tpu.memref_slice %arg11[%dma_start3A_77, %dma_start3A_78] : memref<96x128xf32, #tpu.memory_space<vmem>> -> memref<56x128xf32, #tpu.memory_space<vmem>>
      %dma_start3A_80 = arith.constant 0 : i32
      %dma_start3A_81 = tpu.memref_slice %arg6[%arg0, %multiple_of3A_76, %dma_start3A_80] : memref<2x10112x128xf32, #tpu.memory_space<hbm>> -> memref<1x56x128xf32, #tpu.memory_space<hbm>>
      %dma_start3A_82 = tpu.memref_squeeze %dma_start3A_81 : memref<1x56x128xf32, #tpu.memory_space<hbm>> -> memref<56x128xf32, #tpu.memory_space<hbm>>
      %dma_start3A_83 = arith.constant 0 : i32
      %dma_start3A_84 = tpu.memref_slice %arg6[%arg0, %multiple_of3A_76, %dma_start3A_83] : memref<2x10112x128xf32, #tpu.memory_space<hbm>> -> memref<1x56x128xf32, #tpu.memory_space<hbm>>
      %dma_start3A_85 = tpu.memref_squeeze %dma_start3A_84 : memref<1x56x128xf32, #tpu.memory_space<hbm>> -> memref<56x128xf32, #tpu.memory_space<hbm>>
      %dma_start3A_86 = arith.constant 0 : i32
      %dma_start3A_87 = arith.constant 0 : i32
      %dma_start3A_88 = tpu.memref_slice %arg11[%dma_start3A_86, %dma_start3A_87] : memref<96x128xf32, #tpu.memory_space<vmem>> -> memref<56x128xf32, #tpu.memory_space<vmem>>
      tpu.enqueue_dma source(%dma_start3A_88 : memref<56x128xf32, #tpu.memory_space<vmem>>) target(%dma_start3A_85 : memref<56x128xf32, #tpu.memory_space<hbm>>) target_semaphore(%run_scoped3A : memref<!tpu.dma_semaphore, #tpu.memory_space<semaphore_mem>>)
      %dma_wait3A_89 = arith.constant 0 : i32
      %dma_wait3A_90 = arith.constant 0 : i32
      %dma_wait3A_91 = tpu.memref_slice %arg11[%dma_wait3A_89, %dma_wait3A_90] : memref<96x128xf32, #tpu.memory_space<vmem>> -> memref<56x128xf32, #tpu.memory_space<vmem>>
      %dma_wait3A_92 = arith.constant 0 : i32
      %dma_wait3A_93 = tpu.memref_slice %arg6[%arg0, %multiple_of3A_76, %dma_wait3A_92] : memref<2x10112x128xf32, #tpu.memory_space<hbm>> -> memref<1x56x128xf32, #tpu.memory_space<hbm>>
      %dma_wait3A_94 = tpu.memref_squeeze %dma_wait3A_93 : memref<1x56x128xf32, #tpu.memory_space<hbm>> -> memref<56x128xf32, #tpu.memory_space<hbm>>
      %dma_wait3A_95 = arith.constant 0 : i32
      %dma_wait3A_96 = tpu.memref_slice %arg6[%arg0, %multiple_of3A_76, %dma_wait3A_95] : memref<2x10112x128xf32, #tpu.memory_space<hbm>> -> memref<1x56x128xf32, #tpu.memory_space<hbm>>
      %dma_wait3A_97 = tpu.memref_squeeze %dma_wait3A_96 : memref<1x56x128xf32, #tpu.memory_space<hbm>> -> memref<56x128xf32, #tpu.memory_space<hbm>>
      %dma_wait3A_98 = arith.constant 0 : i32
      %dma_wait3A_99 = arith.constant 0 : i32
      %dma_wait3A_100 = tpu.memref_slice %arg11[%dma_wait3A_98, %dma_wait3A_99] : memref<96x128xf32, #tpu.memory_space<vmem>> -> memref<56x128xf32, #tpu.memory_space<vmem>>
      tpu.wait_dma2 semaphore(%run_scoped3A : memref<!tpu.dma_semaphore, #tpu.memory_space<semaphore_mem>>) src(%dma_wait3A_100 : memref<56x128xf32, #tpu.memory_space<vmem>>) dst(%dma_wait3A_97 : memref<56x128xf32, #tpu.memory_space<hbm>>)
      tpu.yield
    }) : () -> ()
    return
  }
}

#map = affine_map<(d0, d1) -> (0, 0)>
#map1 = affine_map<(d0, d1) -> (0)>
#map2 = affine_map<(d0, d1) -> (0, 0, 0)>
module attributes {stable_mosaic.version = 14 : i64} {
  func.func @prop_kernel(%arg0: i32, %arg1: i32, %arg2: memref<10000x128xf32, #tpu.memory_space<hbm>>, %arg3: memref<323136xi32, #tpu.memory_space<hbm>>, %arg4: memref<3366x96xi32, #tpu.memory_space<hbm>>, %arg5: memref<96x128xf32, #tpu.memory_space<hbm>>, %arg6: memref<2x10112x128xf32, #tpu.memory_space<hbm>>, %arg7: memref<10080xi32, #tpu.memory_space<vmem>>, %arg8: memref<96xi32, #tpu.memory_space<vmem>>, %arg9: memref<96xi32, #tpu.memory_space<vmem>>, %arg10: memref<96xi32, #tpu.memory_space<vmem>>, %arg11: memref<96x128xf32, #tpu.memory_space<vmem>>, %arg12: memref<96x128xf32, #tpu.memory_space<vmem>>, %arg13: memref<96x128xf32, #tpu.memory_space<vmem>>, %arg14: memref<10112x128xf32, #tpu.memory_space<vmem_shared>>, %arg15: memref<!tpu.dma_semaphore, #tpu.memory_space<semaphore_mem>>, %arg16: memref<!tpu.dma_semaphore, #tpu.memory_space<semaphore_mem>>, %arg17: memref<!tpu.dma_semaphore, #tpu.memory_space<semaphore_mem>>, %arg18: memref<!tpu.dma_semaphore, #tpu.memory_space<semaphore_mem>>, %arg19: memref<!tpu.dma_semaphore, #tpu.memory_space<semaphore_mem>>, %arg20: memref<!tpu.dma_semaphore, #tpu.memory_space<semaphore_mem>>) attributes {dimension_semantics = [#tpu.dimension_semantics<core_parallel>, #tpu.dimension_semantics<subcore_parallel>], iteration_bounds = array<i64: 2, 16>, scalar_prefetch = 0 : i64, scratch_operands = 14 : i64, tpu.core_type = #tpu.core_type<sc_vector_subcore>, window_params = [{transform_indices = #map}, {transform_indices = #map1}, {transform_indices = #map}, {transform_indices = #map}, {transform_indices = #map2}]} {
    %mul3A = arith.constant 2 : i32
    %mul3A_0 = arith.muli %arg1, %mul3A : i32
    %add3A = arith.addi %mul3A_0, %arg0 : i32
    %mul3A_1 = arith.constant 104 : i32
    %mul3A_2 = arith.muli %mul3A_1, %add3A : i32
    %min3A = arith.constant 6 : i32
    %min3A_3 = arith.minsi %add3A, %min3A : i32
    %add3A_4 = arith.addi %mul3A_2, %min3A_3 : i32
    %lt3A = arith.constant 6 : i32
    %lt3A_5 = arith.cmpi slt, %add3A, %lt3A : i32
    %convert_element_type3A = arith.extui %lt3A_5 : i1 to i32
    %add3A_6 = arith.constant 104 : i32
    %add3A_7 = arith.addi %add3A_6, %convert_element_type3A : i32
    %mul3A_8 = arith.constant 96 : i32
    %mul3A_9 = arith.muli %add3A_4, %mul3A_8 : i32
    %multiple_of3A = tpu.assume_multiple %mul3A_9, 8 : i32
    %dma_start3A = tpu.memref_slice %arg3[%multiple_of3A] : memref<323136xi32, #tpu.memory_space<hbm>> -> memref<10080xi32, #tpu.memory_space<hbm>>
    %dma_start3A_10 = tpu.memref_slice %arg3[%multiple_of3A] : memref<323136xi32, #tpu.memory_space<hbm>> -> memref<10080xi32, #tpu.memory_space<hbm>>
    tpu.enqueue_dma source(%dma_start3A_10 : memref<10080xi32, #tpu.memory_space<hbm>>) target(%arg7 : memref<10080xi32, #tpu.memory_space<vmem>>) target_semaphore(%arg15 : memref<!tpu.dma_semaphore, #tpu.memory_space<semaphore_mem>>)
    "tpu.region"() ({
      %run_scoped3A = tpu.sem_alloc : memref<!tpu.dma_semaphore, #tpu.memory_space<semaphore_mem>>
      tpu.enqueue_dma source(%arg5 : memref<96x128xf32, #tpu.memory_space<hbm>>) target(%arg12 : memref<96x128xf32, #tpu.memory_space<vmem>>) target_semaphore(%run_scoped3A : memref<!tpu.dma_semaphore, #tpu.memory_space<semaphore_mem>>)
      tpu.wait_dma2 semaphore(%run_scoped3A : memref<!tpu.dma_semaphore, #tpu.memory_space<semaphore_mem>>) src(%arg5 : memref<96x128xf32, #tpu.memory_space<hbm>>) dst(%arg12 : memref<96x128xf32, #tpu.memory_space<vmem>>)
      tpu.yield
    }) : () -> ()
    %scan3A = arith.constant 0 : i32
    %scan3A_11 = arith.constant 0 : i32
    %scan3A_12 = arith.constant 6 : i32
    %scan3A_13 = arith.addi %scan3A_11, %scan3A_12 : i32
    %scan3A_14 = arith.constant 1 : i32
    scf.for %scan3A_77 = %scan3A_11 to %scan3A_13 step %scan3A_14  : i32 {
      %mul3A_78 = arith.constant 632 : i32
      %mul3A_79 = arith.muli %arg1, %mul3A_78 : i32
      %mul3A_80 = arith.constant 96 : i32
      %mul3A_81 = arith.muli %scan3A_77, %mul3A_80 : i32
      %add3A_82 = arith.addi %mul3A_79, %mul3A_81 : i32
      %multiple_of3A_83 = tpu.assume_multiple %add3A_82, 8 : i32
      "tpu.region"() ({
        %run_scoped3A = tpu.sem_alloc : memref<!tpu.dma_semaphore, #tpu.memory_space<semaphore_mem>>
        %dma_start3A_84 = arith.constant 0 : i32
        %dma_start3A_85 = tpu.memref_slice %arg14[%multiple_of3A_83, %dma_start3A_84] : memref<10112x128xf32, #tpu.memory_space<vmem_shared>> -> memref<96x128xf32, #tpu.memory_space<vmem_shared>>
        %dma_start3A_86 = arith.constant 0 : i32
        %dma_start3A_87 = tpu.memref_slice %arg14[%multiple_of3A_83, %dma_start3A_86] : memref<10112x128xf32, #tpu.memory_space<vmem_shared>> -> memref<96x128xf32, #tpu.memory_space<vmem_shared>>
        tpu.enqueue_dma source(%arg12 : memref<96x128xf32, #tpu.memory_space<vmem>>) target(%dma_start3A_87 : memref<96x128xf32, #tpu.memory_space<vmem_shared>>) target_semaphore(%run_scoped3A : memref<!tpu.dma_semaphore, #tpu.memory_space<semaphore_mem>>)
        %dma_wait3A_88 = arith.constant 0 : i32
        %dma_wait3A_89 = tpu.memref_slice %arg14[%multiple_of3A_83, %dma_wait3A_88] : memref<10112x128xf32, #tpu.memory_space<vmem_shared>> -> memref<96x128xf32, #tpu.memory_space<vmem_shared>>
        %dma_wait3A_90 = arith.constant 0 : i32
        %dma_wait3A_91 = tpu.memref_slice %arg14[%multiple_of3A_83, %dma_wait3A_90] : memref<10112x128xf32, #tpu.memory_space<vmem_shared>> -> memref<96x128xf32, #tpu.memory_space<vmem_shared>>
        tpu.wait_dma2 semaphore(%run_scoped3A : memref<!tpu.dma_semaphore, #tpu.memory_space<semaphore_mem>>) src(%arg12 : memref<96x128xf32, #tpu.memory_space<vmem>>) dst(%dma_wait3A_91 : memref<96x128xf32, #tpu.memory_space<vmem_shared>>)
        tpu.yield
      }) : () -> ()
    }
    %scan3A_15 = arith.constant 6 : i32
    %mul3A_16 = arith.constant 632 : i32
    %mul3A_17 = arith.muli %arg1, %mul3A_16 : i32
    %add3A_18 = arith.constant 576 : i32
    %add3A_19 = arith.addi %mul3A_17, %add3A_18 : i32
    %multiple_of3A_20 = tpu.assume_multiple %add3A_19, 8 : i32
    "tpu.region"() ({
      %run_scoped3A = tpu.sem_alloc : memref<!tpu.dma_semaphore, #tpu.memory_space<semaphore_mem>>
      %dma_start3A_77 = arith.constant 0 : i32
      %dma_start3A_78 = arith.constant 0 : i32
      %dma_start3A_79 = tpu.memref_slice %arg12[%dma_start3A_77, %dma_start3A_78] : memref<96x128xf32, #tpu.memory_space<vmem>> -> memref<56x128xf32, #tpu.memory_space<vmem>>
      %dma_start3A_80 = arith.constant 0 : i32
      %dma_start3A_81 = tpu.memref_slice %arg14[%multiple_of3A_20, %dma_start3A_80] : memref<10112x128xf32, #tpu.memory_space<vmem_shared>> -> memref<56x128xf32, #tpu.memory_space<vmem_shared>>
      %dma_start3A_82 = arith.constant 0 : i32
      %dma_start3A_83 = tpu.memref_slice %arg14[%multiple_of3A_20, %dma_start3A_82] : memref<10112x128xf32, #tpu.memory_space<vmem_shared>> -> memref<56x128xf32, #tpu.memory_space<vmem_shared>>
      %dma_start3A_84 = arith.constant 0 : i32
      %dma_start3A_85 = arith.constant 0 : i32
      %dma_start3A_86 = tpu.memref_slice %arg12[%dma_start3A_84, %dma_start3A_85] : memref<96x128xf32, #tpu.memory_space<vmem>> -> memref<56x128xf32, #tpu.memory_space<vmem>>
      tpu.enqueue_dma source(%dma_start3A_86 : memref<56x128xf32, #tpu.memory_space<vmem>>) target(%dma_start3A_83 : memref<56x128xf32, #tpu.memory_space<vmem_shared>>) target_semaphore(%run_scoped3A : memref<!tpu.dma_semaphore, #tpu.memory_space<semaphore_mem>>)
      %dma_wait3A_87 = arith.constant 0 : i32
      %dma_wait3A_88 = arith.constant 0 : i32
      %dma_wait3A_89 = tpu.memref_slice %arg12[%dma_wait3A_87, %dma_wait3A_88] : memref<96x128xf32, #tpu.memory_space<vmem>> -> memref<56x128xf32, #tpu.memory_space<vmem>>
      %dma_wait3A_90 = arith.constant 0 : i32
      %dma_wait3A_91 = tpu.memref_slice %arg14[%multiple_of3A_20, %dma_wait3A_90] : memref<10112x128xf32, #tpu.memory_space<vmem_shared>> -> memref<56x128xf32, #tpu.memory_space<vmem_shared>>
      %dma_wait3A_92 = arith.constant 0 : i32
      %dma_wait3A_93 = tpu.memref_slice %arg14[%multiple_of3A_20, %dma_wait3A_92] : memref<10112x128xf32, #tpu.memory_space<vmem_shared>> -> memref<56x128xf32, #tpu.memory_space<vmem_shared>>
      %dma_wait3A_94 = arith.constant 0 : i32
      %dma_wait3A_95 = arith.constant 0 : i32
      %dma_wait3A_96 = tpu.memref_slice %arg12[%dma_wait3A_94, %dma_wait3A_95] : memref<96x128xf32, #tpu.memory_space<vmem>> -> memref<56x128xf32, #tpu.memory_space<vmem>>
      tpu.wait_dma2 semaphore(%run_scoped3A : memref<!tpu.dma_semaphore, #tpu.memory_space<semaphore_mem>>) src(%dma_wait3A_96 : memref<56x128xf32, #tpu.memory_space<vmem>>) dst(%dma_wait3A_93 : memref<56x128xf32, #tpu.memory_space<vmem_shared>>)
      tpu.yield
    }) : () -> ()
    %dma_wait3A = arith.constant 0 : i32
    %dma_wait3A_21 = tpu.memref_slice %arg3[%dma_wait3A] : memref<323136xi32, #tpu.memory_space<hbm>> -> memref<10080xi32, #tpu.memory_space<hbm>>
    %dma_wait3A_22 = arith.constant 0 : i32
    %dma_wait3A_23 = tpu.memref_slice %arg3[%dma_wait3A_22] : memref<323136xi32, #tpu.memory_space<hbm>> -> memref<10080xi32, #tpu.memory_space<hbm>>
    tpu.wait_dma2 semaphore(%arg15 : memref<!tpu.dma_semaphore, #tpu.memory_space<semaphore_mem>>) src(%dma_wait3A_23 : memref<10080xi32, #tpu.memory_space<hbm>>) dst(%arg7 : memref<10080xi32, #tpu.memory_space<vmem>>)
    %barrier3A = arith.constant 0 : index
    tpu.barrier barrier_id(%barrier3A)
    %add3A_24 = arith.constant 0 : i32
    %add3A_25 = arith.addi %add3A_4, %add3A_24 : i32
    %dma_start3A_26 = arith.constant 0 : i32
    %dma_start3A_27 = tpu.memref_slice %arg4[%add3A_25, %dma_start3A_26] : memref<3366x96xi32, #tpu.memory_space<hbm>> -> memref<1x96xi32, #tpu.memory_space<hbm>>
    %dma_start3A_28 = tpu.memref_squeeze %dma_start3A_27 : memref<1x96xi32, #tpu.memory_space<hbm>> -> memref<96xi32, #tpu.memory_space<hbm>>
    %dma_start3A_29 = arith.constant 0 : i32
    %dma_start3A_30 = tpu.memref_slice %arg4[%add3A_25, %dma_start3A_29] : memref<3366x96xi32, #tpu.memory_space<hbm>> -> memref<1x96xi32, #tpu.memory_space<hbm>>
    %dma_start3A_31 = tpu.memref_squeeze %dma_start3A_30 : memref<1x96xi32, #tpu.memory_space<hbm>> -> memref<96xi32, #tpu.memory_space<hbm>>
    tpu.enqueue_dma source(%dma_start3A_31 : memref<96xi32, #tpu.memory_space<hbm>>) target(%arg8 : memref<96xi32, #tpu.memory_space<vmem>>) target_semaphore(%arg15 : memref<!tpu.dma_semaphore, #tpu.memory_space<semaphore_mem>>)
    %dma_start3A_32 = arith.constant 0 : i32
    %dma_start3A_33 = tpu.memref_slice %arg7[%dma_start3A_32] : memref<10080xi32, #tpu.memory_space<vmem>> -> memref<96xi32, #tpu.memory_space<vmem>>
    %dma_start3A_34 = arith.constant 0 : i32
    %dma_start3A_35 = arith.constant 0 : i32
    %dma_start3A_36 = tpu.memref_slice %arg2[%dma_start3A_34, %dma_start3A_35] : memref<10000x128xf32, #tpu.memory_space<hbm>> -> memref<10000x128xf32, #tpu.memory_space<hbm>>
    tpu.enqueue_indirect_dma source(%dma_start3A_36 : memref<10000x128xf32, #tpu.memory_space<hbm>>) target(%arg11 : memref<96x128xf32, #tpu.memory_space<vmem>>) offsets(%dma_start3A_33 : memref<96xi32, #tpu.memory_space<vmem>>) semaphore(%arg15 : memref<!tpu.dma_semaphore, #tpu.memory_space<semaphore_mem>>)
    %add3A_37 = arith.constant 1 : i32
    %add3A_38 = arith.addi %add3A_4, %add3A_37 : i32
    %dma_start3A_39 = arith.constant 0 : i32
    %dma_start3A_40 = tpu.memref_slice %arg4[%add3A_38, %dma_start3A_39] : memref<3366x96xi32, #tpu.memory_space<hbm>> -> memref<1x96xi32, #tpu.memory_space<hbm>>
    %dma_start3A_41 = tpu.memref_squeeze %dma_start3A_40 : memref<1x96xi32, #tpu.memory_space<hbm>> -> memref<96xi32, #tpu.memory_space<hbm>>
    %dma_start3A_42 = arith.constant 0 : i32
    %dma_start3A_43 = tpu.memref_slice %arg4[%add3A_38, %dma_start3A_42] : memref<3366x96xi32, #tpu.memory_space<hbm>> -> memref<1x96xi32, #tpu.memory_space<hbm>>
    %dma_start3A_44 = tpu.memref_squeeze %dma_start3A_43 : memref<1x96xi32, #tpu.memory_space<hbm>> -> memref<96xi32, #tpu.memory_space<hbm>>
    tpu.enqueue_dma source(%dma_start3A_44 : memref<96xi32, #tpu.memory_space<hbm>>) target(%arg9 : memref<96xi32, #tpu.memory_space<vmem>>) target_semaphore(%arg16 : memref<!tpu.dma_semaphore, #tpu.memory_space<semaphore_mem>>)
    %dma_start3A_45 = arith.constant 96 : i32
    %dma_start3A_46 = tpu.memref_slice %arg7[%dma_start3A_45] : memref<10080xi32, #tpu.memory_space<vmem>> -> memref<96xi32, #tpu.memory_space<vmem>>
    %dma_start3A_47 = arith.constant 0 : i32
    %dma_start3A_48 = arith.constant 0 : i32
    %dma_start3A_49 = tpu.memref_slice %arg2[%dma_start3A_47, %dma_start3A_48] : memref<10000x128xf32, #tpu.memory_space<hbm>> -> memref<10000x128xf32, #tpu.memory_space<hbm>>
    tpu.enqueue_indirect_dma source(%dma_start3A_49 : memref<10000x128xf32, #tpu.memory_space<hbm>>) target(%arg12 : memref<96x128xf32, #tpu.memory_space<vmem>>) offsets(%dma_start3A_46 : memref<96xi32, #tpu.memory_space<vmem>>) semaphore(%arg16 : memref<!tpu.dma_semaphore, #tpu.memory_space<semaphore_mem>>)
    %scan3A_50 = arith.constant 0 : i32
    %scan3A_51 = arith.constant 0 : i32
    %scan3A_52 = arith.constant 35 : i32
    %scan3A_53 = arith.addi %scan3A_51, %scan3A_52 : i32
    %scan3A_54 = arith.constant 1 : i32
    scf.for %scan3A_77 = %scan3A_51 to %scan3A_53 step %scan3A_54  : i32 {
      %mul3A_78 = arith.constant 3 : i32
      %mul3A_79 = arith.muli %mul3A_78, %scan3A_77 : i32
      %add3A_80 = arith.constant 0 : i32
      %add3A_81 = arith.addi %mul3A_79, %add3A_80 : i32
      %lt3A_82 = arith.cmpi slt, %add3A_81, %add3A_7 : i32
      %convert_element_type3A_83 = arith.extui %lt3A_82 : i1 to i32
      %cond3A = arith.constant 0 : i32
      %cond3A_84 = arith.cmpi ne, %convert_element_type3A_83, %cond3A : i32
      scf.if %cond3A_84 {
        %dma_wait3A_115 = arith.constant 0 : i32
        %dma_wait3A_116 = arith.constant 0 : i32
        %dma_wait3A_117 = tpu.memref_slice %arg2[%dma_wait3A_115, %dma_wait3A_116] : memref<10000x128xf32, #tpu.memory_space<hbm>> -> memref<96x128xf32, #tpu.memory_space<hbm>>
        %dma_wait3A_118 = arith.constant 0 : i32
        %dma_wait3A_119 = arith.constant 0 : i32
        %dma_wait3A_120 = tpu.memref_slice %arg2[%dma_wait3A_118, %dma_wait3A_119] : memref<10000x128xf32, #tpu.memory_space<hbm>> -> memref<96x128xf32, #tpu.memory_space<hbm>>
        tpu.wait_dma2 semaphore(%arg15 : memref<!tpu.dma_semaphore, #tpu.memory_space<semaphore_mem>>) src(%dma_wait3A_120 : memref<96x128xf32, #tpu.memory_space<hbm>>) dst(%arg11 : memref<96x128xf32, #tpu.memory_space<vmem>>)
        %dma_wait3A_121 = arith.constant 0 : i32
        %dma_wait3A_122 = arith.constant 0 : i32
        %dma_wait3A_123 = tpu.memref_slice %arg4[%dma_wait3A_121, %dma_wait3A_122] : memref<3366x96xi32, #tpu.memory_space<hbm>> -> memref<1x96xi32, #tpu.memory_space<hbm>>
        %dma_wait3A_124 = tpu.memref_squeeze %dma_wait3A_123 : memref<1x96xi32, #tpu.memory_space<hbm>> -> memref<96xi32, #tpu.memory_space<hbm>>
        %dma_wait3A_125 = arith.constant 0 : i32
        %dma_wait3A_126 = tpu.memref_slice %arg4[%dma_wait3A_121, %dma_wait3A_125] : memref<3366x96xi32, #tpu.memory_space<hbm>> -> memref<1x96xi32, #tpu.memory_space<hbm>>
        %dma_wait3A_127 = tpu.memref_squeeze %dma_wait3A_126 : memref<1x96xi32, #tpu.memory_space<hbm>> -> memref<96xi32, #tpu.memory_space<hbm>>
        tpu.wait_dma2 semaphore(%arg15 : memref<!tpu.dma_semaphore, #tpu.memory_space<semaphore_mem>>) src(%dma_wait3A_127 : memref<96xi32, #tpu.memory_space<hbm>>) dst(%arg8 : memref<96xi32, #tpu.memory_space<vmem>>)
        %dma_start3A_128 = arith.constant 0 : i32
        %dma_start3A_129 = arith.constant 0 : i32
        %dma_start3A_130 = tpu.memref_slice %arg14[%dma_start3A_128, %dma_start3A_129] : memref<10112x128xf32, #tpu.memory_space<vmem_shared>> -> memref<10112x128xf32, #tpu.memory_space<vmem_shared>>
        tpu.enqueue_indirect_dma source(%arg11 : memref<96x128xf32, #tpu.memory_space<vmem>>) target(%dma_start3A_130 : memref<10112x128xf32, #tpu.memory_space<vmem_shared>>) offsets(%arg8 : memref<96xi32, #tpu.memory_space<vmem>>) semaphore(%arg18 : memref<!tpu.dma_semaphore, #tpu.memory_space<semaphore_mem>>) {add = true}
      } else {
      }
      %add3A_85 = arith.constant 2 : i32
      %add3A_86 = arith.addi %add3A_81, %add3A_85 : i32
      %lt3A_87 = arith.cmpi slt, %add3A_86, %add3A_7 : i32
      %convert_element_type3A_88 = arith.extui %lt3A_87 : i1 to i32
      %cond3A_89 = arith.constant 0 : i32
      %cond3A_90 = arith.cmpi ne, %convert_element_type3A_88, %cond3A_89 : i32
      scf.if %cond3A_90 {
        %gt3A = arith.constant 0 : i32
        %gt3A_115 = arith.cmpi sgt, %scan3A_77, %gt3A : i32
        %convert_element_type3A_116 = arith.extui %gt3A_115 : i1 to i32
        %cond3A_117 = arith.constant 0 : i32
        %cond3A_118 = arith.cmpi ne, %convert_element_type3A_116, %cond3A_117 : i32
        scf.if %cond3A_118 {
          %dma_wait3A_134 = arith.constant 0 : i32
          %dma_wait3A_135 = arith.constant 0 : i32
          %dma_wait3A_136 = tpu.memref_slice %arg14[%dma_wait3A_134, %dma_wait3A_135] : memref<10112x128xf32, #tpu.memory_space<vmem_shared>> -> memref<10112x128xf32, #tpu.memory_space<vmem_shared>>
          tpu.wait_indirect_dma semaphore(%arg20 : memref<!tpu.dma_semaphore, #tpu.memory_space<semaphore_mem>>) src(%arg13 : memref<96x128xf32, #tpu.memory_space<vmem>>) dst(%dma_wait3A_136 : memref<10112x128xf32, #tpu.memory_space<vmem_shared>>)
        } else {
        }
        %add3A_119 = arith.constant 2 : i32
        %add3A_120 = arith.addi %add3A_81, %add3A_119 : i32
        %add3A_121 = arith.addi %add3A_4, %add3A_120 : i32
        %dma_start3A_122 = arith.constant 0 : i32
        %dma_start3A_123 = tpu.memref_slice %arg4[%add3A_121, %dma_start3A_122] : memref<3366x96xi32, #tpu.memory_space<hbm>> -> memref<1x96xi32, #tpu.memory_space<hbm>>
        %dma_start3A_124 = tpu.memref_squeeze %dma_start3A_123 : memref<1x96xi32, #tpu.memory_space<hbm>> -> memref<96xi32, #tpu.memory_space<hbm>>
        %dma_start3A_125 = arith.constant 0 : i32
        %dma_start3A_126 = tpu.memref_slice %arg4[%add3A_121, %dma_start3A_125] : memref<3366x96xi32, #tpu.memory_space<hbm>> -> memref<1x96xi32, #tpu.memory_space<hbm>>
        %dma_start3A_127 = tpu.memref_squeeze %dma_start3A_126 : memref<1x96xi32, #tpu.memory_space<hbm>> -> memref<96xi32, #tpu.memory_space<hbm>>
        tpu.enqueue_dma source(%dma_start3A_127 : memref<96xi32, #tpu.memory_space<hbm>>) target(%arg10 : memref<96xi32, #tpu.memory_space<vmem>>) target_semaphore(%arg17 : memref<!tpu.dma_semaphore, #tpu.memory_space<semaphore_mem>>)
        %mul3A_128 = arith.constant 96 : i32
        %mul3A_129 = arith.muli %add3A_120, %mul3A_128 : i32
        %dma_start3A_130 = tpu.memref_slice %arg7[%mul3A_129] : memref<10080xi32, #tpu.memory_space<vmem>> -> memref<96xi32, #tpu.memory_space<vmem>>
        %dma_start3A_131 = arith.constant 0 : i32
        %dma_start3A_132 = arith.constant 0 : i32
        %dma_start3A_133 = tpu.memref_slice %arg2[%dma_start3A_131, %dma_start3A_132] : memref<10000x128xf32, #tpu.memory_space<hbm>> -> memref<10000x128xf32, #tpu.memory_space<hbm>>
        tpu.enqueue_indirect_dma source(%dma_start3A_133 : memref<10000x128xf32, #tpu.memory_space<hbm>>) target(%arg13 : memref<96x128xf32, #tpu.memory_space<vmem>>) offsets(%dma_start3A_130 : memref<96xi32, #tpu.memory_space<vmem>>) semaphore(%arg17 : memref<!tpu.dma_semaphore, #tpu.memory_space<semaphore_mem>>)
      } else {
      }
      %add3A_91 = arith.constant 1 : i32
      %add3A_92 = arith.addi %mul3A_79, %add3A_91 : i32
      %lt3A_93 = arith.cmpi slt, %add3A_92, %add3A_7 : i32
      %convert_element_type3A_94 = arith.extui %lt3A_93 : i1 to i32
      %cond3A_95 = arith.constant 0 : i32
      %cond3A_96 = arith.cmpi ne, %convert_element_type3A_94, %cond3A_95 : i32
      scf.if %cond3A_96 {
        %dma_wait3A_115 = arith.constant 0 : i32
        %dma_wait3A_116 = arith.constant 0 : i32
        %dma_wait3A_117 = tpu.memref_slice %arg2[%dma_wait3A_115, %dma_wait3A_116] : memref<10000x128xf32, #tpu.memory_space<hbm>> -> memref<96x128xf32, #tpu.memory_space<hbm>>
        %dma_wait3A_118 = arith.constant 0 : i32
        %dma_wait3A_119 = arith.constant 0 : i32
        %dma_wait3A_120 = tpu.memref_slice %arg2[%dma_wait3A_118, %dma_wait3A_119] : memref<10000x128xf32, #tpu.memory_space<hbm>> -> memref<96x128xf32, #tpu.memory_space<hbm>>
        tpu.wait_dma2 semaphore(%arg16 : memref<!tpu.dma_semaphore, #tpu.memory_space<semaphore_mem>>) src(%dma_wait3A_120 : memref<96x128xf32, #tpu.memory_space<hbm>>) dst(%arg12 : memref<96x128xf32, #tpu.memory_space<vmem>>)
        %dma_wait3A_121 = arith.constant 0 : i32
        %dma_wait3A_122 = arith.constant 0 : i32
        %dma_wait3A_123 = tpu.memref_slice %arg4[%dma_wait3A_121, %dma_wait3A_122] : memref<3366x96xi32, #tpu.memory_space<hbm>> -> memref<1x96xi32, #tpu.memory_space<hbm>>
        %dma_wait3A_124 = tpu.memref_squeeze %dma_wait3A_123 : memref<1x96xi32, #tpu.memory_space<hbm>> -> memref<96xi32, #tpu.memory_space<hbm>>
        %dma_wait3A_125 = arith.constant 0 : i32
        %dma_wait3A_126 = tpu.memref_slice %arg4[%dma_wait3A_121, %dma_wait3A_125] : memref<3366x96xi32, #tpu.memory_space<hbm>> -> memref<1x96xi32, #tpu.memory_space<hbm>>
        %dma_wait3A_127 = tpu.memref_squeeze %dma_wait3A_126 : memref<1x96xi32, #tpu.memory_space<hbm>> -> memref<96xi32, #tpu.memory_space<hbm>>
        tpu.wait_dma2 semaphore(%arg16 : memref<!tpu.dma_semaphore, #tpu.memory_space<semaphore_mem>>) src(%dma_wait3A_127 : memref<96xi32, #tpu.memory_space<hbm>>) dst(%arg9 : memref<96xi32, #tpu.memory_space<vmem>>)
        %dma_start3A_128 = arith.constant 0 : i32
        %dma_start3A_129 = arith.constant 0 : i32
        %dma_start3A_130 = tpu.memref_slice %arg14[%dma_start3A_128, %dma_start3A_129] : memref<10112x128xf32, #tpu.memory_space<vmem_shared>> -> memref<10112x128xf32, #tpu.memory_space<vmem_shared>>
        tpu.enqueue_indirect_dma source(%arg12 : memref<96x128xf32, #tpu.memory_space<vmem>>) target(%dma_start3A_130 : memref<10112x128xf32, #tpu.memory_space<vmem_shared>>) offsets(%arg9 : memref<96xi32, #tpu.memory_space<vmem>>) semaphore(%arg19 : memref<!tpu.dma_semaphore, #tpu.memory_space<semaphore_mem>>) {add = true}
      } else {
      }
      %add3A_97 = arith.constant 2 : i32
      %add3A_98 = arith.addi %add3A_92, %add3A_97 : i32
      %lt3A_99 = arith.cmpi slt, %add3A_98, %add3A_7 : i32
      %convert_element_type3A_100 = arith.extui %lt3A_99 : i1 to i32
      %cond3A_101 = arith.constant 0 : i32
      %cond3A_102 = arith.cmpi ne, %convert_element_type3A_100, %cond3A_101 : i32
      scf.if %cond3A_102 {
        %dma_wait3A_115 = arith.constant 0 : i32
        %dma_wait3A_116 = arith.constant 0 : i32
        %dma_wait3A_117 = tpu.memref_slice %arg14[%dma_wait3A_115, %dma_wait3A_116] : memref<10112x128xf32, #tpu.memory_space<vmem_shared>> -> memref<10112x128xf32, #tpu.memory_space<vmem_shared>>
        tpu.wait_indirect_dma semaphore(%arg18 : memref<!tpu.dma_semaphore, #tpu.memory_space<semaphore_mem>>) src(%arg11 : memref<96x128xf32, #tpu.memory_space<vmem>>) dst(%dma_wait3A_117 : memref<10112x128xf32, #tpu.memory_space<vmem_shared>>)
        %add3A_118 = arith.constant 2 : i32
        %add3A_119 = arith.addi %add3A_92, %add3A_118 : i32
        %add3A_120 = arith.addi %add3A_4, %add3A_119 : i32
        %dma_start3A_121 = arith.constant 0 : i32
        %dma_start3A_122 = tpu.memref_slice %arg4[%add3A_120, %dma_start3A_121] : memref<3366x96xi32, #tpu.memory_space<hbm>> -> memref<1x96xi32, #tpu.memory_space<hbm>>
        %dma_start3A_123 = tpu.memref_squeeze %dma_start3A_122 : memref<1x96xi32, #tpu.memory_space<hbm>> -> memref<96xi32, #tpu.memory_space<hbm>>
        %dma_start3A_124 = arith.constant 0 : i32
        %dma_start3A_125 = tpu.memref_slice %arg4[%add3A_120, %dma_start3A_124] : memref<3366x96xi32, #tpu.memory_space<hbm>> -> memref<1x96xi32, #tpu.memory_space<hbm>>
        %dma_start3A_126 = tpu.memref_squeeze %dma_start3A_125 : memref<1x96xi32, #tpu.memory_space<hbm>> -> memref<96xi32, #tpu.memory_space<hbm>>
        tpu.enqueue_dma source(%dma_start3A_126 : memref<96xi32, #tpu.memory_space<hbm>>) target(%arg8 : memref<96xi32, #tpu.memory_space<vmem>>) target_semaphore(%arg15 : memref<!tpu.dma_semaphore, #tpu.memory_space<semaphore_mem>>)
        %mul3A_127 = arith.constant 96 : i32
        %mul3A_128 = arith.muli %add3A_119, %mul3A_127 : i32
        %dma_start3A_129 = tpu.memref_slice %arg7[%mul3A_128] : memref<10080xi32, #tpu.memory_space<vmem>> -> memref<96xi32, #tpu.memory_space<vmem>>
        %dma_start3A_130 = arith.constant 0 : i32
        %dma_start3A_131 = arith.constant 0 : i32
        %dma_start3A_132 = tpu.memref_slice %arg2[%dma_start3A_130, %dma_start3A_131] : memref<10000x128xf32, #tpu.memory_space<hbm>> -> memref<10000x128xf32, #tpu.memory_space<hbm>>
        tpu.enqueue_indirect_dma source(%dma_start3A_132 : memref<10000x128xf32, #tpu.memory_space<hbm>>) target(%arg11 : memref<96x128xf32, #tpu.memory_space<vmem>>) offsets(%dma_start3A_129 : memref<96xi32, #tpu.memory_space<vmem>>) semaphore(%arg15 : memref<!tpu.dma_semaphore, #tpu.memory_space<semaphore_mem>>)
      } else {
      }
      %add3A_103 = arith.constant 2 : i32
      %add3A_104 = arith.addi %mul3A_79, %add3A_103 : i32
      %lt3A_105 = arith.cmpi slt, %add3A_104, %add3A_7 : i32
      %convert_element_type3A_106 = arith.extui %lt3A_105 : i1 to i32
      %cond3A_107 = arith.constant 0 : i32
      %cond3A_108 = arith.cmpi ne, %convert_element_type3A_106, %cond3A_107 : i32
      scf.if %cond3A_108 {
        %dma_wait3A_115 = arith.constant 0 : i32
        %dma_wait3A_116 = arith.constant 0 : i32
        %dma_wait3A_117 = tpu.memref_slice %arg2[%dma_wait3A_115, %dma_wait3A_116] : memref<10000x128xf32, #tpu.memory_space<hbm>> -> memref<96x128xf32, #tpu.memory_space<hbm>>
        %dma_wait3A_118 = arith.constant 0 : i32
        %dma_wait3A_119 = arith.constant 0 : i32
        %dma_wait3A_120 = tpu.memref_slice %arg2[%dma_wait3A_118, %dma_wait3A_119] : memref<10000x128xf32, #tpu.memory_space<hbm>> -> memref<96x128xf32, #tpu.memory_space<hbm>>
        tpu.wait_dma2 semaphore(%arg17 : memref<!tpu.dma_semaphore, #tpu.memory_space<semaphore_mem>>) src(%dma_wait3A_120 : memref<96x128xf32, #tpu.memory_space<hbm>>) dst(%arg13 : memref<96x128xf32, #tpu.memory_space<vmem>>)
        %dma_wait3A_121 = arith.constant 0 : i32
        %dma_wait3A_122 = arith.constant 0 : i32
        %dma_wait3A_123 = tpu.memref_slice %arg4[%dma_wait3A_121, %dma_wait3A_122] : memref<3366x96xi32, #tpu.memory_space<hbm>> -> memref<1x96xi32, #tpu.memory_space<hbm>>
        %dma_wait3A_124 = tpu.memref_squeeze %dma_wait3A_123 : memref<1x96xi32, #tpu.memory_space<hbm>> -> memref<96xi32, #tpu.memory_space<hbm>>
        %dma_wait3A_125 = arith.constant 0 : i32
        %dma_wait3A_126 = tpu.memref_slice %arg4[%dma_wait3A_121, %dma_wait3A_125] : memref<3366x96xi32, #tpu.memory_space<hbm>> -> memref<1x96xi32, #tpu.memory_space<hbm>>
        %dma_wait3A_127 = tpu.memref_squeeze %dma_wait3A_126 : memref<1x96xi32, #tpu.memory_space<hbm>> -> memref<96xi32, #tpu.memory_space<hbm>>
        tpu.wait_dma2 semaphore(%arg17 : memref<!tpu.dma_semaphore, #tpu.memory_space<semaphore_mem>>) src(%dma_wait3A_127 : memref<96xi32, #tpu.memory_space<hbm>>) dst(%arg10 : memref<96xi32, #tpu.memory_space<vmem>>)
        %dma_start3A_128 = arith.constant 0 : i32
        %dma_start3A_129 = arith.constant 0 : i32
        %dma_start3A_130 = tpu.memref_slice %arg14[%dma_start3A_128, %dma_start3A_129] : memref<10112x128xf32, #tpu.memory_space<vmem_shared>> -> memref<10112x128xf32, #tpu.memory_space<vmem_shared>>
        tpu.enqueue_indirect_dma source(%arg13 : memref<96x128xf32, #tpu.memory_space<vmem>>) target(%dma_start3A_130 : memref<10112x128xf32, #tpu.memory_space<vmem_shared>>) offsets(%arg10 : memref<96xi32, #tpu.memory_space<vmem>>) semaphore(%arg20 : memref<!tpu.dma_semaphore, #tpu.memory_space<semaphore_mem>>) {add = true}
      } else {
      }
      %add3A_109 = arith.constant 2 : i32
      %add3A_110 = arith.addi %add3A_104, %add3A_109 : i32
      %lt3A_111 = arith.cmpi slt, %add3A_110, %add3A_7 : i32
      %convert_element_type3A_112 = arith.extui %lt3A_111 : i1 to i32
      %cond3A_113 = arith.constant 0 : i32
      %cond3A_114 = arith.cmpi ne, %convert_element_type3A_112, %cond3A_113 : i32
      scf.if %cond3A_114 {
        %dma_wait3A_115 = arith.constant 0 : i32
        %dma_wait3A_116 = arith.constant 0 : i32
        %dma_wait3A_117 = tpu.memref_slice %arg14[%dma_wait3A_115, %dma_wait3A_116] : memref<10112x128xf32, #tpu.memory_space<vmem_shared>> -> memref<10112x128xf32, #tpu.memory_space<vmem_shared>>
        tpu.wait_indirect_dma semaphore(%arg19 : memref<!tpu.dma_semaphore, #tpu.memory_space<semaphore_mem>>) src(%arg12 : memref<96x128xf32, #tpu.memory_space<vmem>>) dst(%dma_wait3A_117 : memref<10112x128xf32, #tpu.memory_space<vmem_shared>>)
        %add3A_118 = arith.constant 2 : i32
        %add3A_119 = arith.addi %add3A_104, %add3A_118 : i32
        %add3A_120 = arith.addi %add3A_4, %add3A_119 : i32
        %dma_start3A_121 = arith.constant 0 : i32
        %dma_start3A_122 = tpu.memref_slice %arg4[%add3A_120, %dma_start3A_121] : memref<3366x96xi32, #tpu.memory_space<hbm>> -> memref<1x96xi32, #tpu.memory_space<hbm>>
        %dma_start3A_123 = tpu.memref_squeeze %dma_start3A_122 : memref<1x96xi32, #tpu.memory_space<hbm>> -> memref<96xi32, #tpu.memory_space<hbm>>
        %dma_start3A_124 = arith.constant 0 : i32
        %dma_start3A_125 = tpu.memref_slice %arg4[%add3A_120, %dma_start3A_124] : memref<3366x96xi32, #tpu.memory_space<hbm>> -> memref<1x96xi32, #tpu.memory_space<hbm>>
        %dma_start3A_126 = tpu.memref_squeeze %dma_start3A_125 : memref<1x96xi32, #tpu.memory_space<hbm>> -> memref<96xi32, #tpu.memory_space<hbm>>
        tpu.enqueue_dma source(%dma_start3A_126 : memref<96xi32, #tpu.memory_space<hbm>>) target(%arg9 : memref<96xi32, #tpu.memory_space<vmem>>) target_semaphore(%arg16 : memref<!tpu.dma_semaphore, #tpu.memory_space<semaphore_mem>>)
        %mul3A_127 = arith.constant 96 : i32
        %mul3A_128 = arith.muli %add3A_119, %mul3A_127 : i32
        %dma_start3A_129 = tpu.memref_slice %arg7[%mul3A_128] : memref<10080xi32, #tpu.memory_space<vmem>> -> memref<96xi32, #tpu.memory_space<vmem>>
        %dma_start3A_130 = arith.constant 0 : i32
        %dma_start3A_131 = arith.constant 0 : i32
        %dma_start3A_132 = tpu.memref_slice %arg2[%dma_start3A_130, %dma_start3A_131] : memref<10000x128xf32, #tpu.memory_space<hbm>> -> memref<10000x128xf32, #tpu.memory_space<hbm>>
        tpu.enqueue_indirect_dma source(%dma_start3A_132 : memref<10000x128xf32, #tpu.memory_space<hbm>>) target(%arg12 : memref<96x128xf32, #tpu.memory_space<vmem>>) offsets(%dma_start3A_129 : memref<96xi32, #tpu.memory_space<vmem>>) semaphore(%arg16 : memref<!tpu.dma_semaphore, #tpu.memory_space<semaphore_mem>>)
      } else {
      }
    }
    %scan3A_55 = arith.constant 35 : i32
    %dma_wait3A_56 = arith.constant 0 : i32
    %dma_wait3A_57 = arith.constant 0 : i32
    %dma_wait3A_58 = tpu.memref_slice %arg14[%dma_wait3A_56, %dma_wait3A_57] : memref<10112x128xf32, #tpu.memory_space<vmem_shared>> -> memref<10112x128xf32, #tpu.memory_space<vmem_shared>>
    tpu.wait_indirect_dma semaphore(%arg18 : memref<!tpu.dma_semaphore, #tpu.memory_space<semaphore_mem>>) src(%arg11 : memref<96x128xf32, #tpu.memory_space<vmem>>) dst(%dma_wait3A_58 : memref<10112x128xf32, #tpu.memory_space<vmem_shared>>)
    %dma_wait3A_59 = arith.constant 0 : i32
    %dma_wait3A_60 = arith.constant 0 : i32
    %dma_wait3A_61 = tpu.memref_slice %arg14[%dma_wait3A_59, %dma_wait3A_60] : memref<10112x128xf32, #tpu.memory_space<vmem_shared>> -> memref<10112x128xf32, #tpu.memory_space<vmem_shared>>
    tpu.wait_indirect_dma semaphore(%arg19 : memref<!tpu.dma_semaphore, #tpu.memory_space<semaphore_mem>>) src(%arg12 : memref<96x128xf32, #tpu.memory_space<vmem>>) dst(%dma_wait3A_61 : memref<10112x128xf32, #tpu.memory_space<vmem_shared>>)
    %dma_wait3A_62 = arith.constant 0 : i32
    %dma_wait3A_63 = arith.constant 0 : i32
    %dma_wait3A_64 = tpu.memref_slice %arg14[%dma_wait3A_62, %dma_wait3A_63] : memref<10112x128xf32, #tpu.memory_space<vmem_shared>> -> memref<10112x128xf32, #tpu.memory_space<vmem_shared>>
    tpu.wait_indirect_dma semaphore(%arg20 : memref<!tpu.dma_semaphore, #tpu.memory_space<semaphore_mem>>) src(%arg13 : memref<96x128xf32, #tpu.memory_space<vmem>>) dst(%dma_wait3A_64 : memref<10112x128xf32, #tpu.memory_space<vmem_shared>>)
    %barrier3A_65 = arith.constant 0 : index
    tpu.barrier barrier_id(%barrier3A_65)
    %scan3A_66 = arith.constant 0 : i32
    %scan3A_67 = arith.constant 0 : i32
    %scan3A_68 = arith.constant 6 : i32
    %scan3A_69 = arith.addi %scan3A_67, %scan3A_68 : i32
    %scan3A_70 = arith.constant 1 : i32
    scf.for %scan3A_77 = %scan3A_67 to %scan3A_69 step %scan3A_70  : i32 {
      %mul3A_78 = arith.constant 632 : i32
      %mul3A_79 = arith.muli %arg1, %mul3A_78 : i32
      %mul3A_80 = arith.constant 96 : i32
      %mul3A_81 = arith.muli %scan3A_77, %mul3A_80 : i32
      %add3A_82 = arith.addi %mul3A_79, %mul3A_81 : i32
      %multiple_of3A_83 = tpu.assume_multiple %add3A_82, 8 : i32
      "tpu.region"() ({
        %run_scoped3A = tpu.sem_alloc : memref<!tpu.dma_semaphore, #tpu.memory_space<semaphore_mem>>
        %dma_start3A_84 = arith.constant 0 : i32
        %dma_start3A_85 = tpu.memref_slice %arg14[%multiple_of3A_83, %dma_start3A_84] : memref<10112x128xf32, #tpu.memory_space<vmem_shared>> -> memref<96x128xf32, #tpu.memory_space<vmem_shared>>
        %dma_start3A_86 = arith.constant 0 : i32
        %dma_start3A_87 = tpu.memref_slice %arg14[%multiple_of3A_83, %dma_start3A_86] : memref<10112x128xf32, #tpu.memory_space<vmem_shared>> -> memref<96x128xf32, #tpu.memory_space<vmem_shared>>
        tpu.enqueue_dma source(%dma_start3A_87 : memref<96x128xf32, #tpu.memory_space<vmem_shared>>) target(%arg11 : memref<96x128xf32, #tpu.memory_space<vmem>>) target_semaphore(%run_scoped3A : memref<!tpu.dma_semaphore, #tpu.memory_space<semaphore_mem>>)
        %dma_wait3A_88 = arith.constant 0 : i32
        %dma_wait3A_89 = tpu.memref_slice %arg14[%multiple_of3A_83, %dma_wait3A_88] : memref<10112x128xf32, #tpu.memory_space<vmem_shared>> -> memref<96x128xf32, #tpu.memory_space<vmem_shared>>
        %dma_wait3A_90 = arith.constant 0 : i32
        %dma_wait3A_91 = tpu.memref_slice %arg14[%multiple_of3A_83, %dma_wait3A_90] : memref<10112x128xf32, #tpu.memory_space<vmem_shared>> -> memref<96x128xf32, #tpu.memory_space<vmem_shared>>
        tpu.wait_dma2 semaphore(%run_scoped3A : memref<!tpu.dma_semaphore, #tpu.memory_space<semaphore_mem>>) src(%dma_wait3A_91 : memref<96x128xf32, #tpu.memory_space<vmem_shared>>) dst(%arg11 : memref<96x128xf32, #tpu.memory_space<vmem>>)
        tpu.yield
      }) : () -> ()
      "tpu.region"() ({
        %run_scoped3A = tpu.sem_alloc : memref<!tpu.dma_semaphore, #tpu.memory_space<semaphore_mem>>
        %dma_start3A_84 = arith.constant 0 : i32
        %dma_start3A_85 = tpu.memref_slice %arg6[%arg0, %multiple_of3A_83, %dma_start3A_84] : memref<2x10112x128xf32, #tpu.memory_space<hbm>> -> memref<1x96x128xf32, #tpu.memory_space<hbm>>
        %dma_start3A_86 = tpu.memref_squeeze %dma_start3A_85 : memref<1x96x128xf32, #tpu.memory_space<hbm>> -> memref<96x128xf32, #tpu.memory_space<hbm>>
        %dma_start3A_87 = arith.constant 0 : i32
        %dma_start3A_88 = tpu.memref_slice %arg6[%arg0, %multiple_of3A_83, %dma_start3A_87] : memref<2x10112x128xf32, #tpu.memory_space<hbm>> -> memref<1x96x128xf32, #tpu.memory_space<hbm>>
        %dma_start3A_89 = tpu.memref_squeeze %dma_start3A_88 : memref<1x96x128xf32, #tpu.memory_space<hbm>> -> memref<96x128xf32, #tpu.memory_space<hbm>>
        tpu.enqueue_dma source(%arg11 : memref<96x128xf32, #tpu.memory_space<vmem>>) target(%dma_start3A_89 : memref<96x128xf32, #tpu.memory_space<hbm>>) target_semaphore(%run_scoped3A : memref<!tpu.dma_semaphore, #tpu.memory_space<semaphore_mem>>)
        %dma_wait3A_90 = arith.constant 0 : i32
        %dma_wait3A_91 = tpu.memref_slice %arg6[%arg0, %multiple_of3A_83, %dma_wait3A_90] : memref<2x10112x128xf32, #tpu.memory_space<hbm>> -> memref<1x96x128xf32, #tpu.memory_space<hbm>>
        %dma_wait3A_92 = tpu.memref_squeeze %dma_wait3A_91 : memref<1x96x128xf32, #tpu.memory_space<hbm>> -> memref<96x128xf32, #tpu.memory_space<hbm>>
        %dma_wait3A_93 = arith.constant 0 : i32
        %dma_wait3A_94 = tpu.memref_slice %arg6[%arg0, %multiple_of3A_83, %dma_wait3A_93] : memref<2x10112x128xf32, #tpu.memory_space<hbm>> -> memref<1x96x128xf32, #tpu.memory_space<hbm>>
        %dma_wait3A_95 = tpu.memref_squeeze %dma_wait3A_94 : memref<1x96x128xf32, #tpu.memory_space<hbm>> -> memref<96x128xf32, #tpu.memory_space<hbm>>
        tpu.wait_dma2 semaphore(%run_scoped3A : memref<!tpu.dma_semaphore, #tpu.memory_space<semaphore_mem>>) src(%arg11 : memref<96x128xf32, #tpu.memory_space<vmem>>) dst(%dma_wait3A_95 : memref<96x128xf32, #tpu.memory_space<hbm>>)
        tpu.yield
      }) : () -> ()
    }
    %scan3A_71 = arith.constant 6 : i32
    %mul3A_72 = arith.constant 632 : i32
    %mul3A_73 = arith.muli %arg1, %mul3A_72 : i32
    %add3A_74 = arith.constant 576 : i32
    %add3A_75 = arith.addi %mul3A_73, %add3A_74 : i32
    %multiple_of3A_76 = tpu.assume_multiple %add3A_75, 8 : i32
    "tpu.region"() ({
      %run_scoped3A = tpu.sem_alloc : memref<!tpu.dma_semaphore, #tpu.memory_space<semaphore_mem>>
      %dma_start3A_77 = arith.constant 0 : i32
      %dma_start3A_78 = arith.constant 0 : i32
      %dma_start3A_79 = tpu.memref_slice %arg11[%dma_start3A_77, %dma_start3A_78] : memref<96x128xf32, #tpu.memory_space<vmem>> -> memref<56x128xf32, #tpu.memory_space<vmem>>
      %dma_start3A_80 = arith.constant 0 : i32
      %dma_start3A_81 = tpu.memref_slice %arg14[%multiple_of3A_76, %dma_start3A_80] : memref<10112x128xf32, #tpu.memory_space<vmem_shared>> -> memref<56x128xf32, #tpu.memory_space<vmem_shared>>
      %dma_start3A_82 = arith.constant 0 : i32
      %dma_start3A_83 = arith.constant 0 : i32
      %dma_start3A_84 = tpu.memref_slice %arg11[%dma_start3A_82, %dma_start3A_83] : memref<96x128xf32, #tpu.memory_space<vmem>> -> memref<56x128xf32, #tpu.memory_space<vmem>>
      %dma_start3A_85 = arith.constant 0 : i32
      %dma_start3A_86 = tpu.memref_slice %arg14[%multiple_of3A_76, %dma_start3A_85] : memref<10112x128xf32, #tpu.memory_space<vmem_shared>> -> memref<56x128xf32, #tpu.memory_space<vmem_shared>>
      tpu.enqueue_dma source(%dma_start3A_86 : memref<56x128xf32, #tpu.memory_space<vmem_shared>>) target(%dma_start3A_84 : memref<56x128xf32, #tpu.memory_space<vmem>>) target_semaphore(%run_scoped3A : memref<!tpu.dma_semaphore, #tpu.memory_space<semaphore_mem>>)
      %dma_wait3A_87 = arith.constant 0 : i32
      %dma_wait3A_88 = arith.constant 0 : i32
      %dma_wait3A_89 = tpu.memref_slice %arg11[%dma_wait3A_87, %dma_wait3A_88] : memref<96x128xf32, #tpu.memory_space<vmem>> -> memref<56x128xf32, #tpu.memory_space<vmem>>
      %dma_wait3A_90 = arith.constant 0 : i32
      %dma_wait3A_91 = tpu.memref_slice %arg14[%multiple_of3A_76, %dma_wait3A_90] : memref<10112x128xf32, #tpu.memory_space<vmem_shared>> -> memref<56x128xf32, #tpu.memory_space<vmem_shared>>
      %dma_wait3A_92 = arith.constant 0 : i32
      %dma_wait3A_93 = arith.constant 0 : i32
      %dma_wait3A_94 = tpu.memref_slice %arg11[%dma_wait3A_92, %dma_wait3A_93] : memref<96x128xf32, #tpu.memory_space<vmem>> -> memref<56x128xf32, #tpu.memory_space<vmem>>
      %dma_wait3A_95 = arith.constant 0 : i32
      %dma_wait3A_96 = tpu.memref_slice %arg14[%multiple_of3A_76, %dma_wait3A_95] : memref<10112x128xf32, #tpu.memory_space<vmem_shared>> -> memref<56x128xf32, #tpu.memory_space<vmem_shared>>
      tpu.wait_dma2 semaphore(%run_scoped3A : memref<!tpu.dma_semaphore, #tpu.memory_space<semaphore_mem>>) src(%dma_wait3A_96 : memref<56x128xf32, #tpu.memory_space<vmem_shared>>) dst(%dma_wait3A_94 : memref<56x128xf32, #tpu.memory_space<vmem>>)
      tpu.yield
    }) : () -> ()
    "tpu.region"() ({
      %run_scoped3A = tpu.sem_alloc : memref<!tpu.dma_semaphore, #tpu.memory_space<semaphore_mem>>
      %dma_start3A_77 = arith.constant 0 : i32
      %dma_start3A_78 = arith.constant 0 : i32
      %dma_start3A_79 = tpu.memref_slice %arg11[%dma_start3A_77, %dma_start3A_78] : memref<96x128xf32, #tpu.memory_space<vmem>> -> memref<56x128xf32, #tpu.memory_space<vmem>>
      %dma_start3A_80 = arith.constant 0 : i32
      %dma_start3A_81 = tpu.memref_slice %arg6[%arg0, %multiple_of3A_76, %dma_start3A_80] : memref<2x10112x128xf32, #tpu.memory_space<hbm>> -> memref<1x56x128xf32, #tpu.memory_space<hbm>>
      %dma_start3A_82 = tpu.memref_squeeze %dma_start3A_81 : memref<1x56x128xf32, #tpu.memory_space<hbm>> -> memref<56x128xf32, #tpu.memory_space<hbm>>
      %dma_start3A_83 = arith.constant 0 : i32
      %dma_start3A_84 = tpu.memref_slice %arg6[%arg0, %multiple_of3A_76, %dma_start3A_83] : memref<2x10112x128xf32, #tpu.memory_space<hbm>> -> memref<1x56x128xf32, #tpu.memory_space<hbm>>
      %dma_start3A_85 = tpu.memref_squeeze %dma_start3A_84 : memref<1x56x128xf32, #tpu.memory_space<hbm>> -> memref<56x128xf32, #tpu.memory_space<hbm>>
      %dma_start3A_86 = arith.constant 0 : i32
      %dma_start3A_87 = arith.constant 0 : i32
      %dma_start3A_88 = tpu.memref_slice %arg11[%dma_start3A_86, %dma_start3A_87] : memref<96x128xf32, #tpu.memory_space<vmem>> -> memref<56x128xf32, #tpu.memory_space<vmem>>
      tpu.enqueue_dma source(%dma_start3A_88 : memref<56x128xf32, #tpu.memory_space<vmem>>) target(%dma_start3A_85 : memref<56x128xf32, #tpu.memory_space<hbm>>) target_semaphore(%run_scoped3A : memref<!tpu.dma_semaphore, #tpu.memory_space<semaphore_mem>>)
      %dma_wait3A_89 = arith.constant 0 : i32
      %dma_wait3A_90 = arith.constant 0 : i32
      %dma_wait3A_91 = tpu.memref_slice %arg11[%dma_wait3A_89, %dma_wait3A_90] : memref<96x128xf32, #tpu.memory_space<vmem>> -> memref<56x128xf32, #tpu.memory_space<vmem>>
      %dma_wait3A_92 = arith.constant 0 : i32
      %dma_wait3A_93 = tpu.memref_slice %arg6[%arg0, %multiple_of3A_76, %dma_wait3A_92] : memref<2x10112x128xf32, #tpu.memory_space<hbm>> -> memref<1x56x128xf32, #tpu.memory_space<hbm>>
      %dma_wait3A_94 = tpu.memref_squeeze %dma_wait3A_93 : memref<1x56x128xf32, #tpu.memory_space<hbm>> -> memref<56x128xf32, #tpu.memory_space<hbm>>
      %dma_wait3A_95 = arith.constant 0 : i32
      %dma_wait3A_96 = tpu.memref_slice %arg6[%arg0, %multiple_of3A_76, %dma_wait3A_95] : memref<2x10112x128xf32, #tpu.memory_space<hbm>> -> memref<1x56x128xf32, #tpu.memory_space<hbm>>
      %dma_wait3A_97 = tpu.memref_squeeze %dma_wait3A_96 : memref<1x56x128xf32, #tpu.memory_space<hbm>> -> memref<56x128xf32, #tpu.memory_space<hbm>>
      %dma_wait3A_98 = arith.constant 0 : i32
      %dma_wait3A_99 = arith.constant 0 : i32
      %dma_wait3A_100 = tpu.memref_slice %arg11[%dma_wait3A_98, %dma_wait3A_99] : memref<96x128xf32, #tpu.memory_space<vmem>> -> memref<56x128xf32, #tpu.memory_space<vmem>>
      tpu.wait_dma2 semaphore(%run_scoped3A : memref<!tpu.dma_semaphore, #tpu.memory_space<semaphore_mem>>) src(%dma_wait3A_100 : memref<56x128xf32, #tpu.memory_space<vmem>>) dst(%dma_wait3A_97 : memref<56x128xf32, #tpu.memory_space<hbm>>)
      tpu.yield
    }) : () -> ()
    return
  }
}

module attributes {stable_mosaic.version = 14 : i64} {
  func.func @body(%arg0: i32, %arg1: memref<1280x128xf32, #tpu.memory_space<vmem>>, %arg2: memref<1x128xf32, #tpu.memory_space<vmem>>, %arg3: memref<1x128xf32, #tpu.memory_space<vmem>>, %arg4: memref<32x1280xf32, #tpu.memory_space<vmem>>, %arg5: memref<128x128xf32, #tpu.memory_space<vmem>>, %arg6: memref<1280x1xf32, #tpu.memory_space<vmem>>, %arg7: memref<1280x128xf32, #tpu.memory_space<vmem>>) attributes {dimension_semantics = [#tpu.dimension_semantics<arbitrary>], iteration_bounds = array<i64: 8>, scalar_prefetch = 0 : i64, scratch_operands = 0 : i64, tpu.core_type = #tpu.core_type<tc>, window_params = [{transform_indices = @transform_0, window_bounds = array<i64: 1280, 128>}, {pipeline_mode = #tpu.pipeline_mode<synchronous>, transform_indices = @transform_1, window_bounds = array<i64: 1, 128>}, {pipeline_mode = #tpu.pipeline_mode<synchronous>, transform_indices = @transform_2, window_bounds = array<i64: 1, 128>}, {transform_indices = @transform_3, window_bounds = array<i64: 32, 1280>}, {pipeline_mode = #tpu.pipeline_mode<synchronous>, transform_indices = @transform_4, window_bounds = array<i64: 128, 128>}, {transform_indices = @transform_5, window_bounds = array<i64: 1280, 1>}, {transform_indices = @transform_6, window_bounds = array<i64: 1280, 128>}]} {
    %get3A = arith.constant 0 : index
    %get3A_0 = arith.constant 0 : index
    %get3A_1 = vector.load %arg4[%get3A, %get3A_0] : memref<32x1280xf32, #tpu.memory_space<vmem>>, vector<32x1280xf32>
    %reduce_sum3A = arith.constant dense<0.000000e+00> : vector<1280xf32>
    %reduce_sum3A_2 = vector.multi_reduction <add>, %get3A_1, %reduce_sum3A [0] : vector<32x1280xf32> to vector<1280xf32>
    %broadcast_in_dim3A = vector.shape_cast %reduce_sum3A_2 : vector<1280xf32> to vector<1x1280xf32>
    %add3A = arith.constant 1.000000e+00 : f32
    %add3A_3 = vector.broadcast %add3A : f32 to vector<1x1280xf32>
    %add3A_4 = arith.addf %broadcast_in_dim3A, %add3A_3 : vector<1x1280xf32>
    %iota3A = tpu.iota {dimensions = array<i32: 0>} : vector<128x128xi32>
    %iota3A_5 = tpu.iota {dimensions = array<i32: 1>} : vector<128x128xi32>
    %eq3A = arith.cmpi eq, %iota3A, %iota3A_5 : vector<128x128xi32>
    %convert_element_type3A = arith.extui %eq3A : vector<128x128xi1> to vector<128x128xi32>
    %convert_element_type3A_6 = arith.sitofp %convert_element_type3A : vector<128x128xi32> to vector<128x128xf32>
    %broadcast_in_dim3A_7 = arith.constant 1.000000e+00 : f32
    %broadcast_in_dim3A_8 = vector.broadcast %broadcast_in_dim3A_7 : f32 to vector<128x1xf32>
    %slice3A = vector.extract_strided_slice %add3A_4 {offsets = [0, 0], sizes = [1, 128], strides = [1, 1]} : vector<1x1280xf32> to vector<1x128xf32>
    %mul3A = vector.broadcast %slice3A : vector<1x128xf32> to vector<128x128xf32>
    %mul3A_9 = arith.mulf %convert_element_type3A_6, %mul3A : vector<128x128xf32>
    %dot_general3A = arith.constant dense<0.000000e+00> : vector<128x1xf32>
    %dot_general3A_10 = tpu.matmul %mul3A_9, %broadcast_in_dim3A_8, %dot_general3A {dimension_numbers = #tpu.dot_dimension_numbers<[1], [0], [0], [1], [0, 0, 1, 1], [], []>, transpose_lhs_hint = false} : vector<128x128xf32>, vector<128x1xf32>, vector<128x1xf32> -> vector<128x1xf32>
    %slice3A_11 = vector.extract_strided_slice %add3A_4 {offsets = [0, 128], sizes = [1, 128], strides = [1, 1]} : vector<1x1280xf32> to vector<1x128xf32>
    %mul3A_12 = vector.broadcast %slice3A_11 : vector<1x128xf32> to vector<128x128xf32>
    %mul3A_13 = arith.mulf %convert_element_type3A_6, %mul3A_12 : vector<128x128xf32>
    %dot_general3A_14 = arith.constant dense<0.000000e+00> : vector<128x1xf32>
    %dot_general3A_15 = tpu.matmul %mul3A_13, %broadcast_in_dim3A_8, %dot_general3A_14 {dimension_numbers = #tpu.dot_dimension_numbers<[1], [0], [0], [1], [0, 0, 1, 1], [], []>, transpose_lhs_hint = false} : vector<128x128xf32>, vector<128x1xf32>, vector<128x1xf32> -> vector<128x1xf32>
    %slice3A_16 = vector.extract_strided_slice %add3A_4 {offsets = [0, 256], sizes = [1, 128], strides = [1, 1]} : vector<1x1280xf32> to vector<1x128xf32>
    %mul3A_17 = vector.broadcast %slice3A_16 : vector<1x128xf32> to vector<128x128xf32>
    %mul3A_18 = arith.mulf %convert_element_type3A_6, %mul3A_17 : vector<128x128xf32>
    %dot_general3A_19 = arith.constant dense<0.000000e+00> : vector<128x1xf32>
    %dot_general3A_20 = tpu.matmul %mul3A_18, %broadcast_in_dim3A_8, %dot_general3A_19 {dimension_numbers = #tpu.dot_dimension_numbers<[1], [0], [0], [1], [0, 0, 1, 1], [], []>, transpose_lhs_hint = false} : vector<128x128xf32>, vector<128x1xf32>, vector<128x1xf32> -> vector<128x1xf32>
    %slice3A_21 = vector.extract_strided_slice %add3A_4 {offsets = [0, 384], sizes = [1, 128], strides = [1, 1]} : vector<1x1280xf32> to vector<1x128xf32>
    %mul3A_22 = vector.broadcast %slice3A_21 : vector<1x128xf32> to vector<128x128xf32>
    %mul3A_23 = arith.mulf %convert_element_type3A_6, %mul3A_22 : vector<128x128xf32>
    %dot_general3A_24 = arith.constant dense<0.000000e+00> : vector<128x1xf32>
    %dot_general3A_25 = tpu.matmul %mul3A_23, %broadcast_in_dim3A_8, %dot_general3A_24 {dimension_numbers = #tpu.dot_dimension_numbers<[1], [0], [0], [1], [0, 0, 1, 1], [], []>, transpose_lhs_hint = false} : vector<128x128xf32>, vector<128x1xf32>, vector<128x1xf32> -> vector<128x1xf32>
    %slice3A_26 = vector.extract_strided_slice %add3A_4 {offsets = [0, 512], sizes = [1, 128], strides = [1, 1]} : vector<1x1280xf32> to vector<1x128xf32>
    %mul3A_27 = vector.broadcast %slice3A_26 : vector<1x128xf32> to vector<128x128xf32>
    %mul3A_28 = arith.mulf %convert_element_type3A_6, %mul3A_27 : vector<128x128xf32>
    %dot_general3A_29 = arith.constant dense<0.000000e+00> : vector<128x1xf32>
    %dot_general3A_30 = tpu.matmul %mul3A_28, %broadcast_in_dim3A_8, %dot_general3A_29 {dimension_numbers = #tpu.dot_dimension_numbers<[1], [0], [0], [1], [0, 0, 1, 1], [], []>, transpose_lhs_hint = false} : vector<128x128xf32>, vector<128x1xf32>, vector<128x1xf32> -> vector<128x1xf32>
    %slice3A_31 = vector.extract_strided_slice %add3A_4 {offsets = [0, 640], sizes = [1, 128], strides = [1, 1]} : vector<1x1280xf32> to vector<1x128xf32>
    %mul3A_32 = vector.broadcast %slice3A_31 : vector<1x128xf32> to vector<128x128xf32>
    %mul3A_33 = arith.mulf %convert_element_type3A_6, %mul3A_32 : vector<128x128xf32>
    %dot_general3A_34 = arith.constant dense<0.000000e+00> : vector<128x1xf32>
    %dot_general3A_35 = tpu.matmul %mul3A_33, %broadcast_in_dim3A_8, %dot_general3A_34 {dimension_numbers = #tpu.dot_dimension_numbers<[1], [0], [0], [1], [0, 0, 1, 1], [], []>, transpose_lhs_hint = false} : vector<128x128xf32>, vector<128x1xf32>, vector<128x1xf32> -> vector<128x1xf32>
    %slice3A_36 = vector.extract_strided_slice %add3A_4 {offsets = [0, 768], sizes = [1, 128], strides = [1, 1]} : vector<1x1280xf32> to vector<1x128xf32>
    %mul3A_37 = vector.broadcast %slice3A_36 : vector<1x128xf32> to vector<128x128xf32>
    %mul3A_38 = arith.mulf %convert_element_type3A_6, %mul3A_37 : vector<128x128xf32>
    %dot_general3A_39 = arith.constant dense<0.000000e+00> : vector<128x1xf32>
    %dot_general3A_40 = tpu.matmul %mul3A_38, %broadcast_in_dim3A_8, %dot_general3A_39 {dimension_numbers = #tpu.dot_dimension_numbers<[1], [0], [0], [1], [0, 0, 1, 1], [], []>, transpose_lhs_hint = false} : vector<128x128xf32>, vector<128x1xf32>, vector<128x1xf32> -> vector<128x1xf32>
    %slice3A_41 = vector.extract_strided_slice %add3A_4 {offsets = [0, 896], sizes = [1, 128], strides = [1, 1]} : vector<1x1280xf32> to vector<1x128xf32>
    %mul3A_42 = vector.broadcast %slice3A_41 : vector<1x128xf32> to vector<128x128xf32>
    %mul3A_43 = arith.mulf %convert_element_type3A_6, %mul3A_42 : vector<128x128xf32>
    %dot_general3A_44 = arith.constant dense<0.000000e+00> : vector<128x1xf32>
    %dot_general3A_45 = tpu.matmul %mul3A_43, %broadcast_in_dim3A_8, %dot_general3A_44 {dimension_numbers = #tpu.dot_dimension_numbers<[1], [0], [0], [1], [0, 0, 1, 1], [], []>, transpose_lhs_hint = false} : vector<128x128xf32>, vector<128x1xf32>, vector<128x1xf32> -> vector<128x1xf32>
    %slice3A_46 = vector.extract_strided_slice %add3A_4 {offsets = [0, 1024], sizes = [1, 128], strides = [1, 1]} : vector<1x1280xf32> to vector<1x128xf32>
    %mul3A_47 = vector.broadcast %slice3A_46 : vector<1x128xf32> to vector<128x128xf32>
    %mul3A_48 = arith.mulf %convert_element_type3A_6, %mul3A_47 : vector<128x128xf32>
    %dot_general3A_49 = arith.constant dense<0.000000e+00> : vector<128x1xf32>
    %dot_general3A_50 = tpu.matmul %mul3A_48, %broadcast_in_dim3A_8, %dot_general3A_49 {dimension_numbers = #tpu.dot_dimension_numbers<[1], [0], [0], [1], [0, 0, 1, 1], [], []>, transpose_lhs_hint = false} : vector<128x128xf32>, vector<128x1xf32>, vector<128x1xf32> -> vector<128x1xf32>
    %slice3A_51 = vector.extract_strided_slice %add3A_4 {offsets = [0, 1152], sizes = [1, 128], strides = [1, 1]} : vector<1x1280xf32> to vector<1x128xf32>
    %mul3A_52 = vector.broadcast %slice3A_51 : vector<1x128xf32> to vector<128x128xf32>
    %mul3A_53 = arith.mulf %convert_element_type3A_6, %mul3A_52 : vector<128x128xf32>
    %dot_general3A_54 = arith.constant dense<0.000000e+00> : vector<128x1xf32>
    %dot_general3A_55 = tpu.matmul %mul3A_53, %broadcast_in_dim3A_8, %dot_general3A_54 {dimension_numbers = #tpu.dot_dimension_numbers<[1], [0], [0], [1], [0, 0, 1, 1], [], []>, transpose_lhs_hint = false} : vector<128x128xf32>, vector<128x1xf32>, vector<128x1xf32> -> vector<128x1xf32>
    %concatenate3A = tpu.concatenate %dot_general3A_10, %dot_general3A_15, %dot_general3A_20, %dot_general3A_25, %dot_general3A_30, %dot_general3A_35, %dot_general3A_40, %dot_general3A_45, %dot_general3A_50, %dot_general3A_55 in 0 : vector<128x1xf32>, vector<128x1xf32>, vector<128x1xf32>, vector<128x1xf32>, vector<128x1xf32>, vector<128x1xf32>, vector<128x1xf32>, vector<128x1xf32>, vector<128x1xf32>, vector<128x1xf32> -> vector<1280x1xf32>
    %max3A = arith.constant 1.000000e+00 : f32
    %max3A_56 = vector.broadcast %max3A : f32 to vector<1280x1xf32>
    %max3A_57 = arith.maximumf %concatenate3A, %max3A_56 : vector<1280x1xf32>
    %rsqrt3A = math.rsqrt %max3A_57 : vector<1280x1xf32>
    %swap3A = arith.constant 0 : index
    %swap3A_58 = arith.constant 0 : index
    %swap3A_59 = vector.load %arg6[%swap3A, %swap3A_58] : memref<1280x1xf32, #tpu.memory_space<vmem>>, vector<1280x1xf32>
    tpu.vector_store %arg6[%swap3A, %swap3A_58], %rsqrt3A {strides = array<i32>} : memref<1280x1xf32, #tpu.memory_space<vmem>>, vector<1280x1xf32>,
    %get3A_60 = arith.constant 0 : index
    %get3A_61 = arith.constant 0 : index
    %get3A_62 = vector.load %arg1[%get3A_60, %get3A_61] : memref<1280x128xf32, #tpu.memory_space<vmem>>, vector<1280x128xf32>
    %get3A_63 = arith.constant 0 : index
    %get3A_64 = arith.constant 0 : index
    %get3A_65 = vector.load %arg2[%get3A_63, %get3A_64] : memref<1x128xf32, #tpu.memory_space<vmem>>, vector<1x128xf32>
    %mul3A_66 = arith.constant 0.999994993 : f32
    %mul3A_67 = vector.broadcast %mul3A_66 : f32 to vector<1x128xf32>
    %mul3A_68 = arith.mulf %mul3A_67, %get3A_65 : vector<1x128xf32>
    %mul3A_69 = vector.broadcast %mul3A_68 : vector<1x128xf32> to vector<1280x128xf32>
    %mul3A_70 = arith.mulf %get3A_62, %mul3A_69 : vector<1280x128xf32>
    %get3A_71 = arith.constant 0 : index
    %get3A_72 = arith.constant 0 : index
    %get3A_73 = vector.load %arg3[%get3A_71, %get3A_72] : memref<1x128xf32, #tpu.memory_space<vmem>>, vector<1x128xf32>
    %add3A_74 = vector.broadcast %get3A_73 : vector<1x128xf32> to vector<1280x128xf32>
    %add3A_75 = arith.addf %mul3A_70, %add3A_74 : vector<1280x128xf32>
    %get3A_76 = arith.constant 0 : index
    %get3A_77 = arith.constant 0 : index
    %get3A_78 = vector.load %arg5[%get3A_76, %get3A_77] : memref<128x128xf32, #tpu.memory_space<vmem>>, vector<128x128xf32>
    %dot_general3A_79 = arith.constant dense<0.000000e+00> : vector<1280x128xf32>
    %dot_general3A_80 = tpu.matmul %add3A_75, %get3A_78, %dot_general3A_79 {dimension_numbers = #tpu.dot_dimension_numbers<[1], [0], [0], [1], [0, 0, 1, 1], [], []>, transpose_lhs_hint = false} : vector<1280x128xf32>, vector<128x128xf32>, vector<1280x128xf32> -> vector<1280x128xf32>
    %mul3A_81 = vector.broadcast %rsqrt3A : vector<1280x1xf32> to vector<1280x128xf32>
    %mul3A_82 = arith.mulf %dot_general3A_80, %mul3A_81 : vector<1280x128xf32>
    %swap3A_83 = arith.constant 0 : index
    %swap3A_84 = arith.constant 0 : index
    %swap3A_85 = vector.load %arg7[%swap3A_83, %swap3A_84] : memref<1280x128xf32, #tpu.memory_space<vmem>>, vector<1280x128xf32>
    tpu.vector_store %arg7[%swap3A_83, %swap3A_84], %mul3A_82 {strides = array<i32>} : memref<1280x128xf32, #tpu.memory_space<vmem>>, vector<1280x128xf32>,
    return
  }
  func.func @transform_0(%arg0: i32) -> (i32, i32) {
    %c0_i32 = arith.constant 0 : i32
    %c0_i32_0 = arith.constant 0 : i32
    return %arg0, %c0_i32 : i32, i32
  }
  func.func @transform_1(%arg0: i32) -> (i32, i32) {
    %c0_i32 = arith.constant 0 : i32
    %c0_i32_0 = arith.constant 0 : i32
    %c0_i32_1 = arith.constant 0 : i32
    return %c0_i32, %c0_i32_0 : i32, i32
  }
  func.func @transform_2(%arg0: i32) -> (i32, i32) {
    %c0_i32 = arith.constant 0 : i32
    %c0_i32_0 = arith.constant 0 : i32
    %c0_i32_1 = arith.constant 0 : i32
    return %c0_i32, %c0_i32_0 : i32, i32
  }
  func.func @transform_3(%arg0: i32) -> (i32, i32) {
    %c0_i32 = arith.constant 0 : i32
    %c0_i32_0 = arith.constant 0 : i32
    return %c0_i32, %arg0 : i32, i32
  }
  func.func @transform_4(%arg0: i32) -> (i32, i32) {
    %c0_i32 = arith.constant 0 : i32
    %c0_i32_0 = arith.constant 0 : i32
    %c0_i32_1 = arith.constant 0 : i32
    return %c0_i32, %c0_i32_0 : i32, i32
  }
  func.func @transform_5(%arg0: i32) -> (i32, i32) {
    %c0_i32 = arith.constant 0 : i32
    %c0_i32_0 = arith.constant 0 : i32
    return %arg0, %c0_i32 : i32, i32
  }
  func.func @transform_6(%arg0: i32) -> (i32, i32) {
    %c0_i32 = arith.constant 0 : i32
    %c0_i32_0 = arith.constant 0 : i32
    return %arg0, %c0_i32 : i32, i32
  }
}

module attributes {stable_mosaic.version = 14 : i64} {
  func.func @body(%arg0: i32, %arg1: memref<2x1280x128xf32, #tpu.memory_space<vmem>>, %arg2: memref<1280x128xf32, #tpu.memory_space<vmem>>, %arg3: memref<1280x1xf32, #tpu.memory_space<vmem>>, %arg4: memref<1x128xf32, #tpu.memory_space<vmem>>, %arg5: memref<128x128xf32, #tpu.memory_space<vmem>>, %arg6: memref<1280x128xf32, #tpu.memory_space<vmem>>, %arg7: memref<1280x128xf32, #tpu.memory_space<vmem>>) attributes {dimension_semantics = [#tpu.dimension_semantics<arbitrary>], iteration_bounds = array<i64: 8>, scalar_prefetch = 0 : i64, scratch_operands = 0 : i64, tpu.core_type = #tpu.core_type<tc>, window_params = [{transform_indices = @transform_0, window_bounds = array<i64: 2, 1280, 128>}, {transform_indices = @transform_1, window_bounds = array<i64: 1280, 128>}, {transform_indices = @transform_2, window_bounds = array<i64: 1280, 1>}, {pipeline_mode = #tpu.pipeline_mode<synchronous>, transform_indices = @transform_3, window_bounds = array<i64: 1, 128>}, {pipeline_mode = #tpu.pipeline_mode<synchronous>, transform_indices = @transform_4, window_bounds = array<i64: 128, 128>}, {transform_indices = @transform_5, window_bounds = array<i64: 1280, 128>}, {transform_indices = @transform_6, window_bounds = array<i64: 1280, 128>}]} {
    %get3A = arith.constant 0 : index
    %get3A_0 = arith.constant 0 : index
    %get3A_1 = vector.load %arg3[%get3A, %get3A_0] : memref<1280x1xf32, #tpu.memory_space<vmem>>, vector<1280x1xf32>
    %get3A_2 = arith.constant 0 : index
    %get3A_3 = arith.constant 0 : index
    %get3A_4 = arith.constant 0 : index
    %get3A_5 = vector.load %arg1[%get3A_2, %get3A_3, %get3A_4] : memref<2x1280x128xf32, #tpu.memory_space<vmem>>, vector<1x1280x128xf32>
    %get3A_6 = vector.shape_cast %get3A_5 : vector<1x1280x128xf32> to vector<1280x128xf32>
    %get3A_7 = arith.constant 1 : index
    %get3A_8 = arith.constant 0 : index
    %get3A_9 = arith.constant 0 : index
    %get3A_10 = vector.load %arg1[%get3A_7, %get3A_8, %get3A_9] : memref<2x1280x128xf32, #tpu.memory_space<vmem>>, vector<1x1280x128xf32>
    %get3A_11 = vector.shape_cast %get3A_10 : vector<1x1280x128xf32> to vector<1280x128xf32>
    %add3A = arith.addf %get3A_6, %get3A_11 : vector<1280x128xf32>
    %get3A_12 = arith.constant 0 : index
    %get3A_13 = arith.constant 0 : index
    %get3A_14 = vector.load %arg2[%get3A_12, %get3A_13] : memref<1280x128xf32, #tpu.memory_space<vmem>>, vector<1280x128xf32>
    %add3A_15 = arith.addf %add3A, %get3A_14 : vector<1280x128xf32>
    %mul3A = vector.broadcast %get3A_1 : vector<1280x1xf32> to vector<1280x128xf32>
    %mul3A_16 = arith.mulf %add3A_15, %mul3A : vector<1280x128xf32>
    %get3A_17 = arith.constant 0 : index
    %get3A_18 = arith.constant 0 : index
    %get3A_19 = vector.load %arg4[%get3A_17, %get3A_18] : memref<1x128xf32, #tpu.memory_space<vmem>>, vector<1x128xf32>
    %add3A_20 = vector.broadcast %get3A_19 : vector<1x128xf32> to vector<1280x128xf32>
    %add3A_21 = arith.addf %mul3A_16, %add3A_20 : vector<1280x128xf32>
    %max3A = arith.constant 0.000000e+00 : f32
    %max3A_22 = vector.broadcast %max3A : f32 to vector<1280x128xf32>
    %max3A_23 = arith.maximumf %add3A_21, %max3A_22 : vector<1280x128xf32>
    %swap3A = arith.constant 0 : index
    %swap3A_24 = arith.constant 0 : index
    %swap3A_25 = vector.load %arg6[%swap3A, %swap3A_24] : memref<1280x128xf32, #tpu.memory_space<vmem>>, vector<1280x128xf32>
    tpu.vector_store %arg6[%swap3A, %swap3A_24], %max3A_23 {strides = array<i32>} : memref<1280x128xf32, #tpu.memory_space<vmem>>, vector<1280x128xf32>,
    %get3A_26 = arith.constant 0 : index
    %get3A_27 = arith.constant 0 : index
    %get3A_28 = vector.load %arg5[%get3A_26, %get3A_27] : memref<128x128xf32, #tpu.memory_space<vmem>>, vector<128x128xf32>
    %dot_general3A = arith.constant dense<0.000000e+00> : vector<1280x128xf32>
    %dot_general3A_29 = tpu.matmul %max3A_23, %get3A_28, %dot_general3A {dimension_numbers = #tpu.dot_dimension_numbers<[1], [0], [0], [1], [0, 0, 1, 1], [], []>, transpose_lhs_hint = false} : vector<1280x128xf32>, vector<128x128xf32>, vector<1280x128xf32> -> vector<1280x128xf32>
    %mul3A_30 = vector.broadcast %get3A_1 : vector<1280x1xf32> to vector<1280x128xf32>
    %mul3A_31 = arith.mulf %dot_general3A_29, %mul3A_30 : vector<1280x128xf32>
    %swap3A_32 = arith.constant 0 : index
    %swap3A_33 = arith.constant 0 : index
    %swap3A_34 = vector.load %arg7[%swap3A_32, %swap3A_33] : memref<1280x128xf32, #tpu.memory_space<vmem>>, vector<1280x128xf32>
    tpu.vector_store %arg7[%swap3A_32, %swap3A_33], %mul3A_31 {strides = array<i32>} : memref<1280x128xf32, #tpu.memory_space<vmem>>, vector<1280x128xf32>,
    return
  }
  func.func @transform_0(%arg0: i32) -> (i32, i32, i32) {
    %c0_i32 = arith.constant 0 : i32
    %c0_i32_0 = arith.constant 0 : i32
    %c0_i32_1 = arith.constant 0 : i32
    return %c0_i32, %arg0, %c0_i32_0 : i32, i32, i32
  }
  func.func @transform_1(%arg0: i32) -> (i32, i32) {
    %c0_i32 = arith.constant 0 : i32
    %c0_i32_0 = arith.constant 0 : i32
    return %arg0, %c0_i32 : i32, i32
  }
  func.func @transform_2(%arg0: i32) -> (i32, i32) {
    %c0_i32 = arith.constant 0 : i32
    %c0_i32_0 = arith.constant 0 : i32
    return %arg0, %c0_i32 : i32, i32
  }
  func.func @transform_3(%arg0: i32) -> (i32, i32) {
    %c0_i32 = arith.constant 0 : i32
    %c0_i32_0 = arith.constant 0 : i32
    %c0_i32_1 = arith.constant 0 : i32
    return %c0_i32, %c0_i32_0 : i32, i32
  }
  func.func @transform_4(%arg0: i32) -> (i32, i32) {
    %c0_i32 = arith.constant 0 : i32
    %c0_i32_0 = arith.constant 0 : i32
    %c0_i32_1 = arith.constant 0 : i32
    return %c0_i32, %c0_i32_0 : i32, i32
  }
  func.func @transform_5(%arg0: i32) -> (i32, i32) {
    %c0_i32 = arith.constant 0 : i32
    %c0_i32_0 = arith.constant 0 : i32
    return %arg0, %c0_i32 : i32, i32
  }
  func.func @transform_6(%arg0: i32) -> (i32, i32) {
    %c0_i32 = arith.constant 0 : i32
    %c0_i32_0 = arith.constant 0 : i32
    return %arg0, %c0_i32 : i32, i32
  }
}

module attributes {stable_mosaic.version = 14 : i64} {
  func.func @body(%arg0: i32, %arg1: memref<2x1280x128xf32, #tpu.memory_space<vmem>>, %arg2: memref<1280x128xf32, #tpu.memory_space<vmem>>, %arg3: memref<1280x1xf32, #tpu.memory_space<vmem>>, %arg4: memref<1x128xf32, #tpu.memory_space<vmem>>, %arg5: memref<1x384xf32, #tpu.memory_space<vmem>>, %arg6: memref<1x384xf32, #tpu.memory_space<vmem>>, %arg7: memref<384x64xf32, #tpu.memory_space<vmem>>, %arg8: memref<1280x128xf32, #tpu.memory_space<vmem>>, %arg9: memref<1280x128xf32, #tpu.memory_space<vmem>>, %arg10: memref<1280x128xf32, #tpu.memory_space<vmem>>, %arg11: memref<1280x128xf32, #tpu.memory_space<vmem>>) attributes {dimension_semantics = [#tpu.dimension_semantics<arbitrary>], iteration_bounds = array<i64: 8>, scalar_prefetch = 0 : i64, scratch_operands = 0 : i64, tpu.core_type = #tpu.core_type<tc>, window_params = [{transform_indices = @transform_0, window_bounds = array<i64: 2, 1280, 128>}, {transform_indices = @transform_1, window_bounds = array<i64: 1280, 128>}, {transform_indices = @transform_2, window_bounds = array<i64: 1280, 1>}, {pipeline_mode = #tpu.pipeline_mode<synchronous>, transform_indices = @transform_3, window_bounds = array<i64: 1, 128>}, {pipeline_mode = #tpu.pipeline_mode<synchronous>, transform_indices = @transform_4, window_bounds = array<i64: 1, 384>}, {pipeline_mode = #tpu.pipeline_mode<synchronous>, transform_indices = @transform_5, window_bounds = array<i64: 1, 384>}, {pipeline_mode = #tpu.pipeline_mode<synchronous>, transform_indices = @transform_6, window_bounds = array<i64: 384, 64>}, {transform_indices = @transform_7, window_bounds = array<i64: 1280, 128>}, {transform_indices = @transform_8, window_bounds = array<i64: 1280, 128>}, {transform_indices = @transform_9, window_bounds = array<i64: 1280, 128>}, {transform_indices = @transform_10, window_bounds = array<i64: 1280, 128>}]} {
    %get3A = arith.constant 0 : index
    %get3A_0 = arith.constant 0 : index
    %get3A_1 = vector.load %arg3[%get3A, %get3A_0] : memref<1280x1xf32, #tpu.memory_space<vmem>>, vector<1280x1xf32>
    %get3A_2 = arith.constant 0 : index
    %get3A_3 = arith.constant 0 : index
    %get3A_4 = arith.constant 0 : index
    %get3A_5 = vector.load %arg1[%get3A_2, %get3A_3, %get3A_4] : memref<2x1280x128xf32, #tpu.memory_space<vmem>>, vector<1x1280x128xf32>
    %get3A_6 = vector.shape_cast %get3A_5 : vector<1x1280x128xf32> to vector<1280x128xf32>
    %get3A_7 = arith.constant 1 : index
    %get3A_8 = arith.constant 0 : index
    %get3A_9 = arith.constant 0 : index
    %get3A_10 = vector.load %arg1[%get3A_7, %get3A_8, %get3A_9] : memref<2x1280x128xf32, #tpu.memory_space<vmem>>, vector<1x1280x128xf32>
    %get3A_11 = vector.shape_cast %get3A_10 : vector<1x1280x128xf32> to vector<1280x128xf32>
    %add3A = arith.addf %get3A_6, %get3A_11 : vector<1280x128xf32>
    %get3A_12 = arith.constant 0 : index
    %get3A_13 = arith.constant 0 : index
    %get3A_14 = vector.load %arg2[%get3A_12, %get3A_13] : memref<1280x128xf32, #tpu.memory_space<vmem>>, vector<1280x128xf32>
    %add3A_15 = arith.addf %add3A, %get3A_14 : vector<1280x128xf32>
    %mul3A = vector.broadcast %get3A_1 : vector<1280x1xf32> to vector<1280x128xf32>
    %mul3A_16 = arith.mulf %add3A_15, %mul3A : vector<1280x128xf32>
    %get3A_17 = arith.constant 0 : index
    %get3A_18 = arith.constant 0 : index
    %get3A_19 = vector.load %arg4[%get3A_17, %get3A_18] : memref<1x128xf32, #tpu.memory_space<vmem>>, vector<1x128xf32>
    %add3A_20 = vector.broadcast %get3A_19 : vector<1x128xf32> to vector<1280x128xf32>
    %add3A_21 = arith.addf %mul3A_16, %add3A_20 : vector<1280x128xf32>
    %max3A = arith.constant 0.000000e+00 : f32
    %max3A_22 = vector.broadcast %max3A : f32 to vector<1280x128xf32>
    %max3A_23 = arith.maximumf %add3A_21, %max3A_22 : vector<1280x128xf32>
    %swap3A = arith.constant 0 : index
    %swap3A_24 = arith.constant 0 : index
    %swap3A_25 = vector.load %arg10[%swap3A, %swap3A_24] : memref<1280x128xf32, #tpu.memory_space<vmem>>, vector<1280x128xf32>
    tpu.vector_store %arg10[%swap3A, %swap3A_24], %max3A_23 {strides = array<i32>} : memref<1280x128xf32, #tpu.memory_space<vmem>>, vector<1280x128xf32>,
    %broadcast_in_dim3A = arith.constant 0.000000e+00 : f32
    %broadcast_in_dim3A_26 = vector.broadcast %broadcast_in_dim3A : f32 to vector<1280x64xf32>
    %get3A_27 = arith.constant 0 : index
    %get3A_28 = arith.constant 0 : index
    %get3A_29 = vector.load %arg8[%get3A_27, %get3A_28] : memref<1280x128xf32, #tpu.memory_space<vmem>>, vector<1280x128xf32>
    %get3A_30 = arith.constant 0 : index
    %get3A_31 = arith.constant 0 : index
    %get3A_32 = vector.load %arg9[%get3A_30, %get3A_31] : memref<1280x128xf32, #tpu.memory_space<vmem>>, vector<1280x128xf32>
    %get3A_33 = arith.constant 0 : index
    %get3A_34 = arith.constant 0 : index
    %get3A_35 = vector.load %arg5[%get3A_33, %get3A_34] : memref<1x384xf32, #tpu.memory_space<vmem>>, vector<1x128xf32>
    %mul3A_36 = arith.constant 0.999994993 : f32
    %mul3A_37 = vector.broadcast %mul3A_36 : f32 to vector<1x128xf32>
    %mul3A_38 = arith.mulf %mul3A_37, %get3A_35 : vector<1x128xf32>
    %mul3A_39 = vector.broadcast %mul3A_38 : vector<1x128xf32> to vector<1280x128xf32>
    %mul3A_40 = arith.mulf %get3A_29, %mul3A_39 : vector<1280x128xf32>
    %get3A_41 = arith.constant 0 : index
    %get3A_42 = arith.constant 0 : index
    %get3A_43 = vector.load %arg6[%get3A_41, %get3A_42] : memref<1x384xf32, #tpu.memory_space<vmem>>, vector<1x128xf32>
    %add3A_44 = vector.broadcast %get3A_43 : vector<1x128xf32> to vector<1280x128xf32>
    %add3A_45 = arith.addf %mul3A_40, %add3A_44 : vector<1280x128xf32>
    %get3A_46 = arith.constant 0 : index
    %get3A_47 = arith.constant 0 : index
    %get3A_48 = vector.load %arg7[%get3A_46, %get3A_47] : memref<384x64xf32, #tpu.memory_space<vmem>>, vector<128x64xf32>
    %dot_general3A = arith.constant dense<0.000000e+00> : vector<1280x64xf32>
    %dot_general3A_49 = tpu.matmul %add3A_45, %get3A_48, %dot_general3A {dimension_numbers = #tpu.dot_dimension_numbers<[1], [0], [0], [1], [0, 0, 1, 1], [], []>, transpose_lhs_hint = false} : vector<1280x128xf32>, vector<128x64xf32>, vector<1280x64xf32> -> vector<1280x64xf32>
    %add3A_50 = arith.addf %broadcast_in_dim3A_26, %dot_general3A_49 : vector<1280x64xf32>
    %get3A_51 = arith.constant 0 : index
    %get3A_52 = arith.constant 128 : index
    %get3A_53 = vector.load %arg5[%get3A_51, %get3A_52] : memref<1x384xf32, #tpu.memory_space<vmem>>, vector<1x128xf32>
    %mul3A_54 = arith.constant 0.999994993 : f32
    %mul3A_55 = vector.broadcast %mul3A_54 : f32 to vector<1x128xf32>
    %mul3A_56 = arith.mulf %mul3A_55, %get3A_53 : vector<1x128xf32>
    %mul3A_57 = vector.broadcast %mul3A_56 : vector<1x128xf32> to vector<1280x128xf32>
    %mul3A_58 = arith.mulf %get3A_32, %mul3A_57 : vector<1280x128xf32>
    %get3A_59 = arith.constant 0 : index
    %get3A_60 = arith.constant 128 : index
    %get3A_61 = vector.load %arg6[%get3A_59, %get3A_60] : memref<1x384xf32, #tpu.memory_space<vmem>>, vector<1x128xf32>
    %add3A_62 = vector.broadcast %get3A_61 : vector<1x128xf32> to vector<1280x128xf32>
    %add3A_63 = arith.addf %mul3A_58, %add3A_62 : vector<1280x128xf32>
    %get3A_64 = arith.constant 128 : index
    %get3A_65 = arith.constant 0 : index
    %get3A_66 = vector.load %arg7[%get3A_64, %get3A_65] : memref<384x64xf32, #tpu.memory_space<vmem>>, vector<128x64xf32>
    %dot_general3A_67 = arith.constant dense<0.000000e+00> : vector<1280x64xf32>
    %dot_general3A_68 = tpu.matmul %add3A_63, %get3A_66, %dot_general3A_67 {dimension_numbers = #tpu.dot_dimension_numbers<[1], [0], [0], [1], [0, 0, 1, 1], [], []>, transpose_lhs_hint = false} : vector<1280x128xf32>, vector<128x64xf32>, vector<1280x64xf32> -> vector<1280x64xf32>
    %add3A_69 = arith.addf %add3A_50, %dot_general3A_68 : vector<1280x64xf32>
    %get3A_70 = arith.constant 0 : index
    %get3A_71 = arith.constant 256 : index
    %get3A_72 = vector.load %arg5[%get3A_70, %get3A_71] : memref<1x384xf32, #tpu.memory_space<vmem>>, vector<1x128xf32>
    %mul3A_73 = arith.constant 0.999994993 : f32
    %mul3A_74 = vector.broadcast %mul3A_73 : f32 to vector<1x128xf32>
    %mul3A_75 = arith.mulf %mul3A_74, %get3A_72 : vector<1x128xf32>
    %mul3A_76 = vector.broadcast %mul3A_75 : vector<1x128xf32> to vector<1280x128xf32>
    %mul3A_77 = arith.mulf %max3A_23, %mul3A_76 : vector<1280x128xf32>
    %get3A_78 = arith.constant 0 : index
    %get3A_79 = arith.constant 256 : index
    %get3A_80 = vector.load %arg6[%get3A_78, %get3A_79] : memref<1x384xf32, #tpu.memory_space<vmem>>, vector<1x128xf32>
    %add3A_81 = vector.broadcast %get3A_80 : vector<1x128xf32> to vector<1280x128xf32>
    %add3A_82 = arith.addf %mul3A_77, %add3A_81 : vector<1280x128xf32>
    %get3A_83 = arith.constant 256 : index
    %get3A_84 = arith.constant 0 : index
    %get3A_85 = vector.load %arg7[%get3A_83, %get3A_84] : memref<384x64xf32, #tpu.memory_space<vmem>>, vector<128x64xf32>
    %dot_general3A_86 = arith.constant dense<0.000000e+00> : vector<1280x64xf32>
    %dot_general3A_87 = tpu.matmul %add3A_82, %get3A_85, %dot_general3A_86 {dimension_numbers = #tpu.dot_dimension_numbers<[1], [0], [0], [1], [0, 0, 1, 1], [], []>, transpose_lhs_hint = false} : vector<1280x128xf32>, vector<128x64xf32>, vector<1280x64xf32> -> vector<1280x64xf32>
    %add3A_88 = arith.addf %add3A_69, %dot_general3A_87 : vector<1280x64xf32>
    %mul3A_89 = vector.broadcast %get3A_1 : vector<1280x1xf32> to vector<1280x64xf32>
    %mul3A_90 = arith.mulf %add3A_88, %mul3A_89 : vector<1280x64xf32>
    %broadcast_in_dim3A_91 = arith.constant 0.000000e+00 : f32
    %broadcast_in_dim3A_92 = vector.broadcast %broadcast_in_dim3A_91 : f32 to vector<1280x64xf32>
    %concatenate3A = tpu.concatenate %mul3A_90, %broadcast_in_dim3A_92 in 1 : vector<1280x64xf32>, vector<1280x64xf32> -> vector<1280x128xf32>
    %swap3A_93 = arith.constant 0 : index
    %swap3A_94 = arith.constant 0 : index
    %swap3A_95 = vector.load %arg11[%swap3A_93, %swap3A_94] : memref<1280x128xf32, #tpu.memory_space<vmem>>, vector<1280x128xf32>
    tpu.vector_store %arg11[%swap3A_93, %swap3A_94], %concatenate3A {strides = array<i32>} : memref<1280x128xf32, #tpu.memory_space<vmem>>, vector<1280x128xf32>,
    return
  }
  func.func @transform_0(%arg0: i32) -> (i32, i32, i32) {
    %c0_i32 = arith.constant 0 : i32
    %c0_i32_0 = arith.constant 0 : i32
    %c0_i32_1 = arith.constant 0 : i32
    return %c0_i32, %arg0, %c0_i32_0 : i32, i32, i32
  }
  func.func @transform_1(%arg0: i32) -> (i32, i32) {
    %c0_i32 = arith.constant 0 : i32
    %c0_i32_0 = arith.constant 0 : i32
    return %arg0, %c0_i32 : i32, i32
  }
  func.func @transform_2(%arg0: i32) -> (i32, i32) {
    %c0_i32 = arith.constant 0 : i32
    %c0_i32_0 = arith.constant 0 : i32
    return %arg0, %c0_i32 : i32, i32
  }
  func.func @transform_3(%arg0: i32) -> (i32, i32) {
    %c0_i32 = arith.constant 0 : i32
    %c0_i32_0 = arith.constant 0 : i32
    %c0_i32_1 = arith.constant 0 : i32
    return %c0_i32, %c0_i32_0 : i32, i32
  }
  func.func @transform_4(%arg0: i32) -> (i32, i32) {
    %c0_i32 = arith.constant 0 : i32
    %c0_i32_0 = arith.constant 0 : i32
    %c0_i32_1 = arith.constant 0 : i32
    return %c0_i32, %c0_i32_0 : i32, i32
  }
  func.func @transform_5(%arg0: i32) -> (i32, i32) {
    %c0_i32 = arith.constant 0 : i32
    %c0_i32_0 = arith.constant 0 : i32
    %c0_i32_1 = arith.constant 0 : i32
    return %c0_i32, %c0_i32_0 : i32, i32
  }
  func.func @transform_6(%arg0: i32) -> (i32, i32) {
    %c0_i32 = arith.constant 0 : i32
    %c0_i32_0 = arith.constant 0 : i32
    %c0_i32_1 = arith.constant 0 : i32
    return %c0_i32, %c0_i32_0 : i32, i32
  }
  func.func @transform_7(%arg0: i32) -> (i32, i32) {
    %c0_i32 = arith.constant 0 : i32
    %c0_i32_0 = arith.constant 0 : i32
    return %arg0, %c0_i32 : i32, i32
  }
  func.func @transform_8(%arg0: i32) -> (i32, i32) {
    %c0_i32 = arith.constant 0 : i32
    %c0_i32_0 = arith.constant 0 : i32
    return %arg0, %c0_i32 : i32, i32
  }
  func.func @transform_9(%arg0: i32) -> (i32, i32) {
    %c0_i32 = arith.constant 0 : i32
    %c0_i32_0 = arith.constant 0 : i32
    return %arg0, %c0_i32 : i32, i32
  }
  func.func @transform_10(%arg0: i32) -> (i32, i32) {
    %c0_i32 = arith.constant 0 : i32
    %c0_i32_0 = arith.constant 0 : i32
    return %arg0, %c0_i32 : i32, i32
  }
}

module attributes {stable_mosaic.version = 14 : i64} {
  func.func @body(%arg0: i32, %arg1: memref<2x1280x128xf32, #tpu.memory_space<vmem>>, %arg2: memref<1280x128xf32, #tpu.memory_space<vmem>>, %arg3: memref<1280x1xf32, #tpu.memory_space<vmem>>, %arg4: memref<1x64xf32, #tpu.memory_space<vmem>>, %arg5: memref<1280x64xf32, #tpu.memory_space<vmem>>) attributes {dimension_semantics = [#tpu.dimension_semantics<arbitrary>], iteration_bounds = array<i64: 8>, scalar_prefetch = 0 : i64, scratch_operands = 0 : i64, tpu.core_type = #tpu.core_type<tc>, window_params = [{transform_indices = @transform_0, window_bounds = array<i64: 2, 1280, 128>}, {transform_indices = @transform_1, window_bounds = array<i64: 1280, 128>}, {transform_indices = @transform_2, window_bounds = array<i64: 1280, 1>}, {pipeline_mode = #tpu.pipeline_mode<synchronous>, transform_indices = @transform_3, window_bounds = array<i64: 1, 64>}, {transform_indices = @transform_4, window_bounds = array<i64: 1280, 64>}]} {
    %get3A = arith.constant 0 : index
    %get3A_0 = arith.constant 0 : index
    %get3A_1 = arith.constant 0 : index
    %get3A_2 = vector.load %arg1[%get3A, %get3A_0, %get3A_1] : memref<2x1280x128xf32, #tpu.memory_space<vmem>>, vector<1x1280x128xf32>
    %get3A_3 = vector.shape_cast %get3A_2 : vector<1x1280x128xf32> to vector<1280x128xf32>
    %get3A_4 = arith.constant 1 : index
    %get3A_5 = arith.constant 0 : index
    %get3A_6 = arith.constant 0 : index
    %get3A_7 = vector.load %arg1[%get3A_4, %get3A_5, %get3A_6] : memref<2x1280x128xf32, #tpu.memory_space<vmem>>, vector<1x1280x128xf32>
    %get3A_8 = vector.shape_cast %get3A_7 : vector<1x1280x128xf32> to vector<1280x128xf32>
    %add3A = arith.addf %get3A_3, %get3A_8 : vector<1280x128xf32>
    %get3A_9 = arith.constant 0 : index
    %get3A_10 = arith.constant 0 : index
    %get3A_11 = vector.load %arg2[%get3A_9, %get3A_10] : memref<1280x128xf32, #tpu.memory_space<vmem>>, vector<1280x128xf32>
    %add3A_12 = arith.addf %add3A, %get3A_11 : vector<1280x128xf32>
    %get3A_13 = arith.constant 0 : index
    %get3A_14 = arith.constant 0 : index
    %get3A_15 = vector.load %arg3[%get3A_13, %get3A_14] : memref<1280x1xf32, #tpu.memory_space<vmem>>, vector<1280x1xf32>
    %mul3A = vector.broadcast %get3A_15 : vector<1280x1xf32> to vector<1280x128xf32>
    %mul3A_16 = arith.mulf %add3A_12, %mul3A : vector<1280x128xf32>
    %slice3A = vector.extract_strided_slice %mul3A_16 {offsets = [0, 0], sizes = [1280, 64], strides = [1, 1]} : vector<1280x128xf32> to vector<1280x64xf32>
    %get3A_17 = arith.constant 0 : index
    %get3A_18 = arith.constant 0 : index
    %get3A_19 = vector.load %arg4[%get3A_17, %get3A_18] : memref<1x64xf32, #tpu.memory_space<vmem>>, vector<1x64xf32>
    %add3A_20 = vector.broadcast %get3A_19 : vector<1x64xf32> to vector<1280x64xf32>
    %add3A_21 = arith.addf %slice3A, %add3A_20 : vector<1280x64xf32>
    %swap3A = arith.constant 0 : index
    %swap3A_22 = arith.constant 0 : index
    %swap3A_23 = vector.load %arg5[%swap3A, %swap3A_22] : memref<1280x64xf32, #tpu.memory_space<vmem>>, vector<1280x64xf32>
    tpu.vector_store %arg5[%swap3A, %swap3A_22], %add3A_21 {strides = array<i32>} : memref<1280x64xf32, #tpu.memory_space<vmem>>, vector<1280x64xf32>,
    return
  }
  func.func @transform_0(%arg0: i32) -> (i32, i32, i32) {
    %c0_i32 = arith.constant 0 : i32
    %c0_i32_0 = arith.constant 0 : i32
    %c0_i32_1 = arith.constant 0 : i32
    return %c0_i32, %arg0, %c0_i32_0 : i32, i32, i32
  }
  func.func @transform_1(%arg0: i32) -> (i32, i32) {
    %c0_i32 = arith.constant 0 : i32
    %c0_i32_0 = arith.constant 0 : i32
    return %arg0, %c0_i32 : i32, i32
  }
  func.func @transform_2(%arg0: i32) -> (i32, i32) {
    %c0_i32 = arith.constant 0 : i32
    %c0_i32_0 = arith.constant 0 : i32
    return %arg0, %c0_i32 : i32, i32
  }
  func.func @transform_3(%arg0: i32) -> (i32, i32) {
    %c0_i32 = arith.constant 0 : i32
    %c0_i32_0 = arith.constant 0 : i32
    %c0_i32_1 = arith.constant 0 : i32
    return %c0_i32, %c0_i32_0 : i32, i32
  }
  func.func @transform_4(%arg0: i32) -> (i32, i32) {
    %c0_i32 = arith.constant 0 : i32
    %c0_i32_0 = arith.constant 0 : i32
    return %arg0, %c0_i32 : i32, i32
  }
}

</mosaic_0001>

<sc_bundles>
// kernel: kernel.12.cloned.1.call-start
scs
__scs_entry_jumppad:
0x0: {  	(pc) =	sbr.rel $0x88, $3  }
0x1: {  	(tag) =	ssettag $0x0;
	lr =	simm.s32 $0x1  }
0x2: {  	[smem:$0x3F93] =	sst lr;
	_ =	strace $0xD0000000  }
0x3: {  	_ = 	snop  }
0x4: {  	_ = 	snop  }
0x5: {  	_ = 	snop  }
0x6: {  	_ = 	snop  }
0x7: {  	_ = 	snop  }
__scs_overlays_trampoline_lowered:
0x8: {  	[smem:$0x3FA2] =	sst s0  }
0x9: {  	[smem:$0x3FA3] =	sst s1  }
0xa: {  	[smem:$0x3FA4] =	sst s2  }
0xb: {  	[smem:$0x3FA5] =	sst s3  }
0xc: {  	[smem:$0x3FA6] =	sst s4  }
0xd: {  	[smem:$0x3FA7] =	sst s5  }
0xe: {  	[smem:$0x3FA8] =	sst s6  }
0xf: {  	[smem:$0x3FA9] =	sst s7  }
0x10: {  	[smem:$0x3FAA] =	sst s8  }
0x11: {  	[smem:$0x3FAB] =	sst s9;
	s0 =	simm.s32 @!p0 $0x0  }
0x12: {  	s1 =	sld [smem:$0x3F91];
	s0 =	simm.s32 @p0 $0x1  }
0x13: {  	[smem:$0x3FAC] =	sst s0;
	s0 =	simm.s32 @!p1 $0x0  }
0x14: {  	s2 =	sld [smem:$0x3F90];
	s0 =	simm.s32 @p1 $0x1  }
0x15: {  	[smem:$0x3FAD] =	sst s0;
	s0 =	simm.s32 @!p2 $0x0  }
0x16: {  	s3 =	sld [smem:$0x3FDB];
	s0 =	simm.s32 @p2 $0x1  }
0x17: {  	s4 =	simm.s32 $0x1BF5;
	[smem:$0x3FAF] =	sst s0  }
0x18: {  	s0 =	sld [smem:$0x3F92];
	_ =	swait.ge [sflag:s4], $0x0  }
0x19: {  	s7 =	sld [smem:$0x3F93]  }
0x1a: {  	s8 =	sadd.s32 $0xFFFFE003, lr  }
0x1b: {  	s9 =	sadd.s32 $0xFFFFFEF7, lr;
	s5 =	simm.s32 $0xFFFFFFFF;
	p2 =	slt.u32 s8, $0xFFFFF086  }
0x1c: {  	p1 =	slt.u32 s9, $0xF7A;
	s5 =	simm.s32 @!p2 $0x0  }
0x1d: {  	s5 =	simm.s32 @p1 $0x1;
	p0 =	seq.s32 s7, s2  }
0x1e: {  	s7 =	smul.u32 @!p0 $0xF7A, s2;
	p2 =	seq.s32 @!p0 s5, $0x0  }
0x1f: {  	s9 =	smul.u32 $0xF7A, s1;
	s8 =	simm.s32 @!p0 $0x1BF5;
	p2 =	por !p2, p0  }
0x20: {  	[sflag:s8] =	ssyncset.s32 @!p0 $0xFFFFF086;
	s6 =	sadd.s32 @!p0 s3, s7;
	s7 =	simm.s32 @!p0 $0x108  }
0x21: {  	s3 =	sadd.s32 s3, s9;
	s6 =	sadd.s32 @!p0 $0x88, s6;
	s7 =	simm.s32 @p2 $0x1082  }
0x22: {  	[simem:s7], [sflag:s8] =	dma.local @!p0 [hbm:s6], $0xF7A  }
0x23: {  	s9 =	sor.u32 $0xD0000000, s2;
	s6 =	simm.s32 $0x108;
	_ =	swait.ge @!p0 [sflag:s8], $0x0  }
0x24: {  	s3 =	sadd.s32 $0x88, s3;
	s6 =	simm.s32 @!p1 $0x1082;
	[sflag:s4] =	ssyncset.s32 $0xFFFFF086  }
0x25: {  	[simem:s6], [sflag:s4] =	dma.local [hbm:s3], $0xF7A  }
0x26: {  	[smem:$0x3F93] =	sst s1;
	(tag) =	ssettag s2;
	_ =	strace s9  }
0x27: {  	s1 =	sld [smem:$0x3FA3]  }
0x28: {  	s2 =	sld [smem:$0x3FA4]  }
0x29: {  	s4 =	sld [smem:$0x3FA6]  }
0x2a: {  	p0 =	seq.s32 s5, $0x0;
	s5 =	sld [smem:$0x3FA7]  }
0x2b: {  	s6 =	sld [smem:$0x3FA8]  }
0x2c: {  	s7 =	sld [smem:$0x3FA9]  }
0x2d: {  	s3 =	simm.s32 $0x108;
	s8 =	sld [smem:$0x3FAA]  }
0x2e: {  	s3 =	simm.s32 @!p0 $0x1082;
	s9 =	sld [smem:$0x3FAB]  }
0x2f: {  	lr =	sadd.s32 s0, s3;
	s0 =	sld [smem:$0x3FA2]  }
0x30: {  	s3 =	sld [smem:$0x3FA5]  }
0x31: {  	[smem:$0x3FAE] =	sst s10  }
0x32: {  	s10 =	sld [smem:$0x3FAC];
	_ =	sdelay $0x3  }
0x33: {  	p0 =	seq.s32 s10, $0x1;
	s10 =	sld [smem:$0x3FAE];
	_ =	sdelay $0x3  }
0x34: {  	[smem:$0x3FAE] =	sst s10  }
0x35: {  	s10 =	sld [smem:$0x3FAD];
	_ =	sdelay $0x3  }
0x36: {  	p1 =	seq.s32 s10, $0x1;
	s10 =	sld [smem:$0x3FAE];
	_ =	sdelay $0x3  }
0x37: {  	[smem:$0x3FAE] =	sst s10  }
0x38: {  	s10 =	sld [smem:$0x3FAF]  }
0x39: {  	_ = 	snop;
	(pc) =	sbr.ind lr, $3  }
0x3a: {  	_ = 	snop  }
0x3b: {  	_ = 	snop  }
0x3c: {  	p2 =	seq.s32 s10, $0x1;
	s10 =	sld [smem:$0x3FAE]  }
0x3d: {  	_ =	shalt  }
0x3e: {  	_ =	shalt  }
0x3f: {  	_ =	shalt  }
0x40: {  	_ =	shalt  }
0x41: {  	_ =	shalt  }
0x42: {  	_ =	shalt  }
0x43: {  	_ =	shalt  }
0x44: {  	_ =	shalt  }
0x45: {  	_ =	shalt  }
0x46: {  	_ =	shalt  }
0x47: {  	_ =	shalt  }
0x48: {  	_ =	shalt  }
0x49: {  	_ =	shalt  }
0x4a: {  	_ =	shalt  }
0x4b: {  	_ =	shalt  }
0x4c: {  	_ =	shalt  }
0x4d: {  	_ =	shalt  }
0x4e: {  	_ =	shalt  }
0x4f: {  	_ =	shalt  }
0x50: {  	_ =	shalt  }
0x51: {  	_ =	shalt  }
0x52: {  	_ =	shalt  }
0x53: {  	_ =	shalt  }
0x54: {  	_ =	shalt  }
0x55: {  	_ =	shalt  }
0x56: {  	_ =	shalt  }
0x57: {  	_ =	shalt  }
0x58: {  	_ =	shalt  }
0x59: {  	_ =	shalt  }
0x5a: {  	_ =	shalt  }
0x5b: {  	_ =	shalt  }
0x5c: {  	_ =	shalt  }
0x5d: {  	_ =	shalt  }
0x5e: {  	_ =	shalt  }
0x5f: {  	_ =	shalt  }
0x60: {  	_ =	shalt  }
0x61: {  	_ =	shalt  }
0x62: {  	_ =	shalt  }
0x63: {  	_ =	shalt  }
0x64: {  	_ =	shalt  }
0x65: {  	_ =	shalt  }
0x66: {  	_ =	shalt  }
0x67: {  	_ =	shalt  }
0x68: {  	_ =	shalt  }
0x69: {  	_ =	shalt  }
0x6a: {  	_ =	shalt  }
0x6b: {  	_ =	shalt  }
0x6c: {  	_ =	shalt  }
0x6d: {  	_ =	shalt  }
0x6e: {  	_ =	shalt  }
0x6f: {  	_ =	shalt  }
0x70: {  	_ =	shalt  }
0x71: {  	_ =	shalt  }
0x72: {  	_ =	shalt  }
0x73: {  	_ =	shalt  }
0x74: {  	_ =	shalt  }
0x75: {  	_ =	shalt  }
0x76: {  	_ =	shalt  }
0x77: {  	_ =	shalt  }
0x78: {  	_ =	shalt  }
0x79: {  	_ =	shalt  }
0x7a: {  	_ =	shalt  }
0x7b: {  	_ =	shalt  }
0x7c: {  	_ =	shalt  }
0x7d: {  	_ =	shalt  }
0x7e: {  	_ =	shalt  }
0x7f: {  	_ =	shalt  }
0x80: {  	_ =	shalt  }
0x81: {  	_ =	shalt  }
0x82: {  	_ =	shalt  }
0x83: {  	_ =	shalt  }
0x84: {  	_ =	shalt  }
0x85: {  	_ =	shalt  }
0x86: {  	_ =	shalt  }
0x87: {  	_ =	shalt  }
.Lfunc_end0:
.L_simem_size_0:
called_computation_lowered:
.L_overlay_start_0:
0x88: {  	s2 =	sld [smem:$0x3FD9]  }
0x89: {  	s3 =	sld [smem:$0x3FFE];
	_ =	sdelay $0x1  }
0x8a: {  	s1 =	srdreg.scid  }
0x8b: {  	s0 =	sand.u32 $0x1, s1  }
0x8c: {  	s15 =	sshll.u32 s0, $0xA;
	s2 =	sadd.s32 s3, s2  }
0x8d: {  	s2 =	sadd.s32 s2, s15  }
0x8e: {  	[smem:$0x3FBA] =	sst s2  }
0x8f: {  	_ = 	snop  }
0x90: {  	s2 =	sld [smem:$0x3FD0];
	_ =	sdelay $0x2  }
0x91: {  	s16 =	simm.s32 $0xA;
	s4 =	simm.s32 $0x10  }
0x92: {  	[smem:s4], [sflag:s16] =	dma.local [hbm:s2], $0x1  }
0x93: {  	_ =	swait.eq [sflag:s16], $0x1  }
0x94: {  	[sflag:s16] =	ssyncset.done $0x0  }
0x95: {  	s17 =	sld [smem:$0x12];
	[sflag:s16] =	ssyncadd.s32 $0xFFFFFFFF  }
0x96: {  	s18 =	sld [smem:$0x13];
	(tm) =	ssettm $0x1  }
0x97: {  	s19 =	sld [smem:$0x3FFB];
	_ =	sdelay $0x3  }
0x98: {  	_ =	strace s19  }
0x99: {  	s4 =	sld [smem:$0x3FFC];
	_ =	sdelay $0x3  }
0x9a: {  	_ =	strace s4  }
0x9b: {  	s4 =	sld [smem:$0x3FFD];
	_ =	sdelay $0x3  }
0x9c: {  	_ =	strace s4  }
0x9d: {  	_ =	strace $0x8FFFFFFF  }
0x9e: {  	s20 =	sld [smem:$0x3FDB];
	_ =	sdelay $0x1  }
0x9f: {  	s5 =	simm.s32 $_scs_section_size  }
0xa0: {  	s6 =	simm.s32 $_size__tile_overlayer_lowered;
	s7 =	simm.s32 $_tile_overlayer_lowered  }
0xa1: {  	s23 =	simm.s32 $0x1BFF;
	s22 =	sshll.u32 s7, $0x1;
	s4 =	sadd.s32 s5, s20  }
0xa2: {  	s8 =	simm.s32 $0x0;
	s21 =	sshll.u32 s6, $0x1;
	s6 =	sadd.s32 s22, s4  }
0xa3: {  	[timem:s8], [sflag:s23] =	dma.local [hbm:s6], s21  }
0xa4: {  	_ =	swait.ge [sflag:s23], s21  }
0xa5: {  	s5 =	ssub.s32 $0x0, s21;
	[sflag:s23] =	ssyncset.done $0x0  }
0xa6: {  	[sflag:s23] =	ssyncadd.s32 s5;
	_ =	sdelay $0x1  }
0xa7: {  	s24 =	simm.s32 $0x1B8B  }
0xa8: {  	_ =	swait.ge [sflag:s24], $0x1  }
0xa9: {  	[sflag:s24] =	ssyncset.done $0x0  }
0xaa: {  	s25 =	simm.s32 $0x1B8E;
	[sflag:s24] =	ssyncadd.s32 $0xFFFFFFFF  }
0xab: {  	s26 =	simm.s32 $execute0_lowered;
	[smem:$0x3FD2] =	sst s25  }
0xac: {  	s5 =	sshll.u32 s26, $0x1;
	_ =	strace $0x80000046;
	[dreg:$0x1] =	wrdreg $0xFFFFFFFF  }
0xad: {  	s28 =	simm.s32 $_size_execute0_lowered;
	s4 =	sadd.s32 s4, s5;
	[dreg:$0x0] =	wrdreg $0x0  }
0xae: {  	s5 =	sshll.u32 s28, $0x1;
	[dreg:$0x2] =	wrdreg s4  }
0xaf: {  	[dreg:$0x3] =	wrdreg s5  }
0xb0: {  	[dreg:$0x4] =	wrdreg $0xC0  }
0xb1: {  	_ =	task [dreg:s8], $0x5FFFF  }
0xb2: {  	[dreg:$0x1] =	wrdreg $0xFFFFFFFF  }
0xb3: {  	[dreg:$0x0] =	wrdreg $0x60  }
0xb4: {  	[dreg:$0x2] =	wrdreg s17  }
0xb5: {  	[dreg:$0x3] =	wrdreg s18  }
0xb6: {  	[dreg:$0x4] =	wrdreg $0x9  }
0xb7: {  	_ =	task.clear_ibuf [dreg:s8], $0x5FFFF;
	_ =	strace $0x90000046  }
0xb8: {  	s29 =	simm.s32 $0x9;
	_ =	strace $0x80000048  }
0xb9: {  	_ =	swait.ge [sflag:s29], $0x1  }
0xba: {  	[sflag:s29] =	ssyncadd.s32 $0xFFFFFFFF  }
0xbb: {  	_ =	strace $0x90000048  }
0xbc: {  	_ =	sfence  }
0xbd: {  	s30 =	sld [smem:$0x0];
	_ =	sdelay $0x2  }
0xbe: {  	s31 =	sshll.u32 s1, $0xD;
	s1 =	sshrl.u32 s1, $0x2  }
0xbf: {  	s3 =	sand.u32 $0x4000, s31;
	s1 =	sadd.s32 s1, s30  }
0xc0: {  	s0 =	sor.u32 s3, s0;
	s1 =	sshll.u32 s1, $0x11  }
0xc1: {  	s0 =	sor.u32 s1, s0  }
0xc2: {  	s0 =	sadd.s32 $0x8F2B, s0  }
0xc3: {  	[sflag:s0] =	ssyncadd.remote.s32 $0x1  }
0xc4: {  	_ =	sfence.sel $0xFFFF  }
0xc5: {  	[dreg:$0x0] =	wrdreg $0xFFFFFFFF;
	(pc) =	sbr.abs _section_cstart, $3  }
0xc6: {  	[dreg:$0x1] =	wrdreg $0xFFFFFFFF  }
0xc7: {  	_ =	task.clear_ibuf [dreg:s8], $0x2FFFF;
	_ =	strace $0x9FFFFFFF  }
0xc8: {  	(tm) =	ssettm $0x7FFFFFFF  }
0xc9: {  	_ =	shalt  }
tec
execute0_lowered:
.L_overlay_start_1:
0x0: {  	(tag) =	ssettag $0x1  }
0x1: {  	s1 =	srdreg.scid;
	s0 =	stileid.u32  }
0x2: {  	s3 =	rddreg [dreg:$0x0];
	s5 =	sand.u32 $0x1, s1;
	s2 =	sshll.u32 s0, $0x1  }
0x3: {  	s4 =	rddreg [dreg:$0x1];
	s6 =	sor.u32 s5, s2  }
0x4: {  	s2 =	simm.s32 $0x0;
	s5 =	ssub.s32 $0x2, s5;
	s7 =	smul.u32 $0x4E2, s6  }
0x5: {  	[smem:$0x7FF] =	sst s2;
	s8 =	sshrl.u32 s5, $0x1;
	s6 =	smul.u32 $0x500, s6  }
0x6: {  	s1 =	rddreg [dreg:$0x2];
	_ =	strace $0x80000047;
	s5 =	ssub.s32 s5, s8  }
0x7: {  	s8 =	simm.s32 $0x0;
	s3 =	sadd.s32 s3, s7;
	s4 =	sadd.s32 s4, s6  }
0x8: {  	v0 =	vimm.f32 $0.0e+00;
	v1 =	vimm.f32 $1.000000000e+00;
	s5 =	smax.u32 s5, $0x1;
	s6 =	simm.s32 $0x1;
	s7 =	simm.s32 $0x2780  }
.LBB2_1:
0x9: {  	s9 =	simm.s32 $0x0;
	s10 =	simm.s32 $0x200  }
.LBB2_2:
0xa: {  	p0 =	sne.s32 s10, $0x9C00;
	[tilespmem:s9+$0x27F0] =	vst v0  }
0xb: {  	[tilespmem:s9+$0x2780] =	vst v0  }
0xc: {  	[tilespmem:s9+$0x2790] =	vst v0  }
.Ltmp0:
0xd: {  	[tilespmem:s9+$0x27A0] =	vst v0;
	(pc) =	sbr.rel @p0 .LBB2_2-.Ltmp0, $4  }
0xe: {  	[tilespmem:s9+$0x27B0] =	vst v0  }
0xf: {  	[tilespmem:s9+$0x27C0] =	vst v0  }
0x10: {  	[tilespmem:s9+$0x27D0] =	vst v0  }
0x11: {  	[tilespmem:s9+$0x27E0] =	vst v0;
	s9 =	sshra.s32 s10, $0x2;
	s10 =	sadd.s32 $0x200, s10  }
0x12: {  	[tilespmem:s9+$0x27F0] =	vst v0  }
0x13: {  	[tilespmem:s9+$0x2780] =	vst v0  }
0x14: {  	[tilespmem:s9+$0x2790] =	vst v0  }
0x15: {  	[tilespmem:s9+$0x27A0] =	vst v0  }
0x16: {  	[tilespmem:s9+$0x27B0] =	vst v0  }
0x17: {  	[tilespmem:s9+$0x27C0] =	vst v0  }
0x18: {  	[tilespmem:s9+$0x27D0] =	vst v0  }
0x19: {  	[tilespmem:s9+$0x27E0] =	vst v0;
	s9 =	simm.s32 $0x0  }
0x1a: {  	[tilespmem:s9], [sflag:$0x1] =	stream.linear.gather [hbm4b:s3+s9], $0x2710, $0x38;
	[tilespmem:$0x4F80] =	vst v63  }
0x1b: {  	_ =	swait.ge [sflag:s6], $0x2710  }
0x1c: {  	[sflag:s6] =	ssyncset.done $0x0  }
0x1d: {  	[sflag:s6] =	ssyncadd.s32 $0xFFFFD8F0  }
.LBB2_4:
0x1e: {  	s10 =	sshra.s32 s9, $0x2  }
0x1f: {  	v2 =	vld [tilespmem:s10+$0x0];
	_ =	sdelay $0x7  }
0x20: {  	[tilespmem:v2+s7+$0x0] =	vst.idx.add.f32.msk $0xffff, v1  }
0x21: {  	v2 =	vld [tilespmem:s10+$0x10];
	_ =	sdelay $0x7  }
0x22: {  	[tilespmem:v2+s7+$0x0] =	vst.idx.add.f32.msk $0xffff, v1  }
0x23: {  	v2 =	vld [tilespmem:s10+$0x20];
	_ =	sdelay $0x7  }
0x24: {  	[tilespmem:v2+s7+$0x0] =	vst.idx.add.f32.msk $0xffff, v1  }
0x25: {  	v2 =	vld [tilespmem:s10+$0x30];
	_ =	sdelay $0x7  }
0x26: {  	[tilespmem:v2+s7+$0x0] =	vst.idx.add.f32.msk $0xffff, v1  }
0x27: {  	v2 =	vld [tilespmem:s10+$0x40];
	_ =	sdelay $0x2  }
0x28: {  	p0 =	sne.s32 s9, $0x9B00  }
.Ltmp1:
0x29: {  	_ = 	snop;
	(pc) =	sbr.rel @p0 .LBB2_4-.Ltmp1, $2  }
0x2a: {  	_ =	sdelay $0x2  }
0x2b: {  	s9 =	sadd.s32 $0x140, s9;
	[tilespmem:v2+s7+$0x0] =	vst.idx.add.f32.msk $0xffff, v1  }
0x2c: {  	s8 =	sadd.s32 $0x1, s8  }
0x2d: {  	p0 =	sne.s32 s8, s5  }
.Ltmp2:
0x2e: {  	_ = 	snop;
	(pc) =	sbr.rel @p0 .LBB2_1-.Ltmp2, $4  }
0x2f: {  	[hbm4b:s4+s2] =	stream.linear.scatter [tilespmem:s7], [sflag:$0x1], $0x2780, $0x38;
	[tilespmem:$0x4F80] =	vst v63  }
0x30: {  	_ =	swait.ge [sflag:s6], $0x2780  }
0x31: {  	[sflag:s6] =	ssyncset.done $0x0  }
0x32: {  	[sflag:s6] =	ssyncadd.s32 $0xFFFFD880  }
0x33: {  	_ =	sfence.sel $0x180000  }
0x34: {  	[bflag:$0x0] =	sbarrier.arrive $0xFFFF  }
0x35: {  	p0 =	sne.s32 s0, $0x0;
	_ =	strace $0x90000047  }
0x36: {  	s0 =	sadd.s32 @!p0 $0x100000, s1;
	[bflag:$0x2] =	sbarrier.arrive $0xFFFF  }
0x37: {  	[sflag:s0] =	ssyncadd.tile.s32 @!p0 $0x1;
	_ =	shalt  }
.Lfunc_end2:
_tile_overlayer_lowered:
.L_overlay_start_2:
0x38: {  	(tag) =	ssettag $0x2  }
0x39: {  	s0 =	rddreg [dreg:$0x0];
	s2 =	stileid.u32  }
0x3a: {  	s1 =	rddreg [dreg:$0x1];
	p0 =	sne.s32 s2, $0x0  }
0x3b: {  	s3 =	rddreg [dreg:$0x2];
	[bflag:$0x3] =	sbarrier.arrive $0xFFFF;
	s2 =	simm.s32 @!p0 $0x1C01  }
0x3c: {  	[timem:s3], [sflag:s2] =	dma.local @!p0 [hbm:s0], s1  }
0x3d: {  	s0 =	simm.s32 @!p0 $0x1  }
0x3e: {  	_ =	swait.ge @!p0 [sflag:s0], s1  }
0x3f: {  	s1 =	ssub.s32 @!p0 $0x0, s1;
	[sflag:s0] =	ssyncset.done @!p0 $0x0  }
0x40: {  	[sflag:s0] =	ssyncadd.s32 @!p0 s1  }
0x41: {  	[bflag:$0x3] =	sbarrier.arrive $0xFFFF  }
0x42: {  	_ =	shalt  }

// kernel: kernel.15.cloned.1.call-start
scs
__scs_entry_jumppad:
0x0: {  	(pc) =	sbr.rel $0x88, $3  }
0x1: {  	(tag) =	ssettag $0x0;
	lr =	simm.s32 $0x1  }
0x2: {  	[smem:$0x3F93] =	sst lr;
	_ =	strace $0xD0000000  }
0x3: {  	_ = 	snop  }
0x4: {  	_ = 	snop  }
0x5: {  	_ = 	snop  }
0x6: {  	_ = 	snop  }
0x7: {  	_ = 	snop  }
__scs_overlays_trampoline_lowered:
0x8: {  	[smem:$0x3FA2] =	sst s0  }
0x9: {  	[smem:$0x3FA3] =	sst s1  }
0xa: {  	[smem:$0x3FA4] =	sst s2  }
0xb: {  	[smem:$0x3FA5] =	sst s3  }
0xc: {  	[smem:$0x3FA6] =	sst s4  }
0xd: {  	[smem:$0x3FA7] =	sst s5  }
0xe: {  	[smem:$0x3FA8] =	sst s6  }
0xf: {  	[smem:$0x3FA9] =	sst s7  }
0x10: {  	[smem:$0x3FAA] =	sst s8  }
0x11: {  	[smem:$0x3FAB] =	sst s9;
	s0 =	simm.s32 @!p0 $0x0  }
0x12: {  	s1 =	sld [smem:$0x3F91];
	s0 =	simm.s32 @p0 $0x1  }
0x13: {  	[smem:$0x3FAC] =	sst s0;
	s0 =	simm.s32 @!p1 $0x0  }
0x14: {  	s2 =	sld [smem:$0x3F90];
	s0 =	simm.s32 @p1 $0x1  }
0x15: {  	[smem:$0x3FAD] =	sst s0;
	s0 =	simm.s32 @!p2 $0x0  }
0x16: {  	s3 =	sld [smem:$0x3FDB];
	s0 =	simm.s32 @p2 $0x1  }
0x17: {  	s4 =	simm.s32 $0x1BF5;
	[smem:$0x3FAF] =	sst s0  }
0x18: {  	s0 =	sld [smem:$0x3F92];
	_ =	swait.ge [sflag:s4], $0x0  }
0x19: {  	s7 =	sld [smem:$0x3F93]  }
0x1a: {  	s8 =	sadd.s32 $0xFFFFE003, lr  }
0x1b: {  	s9 =	sadd.s32 $0xFFFFFEF7, lr;
	s5 =	simm.s32 $0xFFFFFFFF;
	p2 =	slt.u32 s8, $0xFFFFF086  }
0x1c: {  	p1 =	slt.u32 s9, $0xF7A;
	s5 =	simm.s32 @!p2 $0x0  }
0x1d: {  	s5 =	simm.s32 @p1 $0x1;
	p0 =	seq.s32 s7, s2  }
0x1e: {  	s7 =	smul.u32 @!p0 $0xF7A, s2;
	p2 =	seq.s32 @!p0 s5, $0x0  }
0x1f: {  	s9 =	smul.u32 $0xF7A, s1;
	s8 =	simm.s32 @!p0 $0x1BF5;
	p2 =	por !p2, p0  }
0x20: {  	[sflag:s8] =	ssyncset.s32 @!p0 $0xFFFFF086;
	s6 =	sadd.s32 @!p0 s3, s7;
	s7 =	simm.s32 @!p0 $0x108  }
0x21: {  	s3 =	sadd.s32 s3, s9;
	s6 =	sadd.s32 @!p0 $0x88, s6;
	s7 =	simm.s32 @p2 $0x1082  }
0x22: {  	[simem:s7], [sflag:s8] =	dma.local @!p0 [hbm:s6], $0xF7A  }
0x23: {  	s9 =	sor.u32 $0xD0000000, s2;
	s6 =	simm.s32 $0x108;
	_ =	swait.ge @!p0 [sflag:s8], $0x0  }
0x24: {  	s3 =	sadd.s32 $0x88, s3;
	s6 =	simm.s32 @!p1 $0x1082;
	[sflag:s4] =	ssyncset.s32 $0xFFFFF086  }
0x25: {  	[simem:s6], [sflag:s4] =	dma.local [hbm:s3], $0xF7A  }
0x26: {  	[smem:$0x3F93] =	sst s1;
	(tag) =	ssettag s2;
	_ =	strace s9  }
0x27: {  	s1 =	sld [smem:$0x3FA3]  }
0x28: {  	s2 =	sld [smem:$0x3FA4]  }
0x29: {  	s4 =	sld [smem:$0x3FA6]  }
0x2a: {  	p0 =	seq.s32 s5, $0x0;
	s5 =	sld [smem:$0x3FA7]  }
0x2b: {  	s6 =	sld [smem:$0x3FA8]  }
0x2c: {  	s7 =	sld [smem:$0x3FA9]  }
0x2d: {  	s3 =	simm.s32 $0x108;
	s8 =	sld [smem:$0x3FAA]  }
0x2e: {  	s3 =	simm.s32 @!p0 $0x1082;
	s9 =	sld [smem:$0x3FAB]  }
0x2f: {  	lr =	sadd.s32 s0, s3;
	s0 =	sld [smem:$0x3FA2]  }
0x30: {  	s3 =	sld [smem:$0x3FA5]  }
0x31: {  	[smem:$0x3FAE] =	sst s10  }
0x32: {  	s10 =	sld [smem:$0x3FAC];
	_ =	sdelay $0x3  }
0x33: {  	p0 =	seq.s32 s10, $0x1;
	s10 =	sld [smem:$0x3FAE];
	_ =	sdelay $0x3  }
0x34: {  	[smem:$0x3FAE] =	sst s10  }
0x35: {  	s10 =	sld [smem:$0x3FAD];
	_ =	sdelay $0x3  }
0x36: {  	p1 =	seq.s32 s10, $0x1;
	s10 =	sld [smem:$0x3FAE];
	_ =	sdelay $0x3  }
0x37: {  	[smem:$0x3FAE] =	sst s10  }
0x38: {  	s10 =	sld [smem:$0x3FAF]  }
0x39: {  	_ = 	snop;
	(pc) =	sbr.ind lr, $3  }
0x3a: {  	_ = 	snop  }
0x3b: {  	_ = 	snop  }
0x3c: {  	p2 =	seq.s32 s10, $0x1;
	s10 =	sld [smem:$0x3FAE]  }
0x3d: {  	_ =	shalt  }
0x3e: {  	_ =	shalt  }
0x3f: {  	_ =	shalt  }
0x40: {  	_ =	shalt  }
0x41: {  	_ =	shalt  }
0x42: {  	_ =	shalt  }
0x43: {  	_ =	shalt  }
0x44: {  	_ =	shalt  }
0x45: {  	_ =	shalt  }
0x46: {  	_ =	shalt  }
0x47: {  	_ =	shalt  }
0x48: {  	_ =	shalt  }
0x49: {  	_ =	shalt  }
0x4a: {  	_ =	shalt  }
0x4b: {  	_ =	shalt  }
0x4c: {  	_ =	shalt  }
0x4d: {  	_ =	shalt  }
0x4e: {  	_ =	shalt  }
0x4f: {  	_ =	shalt  }
0x50: {  	_ =	shalt  }
0x51: {  	_ =	shalt  }
0x52: {  	_ =	shalt  }
0x53: {  	_ =	shalt  }
0x54: {  	_ =	shalt  }
0x55: {  	_ =	shalt  }
0x56: {  	_ =	shalt  }
0x57: {  	_ =	shalt  }
0x58: {  	_ =	shalt  }
0x59: {  	_ =	shalt  }
0x5a: {  	_ =	shalt  }
0x5b: {  	_ =	shalt  }
0x5c: {  	_ =	shalt  }
0x5d: {  	_ =	shalt  }
0x5e: {  	_ =	shalt  }
0x5f: {  	_ =	shalt  }
0x60: {  	_ =	shalt  }
0x61: {  	_ =	shalt  }
0x62: {  	_ =	shalt  }
0x63: {  	_ =	shalt  }
0x64: {  	_ =	shalt  }
0x65: {  	_ =	shalt  }
0x66: {  	_ =	shalt  }
0x67: {  	_ =	shalt  }
0x68: {  	_ =	shalt  }
0x69: {  	_ =	shalt  }
0x6a: {  	_ =	shalt  }
0x6b: {  	_ =	shalt  }
0x6c: {  	_ =	shalt  }
0x6d: {  	_ =	shalt  }
0x6e: {  	_ =	shalt  }
0x6f: {  	_ =	shalt  }
0x70: {  	_ =	shalt  }
0x71: {  	_ =	shalt  }
0x72: {  	_ =	shalt  }
0x73: {  	_ =	shalt  }
0x74: {  	_ =	shalt  }
0x75: {  	_ =	shalt  }
0x76: {  	_ =	shalt  }
0x77: {  	_ =	shalt  }
0x78: {  	_ =	shalt  }
0x79: {  	_ =	shalt  }
0x7a: {  	_ =	shalt  }
0x7b: {  	_ =	shalt  }
0x7c: {  	_ =	shalt  }
0x7d: {  	_ =	shalt  }
0x7e: {  	_ =	shalt  }
0x7f: {  	_ =	shalt  }
0x80: {  	_ =	shalt  }
0x81: {  	_ =	shalt  }
0x82: {  	_ =	shalt  }
0x83: {  	_ =	shalt  }
0x84: {  	_ =	shalt  }
0x85: {  	_ =	shalt  }
0x86: {  	_ =	shalt  }
0x87: {  	_ =	shalt  }
.Lfunc_end0:
.L_simem_size_0:
called_computation.1_lowered:
.L_overlay_start_0:
0x88: {  	s2 =	sld [smem:$0x3FD9]  }
0x89: {  	s3 =	sld [smem:$0x3FFE];
	_ =	sdelay $0x1  }
0x8a: {  	s1 =	srdreg.scid  }
0x8b: {  	s0 =	sand.u32 $0x1, s1  }
0x8c: {  	s14 =	sshll.u32 s0, $0xA;
	s2 =	sadd.s32 s3, s2  }
0x8d: {  	s2 =	sadd.s32 s2, s14  }
0x8e: {  	[smem:$0x3FBA] =	sst s2  }
0x8f: {  	_ = 	snop  }
0x90: {  	s2 =	sld [smem:$0x3FD0];
	_ =	sdelay $0x2  }
0x91: {  	s15 =	simm.s32 $0xA;
	s4 =	simm.s32 $0x10  }
0x92: {  	[smem:s4], [sflag:s15] =	dma.local [hbm:s2], $0x1  }
0x93: {  	_ =	swait.eq [sflag:s15], $0x1  }
0x94: {  	[sflag:s15] =	ssyncset.done $0x0  }
0x95: {  	s16 =	sld [smem:$0x10];
	[sflag:s15] =	ssyncadd.s32 $0xFFFFFFFF  }
0x96: {  	s17 =	sld [smem:$0x13];
	(tm) =	ssettm $0x1  }
0x97: {  	s18 =	sld [smem:$0x3FFB];
	_ =	sdelay $0x3  }
0x98: {  	_ =	strace s18  }
0x99: {  	s4 =	sld [smem:$0x3FFC];
	_ =	sdelay $0x3  }
0x9a: {  	_ =	strace s4  }
0x9b: {  	s4 =	sld [smem:$0x3FFD];
	_ =	sdelay $0x3  }
0x9c: {  	_ =	strace s4  }
0x9d: {  	_ =	strace $0x8FFFFFFF  }
0x9e: {  	s19 =	sld [smem:$0x3FDB];
	_ =	sdelay $0x1  }
0x9f: {  	s5 =	simm.s32 $_scs_section_size  }
0xa0: {  	s6 =	simm.s32 $_size__tile_overlayer_lowered;
	s7 =	simm.s32 $_tile_overlayer_lowered  }
0xa1: {  	s22 =	simm.s32 $0x1BFF;
	s21 =	sshll.u32 s7, $0x1;
	s4 =	sadd.s32 s5, s19  }
0xa2: {  	s8 =	simm.s32 $0x0;
	s20 =	sshll.u32 s6, $0x1;
	s6 =	sadd.s32 s21, s4  }
0xa3: {  	[timem:s8], [sflag:s22] =	dma.local [hbm:s6], s20  }
0xa4: {  	_ =	swait.ge [sflag:s22], s20  }
0xa5: {  	s5 =	ssub.s32 $0x0, s20;
	[sflag:s22] =	ssyncset.done $0x0  }
0xa6: {  	[sflag:s22] =	ssyncadd.s32 s5;
	_ =	sdelay $0x1  }
0xa7: {  	s23 =	simm.s32 $0x1B8B  }
0xa8: {  	_ =	swait.ge [sflag:s23], $0x1  }
0xa9: {  	[sflag:s23] =	ssyncset.done $0x0  }
0xaa: {  	s25 =	simm.s32 $0x1B8E;
	s24 =	sld [smem:$0x3FFE];
	[sflag:s23] =	ssyncadd.s32 $0xFFFFFFFF  }
0xab: {  	s26 =	simm.s32 $execute0_lowered;
	[smem:$0x3FD2] =	sst s25  }
0xac: {  	s6 =	sshll.u32 s26, $0x1;
	_ =	strace $0x80000049;
	[dreg:$0x1] =	wrdreg $0xFFFFFFFF  }
0xad: {  	s28 =	simm.s32 $_size_execute0_lowered;
	s4 =	sadd.s32 s4, s6;
	[dreg:$0x0] =	wrdreg $0x0  }
0xae: {  	s6 =	sshll.u32 s28, $0x1;
	[dreg:$0x2] =	wrdreg s4  }
0xaf: {  	[dreg:$0x3] =	wrdreg s6  }
0xb0: {  	[dreg:$0x4] =	wrdreg $0xC0  }
0xb1: {  	_ =	task [dreg:s8], $0x5FFFF  }
0xb2: {  	[dreg:$0x1] =	wrdreg $0xFFFFFFFF  }
0xb3: {  	[dreg:$0x0] =	wrdreg $0x60  }
0xb4: {  	[dreg:$0x2] =	wrdreg s17  }
0xb5: {  	[dreg:$0x3] =	wrdreg s24  }
0xb6: {  	[dreg:$0x4] =	wrdreg s16  }
0xb7: {  	[dreg:$0x5] =	wrdreg $0xB9000  }
0xb8: {  	[dreg:$0x6] =	wrdreg $0x9  }
0xb9: {  	_ =	task.clear_ibuf [dreg:s8], $0x7FFFF;
	_ =	strace $0x90000049  }
0xba: {  	s29 =	simm.s32 $0x9;
	_ =	strace $0x8000004B  }
0xbb: {  	_ =	swait.ge [sflag:s29], $0x1  }
0xbc: {  	[sflag:s29] =	ssyncadd.s32 $0xFFFFFFFF  }
0xbd: {  	_ =	strace $0x9000004B  }
0xbe: {  	_ =	sfence  }
0xbf: {  	s30 =	sld [smem:$0x0];
	_ =	sdelay $0x2  }
0xc0: {  	s31 =	sshll.u32 s1, $0xD;
	s1 =	sshrl.u32 s1, $0x2  }
0xc1: {  	s3 =	sand.u32 $0x4000, s31;
	s1 =	sadd.s32 s1, s30  }
0xc2: {  	s0 =	sor.u32 s3, s0;
	s1 =	sshll.u32 s1, $0x11  }
0xc3: {  	s0 =	sor.u32 s1, s0  }
0xc4: {  	s0 =	sadd.s32 $0x8F2B, s0  }
0xc5: {  	[sflag:s0] =	ssyncadd.remote.s32 $0x1  }
0xc6: {  	_ =	sfence.sel $0xFFFF  }
0xc7: {  	[dreg:$0x0] =	wrdreg $0xFFFFFFFF;
	(pc) =	sbr.abs _section_cstart, $3  }
0xc8: {  	[dreg:$0x1] =	wrdreg $0xFFFFFFFF  }
0xc9: {  	_ =	task.clear_ibuf [dreg:s8], $0x2FFFF;
	_ =	strace $0x9FFFFFFF  }
0xca: {  	(tm) =	ssettm $0x7FFFFFFF  }
0xcb: {  	_ =	shalt  }
tec
execute0_lowered:
.L_overlay_start_1:
0x0: {  	(tag) =	ssettag $0x1  }
0x1: {  	s1 =	rddreg [dreg:$0x0]  }
0x2: {  	s0 =	srdreg.scid;
	s5 =	rddreg [dreg:$0x1]  }
0x3: {  	s21 =	stileid.u32;
	s6 =	rddreg [dreg:$0x2]  }
0x4: {  	s3 =	rddreg [dreg:$0x3];
	s4 =	simm.s32 $0x0;
	s29 =	simm.s32 $0x5900  }
0x5: {  	s30 =	simm.s32 $0x7;
	s31 =	simm.s32 $0x1;
	s22 =	smul.u32 $0x13C00, s21  }
0x6: {  	s0 =	sand.u32 $0x1, s0;
	s2 =	sshll.u32 s21, $0x1;
	s18 =	smul.u32 $0xD0, s21  }
0x7: {  	[smem:$0x7FF] =	sst s4;
	s10 =	sadd.s32 $0xEC00, s5;
	s14 =	smul.u32 $0x13C000, s0  }
0x8: {  	s2 =	sor.u32 s0, s2;
	s11 =	ssub.s32 $0x2, s0;
	s0 =	smul.u32 $0x68, s0  }
0x9: {  	p0 =	slt.u32 s21, $0x3;
	_ =	strace $0x8000004A;
	s7 =	smul.u32 $0x68, s2  }
0xa: {  	[dreg:$0x5] =	wrdreg s10;
	s8 =	smin.u32 s2, $0x6;
	s2 =	smul.u32 $0x3400, s2  }
0xb: {  	s12 =	sshrl.u32 s11, $0x1;
	s15 =	sadd.s32 $0x9000, s22;
	s16 =	sadd.s32 $0xC000, s22  }
0xc: {  	s13 =	sshll.u32 s8, $0x7;
	s11 =	ssub.s32 s11, s12;
	s12 =	sadd.s32 $0x12000, s22  }
0xd: {  	s17 =	sadd.s32 s14, s22;
	s0 =	sadd.s32 s0, s18;
	s7 =	sor.u32 s8, s7  }
0xe: {  	s2 =	sor.u32 s2, s13;
	s23 =	sadd.s32 s14, s12;
	s13 =	sadd.s32 $0x6000, s22  }
0xf: {  	s17 =	sshrl.u32 s17, $0x3;
	s9 =	smul.u32 $0xC, s7;
	s2 =	sshrl.u32 s2, $0x3  }
0x10: {  	s24 =	sshrl.u32 s23, $0x3;
	s20 =	sadd.s32 s14, s13;
	s2 =	sadd.s32 s6, s2  }
0x11: {  	s26 =	sshrl.u32 s20, $0x3;
	s20 =	sadd.s32 s14, s16;
	s16 =	sadd.s32 s16, s3  }
0x12: {  	s9 =	sadd.s32 s9, s5;
	s5 =	sadd.s32 $0xF200, s5;
	[dreg:$0x6] =	wrdreg s2  }
0x13: {  	s2 =	sshll.u32 s7, $0x4;
	[dreg:$0x13] =	wrdreg s16;
	s7 =	sadd.s32 s5, s24  }
0x14: {  	s0 =	sor.u32 s8, s0;
	s17 =	sadd.s32 s5, s17;
	[dreg:$0x7] =	wrdreg s7  }
0x15: {  	s8 =	sshrl.u32 s20, $0x3;
	s28 =	sadd.s32 s5, s26;
	[dreg:$0x8] =	wrdreg s17  }
0x16: {  	s0 =	sshll.u32 s0, $0x4;
	s8 =	sadd.s32 s5, s8;
	[dreg:$0xa] =	wrdreg s28  }
0x17: {  	s0 =	sadd.s32 s0, s6;
	s24 =	sadd.s32 $0x4E00, s9;
	[dreg:$0xc] =	wrdreg s8  }
0x18: {  	s10 =	sadd.s32 $0xF000, s22;
	s26 =	sadd.s32 $0x40, s0;
	[dreg:$0xe] =	wrdreg s24  }
0x19: {  	s2 =	sadd.s32 s2, s6;
	s9 =	sadd.s32 s12, s3;
	[dreg:$0x15] =	wrdreg s26  }
0x1a: {  	s23 =	smul.u32 $0x4F000, s21;
	s2 =	sadd.s32 $0x10, s2;
	[dreg:$0x11] =	wrdreg s9  }
0x1b: {  	s13 =	sadd.s32 s13, s3;
	s28 =	sadd.s32 $0x30, s0;
	[dreg:$0xf] =	wrdreg s2  }
0x1c: {  	s7 =	sadd.s32 $0x3000, s22;
	s0 =	sadd.s32 $0x20, s0;
	[dreg:$0x16] =	wrdreg s28  }
0x1d: {  	s6 =	simm.s32 $0x2800;
	s19 =	sadd.s32 s14, s7;
	[dreg:$0x17] =	wrdreg s0  }
0x1e: {  	s2 =	simm.s32 $0x2780;
	s0 =	simm.s32 $0x60;
	s25 =	sshrl.u32 s19, $0x3  }
0x1f: {  	s19 =	sadd.s32 s14, s15;
	s14 =	sadd.s32 s14, s10;
	s15 =	sadd.s32 s15, s3  }
0x20: {  	s10 =	sadd.s32 s10, s3;
	s17 =	sadd.s32 s5, s25;
	[dreg:$0x12] =	wrdreg s15  }
0x21: {  	s22 =	sshrl.u32 s14, $0x3;
	s14 =	simm.s32 $0x69;
	[dreg:$0x14] =	wrdreg s10  }
0x22: {  	s25 =	smax.u32 s11, $0x1;
	[dreg:$0x9] =	wrdreg s17;
	s17 =	sshrl.u32 s19, $0x3  }
0x23: {  	s11 =	simm.s32 $0x0;
	[dreg:$0x10] =	wrdreg s25;
	s17 =	sadd.s32 s5, s17  }
0x24: {  	s14 =	simm.s32 @!p0 $0x68;
	s5 =	sadd.s32 s5, s22;
	[dreg:$0xb] =	wrdreg s17  }
0x25: {  	[dreg:$0xd] =	wrdreg s5;
	s5 =	sshrl.u32 s23, $0x2;
	s17 =	sadd.s32 s7, s3  }
0x26: {  	s7 =	simm.s32 $0x2;
	s12 =	sadd.s32 s5, s3;
	s5 =	simm.s32 $0x2900  }
.LBB2_1:
0x27: {  	s8 =	rddreg [dreg:$0xe]  }
0x28: {  	[tilespmem:s4], [sflag:$0x1] =	stream.linear.gather [hbm4b:s8+s4], $0x2760, $0x38;
	[tilespmem:$0x1F500] =	vst v63  }
0x29: {  	s23 =	rddreg [dreg:$0x5]  }
0x2a: {  	[tilespmem:s29], [sflag:$0x7] =	stream.linear.gather [hbm4b:s23+s4], $0x3000, $0x38;
	[tilespmem:$0x1F500] =	vst v63  }
0x2b: {  	_ =	swait.ge [sflag:s30], $0x3000  }
0x2c: {  	[sflag:s30] =	ssyncset.done $0x0  }
0x2d: {  	[sflag:s30] =	ssyncadd.s32 $0xFFFFD000  }
0x2e: {  	[spmem:s12] =	stream.linear.scatter [tilespmem:s29], [sflag:$0x7], $0x3000, $0x38;
	[tilespmem:$0x1F500] =	vst v63  }
0x2f: {  	_ =	swait.ge [sflag:s30], $0x3000  }
0x30: {  	[sflag:s30] =	ssyncset.done $0x0  }
0x31: {  	[sflag:s30] =	ssyncadd.s32 $0xFFFFD000  }
0x32: {  	[spmem:s17] =	stream.linear.scatter [tilespmem:s29], [sflag:$0x7], $0x3000, $0x38;
	[tilespmem:$0x1F500] =	vst v63  }
0x33: {  	_ =	swait.ge [sflag:s30], $0x3000  }
0x34: {  	[sflag:s30] =	ssyncset.done $0x0  }
0x35: {  	[sflag:s30] =	ssyncadd.s32 $0xFFFFD000  }
0x36: {  	[spmem:s13] =	stream.linear.scatter [tilespmem:s29], [sflag:$0x7], $0x3000, $0x38;
	[tilespmem:$0x1F500] =	vst v63  }
0x37: {  	_ =	swait.ge [sflag:s30], $0x3000  }
0x38: {  	[sflag:s30] =	ssyncset.done $0x0  }
0x39: {  	[sflag:s30] =	ssyncadd.s32 $0xFFFFD000  }
0x3a: {  	[spmem:s15] =	stream.linear.scatter [tilespmem:s29], [sflag:$0x7], $0x3000, $0x38;
	[tilespmem:$0x1F500] =	vst v63  }
0x3b: {  	_ =	swait.ge [sflag:s30], $0x3000  }
0x3c: {  	[sflag:s30] =	ssyncset.done $0x0  }
0x3d: {  	[sflag:s30] =	ssyncadd.s32 $0xFFFFD000  }
0x3e: {  	[spmem:s16] =	stream.linear.scatter [tilespmem:s29], [sflag:$0x7], $0x3000, $0x38;
	[tilespmem:$0x1F500] =	vst v63  }
0x3f: {  	_ =	swait.ge [sflag:s30], $0x3000  }
0x40: {  	[sflag:s30] =	ssyncset.done $0x0  }
0x41: {  	[sflag:s30] =	ssyncadd.s32 $0xFFFFD000  }
0x42: {  	[spmem:s10] =	stream.linear.scatter [tilespmem:s29], [sflag:$0x7], $0x3000, $0x38;
	[tilespmem:$0x1F500] =	vst v63  }
0x43: {  	_ =	swait.ge [sflag:s30], $0x3000  }
0x44: {  	[sflag:s30] =	ssyncset.done $0x0  }
0x45: {  	[sflag:s30] =	ssyncadd.s32 $0xFFFFD000  }
0x46: {  	[spmem:s9] =	stream.linear.scatter [tilespmem:s29], [sflag:$0x7], $0x1C00, $0x38;
	[tilespmem:$0x1F500] =	vst v63  }
0x47: {  	_ =	swait.ge [sflag:s30], $0x1C00  }
0x48: {  	[sflag:s30] =	ssyncset.done $0x0  }
0x49: {  	[sflag:s30] =	ssyncadd.s32 $0xFFFFE400  }
0x4a: {  	_ =	swait.ge [sflag:s31], $0x2760  }
0x4b: {  	[sflag:s31] =	ssyncset.done $0x0  }
0x4c: {  	[sflag:s31] =	ssyncadd.s32 $0xFFFFD8A0  }
0x4d: {  	[bflag:$0x0] =	sbarrier.arrive $0xFFFF  }
0x4e: {  	s24 =	rddreg [dreg:$0x6]  }
0x4f: {  	[tilespmem:s2], [sflag:$0x1] =	stream.linear.gather [hbm4b:s24+s4], $0x80, $0x38;
	[tilespmem:$0x1F500] =	vst v63  }
0x50: {  	_ = 	snop  }
0x51: {  	[tilespmem:s5], [sflag:$0x1] =	stream.indirect.gather [hbm4b:s1+s0], $0x80, s4, s0, $0xb8;
	[tilespmem:$0x1F500] =	vst v63  }
0x52: {  	s25 =	rddreg [dreg:$0xf]  }
0x53: {  	[tilespmem:s6], [sflag:$0x2] =	stream.linear.gather [hbm4b:s25+s4], $0x80, $0x38;
	[tilespmem:$0x1F500] =	vst v63  }
0x54: {  	_ = 	snop  }
0x55: {  	[tilespmem:s29], [sflag:$0x2] =	stream.indirect.gather [hbm4b:s1+s0], $0x80, s0, s0, $0xb8;
	[tilespmem:$0x1F500] =	vst v63  }
0x56: {  	_ =	swait.ge [sflag:s31], $0x3000  }
0x57: {  	[sflag:s31] =	ssyncset.done $0x0  }
0x58: {  	p0 =	sle.u32 s14, $0x2;
	[sflag:s31] =	ssyncadd.s32 $0xFFFFD000  }
0x59: {  	p1 =	por @!p0 $0x1, $0x1;
	_ =	swait.ge [sflag:s31], $0x80  }
0x5a: {  	p1 =	por p1, p0;
	[sflag:s31] =	ssyncset.done $0x0  }
0x5b: {  	s8 =	simm.s32 @!p1 $0x6;
	[sflag:s31] =	ssyncadd.s32 $0xFFFFFF80  }
0x5c: {  	[spmem:s3] =	stream.indirect.scatter.add.f32 [tilespmem:s5], [sflag:$0x4], $0x80, s2, s0, $0xb8;
	[tilespmem:$0x1F500] =	vst v63  }
0x5d: {  	_ =	swait.ge @!p1 [sflag:s8], $0x3000  }
0x5e: {  	s28 =	smov.u32 s12;
	s10 =	simm.s32 @!p0 $0x2880;
	[sflag:s8] =	ssyncset.done @!p1 $0x0  }
0x5f: {  	s9 =	simm.s32 @!p0 $0x0;
	s18 =	rddreg [dreg:$0x17];
	[sflag:s8] =	ssyncadd.s32 @!p1 $0xFFFFD000  }
0x60: {  	[tilespmem:s10], [sflag:$0x3] =	stream.linear.gather @!p0 [hbm4b:s18+s9], $0x80, $0x38;
	[tilespmem:$0x1F500] =	vst v63  }
0x61: {  	s12 =	simm.s32 @!p0 $0x60;
	s8 =	simm.s32 @!p0 $0x8900;
	s9 =	simm.s32 @!p0 $0xC0  }
0x62: {  	[tilespmem:s8], [sflag:$0x3] =	stream.indirect.gather @!p0 [hbm4b:s1+s12], $0x80, s9, s12, $0xb8;
	[tilespmem:$0x1F500] =	vst v63  }
0x63: {  	_ =	swait.ge [sflag:s7], $0x3000  }
0x64: {  	[sflag:s7] =	ssyncset.done $0x0  }
0x65: {  	[sflag:s7] =	ssyncadd.s32 $0xFFFFD000  }
0x66: {  	_ =	swait.ge [sflag:s7], $0x80  }
0x67: {  	p1 =	sle.u32 s14, $0x3;
	[sflag:s7] =	ssyncset.done $0x0  }
0x68: {  	s9 =	simm.s32 @!p1 $0x4;
	[sflag:s7] =	ssyncadd.s32 $0xFFFFFF80  }
0x69: {  	[spmem:s3] =	stream.indirect.scatter.add.f32 [tilespmem:s29], [sflag:$0x5], $0x80, s6, s0, $0xb8;
	[tilespmem:$0x1F500] =	vst v63  }
0x6a: {  	s19 =	smov.u32 s17;
	s26 =	smov.u32 s13;
	_ =	swait.ge @!p1 [sflag:s9], $0x3000  }
0x6b: {  	s13 =	simm.s32 @!p1 $0x60;
	s15 =	simm.s32 @!p1 $0x0;
	[sflag:s9] =	ssyncset.done @!p1 $0x0  }
0x6c: {  	s16 =	simm.s32 @!p1 $0x2780;
	s17 =	rddreg [dreg:$0x16];
	[sflag:s9] =	ssyncadd.s32 @!p1 $0xFFFFD000  }
0x6d: {  	[tilespmem:s16], [sflag:$0x1] =	stream.linear.gather @!p1 [hbm4b:s17+s15], $0x80, $0x38;
	[tilespmem:$0x1F500] =	vst v63  }
0x6e: {  	s9 =	simm.s32 @!p1 $0x120;
	s15 =	simm.s32 @!p1 $0x2900;
	s16 =	simm.s32 @!p0 $0x3  }
0x6f: {  	[tilespmem:s15], [sflag:$0x1] =	stream.indirect.gather @!p1 [hbm4b:s1+s13], $0x80, s9, s13, $0xb8;
	[tilespmem:$0x1F500] =	vst v63  }
0x70: {  	_ =	swait.ge @!p0 [sflag:s16], $0x3000  }
0x71: {  	[sflag:s16] =	ssyncset.done @!p0 $0x0  }
0x72: {  	[sflag:s16] =	ssyncadd.s32 @!p0 $0xFFFFD000  }
0x73: {  	_ =	swait.ge @!p0 [sflag:s16], $0x80  }
0x74: {  	p2 =	sle.u32 s14, $0x4;
	[sflag:s16] =	ssyncset.done @!p0 $0x0  }
0x75: {  	s9 =	simm.s32 @!p2 $0x5;
	s13 =	simm.s32 $0x7;
	[sflag:s16] =	ssyncadd.s32 @!p0 $0xFFFFFF80  }
0x76: {  	[spmem:s3] =	stream.indirect.scatter.add.f32 @!p0 [tilespmem:s8], [sflag:$0x6], $0x80, s10, s12, $0xb8;
	[tilespmem:$0x1F500] =	vst v63  }
0x77: {  	s15 =	sadd.s32 $0x30, s17;
	s17 =	sadd.s32 $0x30, s18;
	_ =	swait.ge @!p2 [sflag:s9], $0x3000  }
0x78: {  	s16 =	simm.s32 @!p2 $0x5900;
	s8 =	simm.s32 @!p2 $0x0;
	[sflag:s9] =	ssyncset.done @!p2 $0x0  }
0x79: {  	s10 =	simm.s32 @!p2 $0x2800;
	s25 =	rddreg [dreg:$0x15];
	[sflag:s9] =	ssyncadd.s32 @!p2 $0xFFFFD000  }
0x7a: {  	[tilespmem:s10], [sflag:$0x2] =	stream.linear.gather @!p2 [hbm4b:s25+s8], $0x80, $0x38;
	[tilespmem:$0x1F500] =	vst v63  }
0x7b: {  	s12 =	simm.s32 $0x180;
	s10 =	simm.s32 @!p2 $0x60;
	s8 =	simm.s32 $0x180  }
.LBB2_2:
0x7c: {  	s25 =	sadd.s32 $0x30, s25  }
0x7d: {  	s12 =	sadd.s32 $0x120, s12;
	s9 =	smov.u32 s13;
	s13 =	sadd.s32 $0x3, s13  }
0x7e: {  	[tilespmem:s16], [sflag:$0x2] =	stream.indirect.gather @!p2 [hbm4b:s1+s10], $0x80, s8, s10, $0xb8;
	[tilespmem:$0x1F500] =	vst v63  }
0x7f: {  	p0 =	sne.s32 s13, $0x6D;
	s8 =	smov.u32 s12;
	_ =	swait.ge [sflag:s31], $0x3000  }
0x80: {  	[sflag:s31] =	ssyncset.done $0x0  }
0x81: {  	s10 =	sadd.s32 $0xFFFFFFFE, s9;
	[sflag:s31] =	ssyncadd.s32 $0xFFFFD000  }
0x82: {  	p1 =	sge.u32 s10, s14;
	_ =	swait.ge [sflag:s31], $0x80  }
0x83: {  	p2 =	seq.s32 @!p1 s9, $0x4;
	[sflag:s31] =	ssyncset.done $0x0  }
0x84: {  	p2 =	por p2, p1;
	[sflag:s31] =	ssyncadd.s32 $0xFFFFFF80  }
0x85: {  	[spmem:s3] =	stream.indirect.scatter.add.f32 [tilespmem:s5], [sflag:$0x4], $0x80, s2, s0, $0xb8;
	[tilespmem:$0x1F500] =	vst v63  }
0x86: {  	s16 =	simm.s32 @!p2 $0x6  }
0x87: {  	s10 =	simm.s32 @!p1 $0x8900;
	_ =	swait.ge @!p2 [sflag:s16], $0x3000  }
0x88: {  	s18 =	simm.s32 @!p1 $0x0;
	s20 =	simm.s32 @!p1 $0x2880;
	[sflag:s16] =	ssyncset.done @!p2 $0x0  }
0x89: {  	s21 =	simm.s32 @!p1 $0x60;
	[sflag:s16] =	ssyncadd.s32 @!p2 $0xFFFFD000;
	s16 =	sadd.s32 @!p1 $0xFFFFFF40, s12  }
0x8a: {  	[tilespmem:s20], [sflag:$0x3] =	stream.linear.gather @!p1 [hbm4b:s17+s18], $0x80, $0x38;
	[tilespmem:$0x1F500] =	vst v63  }
0x8b: {  	_ = 	snop  }
0x8c: {  	[tilespmem:s10], [sflag:$0x3] =	stream.indirect.gather @!p1 [hbm4b:s1+s21], $0x80, s16, s21, $0xb8;
	[tilespmem:$0x1F500] =	vst v63  }
0x8d: {  	_ =	swait.ge [sflag:s7], $0x3000  }
0x8e: {  	[sflag:s7] =	ssyncset.done $0x0  }
0x8f: {  	[sflag:s7] =	ssyncadd.s32 $0xFFFFD000  }
0x90: {  	s16 =	sadd.s32 $0xFFFFFFFF, s9;
	_ =	swait.ge [sflag:s7], $0x80  }
0x91: {  	p2 =	sge.u32 s16, s14;
	[sflag:s7] =	ssyncset.done $0x0  }
0x92: {  	s16 =	simm.s32 @!p2 $0x4;
	[sflag:s7] =	ssyncadd.s32 $0xFFFFFF80  }
0x93: {  	[spmem:s3] =	stream.indirect.scatter.add.f32 [tilespmem:s29], [sflag:$0x5], $0x80, s6, s0, $0xb8;
	[tilespmem:$0x1F500] =	vst v63  }
0x94: {  	s18 =	simm.s32 @!p2 $0x60;
	_ =	swait.ge @!p2 [sflag:s16], $0x3000  }
0x95: {  	s22 =	simm.s32 @!p2 $0x0;
	s23 =	simm.s32 @!p2 $0x2780;
	[sflag:s16] =	ssyncset.done @!p2 $0x0  }
0x96: {  	s24 =	simm.s32 @!p2 $0x2900;
	[sflag:s16] =	ssyncadd.s32 @!p2 $0xFFFFD000;
	s16 =	sadd.s32 @!p2 $0xFFFFFFA0, s12  }
0x97: {  	[tilespmem:s23], [sflag:$0x1] =	stream.linear.gather @!p2 [hbm4b:s15+s22], $0x80, $0x38;
	[tilespmem:$0x1F500] =	vst v63  }
0x98: {  	s22 =	simm.s32 @!p1 $0x3  }
0x99: {  	[tilespmem:s24], [sflag:$0x1] =	stream.indirect.gather @!p2 [hbm4b:s1+s18], $0x80, s16, s18, $0xb8;
	[tilespmem:$0x1F500] =	vst v63  }
0x9a: {  	_ =	swait.ge @!p1 [sflag:s22], $0x3000  }
0x9b: {  	[sflag:s22] =	ssyncset.done @!p1 $0x0  }
0x9c: {  	[sflag:s22] =	ssyncadd.s32 @!p1 $0xFFFFD000  }
0x9d: {  	_ =	swait.ge @!p1 [sflag:s22], $0x80  }
0x9e: {  	p2 =	sge.u32 s9, s14;
	[sflag:s22] =	ssyncset.done @!p1 $0x0  }
0x9f: {  	s9 =	simm.s32 @!p2 $0x5;
	[sflag:s22] =	ssyncadd.s32 @!p1 $0xFFFFFF80  }
0xa0: {  	[spmem:s3] =	stream.indirect.scatter.add.f32 @!p1 [tilespmem:s10], [sflag:$0x6], $0x80, s20, s21, $0xb8;
	[tilespmem:$0x1F500] =	vst v63  }
.Ltmp0:
0xa1: {  	_ = 	snop;
	(pc) =	sbr.rel @p0 .LBB2_2-.Ltmp0, $4  }
0xa2: {  	s17 =	sadd.s32 $0x30, s17;
	s15 =	sadd.s32 $0x30, s15;
	_ =	swait.ge @!p2 [sflag:s9], $0x3000  }
0xa3: {  	s18 =	simm.s32 @!p2 $0x0;
	s20 =	simm.s32 @!p2 $0x2800;
	[sflag:s9] =	ssyncset.done @!p2 $0x0  }
0xa4: {  	s16 =	simm.s32 @!p2 $0x5900;
	s10 =	simm.s32 @!p2 $0x60;
	[sflag:s9] =	ssyncadd.s32 @!p2 $0xFFFFD000  }
0xa5: {  	[tilespmem:s20], [sflag:$0x2] =	stream.linear.gather @!p2 [hbm4b:s25+s18], $0x80, $0x38;
	[tilespmem:$0x1F500] =	vst v63  }
0xa6: {  	[tilespmem:s16], [sflag:$0x2] =	stream.indirect.gather @!p2 [hbm4b:s1+s10], $0x80, s8, s10, $0xb8;
	[tilespmem:$0x1F500] =	vst v63  }
0xa7: {  	s16 =	simm.s32 $0x4  }
0xa8: {  	_ =	swait.ge [sflag:s16], $0x3000  }
0xa9: {  	[sflag:s16] =	ssyncset.done $0x0  }
0xaa: {  	s17 =	simm.s32 $0x5;
	[sflag:s16] =	ssyncadd.s32 $0xFFFFD000  }
0xab: {  	_ =	swait.ge [sflag:s17], $0x3000  }
0xac: {  	[sflag:s17] =	ssyncset.done $0x0  }
0xad: {  	s18 =	simm.s32 $0x6;
	[sflag:s17] =	ssyncadd.s32 $0xFFFFD000  }
0xae: {  	_ =	swait.ge [sflag:s18], $0x3000  }
0xaf: {  	[sflag:s18] =	ssyncset.done $0x0  }
0xb0: {  	[sflag:s18] =	ssyncadd.s32 $0xFFFFD000  }
0xb1: {  	[bflag:$0x0] =	sbarrier.arrive $0xFFFF  }
0xb2: {  	[tilespmem:s5], [sflag:$0x7] =	stream.linear.gather [spmem:s28], $0x3000, $0x38;
	[tilespmem:$0x1F500] =	vst v63  }
0xb3: {  	_ =	swait.ge [sflag:s30], $0x3000  }
0xb4: {  	[sflag:s30] =	ssyncset.done $0x0  }
0xb5: {  	s20 =	rddreg [dreg:$0x8];
	[sflag:s30] =	ssyncadd.s32 $0xFFFFD000  }
0xb6: {  	[hbm4b:s20+s4] =	stream.linear.scatter [tilespmem:s5], [sflag:$0x7], $0x3000, $0x38;
	[tilespmem:$0x1F500] =	vst v63  }
0xb7: {  	_ =	swait.ge [sflag:s30], $0x3000  }
0xb8: {  	[sflag:s30] =	ssyncset.done $0x0  }
0xb9: {  	[sflag:s30] =	ssyncadd.s32 $0xFFFFD000  }
0xba: {  	[tilespmem:s5], [sflag:$0x7] =	stream.linear.gather [spmem:s19], $0x3000, $0x38;
	[tilespmem:$0x1F500] =	vst v63  }
0xbb: {  	_ =	swait.ge [sflag:s30], $0x3000  }
0xbc: {  	[sflag:s30] =	ssyncset.done $0x0  }
0xbd: {  	s21 =	rddreg [dreg:$0x9];
	[sflag:s30] =	ssyncadd.s32 $0xFFFFD000  }
0xbe: {  	[hbm4b:s21+s4] =	stream.linear.scatter [tilespmem:s5], [sflag:$0x7], $0x3000, $0x38;
	[tilespmem:$0x1F500] =	vst v63  }
0xbf: {  	_ =	swait.ge [sflag:s30], $0x3000  }
0xc0: {  	[sflag:s30] =	ssyncset.done $0x0  }
0xc1: {  	[sflag:s30] =	ssyncadd.s32 $0xFFFFD000  }
0xc2: {  	[tilespmem:s5], [sflag:$0x7] =	stream.linear.gather [spmem:s26], $0x3000, $0x38;
	[tilespmem:$0x1F500] =	vst v63  }
0xc3: {  	_ =	swait.ge [sflag:s30], $0x3000  }
0xc4: {  	[sflag:s30] =	ssyncset.done $0x0  }
0xc5: {  	s22 =	rddreg [dreg:$0xa];
	[sflag:s30] =	ssyncadd.s32 $0xFFFFD000  }
0xc6: {  	[hbm4b:s22+s4] =	stream.linear.scatter [tilespmem:s5], [sflag:$0x7], $0x3000, $0x38;
	[tilespmem:$0x1F500] =	vst v63  }
0xc7: {  	_ =	swait.ge [sflag:s30], $0x3000  }
0xc8: {  	[sflag:s30] =	ssyncset.done $0x0  }
0xc9: {  	s15 =	rddreg [dreg:$0x12];
	[sflag:s30] =	ssyncadd.s32 $0xFFFFD000  }
0xca: {  	[tilespmem:s5], [sflag:$0x7] =	stream.linear.gather [spmem:s15], $0x3000, $0x38;
	[tilespmem:$0x1F500] =	vst v63  }
0xcb: {  	_ =	swait.ge [sflag:s30], $0x3000  }
0xcc: {  	[sflag:s30] =	ssyncset.done $0x0  }
0xcd: {  	s23 =	rddreg [dreg:$0xb];
	[sflag:s30] =	ssyncadd.s32 $0xFFFFD000  }
0xce: {  	[hbm4b:s23+s4] =	stream.linear.scatter [tilespmem:s5], [sflag:$0x7], $0x3000, $0x38;
	[tilespmem:$0x1F500] =	vst v63  }
0xcf: {  	_ =	swait.ge [sflag:s30], $0x3000  }
0xd0: {  	[sflag:s30] =	ssyncset.done $0x0  }
0xd1: {  	s16 =	rddreg [dreg:$0x13];
	[sflag:s30] =	ssyncadd.s32 $0xFFFFD000  }
0xd2: {  	[tilespmem:s5], [sflag:$0x7] =	stream.linear.gather [spmem:s16], $0x3000, $0x38;
	[tilespmem:$0x1F500] =	vst v63  }
0xd3: {  	_ =	swait.ge [sflag:s30], $0x3000  }
0xd4: {  	[sflag:s30] =	ssyncset.done $0x0  }
0xd5: {  	s24 =	rddreg [dreg:$0xc];
	[sflag:s30] =	ssyncadd.s32 $0xFFFFD000  }
0xd6: {  	[hbm4b:s24+s4] =	stream.linear.scatter [tilespmem:s5], [sflag:$0x7], $0x3000, $0x38;
	[tilespmem:$0x1F500] =	vst v63  }
0xd7: {  	_ =	swait.ge [sflag:s30], $0x3000  }
0xd8: {  	[sflag:s30] =	ssyncset.done $0x0  }
0xd9: {  	s10 =	rddreg [dreg:$0x14];
	[sflag:s30] =	ssyncadd.s32 $0xFFFFD000  }
0xda: {  	[tilespmem:s5], [sflag:$0x7] =	stream.linear.gather [spmem:s10], $0x3000, $0x38;
	[tilespmem:$0x1F500] =	vst v63  }
0xdb: {  	_ =	swait.ge [sflag:s30], $0x3000  }
0xdc: {  	[sflag:s30] =	ssyncset.done $0x0  }
0xdd: {  	s25 =	rddreg [dreg:$0xd];
	[sflag:s30] =	ssyncadd.s32 $0xFFFFD000  }
0xde: {  	[hbm4b:s25+s4] =	stream.linear.scatter [tilespmem:s5], [sflag:$0x7], $0x3000, $0x38;
	[tilespmem:$0x1F500] =	vst v63  }
0xdf: {  	_ =	swait.ge [sflag:s30], $0x3000  }
0xe0: {  	[sflag:s30] =	ssyncset.done $0x0  }
0xe1: {  	s9 =	rddreg [dreg:$0x11];
	[sflag:s30] =	ssyncadd.s32 $0xFFFFD000  }
0xe2: {  	[tilespmem:s5], [sflag:$0x7] =	stream.linear.gather [spmem:s9], $0x1C00, $0x38;
	[tilespmem:$0x1F500] =	vst v63  }
0xe3: {  	_ =	swait.ge [sflag:s30], $0x1C00  }
0xe4: {  	[sflag:s30] =	ssyncset.done $0x0  }
0xe5: {  	s13 =	smov.u32 s26;
	s26 =	rddreg [dreg:$0x7];
	[sflag:s30] =	ssyncadd.s32 $0xFFFFE400  }
0xe6: {  	[hbm4b:s26+s4] =	stream.linear.scatter [tilespmem:s5], [sflag:$0x7], $0x1C00, $0x38;
	[tilespmem:$0x1F500] =	vst v63  }
0xe7: {  	_ =	swait.ge [sflag:s30], $0x1C00  }
0xe8: {  	s12 =	smov.u32 s28;
	s11 =	sadd.s32 $0x1, s11;
	s28 =	rddreg [dreg:$0x10]  }
0xe9: {  	p0 =	sne.s32 s11, s28  }
.Ltmp1:
0xea: {  	_ = 	snop;
	(pc) =	sbr.rel @p0 .LBB2_1-.Ltmp1, $3  }
0xeb: {  	_ =	sdelay $0x1  }
0xec: {  	[sflag:s30] =	ssyncset.done $0x0  }
0xed: {  	s17 =	smov.u32 s19;
	[sflag:s30] =	ssyncadd.s32 $0xFFFFE400  }
0xee: {  	_ =	sfence.sel $0x180000  }
0xef: {  	[bflag:$0x0] =	sbarrier.arrive $0xFFFF  }
0xf0: {  	_ =	strace $0x9000004A  }
0xf1: {  	s0 =	stileid.u32;
	[bflag:$0x2] =	sbarrier.arrive $0xFFFF  }
0xf2: {  	p0 =	sne.s32 s0, $0x0;
	s0 =	rddreg [dreg:$0x4]  }
0xf3: {  	s0 =	sadd.s32 @!p0 $0x100000, s0  }
0xf4: {  	[sflag:s0] =	ssyncadd.tile.s32 @!p0 $0x1;
	_ =	shalt  }
.Lfunc_end2:
_tile_overlayer_lowered:
.L_overlay_start_2:
0xf5: {  	(tag) =	ssettag $0x2  }
0xf6: {  	s0 =	rddreg [dreg:$0x0];
	s2 =	stileid.u32  }
0xf7: {  	s1 =	rddreg [dreg:$0x1];
	p0 =	sne.s32 s2, $0x0  }
0xf8: {  	s3 =	rddreg [dreg:$0x2];
	[bflag:$0x3] =	sbarrier.arrive $0xFFFF;
	s2 =	simm.s32 @!p0 $0x1C07  }
0xf9: {  	[timem:s3], [sflag:s2] =	dma.local @!p0 [hbm:s0], s1  }
0xfa: {  	s0 =	simm.s32 @!p0 $0x7  }
0xfb: {  	_ =	swait.ge @!p0 [sflag:s0], s1  }
0xfc: {  	s1 =	ssub.s32 @!p0 $0x0, s1;
	[sflag:s0] =	ssyncset.done @!p0 $0x0  }
0xfd: {  	[sflag:s0] =	ssyncadd.s32 @!p0 s1  }
0xfe: {  	[bflag:$0x3] =	sbarrier.arrive $0xFFFF  }
0xff: {  	_ =	shalt  }

// kernel: kernel.18.cloned.1.call-start
scs
__scs_entry_jumppad:
0x0: {  	(pc) =	sbr.rel $0x88, $3  }
0x1: {  	(tag) =	ssettag $0x0;
	lr =	simm.s32 $0x1  }
0x2: {  	[smem:$0x3F93] =	sst lr;
	_ =	strace $0xD0000000  }
0x3: {  	_ = 	snop  }
0x4: {  	_ = 	snop  }
0x5: {  	_ = 	snop  }
0x6: {  	_ = 	snop  }
0x7: {  	_ = 	snop  }
__scs_overlays_trampoline_lowered:
0x8: {  	[smem:$0x3FA2] =	sst s0  }
0x9: {  	[smem:$0x3FA3] =	sst s1  }
0xa: {  	[smem:$0x3FA4] =	sst s2  }
0xb: {  	[smem:$0x3FA5] =	sst s3  }
0xc: {  	[smem:$0x3FA6] =	sst s4  }
0xd: {  	[smem:$0x3FA7] =	sst s5  }
0xe: {  	[smem:$0x3FA8] =	sst s6  }
0xf: {  	[smem:$0x3FA9] =	sst s7  }
0x10: {  	[smem:$0x3FAA] =	sst s8  }
0x11: {  	[smem:$0x3FAB] =	sst s9;
	s0 =	simm.s32 @!p0 $0x0  }
0x12: {  	s1 =	sld [smem:$0x3F91];
	s0 =	simm.s32 @p0 $0x1  }
0x13: {  	[smem:$0x3FAC] =	sst s0;
	s0 =	simm.s32 @!p1 $0x0  }
0x14: {  	s2 =	sld [smem:$0x3F90];
	s0 =	simm.s32 @p1 $0x1  }
0x15: {  	[smem:$0x3FAD] =	sst s0;
	s0 =	simm.s32 @!p2 $0x0  }
0x16: {  	s3 =	sld [smem:$0x3FDB];
	s0 =	simm.s32 @p2 $0x1  }
0x17: {  	s4 =	simm.s32 $0x1BF5;
	[smem:$0x3FAF] =	sst s0  }
0x18: {  	s0 =	sld [smem:$0x3F92];
	_ =	swait.ge [sflag:s4], $0x0  }
0x19: {  	s7 =	sld [smem:$0x3F93]  }
0x1a: {  	s8 =	sadd.s32 $0xFFFFE003, lr  }
0x1b: {  	s9 =	sadd.s32 $0xFFFFFEF7, lr;
	s5 =	simm.s32 $0xFFFFFFFF;
	p2 =	slt.u32 s8, $0xFFFFF086  }
0x1c: {  	p1 =	slt.u32 s9, $0xF7A;
	s5 =	simm.s32 @!p2 $0x0  }
0x1d: {  	s5 =	simm.s32 @p1 $0x1;
	p0 =	seq.s32 s7, s2  }
0x1e: {  	s7 =	smul.u32 @!p0 $0xF7A, s2;
	p2 =	seq.s32 @!p0 s5, $0x0  }
0x1f: {  	s9 =	smul.u32 $0xF7A, s1;
	s8 =	simm.s32 @!p0 $0x1BF5;
	p2 =	por !p2, p0  }
0x20: {  	[sflag:s8] =	ssyncset.s32 @!p0 $0xFFFFF086;
	s6 =	sadd.s32 @!p0 s3, s7;
	s7 =	simm.s32 @!p0 $0x108  }
0x21: {  	s3 =	sadd.s32 s3, s9;
	s6 =	sadd.s32 @!p0 $0x88, s6;
	s7 =	simm.s32 @p2 $0x1082  }
0x22: {  	[simem:s7], [sflag:s8] =	dma.local @!p0 [hbm:s6], $0xF7A  }
0x23: {  	s9 =	sor.u32 $0xD0000000, s2;
	s6 =	simm.s32 $0x108;
	_ =	swait.ge @!p0 [sflag:s8], $0x0  }
0x24: {  	s3 =	sadd.s32 $0x88, s3;
	s6 =	simm.s32 @!p1 $0x1082;
	[sflag:s4] =	ssyncset.s32 $0xFFFFF086  }
0x25: {  	[simem:s6], [sflag:s4] =	dma.local [hbm:s3], $0xF7A  }
0x26: {  	[smem:$0x3F93] =	sst s1;
	(tag) =	ssettag s2;
	_ =	strace s9  }
0x27: {  	s1 =	sld [smem:$0x3FA3]  }
0x28: {  	s2 =	sld [smem:$0x3FA4]  }
0x29: {  	s4 =	sld [smem:$0x3FA6]  }
0x2a: {  	p0 =	seq.s32 s5, $0x0;
	s5 =	sld [smem:$0x3FA7]  }
0x2b: {  	s6 =	sld [smem:$0x3FA8]  }
0x2c: {  	s7 =	sld [smem:$0x3FA9]  }
0x2d: {  	s3 =	simm.s32 $0x108;
	s8 =	sld [smem:$0x3FAA]  }
0x2e: {  	s3 =	simm.s32 @!p0 $0x1082;
	s9 =	sld [smem:$0x3FAB]  }
0x2f: {  	lr =	sadd.s32 s0, s3;
	s0 =	sld [smem:$0x3FA2]  }
0x30: {  	s3 =	sld [smem:$0x3FA5]  }
0x31: {  	[smem:$0x3FAE] =	sst s10  }
0x32: {  	s10 =	sld [smem:$0x3FAC];
	_ =	sdelay $0x3  }
0x33: {  	p0 =	seq.s32 s10, $0x1;
	s10 =	sld [smem:$0x3FAE];
	_ =	sdelay $0x3  }
0x34: {  	[smem:$0x3FAE] =	sst s10  }
0x35: {  	s10 =	sld [smem:$0x3FAD];
	_ =	sdelay $0x3  }
0x36: {  	p1 =	seq.s32 s10, $0x1;
	s10 =	sld [smem:$0x3FAE];
	_ =	sdelay $0x3  }
0x37: {  	[smem:$0x3FAE] =	sst s10  }
0x38: {  	s10 =	sld [smem:$0x3FAF]  }
0x39: {  	_ = 	snop;
	(pc) =	sbr.ind lr, $3  }
0x3a: {  	_ = 	snop  }
0x3b: {  	_ = 	snop  }
0x3c: {  	p2 =	seq.s32 s10, $0x1;
	s10 =	sld [smem:$0x3FAE]  }
0x3d: {  	_ =	shalt  }
0x3e: {  	_ =	shalt  }
0x3f: {  	_ =	shalt  }
0x40: {  	_ =	shalt  }
0x41: {  	_ =	shalt  }
0x42: {  	_ =	shalt  }
0x43: {  	_ =	shalt  }
0x44: {  	_ =	shalt  }
0x45: {  	_ =	shalt  }
0x46: {  	_ =	shalt  }
0x47: {  	_ =	shalt  }
0x48: {  	_ =	shalt  }
0x49: {  	_ =	shalt  }
0x4a: {  	_ =	shalt  }
0x4b: {  	_ =	shalt  }
0x4c: {  	_ =	shalt  }
0x4d: {  	_ =	shalt  }
0x4e: {  	_ =	shalt  }
0x4f: {  	_ =	shalt  }
0x50: {  	_ =	shalt  }
0x51: {  	_ =	shalt  }
0x52: {  	_ =	shalt  }
0x53: {  	_ =	shalt  }
0x54: {  	_ =	shalt  }
0x55: {  	_ =	shalt  }
0x56: {  	_ =	shalt  }
0x57: {  	_ =	shalt  }
0x58: {  	_ =	shalt  }
0x59: {  	_ =	shalt  }
0x5a: {  	_ =	shalt  }
0x5b: {  	_ =	shalt  }
0x5c: {  	_ =	shalt  }
0x5d: {  	_ =	shalt  }
0x5e: {  	_ =	shalt  }
0x5f: {  	_ =	shalt  }
0x60: {  	_ =	shalt  }
0x61: {  	_ =	shalt  }
0x62: {  	_ =	shalt  }
0x63: {  	_ =	shalt  }
0x64: {  	_ =	shalt  }
0x65: {  	_ =	shalt  }
0x66: {  	_ =	shalt  }
0x67: {  	_ =	shalt  }
0x68: {  	_ =	shalt  }
0x69: {  	_ =	shalt  }
0x6a: {  	_ =	shalt  }
0x6b: {  	_ =	shalt  }
0x6c: {  	_ =	shalt  }
0x6d: {  	_ =	shalt  }
0x6e: {  	_ =	shalt  }
0x6f: {  	_ =	shalt  }
0x70: {  	_ =	shalt  }
0x71: {  	_ =	shalt  }
0x72: {  	_ =	shalt  }
0x73: {  	_ =	shalt  }
0x74: {  	_ =	shalt  }
0x75: {  	_ =	shalt  }
0x76: {  	_ =	shalt  }
0x77: {  	_ =	shalt  }
0x78: {  	_ =	shalt  }
0x79: {  	_ =	shalt  }
0x7a: {  	_ =	shalt  }
0x7b: {  	_ =	shalt  }
0x7c: {  	_ =	shalt  }
0x7d: {  	_ =	shalt  }
0x7e: {  	_ =	shalt  }
0x7f: {  	_ =	shalt  }
0x80: {  	_ =	shalt  }
0x81: {  	_ =	shalt  }
0x82: {  	_ =	shalt  }
0x83: {  	_ =	shalt  }
0x84: {  	_ =	shalt  }
0x85: {  	_ =	shalt  }
0x86: {  	_ =	shalt  }
0x87: {  	_ =	shalt  }
.Lfunc_end0:
.L_simem_size_0:
called_computation.2_lowered:
.L_overlay_start_0:
0x88: {  	s2 =	sld [smem:$0x3FD9]  }
0x89: {  	s3 =	sld [smem:$0x3FFE];
	_ =	sdelay $0x1  }
0x8a: {  	s1 =	srdreg.scid  }
0x8b: {  	s0 =	sand.u32 $0x1, s1  }
0x8c: {  	s14 =	sshll.u32 s0, $0xA;
	s2 =	sadd.s32 s3, s2  }
0x8d: {  	s2 =	sadd.s32 s2, s14  }
0x8e: {  	[smem:$0x3FBA] =	sst s2  }
0x8f: {  	_ = 	snop  }
0x90: {  	s2 =	sld [smem:$0x3FD0];
	_ =	sdelay $0x2  }
0x91: {  	s15 =	simm.s32 $0xA;
	s4 =	simm.s32 $0x10  }
0x92: {  	[smem:s4], [sflag:s15] =	dma.local [hbm:s2], $0x1  }
0x93: {  	_ =	swait.eq [sflag:s15], $0x1  }
0x94: {  	[sflag:s15] =	ssyncset.done $0x0  }
0x95: {  	s16 =	sld [smem:$0x10];
	[sflag:s15] =	ssyncadd.s32 $0xFFFFFFFF  }
0x96: {  	s17 =	sld [smem:$0x13];
	(tm) =	ssettm $0x1  }
0x97: {  	s18 =	sld [smem:$0x3FFB];
	_ =	sdelay $0x3  }
0x98: {  	_ =	strace s18  }
0x99: {  	s4 =	sld [smem:$0x3FFC];
	_ =	sdelay $0x3  }
0x9a: {  	_ =	strace s4  }
0x9b: {  	s4 =	sld [smem:$0x3FFD];
	_ =	sdelay $0x3  }
0x9c: {  	_ =	strace s4  }
0x9d: {  	_ =	strace $0x8FFFFFFF  }
0x9e: {  	s19 =	sld [smem:$0x3FDB];
	_ =	sdelay $0x1  }
0x9f: {  	s5 =	simm.s32 $_scs_section_size  }
0xa0: {  	s6 =	simm.s32 $_size__tile_overlayer_lowered;
	s7 =	simm.s32 $_tile_overlayer_lowered  }
0xa1: {  	s22 =	simm.s32 $0x1BFF;
	s21 =	sshll.u32 s7, $0x1;
	s4 =	sadd.s32 s5, s19  }
0xa2: {  	s8 =	simm.s32 $0x0;
	s20 =	sshll.u32 s6, $0x1;
	s6 =	sadd.s32 s21, s4  }
0xa3: {  	[timem:s8], [sflag:s22] =	dma.local [hbm:s6], s20  }
0xa4: {  	_ =	swait.ge [sflag:s22], s20  }
0xa5: {  	s5 =	ssub.s32 $0x0, s20;
	[sflag:s22] =	ssyncset.done $0x0  }
0xa6: {  	[sflag:s22] =	ssyncadd.s32 s5;
	_ =	sdelay $0x1  }
0xa7: {  	s23 =	simm.s32 $0x1B8B  }
0xa8: {  	_ =	swait.ge [sflag:s23], $0x1  }
0xa9: {  	[sflag:s23] =	ssyncset.done $0x0  }
0xaa: {  	s25 =	simm.s32 $0x1B8E;
	s24 =	sld [smem:$0x3FFE];
	[sflag:s23] =	ssyncadd.s32 $0xFFFFFFFF  }
0xab: {  	s26 =	simm.s32 $execute0_lowered;
	[smem:$0x3FD2] =	sst s25  }
0xac: {  	s6 =	sshll.u32 s26, $0x1;
	_ =	strace $0x8000004C;
	[dreg:$0x1] =	wrdreg $0xFFFFFFFF  }
0xad: {  	s28 =	simm.s32 $_size_execute0_lowered;
	s4 =	sadd.s32 s4, s6;
	[dreg:$0x0] =	wrdreg $0x0  }
0xae: {  	s6 =	sshll.u32 s28, $0x1;
	[dreg:$0x2] =	wrdreg s4  }
0xaf: {  	[dreg:$0x3] =	wrdreg s6  }
0xb0: {  	[dreg:$0x4] =	wrdreg $0xC0  }
0xb1: {  	_ =	task [dreg:s8], $0x5FFFF  }
0xb2: {  	[dreg:$0x1] =	wrdreg $0xFFFFFFFF  }
0xb3: {  	[dreg:$0x0] =	wrdreg $0x60  }
0xb4: {  	[dreg:$0x2] =	wrdreg s17  }
0xb5: {  	[dreg:$0x3] =	wrdreg s24  }
0xb6: {  	[dreg:$0x4] =	wrdreg s16  }
0xb7: {  	[dreg:$0x5] =	wrdreg $0xB9000  }
0xb8: {  	[dreg:$0x6] =	wrdreg $0x9  }
0xb9: {  	_ =	task.clear_ibuf [dreg:s8], $0x7FFFF;
	_ =	strace $0x9000004C  }
0xba: {  	s29 =	simm.s32 $0x9;
	_ =	strace $0x8000004E  }
0xbb: {  	_ =	swait.ge [sflag:s29], $0x1  }
0xbc: {  	[sflag:s29] =	ssyncadd.s32 $0xFFFFFFFF  }
0xbd: {  	_ =	strace $0x9000004E  }
0xbe: {  	_ =	sfence  }
0xbf: {  	s30 =	sld [smem:$0x0];
	_ =	sdelay $0x2  }
0xc0: {  	s31 =	sshll.u32 s1, $0xD;
	s1 =	sshrl.u32 s1, $0x2  }
0xc1: {  	s3 =	sand.u32 $0x4000, s31;
	s1 =	sadd.s32 s1, s30  }
0xc2: {  	s0 =	sor.u32 s3, s0;
	s1 =	sshll.u32 s1, $0x11  }
0xc3: {  	s0 =	sor.u32 s1, s0  }
0xc4: {  	s0 =	sadd.s32 $0x8F2B, s0  }
0xc5: {  	[sflag:s0] =	ssyncadd.remote.s32 $0x1  }
0xc6: {  	_ =	sfence.sel $0xFFFF  }
0xc7: {  	[dreg:$0x0] =	wrdreg $0xFFFFFFFF;
	(pc) =	sbr.abs _section_cstart, $3  }
0xc8: {  	[dreg:$0x1] =	wrdreg $0xFFFFFFFF  }
0xc9: {  	_ =	task.clear_ibuf [dreg:s8], $0x2FFFF;
	_ =	strace $0x9FFFFFFF  }
0xca: {  	(tm) =	ssettm $0x7FFFFFFF  }
0xcb: {  	_ =	shalt  }
tec
execute0_lowered:
.L_overlay_start_1:
0x0: {  	(tag) =	ssettag $0x1  }
0x1: {  	s1 =	rddreg [dreg:$0x0]  }
0x2: {  	s0 =	srdreg.scid;
	s5 =	rddreg [dreg:$0x1]  }
0x3: {  	s21 =	stileid.u32;
	s6 =	rddreg [dreg:$0x2]  }
0x4: {  	s3 =	rddreg [dreg:$0x3];
	s4 =	simm.s32 $0x0;
	s29 =	simm.s32 $0x5900  }
0x5: {  	s30 =	simm.s32 $0x7;
	s31 =	simm.s32 $0x1;
	s22 =	smul.u32 $0x13C00, s21  }
0x6: {  	s0 =	sand.u32 $0x1, s0;
	s2 =	sshll.u32 s21, $0x1;
	s18 =	smul.u32 $0xD0, s21  }
0x7: {  	[smem:$0x7FF] =	sst s4;
	s10 =	sadd.s32 $0xEC00, s5;
	s14 =	smul.u32 $0x13C000, s0  }
0x8: {  	s2 =	sor.u32 s0, s2;
	s11 =	ssub.s32 $0x2, s0;
	s0 =	smul.u32 $0x68, s0  }
0x9: {  	p0 =	slt.u32 s21, $0x3;
	_ =	strace $0x8000004D;
	s7 =	smul.u32 $0x68, s2  }
0xa: {  	[dreg:$0x5] =	wrdreg s10;
	s8 =	smin.u32 s2, $0x6;
	s2 =	smul.u32 $0x3400, s2  }
0xb: {  	s12 =	sshrl.u32 s11, $0x1;
	s15 =	sadd.s32 $0x9000, s22;
	s16 =	sadd.s32 $0xC000, s22  }
0xc: {  	s13 =	sshll.u32 s8, $0x7;
	s11 =	ssub.s32 s11, s12;
	s12 =	sadd.s32 $0x12000, s22  }
0xd: {  	s17 =	sadd.s32 s14, s22;
	s0 =	sadd.s32 s0, s18;
	s7 =	sor.u32 s8, s7  }
0xe: {  	s2 =	sor.u32 s2, s13;
	s23 =	sadd.s32 s14, s12;
	s13 =	sadd.s32 $0x6000, s22  }
0xf: {  	s17 =	sshrl.u32 s17, $0x3;
	s9 =	smul.u32 $0xC, s7;
	s2 =	sshrl.u32 s2, $0x3  }
0x10: {  	s24 =	sshrl.u32 s23, $0x3;
	s20 =	sadd.s32 s14, s13;
	s2 =	sadd.s32 s6, s2  }
0x11: {  	s26 =	sshrl.u32 s20, $0x3;
	s20 =	sadd.s32 s14, s16;
	s16 =	sadd.s32 s16, s3  }
0x12: {  	s9 =	sadd.s32 s9, s5;
	s5 =	sadd.s32 $0xF200, s5;
	[dreg:$0x6] =	wrdreg s2  }
0x13: {  	s2 =	sshll.u32 s7, $0x4;
	[dreg:$0x13] =	wrdreg s16;
	s7 =	sadd.s32 s5, s24  }
0x14: {  	s0 =	sor.u32 s8, s0;
	s17 =	sadd.s32 s5, s17;
	[dreg:$0x7] =	wrdreg s7  }
0x15: {  	s8 =	sshrl.u32 s20, $0x3;
	s28 =	sadd.s32 s5, s26;
	[dreg:$0x8] =	wrdreg s17  }
0x16: {  	s0 =	sshll.u32 s0, $0x4;
	s8 =	sadd.s32 s5, s8;
	[dreg:$0xa] =	wrdreg s28  }
0x17: {  	s0 =	sadd.s32 s0, s6;
	s24 =	sadd.s32 $0x4E00, s9;
	[dreg:$0xc] =	wrdreg s8  }
0x18: {  	s10 =	sadd.s32 $0xF000, s22;
	s26 =	sadd.s32 $0x40, s0;
	[dreg:$0xe] =	wrdreg s24  }
0x19: {  	s2 =	sadd.s32 s2, s6;
	s9 =	sadd.s32 s12, s3;
	[dreg:$0x15] =	wrdreg s26  }
0x1a: {  	s23 =	smul.u32 $0x4F000, s21;
	s2 =	sadd.s32 $0x10, s2;
	[dreg:$0x11] =	wrdreg s9  }
0x1b: {  	s13 =	sadd.s32 s13, s3;
	s28 =	sadd.s32 $0x30, s0;
	[dreg:$0xf] =	wrdreg s2  }
0x1c: {  	s7 =	sadd.s32 $0x3000, s22;
	s0 =	sadd.s32 $0x20, s0;
	[dreg:$0x16] =	wrdreg s28  }
0x1d: {  	s6 =	simm.s32 $0x2800;
	s19 =	sadd.s32 s14, s7;
	[dreg:$0x17] =	wrdreg s0  }
0x1e: {  	s2 =	simm.s32 $0x2780;
	s0 =	simm.s32 $0x60;
	s25 =	sshrl.u32 s19, $0x3  }
0x1f: {  	s19 =	sadd.s32 s14, s15;
	s14 =	sadd.s32 s14, s10;
	s15 =	sadd.s32 s15, s3  }
0x20: {  	s10 =	sadd.s32 s10, s3;
	s17 =	sadd.s32 s5, s25;
	[dreg:$0x12] =	wrdreg s15  }
0x21: {  	s22 =	sshrl.u32 s14, $0x3;
	s14 =	simm.s32 $0x69;
	[dreg:$0x14] =	wrdreg s10  }
0x22: {  	s25 =	smax.u32 s11, $0x1;
	[dreg:$0x9] =	wrdreg s17;
	s17 =	sshrl.u32 s19, $0x3  }
0x23: {  	s11 =	simm.s32 $0x0;
	[dreg:$0x10] =	wrdreg s25;
	s17 =	sadd.s32 s5, s17  }
0x24: {  	s14 =	simm.s32 @!p0 $0x68;
	s5 =	sadd.s32 s5, s22;
	[dreg:$0xb] =	wrdreg s17  }
0x25: {  	[dreg:$0xd] =	wrdreg s5;
	s5 =	sshrl.u32 s23, $0x2;
	s17 =	sadd.s32 s7, s3  }
0x26: {  	s7 =	simm.s32 $0x2;
	s12 =	sadd.s32 s5, s3;
	s5 =	simm.s32 $0x2900  }
.LBB2_1:
0x27: {  	s8 =	rddreg [dreg:$0xe]  }
0x28: {  	[tilespmem:s4], [sflag:$0x1] =	stream.linear.gather [hbm4b:s8+s4], $0x2760, $0x38;
	[tilespmem:$0x1F500] =	vst v63  }
0x29: {  	s23 =	rddreg [dreg:$0x5]  }
0x2a: {  	[tilespmem:s29], [sflag:$0x7] =	stream.linear.gather [hbm4b:s23+s4], $0x3000, $0x38;
	[tilespmem:$0x1F500] =	vst v63  }
0x2b: {  	_ =	swait.ge [sflag:s30], $0x3000  }
0x2c: {  	[sflag:s30] =	ssyncset.done $0x0  }
0x2d: {  	[sflag:s30] =	ssyncadd.s32 $0xFFFFD000  }
0x2e: {  	[spmem:s12] =	stream.linear.scatter [tilespmem:s29], [sflag:$0x7], $0x3000, $0x38;
	[tilespmem:$0x1F500] =	vst v63  }
0x2f: {  	_ =	swait.ge [sflag:s30], $0x3000  }
0x30: {  	[sflag:s30] =	ssyncset.done $0x0  }
0x31: {  	[sflag:s30] =	ssyncadd.s32 $0xFFFFD000  }
0x32: {  	[spmem:s17] =	stream.linear.scatter [tilespmem:s29], [sflag:$0x7], $0x3000, $0x38;
	[tilespmem:$0x1F500] =	vst v63  }
0x33: {  	_ =	swait.ge [sflag:s30], $0x3000  }
0x34: {  	[sflag:s30] =	ssyncset.done $0x0  }
0x35: {  	[sflag:s30] =	ssyncadd.s32 $0xFFFFD000  }
0x36: {  	[spmem:s13] =	stream.linear.scatter [tilespmem:s29], [sflag:$0x7], $0x3000, $0x38;
	[tilespmem:$0x1F500] =	vst v63  }
0x37: {  	_ =	swait.ge [sflag:s30], $0x3000  }
0x38: {  	[sflag:s30] =	ssyncset.done $0x0  }
0x39: {  	[sflag:s30] =	ssyncadd.s32 $0xFFFFD000  }
0x3a: {  	[spmem:s15] =	stream.linear.scatter [tilespmem:s29], [sflag:$0x7], $0x3000, $0x38;
	[tilespmem:$0x1F500] =	vst v63  }
0x3b: {  	_ =	swait.ge [sflag:s30], $0x3000  }
0x3c: {  	[sflag:s30] =	ssyncset.done $0x0  }
0x3d: {  	[sflag:s30] =	ssyncadd.s32 $0xFFFFD000  }
0x3e: {  	[spmem:s16] =	stream.linear.scatter [tilespmem:s29], [sflag:$0x7], $0x3000, $0x38;
	[tilespmem:$0x1F500] =	vst v63  }
0x3f: {  	_ =	swait.ge [sflag:s30], $0x3000  }
0x40: {  	[sflag:s30] =	ssyncset.done $0x0  }
0x41: {  	[sflag:s30] =	ssyncadd.s32 $0xFFFFD000  }
0x42: {  	[spmem:s10] =	stream.linear.scatter [tilespmem:s29], [sflag:$0x7], $0x3000, $0x38;
	[tilespmem:$0x1F500] =	vst v63  }
0x43: {  	_ =	swait.ge [sflag:s30], $0x3000  }
0x44: {  	[sflag:s30] =	ssyncset.done $0x0  }
0x45: {  	[sflag:s30] =	ssyncadd.s32 $0xFFFFD000  }
0x46: {  	[spmem:s9] =	stream.linear.scatter [tilespmem:s29], [sflag:$0x7], $0x1C00, $0x38;
	[tilespmem:$0x1F500] =	vst v63  }
0x47: {  	_ =	swait.ge [sflag:s30], $0x1C00  }
0x48: {  	[sflag:s30] =	ssyncset.done $0x0  }
0x49: {  	[sflag:s30] =	ssyncadd.s32 $0xFFFFE400  }
0x4a: {  	_ =	swait.ge [sflag:s31], $0x2760  }
0x4b: {  	[sflag:s31] =	ssyncset.done $0x0  }
0x4c: {  	[sflag:s31] =	ssyncadd.s32 $0xFFFFD8A0  }
0x4d: {  	[bflag:$0x0] =	sbarrier.arrive $0xFFFF  }
0x4e: {  	s24 =	rddreg [dreg:$0x6]  }
0x4f: {  	[tilespmem:s2], [sflag:$0x1] =	stream.linear.gather [hbm4b:s24+s4], $0x80, $0x38;
	[tilespmem:$0x1F500] =	vst v63  }
0x50: {  	_ = 	snop  }
0x51: {  	[tilespmem:s5], [sflag:$0x1] =	stream.indirect.gather [hbm4b:s1+s0], $0x80, s4, s0, $0xb8;
	[tilespmem:$0x1F500] =	vst v63  }
0x52: {  	s25 =	rddreg [dreg:$0xf]  }
0x53: {  	[tilespmem:s6], [sflag:$0x2] =	stream.linear.gather [hbm4b:s25+s4], $0x80, $0x38;
	[tilespmem:$0x1F500] =	vst v63  }
0x54: {  	_ = 	snop  }
0x55: {  	[tilespmem:s29], [sflag:$0x2] =	stream.indirect.gather [hbm4b:s1+s0], $0x80, s0, s0, $0xb8;
	[tilespmem:$0x1F500] =	vst v63  }
0x56: {  	_ =	swait.ge [sflag:s31], $0x3000  }
0x57: {  	[sflag:s31] =	ssyncset.done $0x0  }
0x58: {  	p0 =	sle.u32 s14, $0x2;
	[sflag:s31] =	ssyncadd.s32 $0xFFFFD000  }
0x59: {  	p1 =	por @!p0 $0x1, $0x1;
	_ =	swait.ge [sflag:s31], $0x80  }
0x5a: {  	p1 =	por p1, p0;
	[sflag:s31] =	ssyncset.done $0x0  }
0x5b: {  	s8 =	simm.s32 @!p1 $0x6;
	[sflag:s31] =	ssyncadd.s32 $0xFFFFFF80  }
0x5c: {  	[spmem:s3] =	stream.indirect.scatter.add.f32 [tilespmem:s5], [sflag:$0x4], $0x80, s2, s0, $0xb8;
	[tilespmem:$0x1F500] =	vst v63  }
0x5d: {  	_ =	swait.ge @!p1 [sflag:s8], $0x3000  }
0x5e: {  	s28 =	smov.u32 s12;
	s10 =	simm.s32 @!p0 $0x2880;
	[sflag:s8] =	ssyncset.done @!p1 $0x0  }
0x5f: {  	s9 =	simm.s32 @!p0 $0x0;
	s18 =	rddreg [dreg:$0x17];
	[sflag:s8] =	ssyncadd.s32 @!p1 $0xFFFFD000  }
0x60: {  	[tilespmem:s10], [sflag:$0x3] =	stream.linear.gather @!p0 [hbm4b:s18+s9], $0x80, $0x38;
	[tilespmem:$0x1F500] =	vst v63  }
0x61: {  	s12 =	simm.s32 @!p0 $0x60;
	s8 =	simm.s32 @!p0 $0x8900;
	s9 =	simm.s32 @!p0 $0xC0  }
0x62: {  	[tilespmem:s8], [sflag:$0x3] =	stream.indirect.gather @!p0 [hbm4b:s1+s12], $0x80, s9, s12, $0xb8;
	[tilespmem:$0x1F500] =	vst v63  }
0x63: {  	_ =	swait.ge [sflag:s7], $0x3000  }
0x64: {  	[sflag:s7] =	ssyncset.done $0x0  }
0x65: {  	[sflag:s7] =	ssyncadd.s32 $0xFFFFD000  }
0x66: {  	_ =	swait.ge [sflag:s7], $0x80  }
0x67: {  	p1 =	sle.u32 s14, $0x3;
	[sflag:s7] =	ssyncset.done $0x0  }
0x68: {  	s9 =	simm.s32 @!p1 $0x4;
	[sflag:s7] =	ssyncadd.s32 $0xFFFFFF80  }
0x69: {  	[spmem:s3] =	stream.indirect.scatter.add.f32 [tilespmem:s29], [sflag:$0x5], $0x80, s6, s0, $0xb8;
	[tilespmem:$0x1F500] =	vst v63  }
0x6a: {  	s19 =	smov.u32 s17;
	s26 =	smov.u32 s13;
	_ =	swait.ge @!p1 [sflag:s9], $0x3000  }
0x6b: {  	s13 =	simm.s32 @!p1 $0x60;
	s15 =	simm.s32 @!p1 $0x0;
	[sflag:s9] =	ssyncset.done @!p1 $0x0  }
0x6c: {  	s16 =	simm.s32 @!p1 $0x2780;
	s17 =	rddreg [dreg:$0x16];
	[sflag:s9] =	ssyncadd.s32 @!p1 $0xFFFFD000  }
0x6d: {  	[tilespmem:s16], [sflag:$0x1] =	stream.linear.gather @!p1 [hbm4b:s17+s15], $0x80, $0x38;
	[tilespmem:$0x1F500] =	vst v63  }
0x6e: {  	s9 =	simm.s32 @!p1 $0x120;
	s15 =	simm.s32 @!p1 $0x2900;
	s16 =	simm.s32 @!p0 $0x3  }
0x6f: {  	[tilespmem:s15], [sflag:$0x1] =	stream.indirect.gather @!p1 [hbm4b:s1+s13], $0x80, s9, s13, $0xb8;
	[tilespmem:$0x1F500] =	vst v63  }
0x70: {  	_ =	swait.ge @!p0 [sflag:s16], $0x3000  }
0x71: {  	[sflag:s16] =	ssyncset.done @!p0 $0x0  }
0x72: {  	[sflag:s16] =	ssyncadd.s32 @!p0 $0xFFFFD000  }
0x73: {  	_ =	swait.ge @!p0 [sflag:s16], $0x80  }
0x74: {  	p2 =	sle.u32 s14, $0x4;
	[sflag:s16] =	ssyncset.done @!p0 $0x0  }
0x75: {  	s9 =	simm.s32 @!p2 $0x5;
	s13 =	simm.s32 $0x7;
	[sflag:s16] =	ssyncadd.s32 @!p0 $0xFFFFFF80  }
0x76: {  	[spmem:s3] =	stream.indirect.scatter.add.f32 @!p0 [tilespmem:s8], [sflag:$0x6], $0x80, s10, s12, $0xb8;
	[tilespmem:$0x1F500] =	vst v63  }
0x77: {  	s15 =	sadd.s32 $0x30, s17;
	s17 =	sadd.s32 $0x30, s18;
	_ =	swait.ge @!p2 [sflag:s9], $0x3000  }
0x78: {  	s16 =	simm.s32 @!p2 $0x5900;
	s8 =	simm.s32 @!p2 $0x0;
	[sflag:s9] =	ssyncset.done @!p2 $0x0  }
0x79: {  	s10 =	simm.s32 @!p2 $0x2800;
	s25 =	rddreg [dreg:$0x15];
	[sflag:s9] =	ssyncadd.s32 @!p2 $0xFFFFD000  }
0x7a: {  	[tilespmem:s10], [sflag:$0x2] =	stream.linear.gather @!p2 [hbm4b:s25+s8], $0x80, $0x38;
	[tilespmem:$0x1F500] =	vst v63  }
0x7b: {  	s12 =	simm.s32 $0x180;
	s10 =	simm.s32 @!p2 $0x60;
	s8 =	simm.s32 $0x180  }
.LBB2_2:
0x7c: {  	s25 =	sadd.s32 $0x30, s25  }
0x7d: {  	s12 =	sadd.s32 $0x120, s12;
	s9 =	smov.u32 s13;
	s13 =	sadd.s32 $0x3, s13  }
0x7e: {  	[tilespmem:s16], [sflag:$0x2] =	stream.indirect.gather @!p2 [hbm4b:s1+s10], $0x80, s8, s10, $0xb8;
	[tilespmem:$0x1F500] =	vst v63  }
0x7f: {  	p0 =	sne.s32 s13, $0x6D;
	s8 =	smov.u32 s12;
	_ =	swait.ge [sflag:s31], $0x3000  }
0x80: {  	[sflag:s31] =	ssyncset.done $0x0  }
0x81: {  	s10 =	sadd.s32 $0xFFFFFFFE, s9;
	[sflag:s31] =	ssyncadd.s32 $0xFFFFD000  }
0x82: {  	p1 =	sge.u32 s10, s14;
	_ =	swait.ge [sflag:s31], $0x80  }
0x83: {  	p2 =	seq.s32 @!p1 s9, $0x4;
	[sflag:s31] =	ssyncset.done $0x0  }
0x84: {  	p2 =	por p2, p1;
	[sflag:s31] =	ssyncadd.s32 $0xFFFFFF80  }
0x85: {  	[spmem:s3] =	stream.indirect.scatter.add.f32 [tilespmem:s5], [sflag:$0x4], $0x80, s2, s0, $0xb8;
	[tilespmem:$0x1F500] =	vst v63  }
0x86: {  	s16 =	simm.s32 @!p2 $0x6  }
0x87: {  	s10 =	simm.s32 @!p1 $0x8900;
	_ =	swait.ge @!p2 [sflag:s16], $0x3000  }
0x88: {  	s18 =	simm.s32 @!p1 $0x0;
	s20 =	simm.s32 @!p1 $0x2880;
	[sflag:s16] =	ssyncset.done @!p2 $0x0  }
0x89: {  	s21 =	simm.s32 @!p1 $0x60;
	[sflag:s16] =	ssyncadd.s32 @!p2 $0xFFFFD000;
	s16 =	sadd.s32 @!p1 $0xFFFFFF40, s12  }
0x8a: {  	[tilespmem:s20], [sflag:$0x3] =	stream.linear.gather @!p1 [hbm4b:s17+s18], $0x80, $0x38;
	[tilespmem:$0x1F500] =	vst v63  }
0x8b: {  	_ = 	snop  }
0x8c: {  	[tilespmem:s10], [sflag:$0x3] =	stream.indirect.gather @!p1 [hbm4b:s1+s21], $0x80, s16, s21, $0xb8;
	[tilespmem:$0x1F500] =	vst v63  }
0x8d: {  	_ =	swait.ge [sflag:s7], $0x3000  }
0x8e: {  	[sflag:s7] =	ssyncset.done $0x0  }
0x8f: {  	[sflag:s7] =	ssyncadd.s32 $0xFFFFD000  }
0x90: {  	s16 =	sadd.s32 $0xFFFFFFFF, s9;
	_ =	swait.ge [sflag:s7], $0x80  }
0x91: {  	p2 =	sge.u32 s16, s14;
	[sflag:s7] =	ssyncset.done $0x0  }
0x92: {  	s16 =	simm.s32 @!p2 $0x4;
	[sflag:s7] =	ssyncadd.s32 $0xFFFFFF80  }
0x93: {  	[spmem:s3] =	stream.indirect.scatter.add.f32 [tilespmem:s29], [sflag:$0x5], $0x80, s6, s0, $0xb8;
	[tilespmem:$0x1F500] =	vst v63  }
0x94: {  	s18 =	simm.s32 @!p2 $0x60;
	_ =	swait.ge @!p2 [sflag:s16], $0x3000  }
0x95: {  	s22 =	simm.s32 @!p2 $0x0;
	s23 =	simm.s32 @!p2 $0x2780;
	[sflag:s16] =	ssyncset.done @!p2 $0x0  }
0x96: {  	s24 =	simm.s32 @!p2 $0x2900;
	[sflag:s16] =	ssyncadd.s32 @!p2 $0xFFFFD000;
	s16 =	sadd.s32 @!p2 $0xFFFFFFA0, s12  }
0x97: {  	[tilespmem:s23], [sflag:$0x1] =	stream.linear.gather @!p2 [hbm4b:s15+s22], $0x80, $0x38;
	[tilespmem:$0x1F500] =	vst v63  }
0x98: {  	s22 =	simm.s32 @!p1 $0x3  }
0x99: {  	[tilespmem:s24], [sflag:$0x1] =	stream.indirect.gather @!p2 [hbm4b:s1+s18], $0x80, s16, s18, $0xb8;
	[tilespmem:$0x1F500] =	vst v63  }
0x9a: {  	_ =	swait.ge @!p1 [sflag:s22], $0x3000  }
0x9b: {  	[sflag:s22] =	ssyncset.done @!p1 $0x0  }
0x9c: {  	[sflag:s22] =	ssyncadd.s32 @!p1 $0xFFFFD000  }
0x9d: {  	_ =	swait.ge @!p1 [sflag:s22], $0x80  }
0x9e: {  	p2 =	sge.u32 s9, s14;
	[sflag:s22] =	ssyncset.done @!p1 $0x0  }
0x9f: {  	s9 =	simm.s32 @!p2 $0x5;
	[sflag:s22] =	ssyncadd.s32 @!p1 $0xFFFFFF80  }
0xa0: {  	[spmem:s3] =	stream.indirect.scatter.add.f32 @!p1 [tilespmem:s10], [sflag:$0x6], $0x80, s20, s21, $0xb8;
	[tilespmem:$0x1F500] =	vst v63  }
.Ltmp0:
0xa1: {  	_ = 	snop;
	(pc) =	sbr.rel @p0 .LBB2_2-.Ltmp0, $4  }
0xa2: {  	s17 =	sadd.s32 $0x30, s17;
	s15 =	sadd.s32 $0x30, s15;
	_ =	swait.ge @!p2 [sflag:s9], $0x3000  }
0xa3: {  	s18 =	simm.s32 @!p2 $0x0;
	s20 =	simm.s32 @!p2 $0x2800;
	[sflag:s9] =	ssyncset.done @!p2 $0x0  }
0xa4: {  	s16 =	simm.s32 @!p2 $0x5900;
	s10 =	simm.s32 @!p2 $0x60;
	[sflag:s9] =	ssyncadd.s32 @!p2 $0xFFFFD000  }
0xa5: {  	[tilespmem:s20], [sflag:$0x2] =	stream.linear.gather @!p2 [hbm4b:s25+s18], $0x80, $0x38;
	[tilespmem:$0x1F500] =	vst v63  }
0xa6: {  	[tilespmem:s16], [sflag:$0x2] =	stream.indirect.gather @!p2 [hbm4b:s1+s10], $0x80, s8, s10, $0xb8;
	[tilespmem:$0x1F500] =	vst v63  }
0xa7: {  	s16 =	simm.s32 $0x4  }
0xa8: {  	_ =	swait.ge [sflag:s16], $0x3000  }
0xa9: {  	[sflag:s16] =	ssyncset.done $0x0  }
0xaa: {  	s17 =	simm.s32 $0x5;
	[sflag:s16] =	ssyncadd.s32 $0xFFFFD000  }
0xab: {  	_ =	swait.ge [sflag:s17], $0x3000  }
0xac: {  	[sflag:s17] =	ssyncset.done $0x0  }
0xad: {  	s18 =	simm.s32 $0x6;
	[sflag:s17] =	ssyncadd.s32 $0xFFFFD000  }
0xae: {  	_ =	swait.ge [sflag:s18], $0x3000  }
0xaf: {  	[sflag:s18] =	ssyncset.done $0x0  }
0xb0: {  	[sflag:s18] =	ssyncadd.s32 $0xFFFFD000  }
0xb1: {  	[bflag:$0x0] =	sbarrier.arrive $0xFFFF  }
0xb2: {  	[tilespmem:s5], [sflag:$0x7] =	stream.linear.gather [spmem:s28], $0x3000, $0x38;
	[tilespmem:$0x1F500] =	vst v63  }
0xb3: {  	_ =	swait.ge [sflag:s30], $0x3000  }
0xb4: {  	[sflag:s30] =	ssyncset.done $0x0  }
0xb5: {  	s20 =	rddreg [dreg:$0x8];
	[sflag:s30] =	ssyncadd.s32 $0xFFFFD000  }
0xb6: {  	[hbm4b:s20+s4] =	stream.linear.scatter [tilespmem:s5], [sflag:$0x7], $0x3000, $0x38;
	[tilespmem:$0x1F500] =	vst v63  }
0xb7: {  	_ =	swait.ge [sflag:s30], $0x3000  }
0xb8: {  	[sflag:s30] =	ssyncset.done $0x0  }
0xb9: {  	[sflag:s30] =	ssyncadd.s32 $0xFFFFD000  }
0xba: {  	[tilespmem:s5], [sflag:$0x7] =	stream.linear.gather [spmem:s19], $0x3000, $0x38;
	[tilespmem:$0x1F500] =	vst v63  }
0xbb: {  	_ =	swait.ge [sflag:s30], $0x3000  }
0xbc: {  	[sflag:s30] =	ssyncset.done $0x0  }
0xbd: {  	s21 =	rddreg [dreg:$0x9];
	[sflag:s30] =	ssyncadd.s32 $0xFFFFD000  }
0xbe: {  	[hbm4b:s21+s4] =	stream.linear.scatter [tilespmem:s5], [sflag:$0x7], $0x3000, $0x38;
	[tilespmem:$0x1F500] =	vst v63  }
0xbf: {  	_ =	swait.ge [sflag:s30], $0x3000  }
0xc0: {  	[sflag:s30] =	ssyncset.done $0x0  }
0xc1: {  	[sflag:s30] =	ssyncadd.s32 $0xFFFFD000  }
0xc2: {  	[tilespmem:s5], [sflag:$0x7] =	stream.linear.gather [spmem:s26], $0x3000, $0x38;
	[tilespmem:$0x1F500] =	vst v63  }
0xc3: {  	_ =	swait.ge [sflag:s30], $0x3000  }
0xc4: {  	[sflag:s30] =	ssyncset.done $0x0  }
0xc5: {  	s22 =	rddreg [dreg:$0xa];
	[sflag:s30] =	ssyncadd.s32 $0xFFFFD000  }
0xc6: {  	[hbm4b:s22+s4] =	stream.linear.scatter [tilespmem:s5], [sflag:$0x7], $0x3000, $0x38;
	[tilespmem:$0x1F500] =	vst v63  }
0xc7: {  	_ =	swait.ge [sflag:s30], $0x3000  }
0xc8: {  	[sflag:s30] =	ssyncset.done $0x0  }
0xc9: {  	s15 =	rddreg [dreg:$0x12];
	[sflag:s30] =	ssyncadd.s32 $0xFFFFD000  }
0xca: {  	[tilespmem:s5], [sflag:$0x7] =	stream.linear.gather [spmem:s15], $0x3000, $0x38;
	[tilespmem:$0x1F500] =	vst v63  }
0xcb: {  	_ =	swait.ge [sflag:s30], $0x3000  }
0xcc: {  	[sflag:s30] =	ssyncset.done $0x0  }
0xcd: {  	s23 =	rddreg [dreg:$0xb];
	[sflag:s30] =	ssyncadd.s32 $0xFFFFD000  }
0xce: {  	[hbm4b:s23+s4] =	stream.linear.scatter [tilespmem:s5], [sflag:$0x7], $0x3000, $0x38;
	[tilespmem:$0x1F500] =	vst v63  }
0xcf: {  	_ =	swait.ge [sflag:s30], $0x3000  }
0xd0: {  	[sflag:s30] =	ssyncset.done $0x0  }
0xd1: {  	s16 =	rddreg [dreg:$0x13];
	[sflag:s30] =	ssyncadd.s32 $0xFFFFD000  }
0xd2: {  	[tilespmem:s5], [sflag:$0x7] =	stream.linear.gather [spmem:s16], $0x3000, $0x38;
	[tilespmem:$0x1F500] =	vst v63  }
0xd3: {  	_ =	swait.ge [sflag:s30], $0x3000  }
0xd4: {  	[sflag:s30] =	ssyncset.done $0x0  }
0xd5: {  	s24 =	rddreg [dreg:$0xc];
	[sflag:s30] =	ssyncadd.s32 $0xFFFFD000  }
0xd6: {  	[hbm4b:s24+s4] =	stream.linear.scatter [tilespmem:s5], [sflag:$0x7], $0x3000, $0x38;
	[tilespmem:$0x1F500] =	vst v63  }
0xd7: {  	_ =	swait.ge [sflag:s30], $0x3000  }
0xd8: {  	[sflag:s30] =	ssyncset.done $0x0  }
0xd9: {  	s10 =	rddreg [dreg:$0x14];
	[sflag:s30] =	ssyncadd.s32 $0xFFFFD000  }
0xda: {  	[tilespmem:s5], [sflag:$0x7] =	stream.linear.gather [spmem:s10], $0x3000, $0x38;
	[tilespmem:$0x1F500] =	vst v63  }
0xdb: {  	_ =	swait.ge [sflag:s30], $0x3000  }
0xdc: {  	[sflag:s30] =	ssyncset.done $0x0  }
0xdd: {  	s25 =	rddreg [dreg:$0xd];
	[sflag:s30] =	ssyncadd.s32 $0xFFFFD000  }
0xde: {  	[hbm4b:s25+s4] =	stream.linear.scatter [tilespmem:s5], [sflag:$0x7], $0x3000, $0x38;
	[tilespmem:$0x1F500] =	vst v63  }
0xdf: {  	_ =	swait.ge [sflag:s30], $0x3000  }
0xe0: {  	[sflag:s30] =	ssyncset.done $0x0  }
0xe1: {  	s9 =	rddreg [dreg:$0x11];
	[sflag:s30] =	ssyncadd.s32 $0xFFFFD000  }
0xe2: {  	[tilespmem:s5], [sflag:$0x7] =	stream.linear.gather [spmem:s9], $0x1C00, $0x38;
	[tilespmem:$0x1F500] =	vst v63  }
0xe3: {  	_ =	swait.ge [sflag:s30], $0x1C00  }
0xe4: {  	[sflag:s30] =	ssyncset.done $0x0  }
0xe5: {  	s13 =	smov.u32 s26;
	s26 =	rddreg [dreg:$0x7];
	[sflag:s30] =	ssyncadd.s32 $0xFFFFE400  }
0xe6: {  	[hbm4b:s26+s4] =	stream.linear.scatter [tilespmem:s5], [sflag:$0x7], $0x1C00, $0x38;
	[tilespmem:$0x1F500] =	vst v63  }
0xe7: {  	_ =	swait.ge [sflag:s30], $0x1C00  }
0xe8: {  	s12 =	smov.u32 s28;
	s11 =	sadd.s32 $0x1, s11;
	s28 =	rddreg [dreg:$0x10]  }
0xe9: {  	p0 =	sne.s32 s11, s28  }
.Ltmp1:
0xea: {  	_ = 	snop;
	(pc) =	sbr.rel @p0 .LBB2_1-.Ltmp1, $3  }
0xeb: {  	_ =	sdelay $0x1  }
0xec: {  	[sflag:s30] =	ssyncset.done $0x0  }
0xed: {  	s17 =	smov.u32 s19;
	[sflag:s30] =	ssyncadd.s32 $0xFFFFE400  }
0xee: {  	_ =	sfence.sel $0x180000  }
0xef: {  	[bflag:$0x0] =	sbarrier.arrive $0xFFFF  }
0xf0: {  	_ =	strace $0x9000004D  }
0xf1: {  	s0 =	stileid.u32;
	[bflag:$0x2] =	sbarrier.arrive $0xFFFF  }
0xf2: {  	p0 =	sne.s32 s0, $0x0;
	s0 =	rddreg [dreg:$0x4]  }
0xf3: {  	s0 =	sadd.s32 @!p0 $0x100000, s0  }
0xf4: {  	[sflag:s0] =	ssyncadd.tile.s32 @!p0 $0x1;
	_ =	shalt  }
.Lfunc_end2:
_tile_overlayer_lowered:
.L_overlay_start_2:
0xf5: {  	(tag) =	ssettag $0x2  }
0xf6: {  	s0 =	rddreg [dreg:$0x0];
	s2 =	stileid.u32  }
0xf7: {  	s1 =	rddreg [dreg:$0x1];
	p0 =	sne.s32 s2, $0x0  }
0xf8: {  	s3 =	rddreg [dreg:$0x2];
	[bflag:$0x3] =	sbarrier.arrive $0xFFFF;
	s2 =	simm.s32 @!p0 $0x1C07  }
0xf9: {  	[timem:s3], [sflag:s2] =	dma.local @!p0 [hbm:s0], s1  }
0xfa: {  	s0 =	simm.s32 @!p0 $0x7  }
0xfb: {  	_ =	swait.ge @!p0 [sflag:s0], s1  }
0xfc: {  	s1 =	ssub.s32 @!p0 $0x0, s1;
	[sflag:s0] =	ssyncset.done @!p0 $0x0  }
0xfd: {  	[sflag:s0] =	ssyncadd.s32 @!p0 s1  }
0xfe: {  	[bflag:$0x3] =	sbarrier.arrive $0xFFFF  }
0xff: {  	_ =	shalt  }

// kernel: kernel.21.cloned.1.call-start
scs
__scs_entry_jumppad:
0x0: {  	(pc) =	sbr.rel $0x88, $3  }
0x1: {  	(tag) =	ssettag $0x0;
	lr =	simm.s32 $0x1  }
0x2: {  	[smem:$0x3F93] =	sst lr;
	_ =	strace $0xD0000000  }
0x3: {  	_ = 	snop  }
0x4: {  	_ = 	snop  }
0x5: {  	_ = 	snop  }
0x6: {  	_ = 	snop  }
0x7: {  	_ = 	snop  }
__scs_overlays_trampoline_lowered:
0x8: {  	[smem:$0x3FA2] =	sst s0  }
0x9: {  	[smem:$0x3FA3] =	sst s1  }
0xa: {  	[smem:$0x3FA4] =	sst s2  }
0xb: {  	[smem:$0x3FA5] =	sst s3  }
0xc: {  	[smem:$0x3FA6] =	sst s4  }
0xd: {  	[smem:$0x3FA7] =	sst s5  }
0xe: {  	[smem:$0x3FA8] =	sst s6  }
0xf: {  	[smem:$0x3FA9] =	sst s7  }
0x10: {  	[smem:$0x3FAA] =	sst s8  }
0x11: {  	[smem:$0x3FAB] =	sst s9;
	s0 =	simm.s32 @!p0 $0x0  }
0x12: {  	s1 =	sld [smem:$0x3F91];
	s0 =	simm.s32 @p0 $0x1  }
0x13: {  	[smem:$0x3FAC] =	sst s0;
	s0 =	simm.s32 @!p1 $0x0  }
0x14: {  	s2 =	sld [smem:$0x3F90];
	s0 =	simm.s32 @p1 $0x1  }
0x15: {  	[smem:$0x3FAD] =	sst s0;
	s0 =	simm.s32 @!p2 $0x0  }
0x16: {  	s3 =	sld [smem:$0x3FDB];
	s0 =	simm.s32 @p2 $0x1  }
0x17: {  	s4 =	simm.s32 $0x1BF5;
	[smem:$0x3FAF] =	sst s0  }
0x18: {  	s0 =	sld [smem:$0x3F92];
	_ =	swait.ge [sflag:s4], $0x0  }
0x19: {  	s7 =	sld [smem:$0x3F93]  }
0x1a: {  	s8 =	sadd.s32 $0xFFFFE003, lr  }
0x1b: {  	s9 =	sadd.s32 $0xFFFFFEF7, lr;
	s5 =	simm.s32 $0xFFFFFFFF;
	p2 =	slt.u32 s8, $0xFFFFF086  }
0x1c: {  	p1 =	slt.u32 s9, $0xF7A;
	s5 =	simm.s32 @!p2 $0x0  }
0x1d: {  	s5 =	simm.s32 @p1 $0x1;
	p0 =	seq.s32 s7, s2  }
0x1e: {  	s7 =	smul.u32 @!p0 $0xF7A, s2;
	p2 =	seq.s32 @!p0 s5, $0x0  }
0x1f: {  	s9 =	smul.u32 $0xF7A, s1;
	s8 =	simm.s32 @!p0 $0x1BF5;
	p2 =	por !p2, p0  }
0x20: {  	[sflag:s8] =	ssyncset.s32 @!p0 $0xFFFFF086;
	s6 =	sadd.s32 @!p0 s3, s7;
	s7 =	simm.s32 @!p0 $0x108  }
0x21: {  	s3 =	sadd.s32 s3, s9;
	s6 =	sadd.s32 @!p0 $0x88, s6;
	s7 =	simm.s32 @p2 $0x1082  }
0x22: {  	[simem:s7], [sflag:s8] =	dma.local @!p0 [hbm:s6], $0xF7A  }
0x23: {  	s9 =	sor.u32 $0xD0000000, s2;
	s6 =	simm.s32 $0x108;
	_ =	swait.ge @!p0 [sflag:s8], $0x0  }
0x24: {  	s3 =	sadd.s32 $0x88, s3;
	s6 =	simm.s32 @!p1 $0x1082;
	[sflag:s4] =	ssyncset.s32 $0xFFFFF086  }
0x25: {  	[simem:s6], [sflag:s4] =	dma.local [hbm:s3], $0xF7A  }
0x26: {  	[smem:$0x3F93] =	sst s1;
	(tag) =	ssettag s2;
	_ =	strace s9  }
0x27: {  	s1 =	sld [smem:$0x3FA3]  }
0x28: {  	s2 =	sld [smem:$0x3FA4]  }
0x29: {  	s4 =	sld [smem:$0x3FA6]  }
0x2a: {  	p0 =	seq.s32 s5, $0x0;
	s5 =	sld [smem:$0x3FA7]  }
0x2b: {  	s6 =	sld [smem:$0x3FA8]  }
0x2c: {  	s7 =	sld [smem:$0x3FA9]  }
0x2d: {  	s3 =	simm.s32 $0x108;
	s8 =	sld [smem:$0x3FAA]  }
0x2e: {  	s3 =	simm.s32 @!p0 $0x1082;
	s9 =	sld [smem:$0x3FAB]  }
0x2f: {  	lr =	sadd.s32 s0, s3;
	s0 =	sld [smem:$0x3FA2]  }
0x30: {  	s3 =	sld [smem:$0x3FA5]  }
0x31: {  	[smem:$0x3FAE] =	sst s10  }
0x32: {  	s10 =	sld [smem:$0x3FAC];
	_ =	sdelay $0x3  }
0x33: {  	p0 =	seq.s32 s10, $0x1;
	s10 =	sld [smem:$0x3FAE];
	_ =	sdelay $0x3  }
0x34: {  	[smem:$0x3FAE] =	sst s10  }
0x35: {  	s10 =	sld [smem:$0x3FAD];
	_ =	sdelay $0x3  }
0x36: {  	p1 =	seq.s32 s10, $0x1;
	s10 =	sld [smem:$0x3FAE];
	_ =	sdelay $0x3  }
0x37: {  	[smem:$0x3FAE] =	sst s10  }
0x38: {  	s10 =	sld [smem:$0x3FAF]  }
0x39: {  	_ = 	snop;
	(pc) =	sbr.ind lr, $3  }
0x3a: {  	_ = 	snop  }
0x3b: {  	_ = 	snop  }
0x3c: {  	p2 =	seq.s32 s10, $0x1;
	s10 =	sld [smem:$0x3FAE]  }
0x3d: {  	_ =	shalt  }
0x3e: {  	_ =	shalt  }
0x3f: {  	_ =	shalt  }
0x40: {  	_ =	shalt  }
0x41: {  	_ =	shalt  }
0x42: {  	_ =	shalt  }
0x43: {  	_ =	shalt  }
0x44: {  	_ =	shalt  }
0x45: {  	_ =	shalt  }
0x46: {  	_ =	shalt  }
0x47: {  	_ =	shalt  }
0x48: {  	_ =	shalt  }
0x49: {  	_ =	shalt  }
0x4a: {  	_ =	shalt  }
0x4b: {  	_ =	shalt  }
0x4c: {  	_ =	shalt  }
0x4d: {  	_ =	shalt  }
0x4e: {  	_ =	shalt  }
0x4f: {  	_ =	shalt  }
0x50: {  	_ =	shalt  }
0x51: {  	_ =	shalt  }
0x52: {  	_ =	shalt  }
0x53: {  	_ =	shalt  }
0x54: {  	_ =	shalt  }
0x55: {  	_ =	shalt  }
0x56: {  	_ =	shalt  }
0x57: {  	_ =	shalt  }
0x58: {  	_ =	shalt  }
0x59: {  	_ =	shalt  }
0x5a: {  	_ =	shalt  }
0x5b: {  	_ =	shalt  }
0x5c: {  	_ =	shalt  }
0x5d: {  	_ =	shalt  }
0x5e: {  	_ =	shalt  }
0x5f: {  	_ =	shalt  }
0x60: {  	_ =	shalt  }
0x61: {  	_ =	shalt  }
0x62: {  	_ =	shalt  }
0x63: {  	_ =	shalt  }
0x64: {  	_ =	shalt  }
0x65: {  	_ =	shalt  }
0x66: {  	_ =	shalt  }
0x67: {  	_ =	shalt  }
0x68: {  	_ =	shalt  }
0x69: {  	_ =	shalt  }
0x6a: {  	_ =	shalt  }
0x6b: {  	_ =	shalt  }
0x6c: {  	_ =	shalt  }
0x6d: {  	_ =	shalt  }
0x6e: {  	_ =	shalt  }
0x6f: {  	_ =	shalt  }
0x70: {  	_ =	shalt  }
0x71: {  	_ =	shalt  }
0x72: {  	_ =	shalt  }
0x73: {  	_ =	shalt  }
0x74: {  	_ =	shalt  }
0x75: {  	_ =	shalt  }
0x76: {  	_ =	shalt  }
0x77: {  	_ =	shalt  }
0x78: {  	_ =	shalt  }
0x79: {  	_ =	shalt  }
0x7a: {  	_ =	shalt  }
0x7b: {  	_ =	shalt  }
0x7c: {  	_ =	shalt  }
0x7d: {  	_ =	shalt  }
0x7e: {  	_ =	shalt  }
0x7f: {  	_ =	shalt  }
0x80: {  	_ =	shalt  }
0x81: {  	_ =	shalt  }
0x82: {  	_ =	shalt  }
0x83: {  	_ =	shalt  }
0x84: {  	_ =	shalt  }
0x85: {  	_ =	shalt  }
0x86: {  	_ =	shalt  }
0x87: {  	_ =	shalt  }
.Lfunc_end0:
.L_simem_size_0:
called_computation.3_lowered:
.L_overlay_start_0:
0x88: {  	s2 =	sld [smem:$0x3FD9]  }
0x89: {  	s3 =	sld [smem:$0x3FFE];
	_ =	sdelay $0x1  }
0x8a: {  	s1 =	srdreg.scid  }
0x8b: {  	s0 =	sand.u32 $0x1, s1  }
0x8c: {  	s14 =	sshll.u32 s0, $0xA;
	s2 =	sadd.s32 s3, s2  }
0x8d: {  	s2 =	sadd.s32 s2, s14  }
0x8e: {  	[smem:$0x3FBA] =	sst s2  }
0x8f: {  	_ = 	snop  }
0x90: {  	s2 =	sld [smem:$0x3FD0];
	_ =	sdelay $0x2  }
0x91: {  	s15 =	simm.s32 $0xA;
	s4 =	simm.s32 $0x10  }
0x92: {  	[smem:s4], [sflag:s15] =	dma.local [hbm:s2], $0x1  }
0x93: {  	_ =	swait.eq [sflag:s15], $0x1  }
0x94: {  	[sflag:s15] =	ssyncset.done $0x0  }
0x95: {  	s16 =	sld [smem:$0x10];
	[sflag:s15] =	ssyncadd.s32 $0xFFFFFFFF  }
0x96: {  	s17 =	sld [smem:$0x13];
	(tm) =	ssettm $0x1  }
0x97: {  	s18 =	sld [smem:$0x3FFB];
	_ =	sdelay $0x3  }
0x98: {  	_ =	strace s18  }
0x99: {  	s4 =	sld [smem:$0x3FFC];
	_ =	sdelay $0x3  }
0x9a: {  	_ =	strace s4  }
0x9b: {  	s4 =	sld [smem:$0x3FFD];
	_ =	sdelay $0x3  }
0x9c: {  	_ =	strace s4  }
0x9d: {  	_ =	strace $0x8FFFFFFF  }
0x9e: {  	s19 =	sld [smem:$0x3FDB];
	_ =	sdelay $0x1  }
0x9f: {  	s5 =	simm.s32 $_scs_section_size  }
0xa0: {  	s6 =	simm.s32 $_size__tile_overlayer_lowered;
	s7 =	simm.s32 $_tile_overlayer_lowered  }
0xa1: {  	s22 =	simm.s32 $0x1BFF;
	s21 =	sshll.u32 s7, $0x1;
	s4 =	sadd.s32 s5, s19  }
0xa2: {  	s8 =	simm.s32 $0x0;
	s20 =	sshll.u32 s6, $0x1;
	s6 =	sadd.s32 s21, s4  }
0xa3: {  	[timem:s8], [sflag:s22] =	dma.local [hbm:s6], s20  }
0xa4: {  	_ =	swait.ge [sflag:s22], s20  }
0xa5: {  	s5 =	ssub.s32 $0x0, s20;
	[sflag:s22] =	ssyncset.done $0x0  }
0xa6: {  	[sflag:s22] =	ssyncadd.s32 s5;
	_ =	sdelay $0x1  }
0xa7: {  	s23 =	simm.s32 $0x1B8B  }
0xa8: {  	_ =	swait.ge [sflag:s23], $0x1  }
0xa9: {  	[sflag:s23] =	ssyncset.done $0x0  }
0xaa: {  	s25 =	simm.s32 $0x1B8E;
	s24 =	sld [smem:$0x3FFE];
	[sflag:s23] =	ssyncadd.s32 $0xFFFFFFFF  }
0xab: {  	s26 =	simm.s32 $execute0_lowered;
	[smem:$0x3FD2] =	sst s25  }
0xac: {  	s6 =	sshll.u32 s26, $0x1;
	_ =	strace $0x8000004F;
	[dreg:$0x1] =	wrdreg $0xFFFFFFFF  }
0xad: {  	s28 =	simm.s32 $_size_execute0_lowered;
	s4 =	sadd.s32 s4, s6;
	[dreg:$0x0] =	wrdreg $0x0  }
0xae: {  	s6 =	sshll.u32 s28, $0x1;
	[dreg:$0x2] =	wrdreg s4  }
0xaf: {  	[dreg:$0x3] =	wrdreg s6  }
0xb0: {  	[dreg:$0x4] =	wrdreg $0xC0  }
0xb1: {  	_ =	task [dreg:s8], $0x5FFFF  }
0xb2: {  	[dreg:$0x1] =	wrdreg $0xFFFFFFFF  }
0xb3: {  	[dreg:$0x0] =	wrdreg $0x60  }
0xb4: {  	[dreg:$0x2] =	wrdreg s17  }
0xb5: {  	[dreg:$0x3] =	wrdreg s24  }
0xb6: {  	[dreg:$0x4] =	wrdreg s16  }
0xb7: {  	[dreg:$0x5] =	wrdreg $0xB9000  }
0xb8: {  	[dreg:$0x6] =	wrdreg $0x9  }
0xb9: {  	_ =	task.clear_ibuf [dreg:s8], $0x7FFFF;
	_ =	strace $0x9000004F  }
0xba: {  	s29 =	simm.s32 $0x9;
	_ =	strace $0x80000051  }
0xbb: {  	_ =	swait.ge [sflag:s29], $0x1  }
0xbc: {  	[sflag:s29] =	ssyncadd.s32 $0xFFFFFFFF  }
0xbd: {  	_ =	strace $0x90000051  }
0xbe: {  	_ =	sfence  }
0xbf: {  	s30 =	sld [smem:$0x0];
	_ =	sdelay $0x2  }
0xc0: {  	s31 =	sshll.u32 s1, $0xD;
	s1 =	sshrl.u32 s1, $0x2  }
0xc1: {  	s3 =	sand.u32 $0x4000, s31;
	s1 =	sadd.s32 s1, s30  }
0xc2: {  	s0 =	sor.u32 s3, s0;
	s1 =	sshll.u32 s1, $0x11  }
0xc3: {  	s0 =	sor.u32 s1, s0  }
0xc4: {  	s0 =	sadd.s32 $0x8F2B, s0  }
0xc5: {  	[sflag:s0] =	ssyncadd.remote.s32 $0x1  }
0xc6: {  	_ =	sfence.sel $0xFFFF  }
0xc7: {  	[dreg:$0x0] =	wrdreg $0xFFFFFFFF;
	(pc) =	sbr.abs _section_cstart, $3  }
0xc8: {  	[dreg:$0x1] =	wrdreg $0xFFFFFFFF  }
0xc9: {  	_ =	task.clear_ibuf [dreg:s8], $0x2FFFF;
	_ =	strace $0x9FFFFFFF  }
0xca: {  	(tm) =	ssettm $0x7FFFFFFF  }
0xcb: {  	_ =	shalt  }
tec
execute0_lowered:
.L_overlay_start_1:
0x0: {  	(tag) =	ssettag $0x1  }
0x1: {  	s1 =	rddreg [dreg:$0x0]  }
0x2: {  	s0 =	srdreg.scid;
	s5 =	rddreg [dreg:$0x1]  }
0x3: {  	s21 =	stileid.u32;
	s6 =	rddreg [dreg:$0x2]  }
0x4: {  	s3 =	rddreg [dreg:$0x3];
	s4 =	simm.s32 $0x0;
	s29 =	simm.s32 $0x5900  }
0x5: {  	s30 =	simm.s32 $0x7;
	s31 =	simm.s32 $0x1;
	s22 =	smul.u32 $0x13C00, s21  }
0x6: {  	s0 =	sand.u32 $0x1, s0;
	s2 =	sshll.u32 s21, $0x1;
	s18 =	smul.u32 $0xD0, s21  }
0x7: {  	[smem:$0x7FF] =	sst s4;
	s10 =	sadd.s32 $0xEC00, s5;
	s14 =	smul.u32 $0x13C000, s0  }
0x8: {  	s2 =	sor.u32 s0, s2;
	s11 =	ssub.s32 $0x2, s0;
	s0 =	smul.u32 $0x68, s0  }
0x9: {  	p0 =	slt.u32 s21, $0x3;
	_ =	strace $0x80000050;
	s7 =	smul.u32 $0x68, s2  }
0xa: {  	[dreg:$0x5] =	wrdreg s10;
	s8 =	smin.u32 s2, $0x6;
	s2 =	smul.u32 $0x3400, s2  }
0xb: {  	s12 =	sshrl.u32 s11, $0x1;
	s15 =	sadd.s32 $0x9000, s22;
	s16 =	sadd.s32 $0xC000, s22  }
0xc: {  	s13 =	sshll.u32 s8, $0x7;
	s11 =	ssub.s32 s11, s12;
	s12 =	sadd.s32 $0x12000, s22  }
0xd: {  	s17 =	sadd.s32 s14, s22;
	s0 =	sadd.s32 s0, s18;
	s7 =	sor.u32 s8, s7  }
0xe: {  	s2 =	sor.u32 s2, s13;
	s23 =	sadd.s32 s14, s12;
	s13 =	sadd.s32 $0x6000, s22  }
0xf: {  	s17 =	sshrl.u32 s17, $0x3;
	s9 =	smul.u32 $0xC, s7;
	s2 =	sshrl.u32 s2, $0x3  }
0x10: {  	s24 =	sshrl.u32 s23, $0x3;
	s20 =	sadd.s32 s14, s13;
	s2 =	sadd.s32 s6, s2  }
0x11: {  	s26 =	sshrl.u32 s20, $0x3;
	s20 =	sadd.s32 s14, s16;
	s16 =	sadd.s32 s16, s3  }
0x12: {  	s9 =	sadd.s32 s9, s5;
	s5 =	sadd.s32 $0xF200, s5;
	[dreg:$0x6] =	wrdreg s2  }
0x13: {  	s2 =	sshll.u32 s7, $0x4;
	[dreg:$0x13] =	wrdreg s16;
	s7 =	sadd.s32 s5, s24  }
0x14: {  	s0 =	sor.u32 s8, s0;
	s17 =	sadd.s32 s5, s17;
	[dreg:$0x7] =	wrdreg s7  }
0x15: {  	s8 =	sshrl.u32 s20, $0x3;
	s28 =	sadd.s32 s5, s26;
	[dreg:$0x8] =	wrdreg s17  }
0x16: {  	s0 =	sshll.u32 s0, $0x4;
	s8 =	sadd.s32 s5, s8;
	[dreg:$0xa] =	wrdreg s28  }
0x17: {  	s0 =	sadd.s32 s0, s6;
	s24 =	sadd.s32 $0x4E00, s9;
	[dreg:$0xc] =	wrdreg s8  }
0x18: {  	s10 =	sadd.s32 $0xF000, s22;
	s26 =	sadd.s32 $0x40, s0;
	[dreg:$0xe] =	wrdreg s24  }
0x19: {  	s2 =	sadd.s32 s2, s6;
	s9 =	sadd.s32 s12, s3;
	[dreg:$0x15] =	wrdreg s26  }
0x1a: {  	s23 =	smul.u32 $0x4F000, s21;
	s2 =	sadd.s32 $0x10, s2;
	[dreg:$0x11] =	wrdreg s9  }
0x1b: {  	s13 =	sadd.s32 s13, s3;
	s28 =	sadd.s32 $0x30, s0;
	[dreg:$0xf] =	wrdreg s2  }
0x1c: {  	s7 =	sadd.s32 $0x3000, s22;
	s0 =	sadd.s32 $0x20, s0;
	[dreg:$0x16] =	wrdreg s28  }
0x1d: {  	s6 =	simm.s32 $0x2800;
	s19 =	sadd.s32 s14, s7;
	[dreg:$0x17] =	wrdreg s0  }
0x1e: {  	s2 =	simm.s32 $0x2780;
	s0 =	simm.s32 $0x60;
	s25 =	sshrl.u32 s19, $0x3  }
0x1f: {  	s19 =	sadd.s32 s14, s15;
	s14 =	sadd.s32 s14, s10;
	s15 =	sadd.s32 s15, s3  }
0x20: {  	s10 =	sadd.s32 s10, s3;
	s17 =	sadd.s32 s5, s25;
	[dreg:$0x12] =	wrdreg s15  }
0x21: {  	s22 =	sshrl.u32 s14, $0x3;
	s14 =	simm.s32 $0x69;
	[dreg:$0x14] =	wrdreg s10  }
0x22: {  	s25 =	smax.u32 s11, $0x1;
	[dreg:$0x9] =	wrdreg s17;
	s17 =	sshrl.u32 s19, $0x3  }
0x23: {  	s11 =	simm.s32 $0x0;
	[dreg:$0x10] =	wrdreg s25;
	s17 =	sadd.s32 s5, s17  }
0x24: {  	s14 =	simm.s32 @!p0 $0x68;
	s5 =	sadd.s32 s5, s22;
	[dreg:$0xb] =	wrdreg s17  }
0x25: {  	[dreg:$0xd] =	wrdreg s5;
	s5 =	sshrl.u32 s23, $0x2;
	s17 =	sadd.s32 s7, s3  }
0x26: {  	s7 =	simm.s32 $0x2;
	s12 =	sadd.s32 s5, s3;
	s5 =	simm.s32 $0x2900  }
.LBB2_1:
0x27: {  	s8 =	rddreg [dreg:$0xe]  }
0x28: {  	[tilespmem:s4], [sflag:$0x1] =	stream.linear.gather [hbm4b:s8+s4], $0x2760, $0x38;
	[tilespmem:$0x1F500] =	vst v63  }
0x29: {  	s23 =	rddreg [dreg:$0x5]  }
0x2a: {  	[tilespmem:s29], [sflag:$0x7] =	stream.linear.gather [hbm4b:s23+s4], $0x3000, $0x38;
	[tilespmem:$0x1F500] =	vst v63  }
0x2b: {  	_ =	swait.ge [sflag:s30], $0x3000  }
0x2c: {  	[sflag:s30] =	ssyncset.done $0x0  }
0x2d: {  	[sflag:s30] =	ssyncadd.s32 $0xFFFFD000  }
0x2e: {  	[spmem:s12] =	stream.linear.scatter [tilespmem:s29], [sflag:$0x7], $0x3000, $0x38;
	[tilespmem:$0x1F500] =	vst v63  }
0x2f: {  	_ =	swait.ge [sflag:s30], $0x3000  }
0x30: {  	[sflag:s30] =	ssyncset.done $0x0  }
0x31: {  	[sflag:s30] =	ssyncadd.s32 $0xFFFFD000  }
0x32: {  	[spmem:s17] =	stream.linear.scatter [tilespmem:s29], [sflag:$0x7], $0x3000, $0x38;
	[tilespmem:$0x1F500] =	vst v63  }
0x33: {  	_ =	swait.ge [sflag:s30], $0x3000  }
0x34: {  	[sflag:s30] =	ssyncset.done $0x0  }
0x35: {  	[sflag:s30] =	ssyncadd.s32 $0xFFFFD000  }
0x36: {  	[spmem:s13] =	stream.linear.scatter [tilespmem:s29], [sflag:$0x7], $0x3000, $0x38;
	[tilespmem:$0x1F500] =	vst v63  }
0x37: {  	_ =	swait.ge [sflag:s30], $0x3000  }
0x38: {  	[sflag:s30] =	ssyncset.done $0x0  }
0x39: {  	[sflag:s30] =	ssyncadd.s32 $0xFFFFD000  }
0x3a: {  	[spmem:s15] =	stream.linear.scatter [tilespmem:s29], [sflag:$0x7], $0x3000, $0x38;
	[tilespmem:$0x1F500] =	vst v63  }
0x3b: {  	_ =	swait.ge [sflag:s30], $0x3000  }
0x3c: {  	[sflag:s30] =	ssyncset.done $0x0  }
0x3d: {  	[sflag:s30] =	ssyncadd.s32 $0xFFFFD000  }
0x3e: {  	[spmem:s16] =	stream.linear.scatter [tilespmem:s29], [sflag:$0x7], $0x3000, $0x38;
	[tilespmem:$0x1F500] =	vst v63  }
0x3f: {  	_ =	swait.ge [sflag:s30], $0x3000  }
0x40: {  	[sflag:s30] =	ssyncset.done $0x0  }
0x41: {  	[sflag:s30] =	ssyncadd.s32 $0xFFFFD000  }
0x42: {  	[spmem:s10] =	stream.linear.scatter [tilespmem:s29], [sflag:$0x7], $0x3000, $0x38;
	[tilespmem:$0x1F500] =	vst v63  }
0x43: {  	_ =	swait.ge [sflag:s30], $0x3000  }
0x44: {  	[sflag:s30] =	ssyncset.done $0x0  }
0x45: {  	[sflag:s30] =	ssyncadd.s32 $0xFFFFD000  }
0x46: {  	[spmem:s9] =	stream.linear.scatter [tilespmem:s29], [sflag:$0x7], $0x1C00, $0x38;
	[tilespmem:$0x1F500] =	vst v63  }
0x47: {  	_ =	swait.ge [sflag:s30], $0x1C00  }
0x48: {  	[sflag:s30] =	ssyncset.done $0x0  }
0x49: {  	[sflag:s30] =	ssyncadd.s32 $0xFFFFE400  }
0x4a: {  	_ =	swait.ge [sflag:s31], $0x2760  }
0x4b: {  	[sflag:s31] =	ssyncset.done $0x0  }
0x4c: {  	[sflag:s31] =	ssyncadd.s32 $0xFFFFD8A0  }
0x4d: {  	[bflag:$0x0] =	sbarrier.arrive $0xFFFF  }
0x4e: {  	s24 =	rddreg [dreg:$0x6]  }
0x4f: {  	[tilespmem:s2], [sflag:$0x1] =	stream.linear.gather [hbm4b:s24+s4], $0x80, $0x38;
	[tilespmem:$0x1F500] =	vst v63  }
0x50: {  	_ = 	snop  }
0x51: {  	[tilespmem:s5], [sflag:$0x1] =	stream.indirect.gather [hbm4b:s1+s0], $0x80, s4, s0, $0xb8;
	[tilespmem:$0x1F500] =	vst v63  }
0x52: {  	s25 =	rddreg [dreg:$0xf]  }
0x53: {  	[tilespmem:s6], [sflag:$0x2] =	stream.linear.gather [hbm4b:s25+s4], $0x80, $0x38;
	[tilespmem:$0x1F500] =	vst v63  }
0x54: {  	_ = 	snop  }
0x55: {  	[tilespmem:s29], [sflag:$0x2] =	stream.indirect.gather [hbm4b:s1+s0], $0x80, s0, s0, $0xb8;
	[tilespmem:$0x1F500] =	vst v63  }
0x56: {  	_ =	swait.ge [sflag:s31], $0x3000  }
0x57: {  	[sflag:s31] =	ssyncset.done $0x0  }
0x58: {  	p0 =	sle.u32 s14, $0x2;
	[sflag:s31] =	ssyncadd.s32 $0xFFFFD000  }
0x59: {  	p1 =	por @!p0 $0x1, $0x1;
	_ =	swait.ge [sflag:s31], $0x80  }
0x5a: {  	p1 =	por p1, p0;
	[sflag:s31] =	ssyncset.done $0x0  }
0x5b: {  	s8 =	simm.s32 @!p1 $0x6;
	[sflag:s31] =	ssyncadd.s32 $0xFFFFFF80  }
0x5c: {  	[spmem:s3] =	stream.indirect.scatter.add.f32 [tilespmem:s5], [sflag:$0x4], $0x80, s2, s0, $0xb8;
	[tilespmem:$0x1F500] =	vst v63  }
0x5d: {  	_ =	swait.ge @!p1 [sflag:s8], $0x3000  }
0x5e: {  	s28 =	smov.u32 s12;
	s10 =	simm.s32 @!p0 $0x2880;
	[sflag:s8] =	ssyncset.done @!p1 $0x0  }
0x5f: {  	s9 =	simm.s32 @!p0 $0x0;
	s18 =	rddreg [dreg:$0x17];
	[sflag:s8] =	ssyncadd.s32 @!p1 $0xFFFFD000  }
0x60: {  	[tilespmem:s10], [sflag:$0x3] =	stream.linear.gather @!p0 [hbm4b:s18+s9], $0x80, $0x38;
	[tilespmem:$0x1F500] =	vst v63  }
0x61: {  	s12 =	simm.s32 @!p0 $0x60;
	s8 =	simm.s32 @!p0 $0x8900;
	s9 =	simm.s32 @!p0 $0xC0  }
0x62: {  	[tilespmem:s8], [sflag:$0x3] =	stream.indirect.gather @!p0 [hbm4b:s1+s12], $0x80, s9, s12, $0xb8;
	[tilespmem:$0x1F500] =	vst v63  }
0x63: {  	_ =	swait.ge [sflag:s7], $0x3000  }
0x64: {  	[sflag:s7] =	ssyncset.done $0x0  }
0x65: {  	[sflag:s7] =	ssyncadd.s32 $0xFFFFD000  }
0x66: {  	_ =	swait.ge [sflag:s7], $0x80  }
0x67: {  	p1 =	sle.u32 s14, $0x3;
	[sflag:s7] =	ssyncset.done $0x0  }
0x68: {  	s9 =	simm.s32 @!p1 $0x4;
	[sflag:s7] =	ssyncadd.s32 $0xFFFFFF80  }
0x69: {  	[spmem:s3] =	stream.indirect.scatter.add.f32 [tilespmem:s29], [sflag:$0x5], $0x80, s6, s0, $0xb8;
	[tilespmem:$0x1F500] =	vst v63  }
0x6a: {  	s19 =	smov.u32 s17;
	s26 =	smov.u32 s13;
	_ =	swait.ge @!p1 [sflag:s9], $0x3000  }
0x6b: {  	s13 =	simm.s32 @!p1 $0x60;
	s15 =	simm.s32 @!p1 $0x0;
	[sflag:s9] =	ssyncset.done @!p1 $0x0  }
0x6c: {  	s16 =	simm.s32 @!p1 $0x2780;
	s17 =	rddreg [dreg:$0x16];
	[sflag:s9] =	ssyncadd.s32 @!p1 $0xFFFFD000  }
0x6d: {  	[tilespmem:s16], [sflag:$0x1] =	stream.linear.gather @!p1 [hbm4b:s17+s15], $0x80, $0x38;
	[tilespmem:$0x1F500] =	vst v63  }
0x6e: {  	s9 =	simm.s32 @!p1 $0x120;
	s15 =	simm.s32 @!p1 $0x2900;
	s16 =	simm.s32 @!p0 $0x3  }
0x6f: {  	[tilespmem:s15], [sflag:$0x1] =	stream.indirect.gather @!p1 [hbm4b:s1+s13], $0x80, s9, s13, $0xb8;
	[tilespmem:$0x1F500] =	vst v63  }
0x70: {  	_ =	swait.ge @!p0 [sflag:s16], $0x3000  }
0x71: {  	[sflag:s16] =	ssyncset.done @!p0 $0x0  }
0x72: {  	[sflag:s16] =	ssyncadd.s32 @!p0 $0xFFFFD000  }
0x73: {  	_ =	swait.ge @!p0 [sflag:s16], $0x80  }
0x74: {  	p2 =	sle.u32 s14, $0x4;
	[sflag:s16] =	ssyncset.done @!p0 $0x0  }
0x75: {  	s9 =	simm.s32 @!p2 $0x5;
	s13 =	simm.s32 $0x7;
	[sflag:s16] =	ssyncadd.s32 @!p0 $0xFFFFFF80  }
0x76: {  	[spmem:s3] =	stream.indirect.scatter.add.f32 @!p0 [tilespmem:s8], [sflag:$0x6], $0x80, s10, s12, $0xb8;
	[tilespmem:$0x1F500] =	vst v63  }
0x77: {  	s15 =	sadd.s32 $0x30, s17;
	s17 =	sadd.s32 $0x30, s18;
	_ =	swait.ge @!p2 [sflag:s9], $0x3000  }
0x78: {  	s16 =	simm.s32 @!p2 $0x5900;
	s8 =	simm.s32 @!p2 $0x0;
	[sflag:s9] =	ssyncset.done @!p2 $0x0  }
0x79: {  	s10 =	simm.s32 @!p2 $0x2800;
	s25 =	rddreg [dreg:$0x15];
	[sflag:s9] =	ssyncadd.s32 @!p2 $0xFFFFD000  }
0x7a: {  	[tilespmem:s10], [sflag:$0x2] =	stream.linear.gather @!p2 [hbm4b:s25+s8], $0x80, $0x38;
	[tilespmem:$0x1F500] =	vst v63  }
0x7b: {  	s12 =	simm.s32 $0x180;
	s10 =	simm.s32 @!p2 $0x60;
	s8 =	simm.s32 $0x180  }
.LBB2_2:
0x7c: {  	s25 =	sadd.s32 $0x30, s25  }
0x7d: {  	s12 =	sadd.s32 $0x120, s12;
	s9 =	smov.u32 s13;
	s13 =	sadd.s32 $0x3, s13  }
0x7e: {  	[tilespmem:s16], [sflag:$0x2] =	stream.indirect.gather @!p2 [hbm4b:s1+s10], $0x80, s8, s10, $0xb8;
	[tilespmem:$0x1F500] =	vst v63  }
0x7f: {  	p0 =	sne.s32 s13, $0x6D;
	s8 =	smov.u32 s12;
	_ =	swait.ge [sflag:s31], $0x3000  }
0x80: {  	[sflag:s31] =	ssyncset.done $0x0  }
0x81: {  	s10 =	sadd.s32 $0xFFFFFFFE, s9;
	[sflag:s31] =	ssyncadd.s32 $0xFFFFD000  }
0x82: {  	p1 =	sge.u32 s10, s14;
	_ =	swait.ge [sflag:s31], $0x80  }
0x83: {  	p2 =	seq.s32 @!p1 s9, $0x4;
	[sflag:s31] =	ssyncset.done $0x0  }
0x84: {  	p2 =	por p2, p1;
	[sflag:s31] =	ssyncadd.s32 $0xFFFFFF80  }
0x85: {  	[spmem:s3] =	stream.indirect.scatter.add.f32 [tilespmem:s5], [sflag:$0x4], $0x80, s2, s0, $0xb8;
	[tilespmem:$0x1F500] =	vst v63  }
0x86: {  	s16 =	simm.s32 @!p2 $0x6  }
0x87: {  	s10 =	simm.s32 @!p1 $0x8900;
	_ =	swait.ge @!p2 [sflag:s16], $0x3000  }
0x88: {  	s18 =	simm.s32 @!p1 $0x0;
	s20 =	simm.s32 @!p1 $0x2880;
	[sflag:s16] =	ssyncset.done @!p2 $0x0  }
0x89: {  	s21 =	simm.s32 @!p1 $0x60;
	[sflag:s16] =	ssyncadd.s32 @!p2 $0xFFFFD000;
	s16 =	sadd.s32 @!p1 $0xFFFFFF40, s12  }
0x8a: {  	[tilespmem:s20], [sflag:$0x3] =	stream.linear.gather @!p1 [hbm4b:s17+s18], $0x80, $0x38;
	[tilespmem:$0x1F500] =	vst v63  }
0x8b: {  	_ = 	snop  }
0x8c: {  	[tilespmem:s10], [sflag:$0x3] =	stream.indirect.gather @!p1 [hbm4b:s1+s21], $0x80, s16, s21, $0xb8;
	[tilespmem:$0x1F500] =	vst v63  }
0x8d: {  	_ =	swait.ge [sflag:s7], $0x3000  }
0x8e: {  	[sflag:s7] =	ssyncset.done $0x0  }
0x8f: {  	[sflag:s7] =	ssyncadd.s32 $0xFFFFD000  }
0x90: {  	s16 =	sadd.s32 $0xFFFFFFFF, s9;
	_ =	swait.ge [sflag:s7], $0x80  }
0x91: {  	p2 =	sge.u32 s16, s14;
	[sflag:s7] =	ssyncset.done $0x0  }
0x92: {  	s16 =	simm.s32 @!p2 $0x4;
	[sflag:s7] =	ssyncadd.s32 $0xFFFFFF80  }
0x93: {  	[spmem:s3] =	stream.indirect.scatter.add.f32 [tilespmem:s29], [sflag:$0x5], $0x80, s6, s0, $0xb8;
	[tilespmem:$0x1F500] =	vst v63  }
0x94: {  	s18 =	simm.s32 @!p2 $0x60;
	_ =	swait.ge @!p2 [sflag:s16], $0x3000  }
0x95: {  	s22 =	simm.s32 @!p2 $0x0;
	s23 =	simm.s32 @!p2 $0x2780;
	[sflag:s16] =	ssyncset.done @!p2 $0x0  }
0x96: {  	s24 =	simm.s32 @!p2 $0x2900;
	[sflag:s16] =	ssyncadd.s32 @!p2 $0xFFFFD000;
	s16 =	sadd.s32 @!p2 $0xFFFFFFA0, s12  }
0x97: {  	[tilespmem:s23], [sflag:$0x1] =	stream.linear.gather @!p2 [hbm4b:s15+s22], $0x80, $0x38;
	[tilespmem:$0x1F500] =	vst v63  }
0x98: {  	s22 =	simm.s32 @!p1 $0x3  }
0x99: {  	[tilespmem:s24], [sflag:$0x1] =	stream.indirect.gather @!p2 [hbm4b:s1+s18], $0x80, s16, s18, $0xb8;
	[tilespmem:$0x1F500] =	vst v63  }
0x9a: {  	_ =	swait.ge @!p1 [sflag:s22], $0x3000  }
0x9b: {  	[sflag:s22] =	ssyncset.done @!p1 $0x0  }
0x9c: {  	[sflag:s22] =	ssyncadd.s32 @!p1 $0xFFFFD000  }
0x9d: {  	_ =	swait.ge @!p1 [sflag:s22], $0x80  }
0x9e: {  	p2 =	sge.u32 s9, s14;
	[sflag:s22] =	ssyncset.done @!p1 $0x0  }
0x9f: {  	s9 =	simm.s32 @!p2 $0x5;
	[sflag:s22] =	ssyncadd.s32 @!p1 $0xFFFFFF80  }
0xa0: {  	[spmem:s3] =	stream.indirect.scatter.add.f32 @!p1 [tilespmem:s10], [sflag:$0x6], $0x80, s20, s21, $0xb8;
	[tilespmem:$0x1F500] =	vst v63  }
.Ltmp0:
0xa1: {  	_ = 	snop;
	(pc) =	sbr.rel @p0 .LBB2_2-.Ltmp0, $4  }
0xa2: {  	s17 =	sadd.s32 $0x30, s17;
	s15 =	sadd.s32 $0x30, s15;
	_ =	swait.ge @!p2 [sflag:s9], $0x3000  }
0xa3: {  	s18 =	simm.s32 @!p2 $0x0;
	s20 =	simm.s32 @!p2 $0x2800;
	[sflag:s9] =	ssyncset.done @!p2 $0x0  }
0xa4: {  	s16 =	simm.s32 @!p2 $0x5900;
	s10 =	simm.s32 @!p2 $0x60;
	[sflag:s9] =	ssyncadd.s32 @!p2 $0xFFFFD000  }
0xa5: {  	[tilespmem:s20], [sflag:$0x2] =	stream.linear.gather @!p2 [hbm4b:s25+s18], $0x80, $0x38;
	[tilespmem:$0x1F500] =	vst v63  }
0xa6: {  	[tilespmem:s16], [sflag:$0x2] =	stream.indirect.gather @!p2 [hbm4b:s1+s10], $0x80, s8, s10, $0xb8;
	[tilespmem:$0x1F500] =	vst v63  }
0xa7: {  	s16 =	simm.s32 $0x4  }
0xa8: {  	_ =	swait.ge [sflag:s16], $0x3000  }
0xa9: {  	[sflag:s16] =	ssyncset.done $0x0  }
0xaa: {  	s17 =	simm.s32 $0x5;
	[sflag:s16] =	ssyncadd.s32 $0xFFFFD000  }
0xab: {  	_ =	swait.ge [sflag:s17], $0x3000  }
0xac: {  	[sflag:s17] =	ssyncset.done $0x0  }
0xad: {  	s18 =	simm.s32 $0x6;
	[sflag:s17] =	ssyncadd.s32 $0xFFFFD000  }
0xae: {  	_ =	swait.ge [sflag:s18], $0x3000  }
0xaf: {  	[sflag:s18] =	ssyncset.done $0x0  }
0xb0: {  	[sflag:s18] =	ssyncadd.s32 $0xFFFFD000  }
0xb1: {  	[bflag:$0x0] =	sbarrier.arrive $0xFFFF  }
0xb2: {  	[tilespmem:s5], [sflag:$0x7] =	stream.linear.gather [spmem:s28], $0x3000, $0x38;
	[tilespmem:$0x1F500] =	vst v63  }
0xb3: {  	_ =	swait.ge [sflag:s30], $0x3000  }
0xb4: {  	[sflag:s30] =	ssyncset.done $0x0  }
0xb5: {  	s20 =	rddreg [dreg:$0x8];
	[sflag:s30] =	ssyncadd.s32 $0xFFFFD000  }
0xb6: {  	[hbm4b:s20+s4] =	stream.linear.scatter [tilespmem:s5], [sflag:$0x7], $0x3000, $0x38;
	[tilespmem:$0x1F500] =	vst v63  }
0xb7: {  	_ =	swait.ge [sflag:s30], $0x3000  }
0xb8: {  	[sflag:s30] =	ssyncset.done $0x0  }
0xb9: {  	[sflag:s30] =	ssyncadd.s32 $0xFFFFD000  }
0xba: {  	[tilespmem:s5], [sflag:$0x7] =	stream.linear.gather [spmem:s19], $0x3000, $0x38;
	[tilespmem:$0x1F500] =	vst v63  }
0xbb: {  	_ =	swait.ge [sflag:s30], $0x3000  }
0xbc: {  	[sflag:s30] =	ssyncset.done $0x0  }
0xbd: {  	s21 =	rddreg [dreg:$0x9];
	[sflag:s30] =	ssyncadd.s32 $0xFFFFD000  }
0xbe: {  	[hbm4b:s21+s4] =	stream.linear.scatter [tilespmem:s5], [sflag:$0x7], $0x3000, $0x38;
	[tilespmem:$0x1F500] =	vst v63  }
0xbf: {  	_ =	swait.ge [sflag:s30], $0x3000  }
0xc0: {  	[sflag:s30] =	ssyncset.done $0x0  }
0xc1: {  	[sflag:s30] =	ssyncadd.s32 $0xFFFFD000  }
0xc2: {  	[tilespmem:s5], [sflag:$0x7] =	stream.linear.gather [spmem:s26], $0x3000, $0x38;
	[tilespmem:$0x1F500] =	vst v63  }
0xc3: {  	_ =	swait.ge [sflag:s30], $0x3000  }
0xc4: {  	[sflag:s30] =	ssyncset.done $0x0  }
0xc5: {  	s22 =	rddreg [dreg:$0xa];
	[sflag:s30] =	ssyncadd.s32 $0xFFFFD000  }
0xc6: {  	[hbm4b:s22+s4] =	stream.linear.scatter [tilespmem:s5], [sflag:$0x7], $0x3000, $0x38;
	[tilespmem:$0x1F500] =	vst v63  }
0xc7: {  	_ =	swait.ge [sflag:s30], $0x3000  }
0xc8: {  	[sflag:s30] =	ssyncset.done $0x0  }
0xc9: {  	s15 =	rddreg [dreg:$0x12];
	[sflag:s30] =	ssyncadd.s32 $0xFFFFD000  }
0xca: {  	[tilespmem:s5], [sflag:$0x7] =	stream.linear.gather [spmem:s15], $0x3000, $0x38;
	[tilespmem:$0x1F500] =	vst v63  }
0xcb: {  	_ =	swait.ge [sflag:s30], $0x3000  }
0xcc: {  	[sflag:s30] =	ssyncset.done $0x0  }
0xcd: {  	s23 =	rddreg [dreg:$0xb];
	[sflag:s30] =	ssyncadd.s32 $0xFFFFD000  }
0xce: {  	[hbm4b:s23+s4] =	stream.linear.scatter [tilespmem:s5], [sflag:$0x7], $0x3000, $0x38;
	[tilespmem:$0x1F500] =	vst v63  }
0xcf: {  	_ =	swait.ge [sflag:s30], $0x3000  }
0xd0: {  	[sflag:s30] =	ssyncset.done $0x0  }
0xd1: {  	s16 =	rddreg [dreg:$0x13];
	[sflag:s30] =	ssyncadd.s32 $0xFFFFD000  }
0xd2: {  	[tilespmem:s5], [sflag:$0x7] =	stream.linear.gather [spmem:s16], $0x3000, $0x38;
	[tilespmem:$0x1F500] =	vst v63  }
0xd3: {  	_ =	swait.ge [sflag:s30], $0x3000  }
0xd4: {  	[sflag:s30] =	ssyncset.done $0x0  }
0xd5: {  	s24 =	rddreg [dreg:$0xc];
	[sflag:s30] =	ssyncadd.s32 $0xFFFFD000  }
0xd6: {  	[hbm4b:s24+s4] =	stream.linear.scatter [tilespmem:s5], [sflag:$0x7], $0x3000, $0x38;
	[tilespmem:$0x1F500] =	vst v63  }
0xd7: {  	_ =	swait.ge [sflag:s30], $0x3000  }
0xd8: {  	[sflag:s30] =	ssyncset.done $0x0  }
0xd9: {  	s10 =	rddreg [dreg:$0x14];
	[sflag:s30] =	ssyncadd.s32 $0xFFFFD000  }
0xda: {  	[tilespmem:s5], [sflag:$0x7] =	stream.linear.gather [spmem:s10], $0x3000, $0x38;
	[tilespmem:$0x1F500] =	vst v63  }
0xdb: {  	_ =	swait.ge [sflag:s30], $0x3000  }
0xdc: {  	[sflag:s30] =	ssyncset.done $0x0  }
0xdd: {  	s25 =	rddreg [dreg:$0xd];
	[sflag:s30] =	ssyncadd.s32 $0xFFFFD000  }
0xde: {  	[hbm4b:s25+s4] =	stream.linear.scatter [tilespmem:s5], [sflag:$0x7], $0x3000, $0x38;
	[tilespmem:$0x1F500] =	vst v63  }
0xdf: {  	_ =	swait.ge [sflag:s30], $0x3000  }
0xe0: {  	[sflag:s30] =	ssyncset.done $0x0  }
0xe1: {  	s9 =	rddreg [dreg:$0x11];
	[sflag:s30] =	ssyncadd.s32 $0xFFFFD000  }
0xe2: {  	[tilespmem:s5], [sflag:$0x7] =	stream.linear.gather [spmem:s9], $0x1C00, $0x38;
	[tilespmem:$0x1F500] =	vst v63  }
0xe3: {  	_ =	swait.ge [sflag:s30], $0x1C00  }
0xe4: {  	[sflag:s30] =	ssyncset.done $0x0  }
0xe5: {  	s13 =	smov.u32 s26;
	s26 =	rddreg [dreg:$0x7];
	[sflag:s30] =	ssyncadd.s32 $0xFFFFE400  }
0xe6: {  	[hbm4b:s26+s4] =	stream.linear.scatter [tilespmem:s5], [sflag:$0x7], $0x1C00, $0x38;
	[tilespmem:$0x1F500] =	vst v63  }
0xe7: {  	_ =	swait.ge [sflag:s30], $0x1C00  }
0xe8: {  	s12 =	smov.u32 s28;
	s11 =	sadd.s32 $0x1, s11;
	s28 =	rddreg [dreg:$0x10]  }
0xe9: {  	p0 =	sne.s32 s11, s28  }
.Ltmp1:
0xea: {  	_ = 	snop;
	(pc) =	sbr.rel @p0 .LBB2_1-.Ltmp1, $3  }
0xeb: {  	_ =	sdelay $0x1  }
0xec: {  	[sflag:s30] =	ssyncset.done $0x0  }
0xed: {  	s17 =	smov.u32 s19;
	[sflag:s30] =	ssyncadd.s32 $0xFFFFE400  }
0xee: {  	_ =	sfence.sel $0x180000  }
0xef: {  	[bflag:$0x0] =	sbarrier.arrive $0xFFFF  }
0xf0: {  	_ =	strace $0x90000050  }
0xf1: {  	s0 =	stileid.u32;
	[bflag:$0x2] =	sbarrier.arrive $0xFFFF  }
0xf2: {  	p0 =	sne.s32 s0, $0x0;
	s0 =	rddreg [dreg:$0x4]  }
0xf3: {  	s0 =	sadd.s32 @!p0 $0x100000, s0  }
0xf4: {  	[sflag:s0] =	ssyncadd.tile.s32 @!p0 $0x1;
	_ =	shalt  }
.Lfunc_end2:
_tile_overlayer_lowered:
.L_overlay_start_2:
0xf5: {  	(tag) =	ssettag $0x2  }
0xf6: {  	s0 =	rddreg [dreg:$0x0];
	s2 =	stileid.u32  }
0xf7: {  	s1 =	rddreg [dreg:$0x1];
	p0 =	sne.s32 s2, $0x0  }
0xf8: {  	s3 =	rddreg [dreg:$0x2];
	[bflag:$0x3] =	sbarrier.arrive $0xFFFF;
	s2 =	simm.s32 @!p0 $0x1C07  }
0xf9: {  	[timem:s3], [sflag:s2] =	dma.local @!p0 [hbm:s0], s1  }
0xfa: {  	s0 =	simm.s32 @!p0 $0x7  }
0xfb: {  	_ =	swait.ge @!p0 [sflag:s0], s1  }
0xfc: {  	s1 =	ssub.s32 @!p0 $0x0, s1;
	[sflag:s0] =	ssyncset.done @!p0 $0x0  }
0xfd: {  	[sflag:s0] =	ssyncadd.s32 @!p0 s1  }
0xfe: {  	[bflag:$0x3] =	sbarrier.arrive $0xFFFF  }
0xff: {  	_ =	shalt  }

// kernel: kernel.24.cloned.1.call-start
scs
__scs_entry_jumppad:
0x0: {  	(pc) =	sbr.rel $0x88, $3  }
0x1: {  	(tag) =	ssettag $0x0;
	lr =	simm.s32 $0x1  }
0x2: {  	[smem:$0x3F93] =	sst lr;
	_ =	strace $0xD0000000  }
0x3: {  	_ = 	snop  }
0x4: {  	_ = 	snop  }
0x5: {  	_ = 	snop  }
0x6: {  	_ = 	snop  }
0x7: {  	_ = 	snop  }
__scs_overlays_trampoline_lowered:
0x8: {  	[smem:$0x3FA2] =	sst s0  }
0x9: {  	[smem:$0x3FA3] =	sst s1  }
0xa: {  	[smem:$0x3FA4] =	sst s2  }
0xb: {  	[smem:$0x3FA5] =	sst s3  }
0xc: {  	[smem:$0x3FA6] =	sst s4  }
0xd: {  	[smem:$0x3FA7] =	sst s5  }
0xe: {  	[smem:$0x3FA8] =	sst s6  }
0xf: {  	[smem:$0x3FA9] =	sst s7  }
0x10: {  	[smem:$0x3FAA] =	sst s8  }
0x11: {  	[smem:$0x3FAB] =	sst s9;
	s0 =	simm.s32 @!p0 $0x0  }
0x12: {  	s1 =	sld [smem:$0x3F91];
	s0 =	simm.s32 @p0 $0x1  }
0x13: {  	[smem:$0x3FAC] =	sst s0;
	s0 =	simm.s32 @!p1 $0x0  }
0x14: {  	s2 =	sld [smem:$0x3F90];
	s0 =	simm.s32 @p1 $0x1  }
0x15: {  	[smem:$0x3FAD] =	sst s0;
	s0 =	simm.s32 @!p2 $0x0  }
0x16: {  	s3 =	sld [smem:$0x3FDB];
	s0 =	simm.s32 @p2 $0x1  }
0x17: {  	s4 =	simm.s32 $0x1BF5;
	[smem:$0x3FAF] =	sst s0  }
0x18: {  	s0 =	sld [smem:$0x3F92];
	_ =	swait.ge [sflag:s4], $0x0  }
0x19: {  	s7 =	sld [smem:$0x3F93]  }
0x1a: {  	s8 =	sadd.s32 $0xFFFFE003, lr  }
0x1b: {  	s9 =	sadd.s32 $0xFFFFFEF7, lr;
	s5 =	simm.s32 $0xFFFFFFFF;
	p2 =	slt.u32 s8, $0xFFFFF086  }
0x1c: {  	p1 =	slt.u32 s9, $0xF7A;
	s5 =	simm.s32 @!p2 $0x0  }
0x1d: {  	s5 =	simm.s32 @p1 $0x1;
	p0 =	seq.s32 s7, s2  }
0x1e: {  	s7 =	smul.u32 @!p0 $0xF7A, s2;
	p2 =	seq.s32 @!p0 s5, $0x0  }
0x1f: {  	s9 =	smul.u32 $0xF7A, s1;
	s8 =	simm.s32 @!p0 $0x1BF5;
	p2 =	por !p2, p0  }
0x20: {  	[sflag:s8] =	ssyncset.s32 @!p0 $0xFFFFF086;
	s6 =	sadd.s32 @!p0 s3, s7;
	s7 =	simm.s32 @!p0 $0x108  }
0x21: {  	s3 =	sadd.s32 s3, s9;
	s6 =	sadd.s32 @!p0 $0x88, s6;
	s7 =	simm.s32 @p2 $0x1082  }
0x22: {  	[simem:s7], [sflag:s8] =	dma.local @!p0 [hbm:s6], $0xF7A  }
0x23: {  	s9 =	sor.u32 $0xD0000000, s2;
	s6 =	simm.s32 $0x108;
	_ =	swait.ge @!p0 [sflag:s8], $0x0  }
0x24: {  	s3 =	sadd.s32 $0x88, s3;
	s6 =	simm.s32 @!p1 $0x1082;
	[sflag:s4] =	ssyncset.s32 $0xFFFFF086  }
0x25: {  	[simem:s6], [sflag:s4] =	dma.local [hbm:s3], $0xF7A  }
0x26: {  	[smem:$0x3F93] =	sst s1;
	(tag) =	ssettag s2;
	_ =	strace s9  }
0x27: {  	s1 =	sld [smem:$0x3FA3]  }
0x28: {  	s2 =	sld [smem:$0x3FA4]  }
0x29: {  	s4 =	sld [smem:$0x3FA6]  }
0x2a: {  	p0 =	seq.s32 s5, $0x0;
	s5 =	sld [smem:$0x3FA7]  }
0x2b: {  	s6 =	sld [smem:$0x3FA8]  }
0x2c: {  	s7 =	sld [smem:$0x3FA9]  }
0x2d: {  	s3 =	simm.s32 $0x108;
	s8 =	sld [smem:$0x3FAA]  }
0x2e: {  	s3 =	simm.s32 @!p0 $0x1082;
	s9 =	sld [smem:$0x3FAB]  }
0x2f: {  	lr =	sadd.s32 s0, s3;
	s0 =	sld [smem:$0x3FA2]  }
0x30: {  	s3 =	sld [smem:$0x3FA5]  }
0x31: {  	[smem:$0x3FAE] =	sst s10  }
0x32: {  	s10 =	sld [smem:$0x3FAC];
	_ =	sdelay $0x3  }
0x33: {  	p0 =	seq.s32 s10, $0x1;
	s10 =	sld [smem:$0x3FAE];
	_ =	sdelay $0x3  }
0x34: {  	[smem:$0x3FAE] =	sst s10  }
0x35: {  	s10 =	sld [smem:$0x3FAD];
	_ =	sdelay $0x3  }
0x36: {  	p1 =	seq.s32 s10, $0x1;
	s10 =	sld [smem:$0x3FAE];
	_ =	sdelay $0x3  }
0x37: {  	[smem:$0x3FAE] =	sst s10  }
0x38: {  	s10 =	sld [smem:$0x3FAF]  }
0x39: {  	_ = 	snop;
	(pc) =	sbr.ind lr, $3  }
0x3a: {  	_ = 	snop  }
0x3b: {  	_ = 	snop  }
0x3c: {  	p2 =	seq.s32 s10, $0x1;
	s10 =	sld [smem:$0x3FAE]  }
0x3d: {  	_ =	shalt  }
0x3e: {  	_ =	shalt  }
0x3f: {  	_ =	shalt  }
0x40: {  	_ =	shalt  }
0x41: {  	_ =	shalt  }
0x42: {  	_ =	shalt  }
0x43: {  	_ =	shalt  }
0x44: {  	_ =	shalt  }
0x45: {  	_ =	shalt  }
0x46: {  	_ =	shalt  }
0x47: {  	_ =	shalt  }
0x48: {  	_ =	shalt  }
0x49: {  	_ =	shalt  }
0x4a: {  	_ =	shalt  }
0x4b: {  	_ =	shalt  }
0x4c: {  	_ =	shalt  }
0x4d: {  	_ =	shalt  }
0x4e: {  	_ =	shalt  }
0x4f: {  	_ =	shalt  }
0x50: {  	_ =	shalt  }
0x51: {  	_ =	shalt  }
0x52: {  	_ =	shalt  }
0x53: {  	_ =	shalt  }
0x54: {  	_ =	shalt  }
0x55: {  	_ =	shalt  }
0x56: {  	_ =	shalt  }
0x57: {  	_ =	shalt  }
0x58: {  	_ =	shalt  }
0x59: {  	_ =	shalt  }
0x5a: {  	_ =	shalt  }
0x5b: {  	_ =	shalt  }
0x5c: {  	_ =	shalt  }
0x5d: {  	_ =	shalt  }
0x5e: {  	_ =	shalt  }
0x5f: {  	_ =	shalt  }
0x60: {  	_ =	shalt  }
0x61: {  	_ =	shalt  }
0x62: {  	_ =	shalt  }
0x63: {  	_ =	shalt  }
0x64: {  	_ =	shalt  }
0x65: {  	_ =	shalt  }
0x66: {  	_ =	shalt  }
0x67: {  	_ =	shalt  }
0x68: {  	_ =	shalt  }
0x69: {  	_ =	shalt  }
0x6a: {  	_ =	shalt  }
0x6b: {  	_ =	shalt  }
0x6c: {  	_ =	shalt  }
0x6d: {  	_ =	shalt  }
0x6e: {  	_ =	shalt  }
0x6f: {  	_ =	shalt  }
0x70: {  	_ =	shalt  }
0x71: {  	_ =	shalt  }
0x72: {  	_ =	shalt  }
0x73: {  	_ =	shalt  }
0x74: {  	_ =	shalt  }
0x75: {  	_ =	shalt  }
0x76: {  	_ =	shalt  }
0x77: {  	_ =	shalt  }
0x78: {  	_ =	shalt  }
0x79: {  	_ =	shalt  }
0x7a: {  	_ =	shalt  }
0x7b: {  	_ =	shalt  }
0x7c: {  	_ =	shalt  }
0x7d: {  	_ =	shalt  }
0x7e: {  	_ =	shalt  }
0x7f: {  	_ =	shalt  }
0x80: {  	_ =	shalt  }
0x81: {  	_ =	shalt  }
0x82: {  	_ =	shalt  }
0x83: {  	_ =	shalt  }
0x84: {  	_ =	shalt  }
0x85: {  	_ =	shalt  }
0x86: {  	_ =	shalt  }
0x87: {  	_ =	shalt  }
.Lfunc_end0:
.L_simem_size_0:
called_computation.4_lowered:
.L_overlay_start_0:
0x88: {  	s2 =	sld [smem:$0x3FD9]  }
0x89: {  	s3 =	sld [smem:$0x3FFE];
	_ =	sdelay $0x1  }
0x8a: {  	s1 =	srdreg.scid  }
0x8b: {  	s0 =	sand.u32 $0x1, s1  }
0x8c: {  	s14 =	sshll.u32 s0, $0xA;
	s2 =	sadd.s32 s3, s2  }
0x8d: {  	s2 =	sadd.s32 s2, s14  }
0x8e: {  	[smem:$0x3FBA] =	sst s2  }
0x8f: {  	_ = 	snop  }
0x90: {  	s2 =	sld [smem:$0x3FD0];
	_ =	sdelay $0x2  }
0x91: {  	s15 =	simm.s32 $0xA;
	s4 =	simm.s32 $0x10  }
0x92: {  	[smem:s4], [sflag:s15] =	dma.local [hbm:s2], $0x1  }
0x93: {  	_ =	swait.eq [sflag:s15], $0x1  }
0x94: {  	[sflag:s15] =	ssyncset.done $0x0  }
0x95: {  	[sflag:s15] =	ssyncadd.s32 $0xFFFFFFFF  }
0x96: {  	s16 =	sld [smem:$0x10];
	(tm) =	ssettm $0x1  }
0x97: {  	s17 =	sld [smem:$0x3FFB];
	_ =	sdelay $0x3  }
0x98: {  	_ =	strace s17  }
0x99: {  	s3 =	sld [smem:$0x3FFC];
	_ =	sdelay $0x3  }
0x9a: {  	_ =	strace s3  }
0x9b: {  	s3 =	sld [smem:$0x3FFD];
	_ =	sdelay $0x3  }
0x9c: {  	_ =	strace s3  }
0x9d: {  	_ =	strace $0x8FFFFFFF  }
0x9e: {  	s18 =	sld [smem:$0x3FDB];
	_ =	sdelay $0x1  }
0x9f: {  	s19 =	simm.s32 $_scs_section_size  }
0xa0: {  	s5 =	simm.s32 $_size__tile_overlayer_lowered;
	s6 =	simm.s32 $_tile_overlayer_lowered  }
0xa1: {  	s22 =	simm.s32 $0x1BFF;
	s21 =	sshll.u32 s6, $0x1;
	s3 =	sadd.s32 s19, s18  }
0xa2: {  	s7 =	simm.s32 $0x0;
	s20 =	sshll.u32 s5, $0x1;
	s5 =	sadd.s32 s21, s3  }
0xa3: {  	[timem:s7], [sflag:s22] =	dma.local [hbm:s5], s20  }
0xa4: {  	_ =	swait.ge [sflag:s22], s20  }
0xa5: {  	s4 =	ssub.s32 $0x0, s20;
	[sflag:s22] =	ssyncset.done $0x0  }
0xa6: {  	[sflag:s22] =	ssyncadd.s32 s4;
	_ =	sdelay $0x1  }
0xa7: {  	s23 =	simm.s32 $0x1B8B  }
0xa8: {  	_ =	swait.ge [sflag:s23], $0x1  }
0xa9: {  	[sflag:s23] =	ssyncset.done $0x0  }
0xaa: {  	s25 =	simm.s32 $0x1B8E;
	s24 =	sld [smem:$0x3FFE];
	[sflag:s23] =	ssyncadd.s32 $0xFFFFFFFF  }
0xab: {  	s26 =	simm.s32 $execute0_lowered;
	[smem:$0x3FD2] =	sst s25  }
0xac: {  	s5 =	sshll.u32 s26, $0x1;
	_ =	strace $0x80000052;
	[dreg:$0x1] =	wrdreg $0xFFFFFFFF  }
0xad: {  	s28 =	simm.s32 $_size_execute0_lowered;
	s3 =	sadd.s32 s3, s5;
	[dreg:$0x0] =	wrdreg $0x0  }
0xae: {  	s5 =	sshll.u32 s28, $0x1;
	[dreg:$0x2] =	wrdreg s3  }
0xaf: {  	[dreg:$0x3] =	wrdreg s5  }
0xb0: {  	[dreg:$0x4] =	wrdreg $0xC0  }
0xb1: {  	_ =	task [dreg:s7], $0x5FFFF  }
0xb2: {  	[dreg:$0x1] =	wrdreg $0xFFFFFFFF  }
0xb3: {  	[dreg:$0x0] =	wrdreg $0x60  }
0xb4: {  	[dreg:$0x2] =	wrdreg s24  }
0xb5: {  	[dreg:$0x3] =	wrdreg s16  }
0xb6: {  	[dreg:$0x4] =	wrdreg $0xB9000  }
0xb7: {  	[dreg:$0x5] =	wrdreg $0x9  }
0xb8: {  	_ =	task.clear_ibuf [dreg:s7], $0x6FFFF;
	_ =	strace $0x90000052  }
0xb9: {  	s29 =	simm.s32 $0x9;
	_ =	strace $0x80000054  }
0xba: {  	_ =	swait.ge [sflag:s29], $0x1  }
0xbb: {  	[sflag:s29] =	ssyncadd.s32 $0xFFFFFFFF  }
0xbc: {  	_ =	strace $0x90000054  }
0xbd: {  	_ =	sfence  }
0xbe: {  	s30 =	sld [smem:$0x0];
	_ =	sdelay $0x2  }
0xbf: {  	s31 =	sshll.u32 s1, $0xD;
	s1 =	sshrl.u32 s1, $0x2  }
0xc0: {  	s3 =	sand.u32 $0x4000, s31;
	s1 =	sadd.s32 s1, s30  }
0xc1: {  	s0 =	sor.u32 s3, s0;
	s1 =	sshll.u32 s1, $0x11  }
0xc2: {  	s0 =	sor.u32 s1, s0  }
0xc3: {  	s0 =	sadd.s32 $0x8F2B, s0  }
0xc4: {  	[sflag:s0] =	ssyncadd.remote.s32 $0x1  }
0xc5: {  	_ =	sfence.sel $0xFFFF  }
0xc6: {  	[dreg:$0x0] =	wrdreg $0xFFFFFFFF;
	(pc) =	sbr.abs _section_cstart, $3  }
0xc7: {  	[dreg:$0x1] =	wrdreg $0xFFFFFFFF  }
0xc8: {  	_ =	task.clear_ibuf [dreg:s7], $0x2FFFF;
	_ =	strace $0x9FFFFFFF  }
0xc9: {  	(tm) =	ssettm $0x7FFFFFFF  }
tec
execute0_lowered:
.L_overlay_start_1:
0x0: {  	(tag) =	ssettag $0x1  }
0x1: {  	s5 =	rddreg [dreg:$0x0]  }
0x2: {  	s0 =	srdreg.scid;
	s6 =	rddreg [dreg:$0x1]  }
0x3: {  	s21 =	stileid.u32;
	s2 =	rddreg [dreg:$0x2]  }
0x4: {  	s3 =	simm.s32 $0x0;
	s29 =	simm.s32 $0x5900;
	s30 =	simm.s32 $0x7  }
0x5: {  	s31 =	simm.s32 $0x1;
	s0 =	sand.u32 $0x1, s0;
	s22 =	smul.u32 $0x13C00, s21  }
0x6: {  	s1 =	sshll.u32 s21, $0x1;
	[smem:$0x7FF] =	sst s3;
	s18 =	smul.u32 $0xD0, s21  }
0x7: {  	s10 =	sadd.s32 $0xEC00, s5;
	p0 =	slt.u32 s21, $0x3;
	s14 =	smul.u32 $0x13C000, s0  }
0x8: {  	s1 =	sor.u32 s0, s1;
	s11 =	ssub.s32 $0x2, s0;
	s0 =	smul.u32 $0x68, s0  }
0x9: {  	_ =	strace $0x80000053;
	[dreg:$0x4] =	wrdreg s10;
	s4 =	smul.u32 $0x68, s1  }
0xa: {  	s7 =	smin.u32 s1, $0x6;
	s1 =	smul.u32 $0x3400, s1;
	s12 =	sshrl.u32 s11, $0x1  }
0xb: {  	s15 =	sadd.s32 $0x9000, s22;
	s16 =	sadd.s32 $0xC000, s22;
	s10 =	sadd.s32 $0xF000, s22  }
0xc: {  	s13 =	sshll.u32 s7, $0x7;
	s11 =	ssub.s32 s11, s12;
	s12 =	sadd.s32 $0x12000, s22  }
0xd: {  	s17 =	sadd.s32 s14, s22;
	s0 =	sadd.s32 s0, s18;
	s8 =	sor.u32 s7, s4  }
0xe: {  	s4 =	sadd.s32 $0xF200, s5;
	s1 =	sor.u32 s1, s13;
	s23 =	sadd.s32 s14, s12  }
0xf: {  	s13 =	sadd.s32 $0x6000, s22;
	s17 =	sshrl.u32 s17, $0x3;
	s0 =	sor.u32 s7, s0  }
0x10: {  	s9 =	smul.u32 $0xC, s8;
	s1 =	sshrl.u32 s1, $0x3;
	s24 =	sshrl.u32 s23, $0x3  }
0x11: {  	s20 =	sadd.s32 s14, s13;
	s23 =	smul.u32 $0x4F000, s21;
	s1 =	sadd.s32 s6, s1  }
0x12: {  	s26 =	sshrl.u32 s20, $0x3;
	s20 =	sadd.s32 s14, s16;
	s16 =	sadd.s32 s16, s2  }
0x13: {  	s9 =	sadd.s32 s9, s5;
	s5 =	sadd.s32 $0x36400, s5;
	[dreg:$0x5] =	wrdreg s1  }
0x14: {  	s1 =	sshll.u32 s8, $0x4;
	[dreg:$0x12] =	wrdreg s16;
	s8 =	sadd.s32 s5, s24  }
0x15: {  	s0 =	sshll.u32 s0, $0x4;
	s17 =	sadd.s32 s5, s17;
	[dreg:$0x6] =	wrdreg s8  }
0x16: {  	s7 =	sshrl.u32 s20, $0x3;
	s28 =	sadd.s32 s5, s26;
	[dreg:$0x7] =	wrdreg s17  }
0x17: {  	s13 =	sadd.s32 s13, s2;
	s7 =	sadd.s32 s5, s7;
	[dreg:$0x9] =	wrdreg s28  }
0x18: {  	s0 =	sadd.s32 s0, s6;
	s24 =	sadd.s32 $0x4E00, s9;
	[dreg:$0xb] =	wrdreg s7  }
0x19: {  	s1 =	sadd.s32 s1, s6;
	s26 =	sadd.s32 $0x40, s0;
	[dreg:$0xd] =	wrdreg s24  }
0x1a: {  	s9 =	sadd.s32 s12, s2;
	s6 =	simm.s32 $0x2800;
	[dreg:$0x14] =	wrdreg s26  }
0x1b: {  	s8 =	sadd.s32 $0x3000, s22;
	s1 =	sadd.s32 $0x10, s1;
	[dreg:$0x10] =	wrdreg s9  }
0x1c: {  	s28 =	sadd.s32 $0x30, s0;
	s0 =	sadd.s32 $0x20, s0;
	[dreg:$0xe] =	wrdreg s1  }
0x1d: {  	s7 =	simm.s32 $0x2;
	s19 =	sadd.s32 s14, s8;
	[dreg:$0x15] =	wrdreg s28  }
0x1e: {  	[dreg:$0x16] =	wrdreg s0;
	s1 =	simm.s32 $0x2780;
	s0 =	simm.s32 $0x60  }
0x1f: {  	s25 =	sshrl.u32 s19, $0x3;
	s19 =	sadd.s32 s14, s15;
	s15 =	sadd.s32 s15, s2  }
0x20: {  	s14 =	sadd.s32 s14, s10;
	s10 =	sadd.s32 s10, s2;
	[dreg:$0x11] =	wrdreg s15  }
0x21: {  	s17 =	sadd.s32 s5, s25;
	s22 =	sshrl.u32 s14, $0x3;
	[dreg:$0x13] =	wrdreg s10  }
0x22: {  	s25 =	smax.u32 s11, $0x1;
	[dreg:$0x8] =	wrdreg s17;
	s17 =	sshrl.u32 s19, $0x3  }
0x23: {  	s14 =	simm.s32 $0x69;
	[dreg:$0xf] =	wrdreg s25;
	s17 =	sadd.s32 s5, s17  }
0x24: {  	s11 =	simm.s32 $0x0;
	s5 =	sadd.s32 s5, s22;
	[dreg:$0xa] =	wrdreg s17  }
0x25: {  	s14 =	simm.s32 @!p0 $0x68;
	[dreg:$0xc] =	wrdreg s5;
	s5 =	sshrl.u32 s23, $0x2  }
0x26: {  	s17 =	sadd.s32 s8, s2;
	s12 =	sadd.s32 s5, s2;
	s5 =	simm.s32 $0x2900  }
.LBB2_1:
0x27: {  	s8 =	rddreg [dreg:$0xd]  }
0x28: {  	[tilespmem:s3], [sflag:$0x1] =	stream.linear.gather [hbm4b:s8+s3], $0x2760, $0x38;
	[tilespmem:$0x1F500] =	vst v63  }
0x29: {  	s23 =	rddreg [dreg:$0x4]  }
0x2a: {  	[tilespmem:s29], [sflag:$0x7] =	stream.linear.gather [hbm4b:s23+s3], $0x3000, $0x38;
	[tilespmem:$0x1F500] =	vst v63  }
0x2b: {  	_ =	swait.ge [sflag:s30], $0x3000  }
0x2c: {  	[sflag:s30] =	ssyncset.done $0x0  }
0x2d: {  	[sflag:s30] =	ssyncadd.s32 $0xFFFFD000  }
0x2e: {  	[spmem:s12] =	stream.linear.scatter [tilespmem:s29], [sflag:$0x7], $0x3000, $0x38;
	[tilespmem:$0x1F500] =	vst v63  }
0x2f: {  	_ =	swait.ge [sflag:s30], $0x3000  }
0x30: {  	[sflag:s30] =	ssyncset.done $0x0  }
0x31: {  	[sflag:s30] =	ssyncadd.s32 $0xFFFFD000  }
0x32: {  	[spmem:s17] =	stream.linear.scatter [tilespmem:s29], [sflag:$0x7], $0x3000, $0x38;
	[tilespmem:$0x1F500] =	vst v63  }
0x33: {  	_ =	swait.ge [sflag:s30], $0x3000  }
0x34: {  	[sflag:s30] =	ssyncset.done $0x0  }
0x35: {  	[sflag:s30] =	ssyncadd.s32 $0xFFFFD000  }
0x36: {  	[spmem:s13] =	stream.linear.scatter [tilespmem:s29], [sflag:$0x7], $0x3000, $0x38;
	[tilespmem:$0x1F500] =	vst v63  }
0x37: {  	_ =	swait.ge [sflag:s30], $0x3000  }
0x38: {  	[sflag:s30] =	ssyncset.done $0x0  }
0x39: {  	[sflag:s30] =	ssyncadd.s32 $0xFFFFD000  }
0x3a: {  	[spmem:s15] =	stream.linear.scatter [tilespmem:s29], [sflag:$0x7], $0x3000, $0x38;
	[tilespmem:$0x1F500] =	vst v63  }
0x3b: {  	_ =	swait.ge [sflag:s30], $0x3000  }
0x3c: {  	[sflag:s30] =	ssyncset.done $0x0  }
0x3d: {  	[sflag:s30] =	ssyncadd.s32 $0xFFFFD000  }
0x3e: {  	[spmem:s16] =	stream.linear.scatter [tilespmem:s29], [sflag:$0x7], $0x3000, $0x38;
	[tilespmem:$0x1F500] =	vst v63  }
0x3f: {  	_ =	swait.ge [sflag:s30], $0x3000  }
0x40: {  	[sflag:s30] =	ssyncset.done $0x0  }
0x41: {  	[sflag:s30] =	ssyncadd.s32 $0xFFFFD000  }
0x42: {  	[spmem:s10] =	stream.linear.scatter [tilespmem:s29], [sflag:$0x7], $0x3000, $0x38;
	[tilespmem:$0x1F500] =	vst v63  }
0x43: {  	_ =	swait.ge [sflag:s30], $0x3000  }
0x44: {  	[sflag:s30] =	ssyncset.done $0x0  }
0x45: {  	[sflag:s30] =	ssyncadd.s32 $0xFFFFD000  }
0x46: {  	[spmem:s9] =	stream.linear.scatter [tilespmem:s29], [sflag:$0x7], $0x1C00, $0x38;
	[tilespmem:$0x1F500] =	vst v63  }
0x47: {  	_ =	swait.ge [sflag:s30], $0x1C00  }
0x48: {  	[sflag:s30] =	ssyncset.done $0x0  }
0x49: {  	[sflag:s30] =	ssyncadd.s32 $0xFFFFE400  }
0x4a: {  	_ =	swait.ge [sflag:s31], $0x2760  }
0x4b: {  	[sflag:s31] =	ssyncset.done $0x0  }
0x4c: {  	[sflag:s31] =	ssyncadd.s32 $0xFFFFD8A0  }
0x4d: {  	[bflag:$0x0] =	sbarrier.arrive $0xFFFF  }
0x4e: {  	s24 =	rddreg [dreg:$0x5]  }
0x4f: {  	[tilespmem:s1], [sflag:$0x1] =	stream.linear.gather [hbm4b:s24+s3], $0x80, $0x38;
	[tilespmem:$0x1F500] =	vst v63  }
0x50: {  	_ = 	snop  }
0x51: {  	[tilespmem:s5], [sflag:$0x1] =	stream.indirect.gather [hbm4b:s4+s0], $0x80, s3, s0, $0xb8;
	[tilespmem:$0x1F500] =	vst v63  }
0x52: {  	s25 =	rddreg [dreg:$0xe]  }
0x53: {  	[tilespmem:s6], [sflag:$0x2] =	stream.linear.gather [hbm4b:s25+s3], $0x80, $0x38;
	[tilespmem:$0x1F500] =	vst v63  }
0x54: {  	_ = 	snop  }
0x55: {  	[tilespmem:s29], [sflag:$0x2] =	stream.indirect.gather [hbm4b:s4+s0], $0x80, s0, s0, $0xb8;
	[tilespmem:$0x1F500] =	vst v63  }
0x56: {  	_ =	swait.ge [sflag:s31], $0x3000  }
0x57: {  	[sflag:s31] =	ssyncset.done $0x0  }
0x58: {  	p0 =	sle.u32 s14, $0x2;
	[sflag:s31] =	ssyncadd.s32 $0xFFFFD000  }
0x59: {  	p1 =	por @!p0 $0x1, $0x1;
	_ =	swait.ge [sflag:s31], $0x80  }
0x5a: {  	p1 =	por p1, p0;
	[sflag:s31] =	ssyncset.done $0x0  }
0x5b: {  	s8 =	simm.s32 @!p1 $0x6;
	[sflag:s31] =	ssyncadd.s32 $0xFFFFFF80  }
0x5c: {  	[spmem:s2] =	stream.indirect.scatter.add.f32 [tilespmem:s5], [sflag:$0x4], $0x80, s1, s0, $0xb8;
	[tilespmem:$0x1F500] =	vst v63  }
0x5d: {  	_ =	swait.ge @!p1 [sflag:s8], $0x3000  }
0x5e: {  	s28 =	smov.u32 s12;
	s10 =	simm.s32 @!p0 $0x2880;
	[sflag:s8] =	ssyncset.done @!p1 $0x0  }
0x5f: {  	s9 =	simm.s32 @!p0 $0x0;
	s18 =	rddreg [dreg:$0x16];
	[sflag:s8] =	ssyncadd.s32 @!p1 $0xFFFFD000  }
0x60: {  	[tilespmem:s10], [sflag:$0x3] =	stream.linear.gather @!p0 [hbm4b:s18+s9], $0x80, $0x38;
	[tilespmem:$0x1F500] =	vst v63  }
0x61: {  	s12 =	simm.s32 @!p0 $0x60;
	s8 =	simm.s32 @!p0 $0x8900;
	s9 =	simm.s32 @!p0 $0xC0  }
0x62: {  	[tilespmem:s8], [sflag:$0x3] =	stream.indirect.gather @!p0 [hbm4b:s4+s12], $0x80, s9, s12, $0xb8;
	[tilespmem:$0x1F500] =	vst v63  }
0x63: {  	_ =	swait.ge [sflag:s7], $0x3000  }
0x64: {  	[sflag:s7] =	ssyncset.done $0x0  }
0x65: {  	[sflag:s7] =	ssyncadd.s32 $0xFFFFD000  }
0x66: {  	_ =	swait.ge [sflag:s7], $0x80  }
0x67: {  	p1 =	sle.u32 s14, $0x3;
	[sflag:s7] =	ssyncset.done $0x0  }
0x68: {  	s9 =	simm.s32 @!p1 $0x4;
	[sflag:s7] =	ssyncadd.s32 $0xFFFFFF80  }
0x69: {  	[spmem:s2] =	stream.indirect.scatter.add.f32 [tilespmem:s29], [sflag:$0x5], $0x80, s6, s0, $0xb8;
	[tilespmem:$0x1F500] =	vst v63  }
0x6a: {  	s19 =	smov.u32 s17;
	s26 =	smov.u32 s13;
	_ =	swait.ge @!p1 [sflag:s9], $0x3000  }
0x6b: {  	s13 =	simm.s32 @!p1 $0x60;
	s15 =	simm.s32 @!p1 $0x0;
	[sflag:s9] =	ssyncset.done @!p1 $0x0  }
0x6c: {  	s16 =	simm.s32 @!p1 $0x2780;
	s17 =	rddreg [dreg:$0x15];
	[sflag:s9] =	ssyncadd.s32 @!p1 $0xFFFFD000  }
0x6d: {  	[tilespmem:s16], [sflag:$0x1] =	stream.linear.gather @!p1 [hbm4b:s17+s15], $0x80, $0x38;
	[tilespmem:$0x1F500] =	vst v63  }
0x6e: {  	s9 =	simm.s32 @!p1 $0x120;
	s15 =	simm.s32 @!p1 $0x2900;
	s16 =	simm.s32 @!p0 $0x3  }
0x6f: {  	[tilespmem:s15], [sflag:$0x1] =	stream.indirect.gather @!p1 [hbm4b:s4+s13], $0x80, s9, s13, $0xb8;
	[tilespmem:$0x1F500] =	vst v63  }
0x70: {  	_ =	swait.ge @!p0 [sflag:s16], $0x3000  }
0x71: {  	[sflag:s16] =	ssyncset.done @!p0 $0x0  }
0x72: {  	[sflag:s16] =	ssyncadd.s32 @!p0 $0xFFFFD000  }
0x73: {  	_ =	swait.ge @!p0 [sflag:s16], $0x80  }
0x74: {  	p2 =	sle.u32 s14, $0x4;
	[sflag:s16] =	ssyncset.done @!p0 $0x0  }
0x75: {  	s9 =	simm.s32 @!p2 $0x5;
	s13 =	simm.s32 $0x7;
	[sflag:s16] =	ssyncadd.s32 @!p0 $0xFFFFFF80  }
0x76: {  	[spmem:s2] =	stream.indirect.scatter.add.f32 @!p0 [tilespmem:s8], [sflag:$0x6], $0x80, s10, s12, $0xb8;
	[tilespmem:$0x1F500] =	vst v63  }
0x77: {  	s15 =	sadd.s32 $0x30, s17;
	s17 =	sadd.s32 $0x30, s18;
	_ =	swait.ge @!p2 [sflag:s9], $0x3000  }
0x78: {  	s16 =	simm.s32 @!p2 $0x5900;
	s8 =	simm.s32 @!p2 $0x0;
	[sflag:s9] =	ssyncset.done @!p2 $0x0  }
0x79: {  	s10 =	simm.s32 @!p2 $0x2800;
	s25 =	rddreg [dreg:$0x14];
	[sflag:s9] =	ssyncadd.s32 @!p2 $0xFFFFD000  }
0x7a: {  	[tilespmem:s10], [sflag:$0x2] =	stream.linear.gather @!p2 [hbm4b:s25+s8], $0x80, $0x38;
	[tilespmem:$0x1F500] =	vst v63  }
0x7b: {  	s12 =	simm.s32 $0x180;
	s10 =	simm.s32 @!p2 $0x60;
	s8 =	simm.s32 $0x180  }
.LBB2_2:
0x7c: {  	s25 =	sadd.s32 $0x30, s25  }
0x7d: {  	s12 =	sadd.s32 $0x120, s12;
	s9 =	smov.u32 s13;
	s13 =	sadd.s32 $0x3, s13  }
0x7e: {  	[tilespmem:s16], [sflag:$0x2] =	stream.indirect.gather @!p2 [hbm4b:s4+s10], $0x80, s8, s10, $0xb8;
	[tilespmem:$0x1F500] =	vst v63  }
0x7f: {  	p0 =	sne.s32 s13, $0x6D;
	s8 =	smov.u32 s12;
	_ =	swait.ge [sflag:s31], $0x3000  }
0x80: {  	[sflag:s31] =	ssyncset.done $0x0  }
0x81: {  	s10 =	sadd.s32 $0xFFFFFFFE, s9;
	[sflag:s31] =	ssyncadd.s32 $0xFFFFD000  }
0x82: {  	p1 =	sge.u32 s10, s14;
	_ =	swait.ge [sflag:s31], $0x80  }
0x83: {  	p2 =	seq.s32 @!p1 s9, $0x4;
	[sflag:s31] =	ssyncset.done $0x0  }
0x84: {  	p2 =	por p2, p1;
	[sflag:s31] =	ssyncadd.s32 $0xFFFFFF80  }
0x85: {  	[spmem:s2] =	stream.indirect.scatter.add.f32 [tilespmem:s5], [sflag:$0x4], $0x80, s1, s0, $0xb8;
	[tilespmem:$0x1F500] =	vst v63  }
0x86: {  	s16 =	simm.s32 @!p2 $0x6  }
0x87: {  	s10 =	simm.s32 @!p1 $0x8900;
	_ =	swait.ge @!p2 [sflag:s16], $0x3000  }
0x88: {  	s18 =	simm.s32 @!p1 $0x0;
	s20 =	simm.s32 @!p1 $0x2880;
	[sflag:s16] =	ssyncset.done @!p2 $0x0  }
0x89: {  	s21 =	simm.s32 @!p1 $0x60;
	[sflag:s16] =	ssyncadd.s32 @!p2 $0xFFFFD000;
	s16 =	sadd.s32 @!p1 $0xFFFFFF40, s12  }
0x8a: {  	[tilespmem:s20], [sflag:$0x3] =	stream.linear.gather @!p1 [hbm4b:s17+s18], $0x80, $0x38;
	[tilespmem:$0x1F500] =	vst v63  }
0x8b: {  	_ = 	snop  }
0x8c: {  	[tilespmem:s10], [sflag:$0x3] =	stream.indirect.gather @!p1 [hbm4b:s4+s21], $0x80, s16, s21, $0xb8;
	[tilespmem:$0x1F500] =	vst v63  }
0x8d: {  	_ =	swait.ge [sflag:s7], $0x3000  }
0x8e: {  	[sflag:s7] =	ssyncset.done $0x0  }
0x8f: {  	[sflag:s7] =	ssyncadd.s32 $0xFFFFD000  }
0x90: {  	s16 =	sadd.s32 $0xFFFFFFFF, s9;
	_ =	swait.ge [sflag:s7], $0x80  }
0x91: {  	p2 =	sge.u32 s16, s14;
	[sflag:s7] =	ssyncset.done $0x0  }
0x92: {  	s16 =	simm.s32 @!p2 $0x4;
	[sflag:s7] =	ssyncadd.s32 $0xFFFFFF80  }
0x93: {  	[spmem:s2] =	stream.indirect.scatter.add.f32 [tilespmem:s29], [sflag:$0x5], $0x80, s6, s0, $0xb8;
	[tilespmem:$0x1F500] =	vst v63  }
0x94: {  	s18 =	simm.s32 @!p2 $0x60;
	_ =	swait.ge @!p2 [sflag:s16], $0x3000  }
0x95: {  	s22 =	simm.s32 @!p2 $0x0;
	s23 =	simm.s32 @!p2 $0x2780;
	[sflag:s16] =	ssyncset.done @!p2 $0x0  }
0x96: {  	s24 =	simm.s32 @!p2 $0x2900;
	[sflag:s16] =	ssyncadd.s32 @!p2 $0xFFFFD000;
	s16 =	sadd.s32 @!p2 $0xFFFFFFA0, s12  }
0x97: {  	[tilespmem:s23], [sflag:$0x1] =	stream.linear.gather @!p2 [hbm4b:s15+s22], $0x80, $0x38;
	[tilespmem:$0x1F500] =	vst v63  }
0x98: {  	s22 =	simm.s32 @!p1 $0x3  }
0x99: {  	[tilespmem:s24], [sflag:$0x1] =	stream.indirect.gather @!p2 [hbm4b:s4+s18], $0x80, s16, s18, $0xb8;
	[tilespmem:$0x1F500] =	vst v63  }
0x9a: {  	_ =	swait.ge @!p1 [sflag:s22], $0x3000  }
0x9b: {  	[sflag:s22] =	ssyncset.done @!p1 $0x0  }
0x9c: {  	[sflag:s22] =	ssyncadd.s32 @!p1 $0xFFFFD000  }
0x9d: {  	_ =	swait.ge @!p1 [sflag:s22], $0x80  }
0x9e: {  	p2 =	sge.u32 s9, s14;
	[sflag:s22] =	ssyncset.done @!p1 $0x0  }
0x9f: {  	s9 =	simm.s32 @!p2 $0x5;
	[sflag:s22] =	ssyncadd.s32 @!p1 $0xFFFFFF80  }
0xa0: {  	[spmem:s2] =	stream.indirect.scatter.add.f32 @!p1 [tilespmem:s10], [sflag:$0x6], $0x80, s20, s21, $0xb8;
	[tilespmem:$0x1F500] =	vst v63  }
.Ltmp0:
0xa1: {  	_ = 	snop;
	(pc) =	sbr.rel @p0 .LBB2_2-.Ltmp0, $4  }
0xa2: {  	s17 =	sadd.s32 $0x30, s17;
	s15 =	sadd.s32 $0x30, s15;
	_ =	swait.ge @!p2 [sflag:s9], $0x3000  }
0xa3: {  	s18 =	simm.s32 @!p2 $0x0;
	s20 =	simm.s32 @!p2 $0x2800;
	[sflag:s9] =	ssyncset.done @!p2 $0x0  }
0xa4: {  	s16 =	simm.s32 @!p2 $0x5900;
	s10 =	simm.s32 @!p2 $0x60;
	[sflag:s9] =	ssyncadd.s32 @!p2 $0xFFFFD000  }
0xa5: {  	[tilespmem:s20], [sflag:$0x2] =	stream.linear.gather @!p2 [hbm4b:s25+s18], $0x80, $0x38;
	[tilespmem:$0x1F500] =	vst v63  }
0xa6: {  	[tilespmem:s16], [sflag:$0x2] =	stream.indirect.gather @!p2 [hbm4b:s4+s10], $0x80, s8, s10, $0xb8;
	[tilespmem:$0x1F500] =	vst v63  }
0xa7: {  	s16 =	simm.s32 $0x4  }
0xa8: {  	_ =	swait.ge [sflag:s16], $0x3000  }
0xa9: {  	[sflag:s16] =	ssyncset.done $0x0  }
0xaa: {  	s17 =	simm.s32 $0x5;
	[sflag:s16] =	ssyncadd.s32 $0xFFFFD000  }
0xab: {  	_ =	swait.ge [sflag:s17], $0x3000  }
0xac: {  	[sflag:s17] =	ssyncset.done $0x0  }
0xad: {  	s18 =	simm.s32 $0x6;
	[sflag:s17] =	ssyncadd.s32 $0xFFFFD000  }
0xae: {  	_ =	swait.ge [sflag:s18], $0x3000  }
0xaf: {  	[sflag:s18] =	ssyncset.done $0x0  }
0xb0: {  	[sflag:s18] =	ssyncadd.s32 $0xFFFFD000  }
0xb1: {  	[bflag:$0x0] =	sbarrier.arrive $0xFFFF  }
0xb2: {  	[tilespmem:s5], [sflag:$0x7] =	stream.linear.gather [spmem:s28], $0x3000, $0x38;
	[tilespmem:$0x1F500] =	vst v63  }
0xb3: {  	_ =	swait.ge [sflag:s30], $0x3000  }
0xb4: {  	[sflag:s30] =	ssyncset.done $0x0  }
0xb5: {  	s20 =	rddreg [dreg:$0x7];
	[sflag:s30] =	ssyncadd.s32 $0xFFFFD000  }
0xb6: {  	[hbm4b:s20+s3] =	stream.linear.scatter [tilespmem:s5], [sflag:$0x7], $0x3000, $0x38;
	[tilespmem:$0x1F500] =	vst v63  }
0xb7: {  	_ =	swait.ge [sflag:s30], $0x3000  }
0xb8: {  	[sflag:s30] =	ssyncset.done $0x0  }
0xb9: {  	[sflag:s30] =	ssyncadd.s32 $0xFFFFD000  }
0xba: {  	[tilespmem:s5], [sflag:$0x7] =	stream.linear.gather [spmem:s19], $0x3000, $0x38;
	[tilespmem:$0x1F500] =	vst v63  }
0xbb: {  	_ =	swait.ge [sflag:s30], $0x3000  }
0xbc: {  	[sflag:s30] =	ssyncset.done $0x0  }
0xbd: {  	s21 =	rddreg [dreg:$0x8];
	[sflag:s30] =	ssyncadd.s32 $0xFFFFD000  }
0xbe: {  	[hbm4b:s21+s3] =	stream.linear.scatter [tilespmem:s5], [sflag:$0x7], $0x3000, $0x38;
	[tilespmem:$0x1F500] =	vst v63  }
0xbf: {  	_ =	swait.ge [sflag:s30], $0x3000  }
0xc0: {  	[sflag:s30] =	ssyncset.done $0x0  }
0xc1: {  	[sflag:s30] =	ssyncadd.s32 $0xFFFFD000  }
0xc2: {  	[tilespmem:s5], [sflag:$0x7] =	stream.linear.gather [spmem:s26], $0x3000, $0x38;
	[tilespmem:$0x1F500] =	vst v63  }
0xc3: {  	_ =	swait.ge [sflag:s30], $0x3000  }
0xc4: {  	[sflag:s30] =	ssyncset.done $0x0  }
0xc5: {  	s22 =	rddreg [dreg:$0x9];
	[sflag:s30] =	ssyncadd.s32 $0xFFFFD000  }
0xc6: {  	[hbm4b:s22+s3] =	stream.linear.scatter [tilespmem:s5], [sflag:$0x7], $0x3000, $0x38;
	[tilespmem:$0x1F500] =	vst v63  }
0xc7: {  	_ =	swait.ge [sflag:s30], $0x3000  }
0xc8: {  	[sflag:s30] =	ssyncset.done $0x0  }
0xc9: {  	s15 =	rddreg [dreg:$0x11];
	[sflag:s30] =	ssyncadd.s32 $0xFFFFD000  }
0xca: {  	[tilespmem:s5], [sflag:$0x7] =	stream.linear.gather [spmem:s15], $0x3000, $0x38;
	[tilespmem:$0x1F500] =	vst v63  }
0xcb: {  	_ =	swait.ge [sflag:s30], $0x3000  }
0xcc: {  	[sflag:s30] =	ssyncset.done $0x0  }
0xcd: {  	s23 =	rddreg [dreg:$0xa];
	[sflag:s30] =	ssyncadd.s32 $0xFFFFD000  }
0xce: {  	[hbm4b:s23+s3] =	stream.linear.scatter [tilespmem:s5], [sflag:$0x7], $0x3000, $0x38;
	[tilespmem:$0x1F500] =	vst v63  }
0xcf: {  	_ =	swait.ge [sflag:s30], $0x3000  }
0xd0: {  	[sflag:s30] =	ssyncset.done $0x0  }
0xd1: {  	s16 =	rddreg [dreg:$0x12];
	[sflag:s30] =	ssyncadd.s32 $0xFFFFD000  }
0xd2: {  	[tilespmem:s5], [sflag:$0x7] =	stream.linear.gather [spmem:s16], $0x3000, $0x38;
	[tilespmem:$0x1F500] =	vst v63  }
0xd3: {  	_ =	swait.ge [sflag:s30], $0x3000  }
0xd4: {  	[sflag:s30] =	ssyncset.done $0x0  }
0xd5: {  	s24 =	rddreg [dreg:$0xb];
	[sflag:s30] =	ssyncadd.s32 $0xFFFFD000  }
0xd6: {  	[hbm4b:s24+s3] =	stream.linear.scatter [tilespmem:s5], [sflag:$0x7], $0x3000, $0x38;
	[tilespmem:$0x1F500] =	vst v63  }
0xd7: {  	_ =	swait.ge [sflag:s30], $0x3000  }
0xd8: {  	[sflag:s30] =	ssyncset.done $0x0  }
0xd9: {  	s10 =	rddreg [dreg:$0x13];
	[sflag:s30] =	ssyncadd.s32 $0xFFFFD000  }
0xda: {  	[tilespmem:s5], [sflag:$0x7] =	stream.linear.gather [spmem:s10], $0x3000, $0x38;
	[tilespmem:$0x1F500] =	vst v63  }
0xdb: {  	_ =	swait.ge [sflag:s30], $0x3000  }
0xdc: {  	[sflag:s30] =	ssyncset.done $0x0  }
0xdd: {  	s25 =	rddreg [dreg:$0xc];
	[sflag:s30] =	ssyncadd.s32 $0xFFFFD000  }
0xde: {  	[hbm4b:s25+s3] =	stream.linear.scatter [tilespmem:s5], [sflag:$0x7], $0x3000, $0x38;
	[tilespmem:$0x1F500] =	vst v63  }
0xdf: {  	_ =	swait.ge [sflag:s30], $0x3000  }
0xe0: {  	[sflag:s30] =	ssyncset.done $0x0  }
0xe1: {  	s9 =	rddreg [dreg:$0x10];
	[sflag:s30] =	ssyncadd.s32 $0xFFFFD000  }
0xe2: {  	[tilespmem:s5], [sflag:$0x7] =	stream.linear.gather [spmem:s9], $0x1C00, $0x38;
	[tilespmem:$0x1F500] =	vst v63  }
0xe3: {  	_ =	swait.ge [sflag:s30], $0x1C00  }
0xe4: {  	[sflag:s30] =	ssyncset.done $0x0  }
0xe5: {  	s13 =	smov.u32 s26;
	s26 =	rddreg [dreg:$0x6];
	[sflag:s30] =	ssyncadd.s32 $0xFFFFE400  }
0xe6: {  	[hbm4b:s26+s3] =	stream.linear.scatter [tilespmem:s5], [sflag:$0x7], $0x1C00, $0x38;
	[tilespmem:$0x1F500] =	vst v63  }
0xe7: {  	_ =	swait.ge [sflag:s30], $0x1C00  }
0xe8: {  	s12 =	smov.u32 s28;
	s11 =	sadd.s32 $0x1, s11;
	s28 =	rddreg [dreg:$0xf]  }
0xe9: {  	p0 =	sne.s32 s11, s28  }
.Ltmp1:
0xea: {  	_ = 	snop;
	(pc) =	sbr.rel @p0 .LBB2_1-.Ltmp1, $3  }
0xeb: {  	_ =	sdelay $0x1  }
0xec: {  	[sflag:s30] =	ssyncset.done $0x0  }
0xed: {  	s17 =	smov.u32 s19;
	[sflag:s30] =	ssyncadd.s32 $0xFFFFE400  }
0xee: {  	_ =	sfence.sel $0x180000  }
0xef: {  	[bflag:$0x0] =	sbarrier.arrive $0xFFFF  }
0xf0: {  	_ =	strace $0x90000053  }
0xf1: {  	s0 =	stileid.u32;
	[bflag:$0x2] =	sbarrier.arrive $0xFFFF  }
0xf2: {  	p0 =	sne.s32 s0, $0x0;
	s0 =	rddreg [dreg:$0x3]  }
0xf3: {  	s0 =	sadd.s32 @!p0 $0x100000, s0  }
0xf4: {  	[sflag:s0] =	ssyncadd.tile.s32 @!p0 $0x1;
	_ =	shalt  }
.Lfunc_end2:
_tile_overlayer_lowered:
.L_overlay_start_2:
0xf5: {  	(tag) =	ssettag $0x2  }
0xf6: {  	s0 =	rddreg [dreg:$0x0];
	s2 =	stileid.u32  }
0xf7: {  	s1 =	rddreg [dreg:$0x1];
	p0 =	sne.s32 s2, $0x0  }
0xf8: {  	s3 =	rddreg [dreg:$0x2];
	[bflag:$0x3] =	sbarrier.arrive $0xFFFF;
	s2 =	simm.s32 @!p0 $0x1C07  }
0xf9: {  	[timem:s3], [sflag:s2] =	dma.local @!p0 [hbm:s0], s1  }
0xfa: {  	s0 =	simm.s32 @!p0 $0x7  }
0xfb: {  	_ =	swait.ge @!p0 [sflag:s0], s1  }
0xfc: {  	s1 =	ssub.s32 @!p0 $0x0, s1;
	[sflag:s0] =	ssyncset.done @!p0 $0x0  }
0xfd: {  	[sflag:s0] =	ssyncadd.s32 @!p0 s1  }
0xfe: {  	[bflag:$0x3] =	sbarrier.arrive $0xFFFF  }
0xff: {  	_ =	shalt  }

</sc_bundles>
